<compile_context>
chip_gen: v7x
topology: tpu7x:2x2x1
jax: 0.10.2.dev20260603
libtpu: 0.0.44.dev20260713+nightly
codegen_flags: <defaults>
</compile_context>

<pallas_src>
import functools

import jax
import jax.numpy as jnp
from jax import lax
from jax.experimental import pallas as pl
from jax.experimental.pallas import tpu as pltpu
from jax.experimental.pallas import tpu_sc as plsc

N_ROWS = 10000
D = 128
W = D // 2
N_EDGES = 320000
NC = 2
NS = 16
NW = NC * NS
E_PER_W = N_EDGES // NW
C = 80
N_CHUNKS = E_PER_W // C
NB = 4


def _normalize_table(x):
    def body(x_ref, o_ref):
        v = x_ref[...]
        s = jnp.sum(v * v, axis=-1, keepdims=True)
        n = v * lax.rsqrt(jnp.maximum(s, 1e-24))
        u = lax.bitcast_convert_type(n, jnp.int32)
        rne = lax.shift_right_logical(
            u + 0x7FFF + (lax.shift_right_logical(u, 16) & 1), 16)
        o_ref[...] = rne[:, :W] | lax.shift_left(rne[:, W:], 16)

    blk = N_ROWS // 5
    return pl.pallas_call(
        body,
        grid=(5,),
        in_specs=[pl.BlockSpec((blk, D), lambda i: (i, 0))],
        out_specs=pl.BlockSpec((blk, W), lambda i: (i, 0)),
        out_shape=jax.ShapeDtypeStruct((x.shape[0], W), jnp.int32),
    )(x)


_mesh = plsc.VectorSubcoreMesh(core_axis_name="c", subcore_axis_name="s")

_GATHER_DNUMS = lax.GatherDimensionNumbers(
    offset_dims=(), collapsed_slice_dims=(0,), start_index_map=(0,))


def _lane_shuffle(v, perm):
    return lax.gather(
        v, perm.reshape(16, 1), _GATHER_DNUMS, (1,),
        mode=lax.GatherScatterMode.PROMISE_IN_BOUNDS)


@functools.partial(
    pl.kernel,
    mesh=_mesh,
    out_type=jax.ShapeDtypeStruct((N_EDGES,), jnp.float32),
    compiler_params=pltpu.CompilerParams(use_tc_tiling_on_sc=False),
    scratch_types=[
        pltpu.VMEM((E_PER_W,), jnp.int32),
        pltpu.VMEM((E_PER_W,), jnp.int32),
        [pltpu.VMEM((C, W), jnp.int32) for _ in range(NB)],
        [pltpu.VMEM((C, W), jnp.int32) for _ in range(NB)],
        pltpu.VMEM((E_PER_W,), jnp.float32),
        pltpu.VMEM((C, 16), jnp.float32),
        [pltpu.SemaphoreType.DMA for _ in range(NB)],
        [pltpu.SemaphoreType.DMA for _ in range(NB)],
    ],
)
def _sc_gather_dot(xn_hbm, eli_hbm, out_hbm,
                   idx_s_all, idx_d_all,
                   rows_s, rows_d, out_v, out_wide,
                   sems_s, sems_d):
    wid = lax.axis_index("s") * NC + lax.axis_index("c")
    base = wid * E_PER_W

    cps = pltpu.async_copy(
        eli_hbm.at[0, pl.ds(base, E_PER_W)], idx_s_all, sems_s[0])
    cpd = pltpu.async_copy(
        eli_hbm.at[1, pl.ds(base, E_PER_W)], idx_d_all, sems_d[0])
    cps.wait()
    cpd.wait()

    lane = lax.iota(jnp.int32, 16)
    himask = jnp.int32(-65536)

    def issue(c, t):
        pltpu.async_copy(
            xn_hbm.at[idx_s_all.at[pl.ds(c * C, C)]], rows_s[t], sems_s[t])
        pltpu.async_copy(
            xn_hbm.at[idx_d_all.at[pl.ds(c * C, C)]], rows_d[t], sems_d[t])

    def wait(c, t):
        pltpu.make_async_copy(
            xn_hbm.at[idx_s_all.at[pl.ds(c * C, C)]], rows_s[t], sems_s[t]).wait()
        pltpu.make_async_copy(
            xn_hbm.at[idx_d_all.at[pl.ds(c * C, C)]], rows_d[t], sems_d[t]).wait()

    def compute(c, t):
        obase = c * C
        rs = rows_s[t]
        rd = rows_d[t]

        @plsc.parallel_loop(0, C, unroll=2)
        def _edge(e):
            q = jnp.zeros((16,), jnp.float32)
            for k in range(W // 16):
                ws = rs[e, pl.ds(16 * k, 16)]
                wd = rd[e, pl.ds(16 * k, 16)]
                a_s = lax.bitcast_convert_type(lax.shift_left(ws, 16), jnp.float32)
                a_d = lax.bitcast_convert_type(lax.shift_left(wd, 16), jnp.float32)
                b_s = lax.bitcast_convert_type(ws & himask, jnp.float32)
                b_d = lax.bitcast_convert_type(wd & himask, jnp.float32)
                q = q + a_s * a_d
                q = q + b_s * b_d
            for m in (8, 4, 2, 1):
                q = q + _lane_shuffle(q, lane ^ m)
            out_wide[e, :] = q

        @plsc.parallel_loop(0, C // 16)
        def _compact(g):
            vec = out_wide[g * 16, :]
            for l in range(1, 16):
                vec = jnp.where(lane == l, out_wide[g * 16 + l, :], vec)
            out_v[pl.ds(obase + g * 16, 16)] = vec

    for i in range(NB):
        issue(i, i)

    def multi_body(j, carry):
        for t in range(NB):
            c = NB * j + t
            wait(c, t)
            compute(c, t)

            @pl.when(c + NB < N_CHUNKS)
            def _(c=c, t=t):
                issue(c + NB, t)
        return carry

    lax.fori_loop(0, N_CHUNKS // NB, multi_body, 0)

    last = N_CHUNKS - 1
    wait(last, last % NB)
    compute(last, last % NB)

    pltpu.sync_copy(out_v, out_hbm.at[pl.ds(base, E_PER_W)])


def kernel(x, edge_label_index):
    xn = _normalize_table(x)
    return _sc_gather_dot(xn, edge_label_index)

# --- scband reference (transcript-rebuilt; emitter-appended) ---
"""Pipeline reference for scband-predictor-85487029060184 (READ-ONLY COPY).

The authoritative reference and input builder live on the scoring server;
editing this copy changes nothing except your own understanding.
"""

import jax, jax.numpy as jnp
import numpy as np


def _normalize(v, eps=1e-12):
    # Faithful to torch.nn.functional.normalize(p=2, dim=-1): x / max(||x||_2, eps)
    norm = jnp.sqrt(jnp.sum(v * v, axis=-1, keepdims=True))
    return v / jnp.maximum(norm, eps)


def setup_inputs(seed: int = 0) -> dict:
    key = jax.random.key(seed)
    k1, k2 = jax.random.split(key)
    x = jax.random.normal(k1, (10000, 128), dtype=jnp.float32)
    edge_label_index = jax.random.randint(k2, (2, 320000), 0, 10000, dtype=jnp.int64 if jax.config.jax_enable_x64 else jnp.int32).astype(jnp.int32)
    return {"x": x, "edge_label_index": edge_label_index}


def reference(x, edge_label_index):
    edge_emb_src = jnp.take(x, edge_label_index[0], axis=0)
    edge_emb_dst = jnp.take(x, edge_label_index[1], axis=0)
    edge_emb_src = _normalize(edge_emb_src)
    edge_emb_dst = _normalize(edge_emb_dst)
    pred = jnp.sum(edge_emb_src * edge_emb_dst, axis=-1)
    return pred

if __name__ == "__main__":
    import jax
    _d = setup_inputs()
    print(jax.jit(kernel)(*tuple(_d.values())))

</pallas_src>

<mosaic_0001>
#map = affine_map<(d0, d1) -> (0, 0)>
#map1 = affine_map<(d0, d1) -> (0)>
module attributes {stable_mosaic.version = 14 : i64} {
  func.func @_sc_gather_dot(%arg0: i32, %arg1: i32, %arg2: memref<10000x64xi32, #tpu.memory_space<hbm>>, %arg3: memref<2x320000xi32, #tpu.memory_space<hbm>>, %arg4: memref<320000xf32, #tpu.memory_space<hbm>>, %arg5: memref<10000xi32, #tpu.memory_space<vmem>>, %arg6: memref<10000xi32, #tpu.memory_space<vmem>>, %arg7: memref<80x64xi32, #tpu.memory_space<vmem>>, %arg8: memref<80x64xi32, #tpu.memory_space<vmem>>, %arg9: memref<80x64xi32, #tpu.memory_space<vmem>>, %arg10: memref<80x64xi32, #tpu.memory_space<vmem>>, %arg11: memref<80x64xi32, #tpu.memory_space<vmem>>, %arg12: memref<80x64xi32, #tpu.memory_space<vmem>>, %arg13: memref<80x64xi32, #tpu.memory_space<vmem>>, %arg14: memref<80x64xi32, #tpu.memory_space<vmem>>, %arg15: memref<10000xf32, #tpu.memory_space<vmem>>, %arg16: memref<80x16xf32, #tpu.memory_space<vmem>>, %arg17: memref<!tpu.dma_semaphore, #tpu.memory_space<semaphore_mem>>, %arg18: memref<!tpu.dma_semaphore, #tpu.memory_space<semaphore_mem>>, %arg19: memref<!tpu.dma_semaphore, #tpu.memory_space<semaphore_mem>>, %arg20: memref<!tpu.dma_semaphore, #tpu.memory_space<semaphore_mem>>, %arg21: memref<!tpu.dma_semaphore, #tpu.memory_space<semaphore_mem>>, %arg22: memref<!tpu.dma_semaphore, #tpu.memory_space<semaphore_mem>>, %arg23: memref<!tpu.dma_semaphore, #tpu.memory_space<semaphore_mem>>, %arg24: memref<!tpu.dma_semaphore, #tpu.memory_space<semaphore_mem>>) attributes {dimension_semantics = [#tpu.dimension_semantics<core_parallel>, #tpu.dimension_semantics<subcore_parallel>], iteration_bounds = array<i64: 2, 16>, scalar_prefetch = 0 : i64, scratch_operands = 20 : i64, tpu.core_type = #tpu.core_type<sc_vector_subcore>, window_params = [{transform_indices = #map}, {transform_indices = #map}, {transform_indices = #map1}]} {
    %mul3A = arith.constant 2 : i32
    %mul3A_0 = arith.muli %arg1, %mul3A : i32
    %add3A = arith.addi %mul3A_0, %arg0 : i32
    %mul3A_1 = arith.constant 10000 : i32
    %mul3A_2 = arith.muli %add3A, %mul3A_1 : i32
    %dma_start3A = arith.constant 0 : i32
    %dma_start3A_3 = tpu.memref_slice %arg3[%dma_start3A, %mul3A_2] : memref<2x320000xi32, #tpu.memory_space<hbm>> -> memref<1x10000xi32, #tpu.memory_space<hbm>>
    %dma_start3A_4 = tpu.memref_squeeze %dma_start3A_3 : memref<1x10000xi32, #tpu.memory_space<hbm>> -> memref<10000xi32, #tpu.memory_space<hbm>>
    %dma_start3A_5 = tpu.memref_slice %arg3[%dma_start3A, %mul3A_2] : memref<2x320000xi32, #tpu.memory_space<hbm>> -> memref<1x10000xi32, #tpu.memory_space<hbm>>
    %dma_start3A_6 = tpu.memref_squeeze %dma_start3A_5 : memref<1x10000xi32, #tpu.memory_space<hbm>> -> memref<10000xi32, #tpu.memory_space<hbm>>
    tpu.enqueue_dma source(%dma_start3A_6 : memref<10000xi32, #tpu.memory_space<hbm>>) target(%arg5 : memref<10000xi32, #tpu.memory_space<vmem>>) target_semaphore(%arg17 : memref<!tpu.dma_semaphore, #tpu.memory_space<semaphore_mem>>)
    %dma_start3A_7 = arith.constant 1 : i32
    %dma_start3A_8 = tpu.memref_slice %arg3[%dma_start3A_7, %mul3A_2] : memref<2x320000xi32, #tpu.memory_space<hbm>> -> memref<1x10000xi32, #tpu.memory_space<hbm>>
    %dma_start3A_9 = tpu.memref_squeeze %dma_start3A_8 : memref<1x10000xi32, #tpu.memory_space<hbm>> -> memref<10000xi32, #tpu.memory_space<hbm>>
    %dma_start3A_10 = tpu.memref_slice %arg3[%dma_start3A_7, %mul3A_2] : memref<2x320000xi32, #tpu.memory_space<hbm>> -> memref<1x10000xi32, #tpu.memory_space<hbm>>
    %dma_start3A_11 = tpu.memref_squeeze %dma_start3A_10 : memref<1x10000xi32, #tpu.memory_space<hbm>> -> memref<10000xi32, #tpu.memory_space<hbm>>
    tpu.enqueue_dma source(%dma_start3A_11 : memref<10000xi32, #tpu.memory_space<hbm>>) target(%arg6 : memref<10000xi32, #tpu.memory_space<vmem>>) target_semaphore(%arg21 : memref<!tpu.dma_semaphore, #tpu.memory_space<semaphore_mem>>)
    %dma_wait3A = arith.constant 0 : i32
    %dma_wait3A_12 = tpu.memref_slice %arg3[%dma_wait3A, %mul3A_2] : memref<2x320000xi32, #tpu.memory_space<hbm>> -> memref<1x10000xi32, #tpu.memory_space<hbm>>
    %dma_wait3A_13 = tpu.memref_squeeze %dma_wait3A_12 : memref<1x10000xi32, #tpu.memory_space<hbm>> -> memref<10000xi32, #tpu.memory_space<hbm>>
    %dma_wait3A_14 = tpu.memref_slice %arg3[%dma_wait3A, %mul3A_2] : memref<2x320000xi32, #tpu.memory_space<hbm>> -> memref<1x10000xi32, #tpu.memory_space<hbm>>
    %dma_wait3A_15 = tpu.memref_squeeze %dma_wait3A_14 : memref<1x10000xi32, #tpu.memory_space<hbm>> -> memref<10000xi32, #tpu.memory_space<hbm>>
    tpu.wait_dma2 semaphore(%arg17 : memref<!tpu.dma_semaphore, #tpu.memory_space<semaphore_mem>>) src(%dma_wait3A_15 : memref<10000xi32, #tpu.memory_space<hbm>>) dst(%arg5 : memref<10000xi32, #tpu.memory_space<vmem>>)
    %dma_wait3A_16 = arith.constant 1 : i32
    %dma_wait3A_17 = tpu.memref_slice %arg3[%dma_wait3A_16, %mul3A_2] : memref<2x320000xi32, #tpu.memory_space<hbm>> -> memref<1x10000xi32, #tpu.memory_space<hbm>>
    %dma_wait3A_18 = tpu.memref_squeeze %dma_wait3A_17 : memref<1x10000xi32, #tpu.memory_space<hbm>> -> memref<10000xi32, #tpu.memory_space<hbm>>
    %dma_wait3A_19 = tpu.memref_slice %arg3[%dma_wait3A_16, %mul3A_2] : memref<2x320000xi32, #tpu.memory_space<hbm>> -> memref<1x10000xi32, #tpu.memory_space<hbm>>
    %dma_wait3A_20 = tpu.memref_squeeze %dma_wait3A_19 : memref<1x10000xi32, #tpu.memory_space<hbm>> -> memref<10000xi32, #tpu.memory_space<hbm>>
    tpu.wait_dma2 semaphore(%arg21 : memref<!tpu.dma_semaphore, #tpu.memory_space<semaphore_mem>>) src(%dma_wait3A_20 : memref<10000xi32, #tpu.memory_space<hbm>>) dst(%arg6 : memref<10000xi32, #tpu.memory_space<vmem>>)
    %iota3A = tpu.iota {dimensions = array<i32: 0>} : vector<16xi32>
    %dma_start3A_21 = arith.constant 0 : i32
    %dma_start3A_22 = tpu.memref_slice %arg5[%dma_start3A_21] : memref<10000xi32, #tpu.memory_space<vmem>> -> memref<80xi32, #tpu.memory_space<vmem>>
    %dma_start3A_23 = arith.constant 0 : i32
    %dma_start3A_24 = arith.constant 0 : i32
    %dma_start3A_25 = tpu.memref_slice %arg2[%dma_start3A_23, %dma_start3A_24] : memref<10000x64xi32, #tpu.memory_space<hbm>> -> memref<10000x64xi32, #tpu.memory_space<hbm>>
    tpu.enqueue_indirect_dma source(%dma_start3A_25 : memref<10000x64xi32, #tpu.memory_space<hbm>>) target(%arg7 : memref<80x64xi32, #tpu.memory_space<vmem>>) offsets(%dma_start3A_22 : memref<80xi32, #tpu.memory_space<vmem>>) semaphore(%arg17 : memref<!tpu.dma_semaphore, #tpu.memory_space<semaphore_mem>>)
    %dma_start3A_26 = arith.constant 0 : i32
    %dma_start3A_27 = tpu.memref_slice %arg6[%dma_start3A_26] : memref<10000xi32, #tpu.memory_space<vmem>> -> memref<80xi32, #tpu.memory_space<vmem>>
    %dma_start3A_28 = arith.constant 0 : i32
    %dma_start3A_29 = arith.constant 0 : i32
    %dma_start3A_30 = tpu.memref_slice %arg2[%dma_start3A_28, %dma_start3A_29] : memref<10000x64xi32, #tpu.memory_space<hbm>> -> memref<10000x64xi32, #tpu.memory_space<hbm>>
    tpu.enqueue_indirect_dma source(%dma_start3A_30 : memref<10000x64xi32, #tpu.memory_space<hbm>>) target(%arg11 : memref<80x64xi32, #tpu.memory_space<vmem>>) offsets(%dma_start3A_27 : memref<80xi32, #tpu.memory_space<vmem>>) semaphore(%arg21 : memref<!tpu.dma_semaphore, #tpu.memory_space<semaphore_mem>>)
    %dma_start3A_31 = arith.constant 80 : i32
    %dma_start3A_32 = tpu.memref_slice %arg5[%dma_start3A_31] : memref<10000xi32, #tpu.memory_space<vmem>> -> memref<80xi32, #tpu.memory_space<vmem>>
    %dma_start3A_33 = arith.constant 0 : i32
    %dma_start3A_34 = arith.constant 0 : i32
    %dma_start3A_35 = tpu.memref_slice %arg2[%dma_start3A_33, %dma_start3A_34] : memref<10000x64xi32, #tpu.memory_space<hbm>> -> memref<10000x64xi32, #tpu.memory_space<hbm>>
    tpu.enqueue_indirect_dma source(%dma_start3A_35 : memref<10000x64xi32, #tpu.memory_space<hbm>>) target(%arg8 : memref<80x64xi32, #tpu.memory_space<vmem>>) offsets(%dma_start3A_32 : memref<80xi32, #tpu.memory_space<vmem>>) semaphore(%arg18 : memref<!tpu.dma_semaphore, #tpu.memory_space<semaphore_mem>>)
    %dma_start3A_36 = arith.constant 80 : i32
    %dma_start3A_37 = tpu.memref_slice %arg6[%dma_start3A_36] : memref<10000xi32, #tpu.memory_space<vmem>> -> memref<80xi32, #tpu.memory_space<vmem>>
    %dma_start3A_38 = arith.constant 0 : i32
    %dma_start3A_39 = arith.constant 0 : i32
    %dma_start3A_40 = tpu.memref_slice %arg2[%dma_start3A_38, %dma_start3A_39] : memref<10000x64xi32, #tpu.memory_space<hbm>> -> memref<10000x64xi32, #tpu.memory_space<hbm>>
    tpu.enqueue_indirect_dma source(%dma_start3A_40 : memref<10000x64xi32, #tpu.memory_space<hbm>>) target(%arg12 : memref<80x64xi32, #tpu.memory_space<vmem>>) offsets(%dma_start3A_37 : memref<80xi32, #tpu.memory_space<vmem>>) semaphore(%arg22 : memref<!tpu.dma_semaphore, #tpu.memory_space<semaphore_mem>>)
    %dma_start3A_41 = arith.constant 160 : i32
    %dma_start3A_42 = tpu.memref_slice %arg5[%dma_start3A_41] : memref<10000xi32, #tpu.memory_space<vmem>> -> memref<80xi32, #tpu.memory_space<vmem>>
    %dma_start3A_43 = arith.constant 0 : i32
    %dma_start3A_44 = arith.constant 0 : i32
    %dma_start3A_45 = tpu.memref_slice %arg2[%dma_start3A_43, %dma_start3A_44] : memref<10000x64xi32, #tpu.memory_space<hbm>> -> memref<10000x64xi32, #tpu.memory_space<hbm>>
    tpu.enqueue_indirect_dma source(%dma_start3A_45 : memref<10000x64xi32, #tpu.memory_space<hbm>>) target(%arg9 : memref<80x64xi32, #tpu.memory_space<vmem>>) offsets(%dma_start3A_42 : memref<80xi32, #tpu.memory_space<vmem>>) semaphore(%arg19 : memref<!tpu.dma_semaphore, #tpu.memory_space<semaphore_mem>>)
    %dma_start3A_46 = arith.constant 160 : i32
    %dma_start3A_47 = tpu.memref_slice %arg6[%dma_start3A_46] : memref<10000xi32, #tpu.memory_space<vmem>> -> memref<80xi32, #tpu.memory_space<vmem>>
    %dma_start3A_48 = arith.constant 0 : i32
    %dma_start3A_49 = arith.constant 0 : i32
    %dma_start3A_50 = tpu.memref_slice %arg2[%dma_start3A_48, %dma_start3A_49] : memref<10000x64xi32, #tpu.memory_space<hbm>> -> memref<10000x64xi32, #tpu.memory_space<hbm>>
    tpu.enqueue_indirect_dma source(%dma_start3A_50 : memref<10000x64xi32, #tpu.memory_space<hbm>>) target(%arg13 : memref<80x64xi32, #tpu.memory_space<vmem>>) offsets(%dma_start3A_47 : memref<80xi32, #tpu.memory_space<vmem>>) semaphore(%arg23 : memref<!tpu.dma_semaphore, #tpu.memory_space<semaphore_mem>>)
    %dma_start3A_51 = arith.constant 240 : i32
    %dma_start3A_52 = tpu.memref_slice %arg5[%dma_start3A_51] : memref<10000xi32, #tpu.memory_space<vmem>> -> memref<80xi32, #tpu.memory_space<vmem>>
    %dma_start3A_53 = arith.constant 0 : i32
    %dma_start3A_54 = arith.constant 0 : i32
    %dma_start3A_55 = tpu.memref_slice %arg2[%dma_start3A_53, %dma_start3A_54] : memref<10000x64xi32, #tpu.memory_space<hbm>> -> memref<10000x64xi32, #tpu.memory_space<hbm>>
    tpu.enqueue_indirect_dma source(%dma_start3A_55 : memref<10000x64xi32, #tpu.memory_space<hbm>>) target(%arg10 : memref<80x64xi32, #tpu.memory_space<vmem>>) offsets(%dma_start3A_52 : memref<80xi32, #tpu.memory_space<vmem>>) semaphore(%arg20 : memref<!tpu.dma_semaphore, #tpu.memory_space<semaphore_mem>>)
    %dma_start3A_56 = arith.constant 240 : i32
    %dma_start3A_57 = tpu.memref_slice %arg6[%dma_start3A_56] : memref<10000xi32, #tpu.memory_space<vmem>> -> memref<80xi32, #tpu.memory_space<vmem>>
    %dma_start3A_58 = arith.constant 0 : i32
    %dma_start3A_59 = arith.constant 0 : i32
    %dma_start3A_60 = tpu.memref_slice %arg2[%dma_start3A_58, %dma_start3A_59] : memref<10000x64xi32, #tpu.memory_space<hbm>> -> memref<10000x64xi32, #tpu.memory_space<hbm>>
    tpu.enqueue_indirect_dma source(%dma_start3A_60 : memref<10000x64xi32, #tpu.memory_space<hbm>>) target(%arg14 : memref<80x64xi32, #tpu.memory_space<vmem>>) offsets(%dma_start3A_57 : memref<80xi32, #tpu.memory_space<vmem>>) semaphore(%arg24 : memref<!tpu.dma_semaphore, #tpu.memory_space<semaphore_mem>>)
    %scan3A = arith.constant 0 : i32
    %scan3A_61 = arith.constant -65536 : i32
    %scan3A_62 = arith.constant 0 : i32
    %scan3A_63 = arith.constant 31 : i32
    %scan3A_64 = arith.addi %scan3A_62, %scan3A_63 : i32
    %scan3A_65 = arith.constant 1 : i32
    scf.for %scan3A_83 = %scan3A_62 to %scan3A_64 step %scan3A_65  : i32 {
      %mul3A_84 = arith.constant 4 : i32
      %mul3A_85 = arith.muli %mul3A_84, %scan3A_83 : i32
      %add3A_86 = arith.constant 0 : i32
      %add3A_87 = arith.addi %mul3A_85, %add3A_86 : i32
      %mul3A_88 = arith.constant 80 : i32
      %mul3A_89 = arith.muli %add3A_87, %mul3A_88 : i32
      %dma_wait3A_90 = tpu.memref_slice %arg5[%mul3A_89] : memref<10000xi32, #tpu.memory_space<vmem>> -> memref<80xi32, #tpu.memory_space<vmem>>
      %dma_wait3A_91 = arith.constant 0 : i32
      %dma_wait3A_92 = arith.constant 0 : i32
      %dma_wait3A_93 = tpu.memref_slice %arg2[%dma_wait3A_91, %dma_wait3A_92] : memref<10000x64xi32, #tpu.memory_space<hbm>> -> memref<10000x64xi32, #tpu.memory_space<hbm>>
      tpu.wait_indirect_dma semaphore(%arg17 : memref<!tpu.dma_semaphore, #tpu.memory_space<semaphore_mem>>) src(%dma_wait3A_93 : memref<10000x64xi32, #tpu.memory_space<hbm>>) dst(%arg7 : memref<80x64xi32, #tpu.memory_space<vmem>>)
      %mul3A_94 = arith.constant 80 : i32
      %mul3A_95 = arith.muli %add3A_87, %mul3A_94 : i32
      %dma_wait3A_96 = tpu.memref_slice %arg6[%mul3A_95] : memref<10000xi32, #tpu.memory_space<vmem>> -> memref<80xi32, #tpu.memory_space<vmem>>
      %dma_wait3A_97 = arith.constant 0 : i32
      %dma_wait3A_98 = arith.constant 0 : i32
      %dma_wait3A_99 = tpu.memref_slice %arg2[%dma_wait3A_97, %dma_wait3A_98] : memref<10000x64xi32, #tpu.memory_space<hbm>> -> memref<10000x64xi32, #tpu.memory_space<hbm>>
      tpu.wait_indirect_dma semaphore(%arg21 : memref<!tpu.dma_semaphore, #tpu.memory_space<semaphore_mem>>) src(%dma_wait3A_99 : memref<10000x64xi32, #tpu.memory_space<hbm>>) dst(%arg11 : memref<80x64xi32, #tpu.memory_space<vmem>>)
      %mul3A_100 = arith.constant 80 : i32
      %mul3A_101 = arith.muli %add3A_87, %mul3A_100 : i32
      %parallel_loop3A_102 = arith.constant 0 : i32
      %parallel_loop3A_103 = arith.constant 80 : i32
      %parallel_loop3A_104 = arith.constant 1 : i32
      scf.for %parallel_loop3A_205 = %parallel_loop3A_102 to %parallel_loop3A_103 step %parallel_loop3A_104  : i32 {
        %parallel_loop3A_206 = arith.constant 0.000000e+00 : f32
        %parallel_loop3A_207 = vector.broadcast %parallel_loop3A_206 : f32 to vector<16xf32>
        %parallel_loop3A_208 = arith.index_cast %parallel_loop3A_205 : i32 to index
        %parallel_loop3A_209 = arith.constant 0 : index
        %parallel_loop3A_210 = tpu.vector_load %arg7[%parallel_loop3A_208, %parallel_loop3A_209] {strides = array<i32>} : memref<80x64xi32, #tpu.memory_space<vmem>>, vector<1x16xi32>,
        %parallel_loop3A_211 = vector.shape_cast %parallel_loop3A_210 : vector<1x16xi32> to vector<16xi32>
        %parallel_loop3A_212 = arith.index_cast %parallel_loop3A_205 : i32 to index
        %parallel_loop3A_213 = arith.constant 0 : index
        %parallel_loop3A_214 = tpu.vector_load %arg11[%parallel_loop3A_212, %parallel_loop3A_213] {strides = array<i32>} : memref<80x64xi32, #tpu.memory_space<vmem>>, vector<1x16xi32>,
        %parallel_loop3A_215 = vector.shape_cast %parallel_loop3A_214 : vector<1x16xi32> to vector<16xi32>
        %parallel_loop3A_216 = arith.constant 16 : i32
        %parallel_loop3A_217 = vector.broadcast %parallel_loop3A_216 : i32 to vector<16xi32>
        %parallel_loop3A_218 = arith.shli %parallel_loop3A_211, %parallel_loop3A_217 : vector<16xi32>
        %parallel_loop3A_219 = tpu.bitcast %parallel_loop3A_218 : vector<16xi32> -> vector<16xf32>
        %parallel_loop3A_220 = arith.constant 16 : i32
        %parallel_loop3A_221 = vector.broadcast %parallel_loop3A_220 : i32 to vector<16xi32>
        %parallel_loop3A_222 = arith.shli %parallel_loop3A_215, %parallel_loop3A_221 : vector<16xi32>
        %parallel_loop3A_223 = tpu.bitcast %parallel_loop3A_222 : vector<16xi32> -> vector<16xf32>
        %parallel_loop3A_224 = vector.broadcast %scan3A_61 : i32 to vector<16xi32>
        %parallel_loop3A_225 = arith.andi %parallel_loop3A_211, %parallel_loop3A_224 : vector<16xi32>
        %parallel_loop3A_226 = tpu.bitcast %parallel_loop3A_225 : vector<16xi32> -> vector<16xf32>
        %parallel_loop3A_227 = vector.broadcast %scan3A_61 : i32 to vector<16xi32>
        %parallel_loop3A_228 = arith.andi %parallel_loop3A_215, %parallel_loop3A_227 : vector<16xi32>
        %parallel_loop3A_229 = tpu.bitcast %parallel_loop3A_228 : vector<16xi32> -> vector<16xf32>
        %parallel_loop3A_230 = arith.mulf %parallel_loop3A_219, %parallel_loop3A_223 : vector<16xf32>
        %parallel_loop3A_231 = arith.addf %parallel_loop3A_207, %parallel_loop3A_230 : vector<16xf32>
        %parallel_loop3A_232 = arith.mulf %parallel_loop3A_226, %parallel_loop3A_229 : vector<16xf32>
        %parallel_loop3A_233 = arith.addf %parallel_loop3A_231, %parallel_loop3A_232 : vector<16xf32>
        %parallel_loop3A_234 = arith.index_cast %parallel_loop3A_205 : i32 to index
        %parallel_loop3A_235 = arith.constant 16 : index
        %parallel_loop3A_236 = tpu.vector_load %arg7[%parallel_loop3A_234, %parallel_loop3A_235] {strides = array<i32>} : memref<80x64xi32, #tpu.memory_space<vmem>>, vector<1x16xi32>,
        %parallel_loop3A_237 = vector.shape_cast %parallel_loop3A_236 : vector<1x16xi32> to vector<16xi32>
        %parallel_loop3A_238 = arith.index_cast %parallel_loop3A_205 : i32 to index
        %parallel_loop3A_239 = arith.constant 16 : index
        %parallel_loop3A_240 = tpu.vector_load %arg11[%parallel_loop3A_238, %parallel_loop3A_239] {strides = array<i32>} : memref<80x64xi32, #tpu.memory_space<vmem>>, vector<1x16xi32>,
        %parallel_loop3A_241 = vector.shape_cast %parallel_loop3A_240 : vector<1x16xi32> to vector<16xi32>
        %parallel_loop3A_242 = arith.constant 16 : i32
        %parallel_loop3A_243 = vector.broadcast %parallel_loop3A_242 : i32 to vector<16xi32>
        %parallel_loop3A_244 = arith.shli %parallel_loop3A_237, %parallel_loop3A_243 : vector<16xi32>
        %parallel_loop3A_245 = tpu.bitcast %parallel_loop3A_244 : vector<16xi32> -> vector<16xf32>
        %parallel_loop3A_246 = arith.constant 16 : i32
        %parallel_loop3A_247 = vector.broadcast %parallel_loop3A_246 : i32 to vector<16xi32>
        %parallel_loop3A_248 = arith.shli %parallel_loop3A_241, %parallel_loop3A_247 : vector<16xi32>
        %parallel_loop3A_249 = tpu.bitcast %parallel_loop3A_248 : vector<16xi32> -> vector<16xf32>
        %parallel_loop3A_250 = vector.broadcast %scan3A_61 : i32 to vector<16xi32>
        %parallel_loop3A_251 = arith.andi %parallel_loop3A_237, %parallel_loop3A_250 : vector<16xi32>
        %parallel_loop3A_252 = tpu.bitcast %parallel_loop3A_251 : vector<16xi32> -> vector<16xf32>
        %parallel_loop3A_253 = vector.broadcast %scan3A_61 : i32 to vector<16xi32>
        %parallel_loop3A_254 = arith.andi %parallel_loop3A_241, %parallel_loop3A_253 : vector<16xi32>
        %parallel_loop3A_255 = tpu.bitcast %parallel_loop3A_254 : vector<16xi32> -> vector<16xf32>
        %parallel_loop3A_256 = arith.mulf %parallel_loop3A_245, %parallel_loop3A_249 : vector<16xf32>
        %parallel_loop3A_257 = arith.addf %parallel_loop3A_233, %parallel_loop3A_256 : vector<16xf32>
        %parallel_loop3A_258 = arith.mulf %parallel_loop3A_252, %parallel_loop3A_255 : vector<16xf32>
        %parallel_loop3A_259 = arith.addf %parallel_loop3A_257, %parallel_loop3A_258 : vector<16xf32>
        %parallel_loop3A_260 = arith.index_cast %parallel_loop3A_205 : i32 to index
        %parallel_loop3A_261 = arith.constant 32 : index
        %parallel_loop3A_262 = tpu.vector_load %arg7[%parallel_loop3A_260, %parallel_loop3A_261] {strides = array<i32>} : memref<80x64xi32, #tpu.memory_space<vmem>>, vector<1x16xi32>,
        %parallel_loop3A_263 = vector.shape_cast %parallel_loop3A_262 : vector<1x16xi32> to vector<16xi32>
        %parallel_loop3A_264 = arith.index_cast %parallel_loop3A_205 : i32 to index
        %parallel_loop3A_265 = arith.constant 32 : index
        %parallel_loop3A_266 = tpu.vector_load %arg11[%parallel_loop3A_264, %parallel_loop3A_265] {strides = array<i32>} : memref<80x64xi32, #tpu.memory_space<vmem>>, vector<1x16xi32>,
        %parallel_loop3A_267 = vector.shape_cast %parallel_loop3A_266 : vector<1x16xi32> to vector<16xi32>
        %parallel_loop3A_268 = arith.constant 16 : i32
        %parallel_loop3A_269 = vector.broadcast %parallel_loop3A_268 : i32 to vector<16xi32>
        %parallel_loop3A_270 = arith.shli %parallel_loop3A_263, %parallel_loop3A_269 : vector<16xi32>
        %parallel_loop3A_271 = tpu.bitcast %parallel_loop3A_270 : vector<16xi32> -> vector<16xf32>
        %parallel_loop3A_272 = arith.constant 16 : i32
        %parallel_loop3A_273 = vector.broadcast %parallel_loop3A_272 : i32 to vector<16xi32>
        %parallel_loop3A_274 = arith.shli %parallel_loop3A_267, %parallel_loop3A_273 : vector<16xi32>
        %parallel_loop3A_275 = tpu.bitcast %parallel_loop3A_274 : vector<16xi32> -> vector<16xf32>
        %parallel_loop3A_276 = vector.broadcast %scan3A_61 : i32 to vector<16xi32>
        %parallel_loop3A_277 = arith.andi %parallel_loop3A_263, %parallel_loop3A_276 : vector<16xi32>
        %parallel_loop3A_278 = tpu.bitcast %parallel_loop3A_277 : vector<16xi32> -> vector<16xf32>
        %parallel_loop3A_279 = vector.broadcast %scan3A_61 : i32 to vector<16xi32>
        %parallel_loop3A_280 = arith.andi %parallel_loop3A_267, %parallel_loop3A_279 : vector<16xi32>
        %parallel_loop3A_281 = tpu.bitcast %parallel_loop3A_280 : vector<16xi32> -> vector<16xf32>
        %parallel_loop3A_282 = arith.mulf %parallel_loop3A_271, %parallel_loop3A_275 : vector<16xf32>
        %parallel_loop3A_283 = arith.addf %parallel_loop3A_259, %parallel_loop3A_282 : vector<16xf32>
        %parallel_loop3A_284 = arith.mulf %parallel_loop3A_278, %parallel_loop3A_281 : vector<16xf32>
        %parallel_loop3A_285 = arith.addf %parallel_loop3A_283, %parallel_loop3A_284 : vector<16xf32>
        %parallel_loop3A_286 = arith.index_cast %parallel_loop3A_205 : i32 to index
        %parallel_loop3A_287 = arith.constant 48 : index
        %parallel_loop3A_288 = tpu.vector_load %arg7[%parallel_loop3A_286, %parallel_loop3A_287] {strides = array<i32>} : memref<80x64xi32, #tpu.memory_space<vmem>>, vector<1x16xi32>,
        %parallel_loop3A_289 = vector.shape_cast %parallel_loop3A_288 : vector<1x16xi32> to vector<16xi32>
        %parallel_loop3A_290 = arith.index_cast %parallel_loop3A_205 : i32 to index
        %parallel_loop3A_291 = arith.constant 48 : index
        %parallel_loop3A_292 = tpu.vector_load %arg11[%parallel_loop3A_290, %parallel_loop3A_291] {strides = array<i32>} : memref<80x64xi32, #tpu.memory_space<vmem>>, vector<1x16xi32>,
        %parallel_loop3A_293 = vector.shape_cast %parallel_loop3A_292 : vector<1x16xi32> to vector<16xi32>
        %parallel_loop3A_294 = arith.constant 16 : i32
        %parallel_loop3A_295 = vector.broadcast %parallel_loop3A_294 : i32 to vector<16xi32>
        %parallel_loop3A_296 = arith.shli %parallel_loop3A_289, %parallel_loop3A_295 : vector<16xi32>
        %parallel_loop3A_297 = tpu.bitcast %parallel_loop3A_296 : vector<16xi32> -> vector<16xf32>
        %parallel_loop3A_298 = arith.constant 16 : i32
        %parallel_loop3A_299 = vector.broadcast %parallel_loop3A_298 : i32 to vector<16xi32>
        %parallel_loop3A_300 = arith.shli %parallel_loop3A_293, %parallel_loop3A_299 : vector<16xi32>
        %parallel_loop3A_301 = tpu.bitcast %parallel_loop3A_300 : vector<16xi32> -> vector<16xf32>
        %parallel_loop3A_302 = vector.broadcast %scan3A_61 : i32 to vector<16xi32>
        %parallel_loop3A_303 = arith.andi %parallel_loop3A_289, %parallel_loop3A_302 : vector<16xi32>
        %parallel_loop3A_304 = tpu.bitcast %parallel_loop3A_303 : vector<16xi32> -> vector<16xf32>
        %parallel_loop3A_305 = vector.broadcast %scan3A_61 : i32 to vector<16xi32>
        %parallel_loop3A_306 = arith.andi %parallel_loop3A_293, %parallel_loop3A_305 : vector<16xi32>
        %parallel_loop3A_307 = tpu.bitcast %parallel_loop3A_306 : vector<16xi32> -> vector<16xf32>
        %parallel_loop3A_308 = arith.mulf %parallel_loop3A_297, %parallel_loop3A_301 : vector<16xf32>
        %parallel_loop3A_309 = arith.addf %parallel_loop3A_285, %parallel_loop3A_308 : vector<16xf32>
        %parallel_loop3A_310 = arith.mulf %parallel_loop3A_304, %parallel_loop3A_307 : vector<16xf32>
        %parallel_loop3A_311 = arith.addf %parallel_loop3A_309, %parallel_loop3A_310 : vector<16xf32>
        %parallel_loop3A_312 = arith.constant 8 : i32
        %parallel_loop3A_313 = vector.broadcast %parallel_loop3A_312 : i32 to vector<16xi32>
        %parallel_loop3A_314 = arith.xori %iota3A, %parallel_loop3A_313 : vector<16xi32>
        %parallel_loop3A_315 = vector.shape_cast %parallel_loop3A_314 : vector<16xi32> to vector<16x1xi32>
        %parallel_loop3A_316 = vector.shape_cast %parallel_loop3A_315 : vector<16x1xi32> to vector<16xi32>
        %parallel_loop3A_317 = tpu.dynamic_gather %parallel_loop3A_311[%parallel_loop3A_316] in [0] : vector<16xf32>, vector<16xi32> -> vector<16xf32>
        %parallel_loop3A_318 = arith.addf %parallel_loop3A_311, %parallel_loop3A_317 : vector<16xf32>
        %parallel_loop3A_319 = arith.constant 4 : i32
        %parallel_loop3A_320 = vector.broadcast %parallel_loop3A_319 : i32 to vector<16xi32>
        %parallel_loop3A_321 = arith.xori %iota3A, %parallel_loop3A_320 : vector<16xi32>
        %parallel_loop3A_322 = vector.shape_cast %parallel_loop3A_321 : vector<16xi32> to vector<16x1xi32>
        %parallel_loop3A_323 = vector.shape_cast %parallel_loop3A_322 : vector<16x1xi32> to vector<16xi32>
        %parallel_loop3A_324 = tpu.dynamic_gather %parallel_loop3A_318[%parallel_loop3A_323] in [0] : vector<16xf32>, vector<16xi32> -> vector<16xf32>
        %parallel_loop3A_325 = arith.addf %parallel_loop3A_318, %parallel_loop3A_324 : vector<16xf32>
        %parallel_loop3A_326 = arith.constant 2 : i32
        %parallel_loop3A_327 = vector.broadcast %parallel_loop3A_326 : i32 to vector<16xi32>
        %parallel_loop3A_328 = arith.xori %iota3A, %parallel_loop3A_327 : vector<16xi32>
        %parallel_loop3A_329 = vector.shape_cast %parallel_loop3A_328 : vector<16xi32> to vector<16x1xi32>
        %parallel_loop3A_330 = vector.shape_cast %parallel_loop3A_329 : vector<16x1xi32> to vector<16xi32>
        %parallel_loop3A_331 = tpu.dynamic_gather %parallel_loop3A_325[%parallel_loop3A_330] in [0] : vector<16xf32>, vector<16xi32> -> vector<16xf32>
        %parallel_loop3A_332 = arith.addf %parallel_loop3A_325, %parallel_loop3A_331 : vector<16xf32>
        %parallel_loop3A_333 = arith.constant 1 : i32
        %parallel_loop3A_334 = vector.broadcast %parallel_loop3A_333 : i32 to vector<16xi32>
        %parallel_loop3A_335 = arith.xori %iota3A, %parallel_loop3A_334 : vector<16xi32>
        %parallel_loop3A_336 = vector.shape_cast %parallel_loop3A_335 : vector<16xi32> to vector<16x1xi32>
        %parallel_loop3A_337 = vector.shape_cast %parallel_loop3A_336 : vector<16x1xi32> to vector<16xi32>
        %parallel_loop3A_338 = tpu.dynamic_gather %parallel_loop3A_332[%parallel_loop3A_337] in [0] : vector<16xf32>, vector<16xi32> -> vector<16xf32>
        %parallel_loop3A_339 = arith.addf %parallel_loop3A_332, %parallel_loop3A_338 : vector<16xf32>
        %parallel_loop3A_340 = arith.index_cast %parallel_loop3A_205 : i32 to index
        %parallel_loop3A_341 = arith.constant 0 : index
        %parallel_loop3A_342 = tpu.vector_load %arg16[%parallel_loop3A_340, %parallel_loop3A_341] {strides = array<i32>} : memref<80x16xf32, #tpu.memory_space<vmem>>, vector<1x16xf32>,
        %parallel_loop3A_343 = vector.shape_cast %parallel_loop3A_342 : vector<1x16xf32> to vector<16xf32>
        %parallel_loop3A_344 = vector.shape_cast %parallel_loop3A_339 : vector<16xf32> to vector<1x16xf32>
        tpu.vector_store %arg16[%parallel_loop3A_340, %parallel_loop3A_341], %parallel_loop3A_344 {strides = array<i32>} : memref<80x16xf32, #tpu.memory_space<vmem>>, vector<1x16xf32>,
      } {sc.loop_unroll_factor = 2 : i64, sc.parallel_access}
      %parallel_loop3A_105 = arith.constant 0 : i32
      %parallel_loop3A_106 = arith.constant 5 : i32
      %parallel_loop3A_107 = arith.constant 1 : i32
      scf.for %parallel_loop3A_205 = %parallel_loop3A_105 to %parallel_loop3A_106 step %parallel_loop3A_107  : i32 {
        %parallel_loop3A_206 = arith.constant 16 : i32
        %parallel_loop3A_207 = arith.muli %parallel_loop3A_205, %parallel_loop3A_206 : i32
        %parallel_loop3A_208 = arith.index_cast %parallel_loop3A_207 : i32 to index
        %parallel_loop3A_209 = arith.constant 0 : index
        %parallel_loop3A_210 = tpu.vector_load %arg16[%parallel_loop3A_208, %parallel_loop3A_209] {strides = array<i32>} : memref<80x16xf32, #tpu.memory_space<vmem>>, vector<1x16xf32>,
        %parallel_loop3A_211 = vector.shape_cast %parallel_loop3A_210 : vector<1x16xf32> to vector<16xf32>
        %parallel_loop3A_212 = arith.constant 1 : i32
        %parallel_loop3A_213 = vector.broadcast %parallel_loop3A_212 : i32 to vector<16xi32>
        %parallel_loop3A_214 = arith.cmpi eq, %iota3A, %parallel_loop3A_213 : vector<16xi32>
        %parallel_loop3A_215 = arith.constant 16 : i32
        %parallel_loop3A_216 = arith.muli %parallel_loop3A_205, %parallel_loop3A_215 : i32
        %parallel_loop3A_217 = arith.constant 1 : i32
        %parallel_loop3A_218 = arith.addi %parallel_loop3A_216, %parallel_loop3A_217 : i32
        %parallel_loop3A_219 = arith.index_cast %parallel_loop3A_218 : i32 to index
        %parallel_loop3A_220 = arith.constant 0 : index
        %parallel_loop3A_221 = tpu.vector_load %arg16[%parallel_loop3A_219, %parallel_loop3A_220] {strides = array<i32>} : memref<80x16xf32, #tpu.memory_space<vmem>>, vector<1x16xf32>,
        %parallel_loop3A_222 = vector.shape_cast %parallel_loop3A_221 : vector<1x16xf32> to vector<16xf32>
        %parallel_loop3A_223 = arith.select %parallel_loop3A_214, %parallel_loop3A_222, %parallel_loop3A_211 : vector<16xi1>, vector<16xf32>
        %parallel_loop3A_224 = arith.constant 2 : i32
        %parallel_loop3A_225 = vector.broadcast %parallel_loop3A_224 : i32 to vector<16xi32>
        %parallel_loop3A_226 = arith.cmpi eq, %iota3A, %parallel_loop3A_225 : vector<16xi32>
        %parallel_loop3A_227 = arith.constant 16 : i32
        %parallel_loop3A_228 = arith.muli %parallel_loop3A_205, %parallel_loop3A_227 : i32
        %parallel_loop3A_229 = arith.constant 2 : i32
        %parallel_loop3A_230 = arith.addi %parallel_loop3A_228, %parallel_loop3A_229 : i32
        %parallel_loop3A_231 = arith.index_cast %parallel_loop3A_230 : i32 to index
        %parallel_loop3A_232 = arith.constant 0 : index
        %parallel_loop3A_233 = tpu.vector_load %arg16[%parallel_loop3A_231, %parallel_loop3A_232] {strides = array<i32>} : memref<80x16xf32, #tpu.memory_space<vmem>>, vector<1x16xf32>,
        %parallel_loop3A_234 = vector.shape_cast %parallel_loop3A_233 : vector<1x16xf32> to vector<16xf32>
        %parallel_loop3A_235 = arith.select %parallel_loop3A_226, %parallel_loop3A_234, %parallel_loop3A_223 : vector<16xi1>, vector<16xf32>
        %parallel_loop3A_236 = arith.constant 3 : i32
        %parallel_loop3A_237 = vector.broadcast %parallel_loop3A_236 : i32 to vector<16xi32>
        %parallel_loop3A_238 = arith.cmpi eq, %iota3A, %parallel_loop3A_237 : vector<16xi32>
        %parallel_loop3A_239 = arith.constant 16 : i32
        %parallel_loop3A_240 = arith.muli %parallel_loop3A_205, %parallel_loop3A_239 : i32
        %parallel_loop3A_241 = arith.constant 3 : i32
        %parallel_loop3A_242 = arith.addi %parallel_loop3A_240, %parallel_loop3A_241 : i32
        %parallel_loop3A_243 = arith.index_cast %parallel_loop3A_242 : i32 to index
        %parallel_loop3A_244 = arith.constant 0 : index
        %parallel_loop3A_245 = tpu.vector_load %arg16[%parallel_loop3A_243, %parallel_loop3A_244] {strides = array<i32>} : memref<80x16xf32, #tpu.memory_space<vmem>>, vector<1x16xf32>,
        %parallel_loop3A_246 = vector.shape_cast %parallel_loop3A_245 : vector<1x16xf32> to vector<16xf32>
        %parallel_loop3A_247 = arith.select %parallel_loop3A_238, %parallel_loop3A_246, %parallel_loop3A_235 : vector<16xi1>, vector<16xf32>
        %parallel_loop3A_248 = arith.constant 4 : i32
        %parallel_loop3A_249 = vector.broadcast %parallel_loop3A_248 : i32 to vector<16xi32>
        %parallel_loop3A_250 = arith.cmpi eq, %iota3A, %parallel_loop3A_249 : vector<16xi32>
        %parallel_loop3A_251 = arith.constant 16 : i32
        %parallel_loop3A_252 = arith.muli %parallel_loop3A_205, %parallel_loop3A_251 : i32
        %parallel_loop3A_253 = arith.constant 4 : i32
        %parallel_loop3A_254 = arith.addi %parallel_loop3A_252, %parallel_loop3A_253 : i32
        %parallel_loop3A_255 = arith.index_cast %parallel_loop3A_254 : i32 to index
        %parallel_loop3A_256 = arith.constant 0 : index
        %parallel_loop3A_257 = tpu.vector_load %arg16[%parallel_loop3A_255, %parallel_loop3A_256] {strides = array<i32>} : memref<80x16xf32, #tpu.memory_space<vmem>>, vector<1x16xf32>,
        %parallel_loop3A_258 = vector.shape_cast %parallel_loop3A_257 : vector<1x16xf32> to vector<16xf32>
        %parallel_loop3A_259 = arith.select %parallel_loop3A_250, %parallel_loop3A_258, %parallel_loop3A_247 : vector<16xi1>, vector<16xf32>
        %parallel_loop3A_260 = arith.constant 5 : i32
        %parallel_loop3A_261 = vector.broadcast %parallel_loop3A_260 : i32 to vector<16xi32>
        %parallel_loop3A_262 = arith.cmpi eq, %iota3A, %parallel_loop3A_261 : vector<16xi32>
        %parallel_loop3A_263 = arith.constant 16 : i32
        %parallel_loop3A_264 = arith.muli %parallel_loop3A_205, %parallel_loop3A_263 : i32
        %parallel_loop3A_265 = arith.constant 5 : i32
        %parallel_loop3A_266 = arith.addi %parallel_loop3A_264, %parallel_loop3A_265 : i32
        %parallel_loop3A_267 = arith.index_cast %parallel_loop3A_266 : i32 to index
        %parallel_loop3A_268 = arith.constant 0 : index
        %parallel_loop3A_269 = tpu.vector_load %arg16[%parallel_loop3A_267, %parallel_loop3A_268] {strides = array<i32>} : memref<80x16xf32, #tpu.memory_space<vmem>>, vector<1x16xf32>,
        %parallel_loop3A_270 = vector.shape_cast %parallel_loop3A_269 : vector<1x16xf32> to vector<16xf32>
        %parallel_loop3A_271 = arith.select %parallel_loop3A_262, %parallel_loop3A_270, %parallel_loop3A_259 : vector<16xi1>, vector<16xf32>
        %parallel_loop3A_272 = arith.constant 6 : i32
        %parallel_loop3A_273 = vector.broadcast %parallel_loop3A_272 : i32 to vector<16xi32>
        %parallel_loop3A_274 = arith.cmpi eq, %iota3A, %parallel_loop3A_273 : vector<16xi32>
        %parallel_loop3A_275 = arith.constant 16 : i32
        %parallel_loop3A_276 = arith.muli %parallel_loop3A_205, %parallel_loop3A_275 : i32
        %parallel_loop3A_277 = arith.constant 6 : i32
        %parallel_loop3A_278 = arith.addi %parallel_loop3A_276, %parallel_loop3A_277 : i32
        %parallel_loop3A_279 = arith.index_cast %parallel_loop3A_278 : i32 to index
        %parallel_loop3A_280 = arith.constant 0 : index
        %parallel_loop3A_281 = tpu.vector_load %arg16[%parallel_loop3A_279, %parallel_loop3A_280] {strides = array<i32>} : memref<80x16xf32, #tpu.memory_space<vmem>>, vector<1x16xf32>,
        %parallel_loop3A_282 = vector.shape_cast %parallel_loop3A_281 : vector<1x16xf32> to vector<16xf32>
        %parallel_loop3A_283 = arith.select %parallel_loop3A_274, %parallel_loop3A_282, %parallel_loop3A_271 : vector<16xi1>, vector<16xf32>
        %parallel_loop3A_284 = arith.constant 7 : i32
        %parallel_loop3A_285 = vector.broadcast %parallel_loop3A_284 : i32 to vector<16xi32>
        %parallel_loop3A_286 = arith.cmpi eq, %iota3A, %parallel_loop3A_285 : vector<16xi32>
        %parallel_loop3A_287 = arith.constant 16 : i32
        %parallel_loop3A_288 = arith.muli %parallel_loop3A_205, %parallel_loop3A_287 : i32
        %parallel_loop3A_289 = arith.constant 7 : i32
        %parallel_loop3A_290 = arith.addi %parallel_loop3A_288, %parallel_loop3A_289 : i32
        %parallel_loop3A_291 = arith.index_cast %parallel_loop3A_290 : i32 to index
        %parallel_loop3A_292 = arith.constant 0 : index
        %parallel_loop3A_293 = tpu.vector_load %arg16[%parallel_loop3A_291, %parallel_loop3A_292] {strides = array<i32>} : memref<80x16xf32, #tpu.memory_space<vmem>>, vector<1x16xf32>,
        %parallel_loop3A_294 = vector.shape_cast %parallel_loop3A_293 : vector<1x16xf32> to vector<16xf32>
        %parallel_loop3A_295 = arith.select %parallel_loop3A_286, %parallel_loop3A_294, %parallel_loop3A_283 : vector<16xi1>, vector<16xf32>
        %parallel_loop3A_296 = arith.constant 8 : i32
        %parallel_loop3A_297 = vector.broadcast %parallel_loop3A_296 : i32 to vector<16xi32>
        %parallel_loop3A_298 = arith.cmpi eq, %iota3A, %parallel_loop3A_297 : vector<16xi32>
        %parallel_loop3A_299 = arith.constant 16 : i32
        %parallel_loop3A_300 = arith.muli %parallel_loop3A_205, %parallel_loop3A_299 : i32
        %parallel_loop3A_301 = arith.constant 8 : i32
        %parallel_loop3A_302 = arith.addi %parallel_loop3A_300, %parallel_loop3A_301 : i32
        %parallel_loop3A_303 = arith.index_cast %parallel_loop3A_302 : i32 to index
        %parallel_loop3A_304 = arith.constant 0 : index
        %parallel_loop3A_305 = tpu.vector_load %arg16[%parallel_loop3A_303, %parallel_loop3A_304] {strides = array<i32>} : memref<80x16xf32, #tpu.memory_space<vmem>>, vector<1x16xf32>,
        %parallel_loop3A_306 = vector.shape_cast %parallel_loop3A_305 : vector<1x16xf32> to vector<16xf32>
        %parallel_loop3A_307 = arith.select %parallel_loop3A_298, %parallel_loop3A_306, %parallel_loop3A_295 : vector<16xi1>, vector<16xf32>
        %parallel_loop3A_308 = arith.constant 9 : i32
        %parallel_loop3A_309 = vector.broadcast %parallel_loop3A_308 : i32 to vector<16xi32>
        %parallel_loop3A_310 = arith.cmpi eq, %iota3A, %parallel_loop3A_309 : vector<16xi32>
        %parallel_loop3A_311 = arith.constant 16 : i32
        %parallel_loop3A_312 = arith.muli %parallel_loop3A_205, %parallel_loop3A_311 : i32
        %parallel_loop3A_313 = arith.constant 9 : i32
        %parallel_loop3A_314 = arith.addi %parallel_loop3A_312, %parallel_loop3A_313 : i32
        %parallel_loop3A_315 = arith.index_cast %parallel_loop3A_314 : i32 to index
        %parallel_loop3A_316 = arith.constant 0 : index
        %parallel_loop3A_317 = tpu.vector_load %arg16[%parallel_loop3A_315, %parallel_loop3A_316] {strides = array<i32>} : memref<80x16xf32, #tpu.memory_space<vmem>>, vector<1x16xf32>,
        %parallel_loop3A_318 = vector.shape_cast %parallel_loop3A_317 : vector<1x16xf32> to vector<16xf32>
        %parallel_loop3A_319 = arith.select %parallel_loop3A_310, %parallel_loop3A_318, %parallel_loop3A_307 : vector<16xi1>, vector<16xf32>
        %parallel_loop3A_320 = arith.constant 10 : i32
        %parallel_loop3A_321 = vector.broadcast %parallel_loop3A_320 : i32 to vector<16xi32>
        %parallel_loop3A_322 = arith.cmpi eq, %iota3A, %parallel_loop3A_321 : vector<16xi32>
        %parallel_loop3A_323 = arith.constant 16 : i32
        %parallel_loop3A_324 = arith.muli %parallel_loop3A_205, %parallel_loop3A_323 : i32
        %parallel_loop3A_325 = arith.constant 10 : i32
        %parallel_loop3A_326 = arith.addi %parallel_loop3A_324, %parallel_loop3A_325 : i32
        %parallel_loop3A_327 = arith.index_cast %parallel_loop3A_326 : i32 to index
        %parallel_loop3A_328 = arith.constant 0 : index
        %parallel_loop3A_329 = tpu.vector_load %arg16[%parallel_loop3A_327, %parallel_loop3A_328] {strides = array<i32>} : memref<80x16xf32, #tpu.memory_space<vmem>>, vector<1x16xf32>,
        %parallel_loop3A_330 = vector.shape_cast %parallel_loop3A_329 : vector<1x16xf32> to vector<16xf32>
        %parallel_loop3A_331 = arith.select %parallel_loop3A_322, %parallel_loop3A_330, %parallel_loop3A_319 : vector<16xi1>, vector<16xf32>
        %parallel_loop3A_332 = arith.constant 11 : i32
        %parallel_loop3A_333 = vector.broadcast %parallel_loop3A_332 : i32 to vector<16xi32>
        %parallel_loop3A_334 = arith.cmpi eq, %iota3A, %parallel_loop3A_333 : vector<16xi32>
        %parallel_loop3A_335 = arith.constant 16 : i32
        %parallel_loop3A_336 = arith.muli %parallel_loop3A_205, %parallel_loop3A_335 : i32
        %parallel_loop3A_337 = arith.constant 11 : i32
        %parallel_loop3A_338 = arith.addi %parallel_loop3A_336, %parallel_loop3A_337 : i32
        %parallel_loop3A_339 = arith.index_cast %parallel_loop3A_338 : i32 to index
        %parallel_loop3A_340 = arith.constant 0 : index
        %parallel_loop3A_341 = tpu.vector_load %arg16[%parallel_loop3A_339, %parallel_loop3A_340] {strides = array<i32>} : memref<80x16xf32, #tpu.memory_space<vmem>>, vector<1x16xf32>,
        %parallel_loop3A_342 = vector.shape_cast %parallel_loop3A_341 : vector<1x16xf32> to vector<16xf32>
        %parallel_loop3A_343 = arith.select %parallel_loop3A_334, %parallel_loop3A_342, %parallel_loop3A_331 : vector<16xi1>, vector<16xf32>
        %parallel_loop3A_344 = arith.constant 12 : i32
        %parallel_loop3A_345 = vector.broadcast %parallel_loop3A_344 : i32 to vector<16xi32>
        %parallel_loop3A_346 = arith.cmpi eq, %iota3A, %parallel_loop3A_345 : vector<16xi32>
        %parallel_loop3A_347 = arith.constant 16 : i32
        %parallel_loop3A_348 = arith.muli %parallel_loop3A_205, %parallel_loop3A_347 : i32
        %parallel_loop3A_349 = arith.constant 12 : i32
        %parallel_loop3A_350 = arith.addi %parallel_loop3A_348, %parallel_loop3A_349 : i32
        %parallel_loop3A_351 = arith.index_cast %parallel_loop3A_350 : i32 to index
        %parallel_loop3A_352 = arith.constant 0 : index
        %parallel_loop3A_353 = tpu.vector_load %arg16[%parallel_loop3A_351, %parallel_loop3A_352] {strides = array<i32>} : memref<80x16xf32, #tpu.memory_space<vmem>>, vector<1x16xf32>,
        %parallel_loop3A_354 = vector.shape_cast %parallel_loop3A_353 : vector<1x16xf32> to vector<16xf32>
        %parallel_loop3A_355 = arith.select %parallel_loop3A_346, %parallel_loop3A_354, %parallel_loop3A_343 : vector<16xi1>, vector<16xf32>
        %parallel_loop3A_356 = arith.constant 13 : i32
        %parallel_loop3A_357 = vector.broadcast %parallel_loop3A_356 : i32 to vector<16xi32>
        %parallel_loop3A_358 = arith.cmpi eq, %iota3A, %parallel_loop3A_357 : vector<16xi32>
        %parallel_loop3A_359 = arith.constant 16 : i32
        %parallel_loop3A_360 = arith.muli %parallel_loop3A_205, %parallel_loop3A_359 : i32
        %parallel_loop3A_361 = arith.constant 13 : i32
        %parallel_loop3A_362 = arith.addi %parallel_loop3A_360, %parallel_loop3A_361 : i32
        %parallel_loop3A_363 = arith.index_cast %parallel_loop3A_362 : i32 to index
        %parallel_loop3A_364 = arith.constant 0 : index
        %parallel_loop3A_365 = tpu.vector_load %arg16[%parallel_loop3A_363, %parallel_loop3A_364] {strides = array<i32>} : memref<80x16xf32, #tpu.memory_space<vmem>>, vector<1x16xf32>,
        %parallel_loop3A_366 = vector.shape_cast %parallel_loop3A_365 : vector<1x16xf32> to vector<16xf32>
        %parallel_loop3A_367 = arith.select %parallel_loop3A_358, %parallel_loop3A_366, %parallel_loop3A_355 : vector<16xi1>, vector<16xf32>
        %parallel_loop3A_368 = arith.constant 14 : i32
        %parallel_loop3A_369 = vector.broadcast %parallel_loop3A_368 : i32 to vector<16xi32>
        %parallel_loop3A_370 = arith.cmpi eq, %iota3A, %parallel_loop3A_369 : vector<16xi32>
        %parallel_loop3A_371 = arith.constant 16 : i32
        %parallel_loop3A_372 = arith.muli %parallel_loop3A_205, %parallel_loop3A_371 : i32
        %parallel_loop3A_373 = arith.constant 14 : i32
        %parallel_loop3A_374 = arith.addi %parallel_loop3A_372, %parallel_loop3A_373 : i32
        %parallel_loop3A_375 = arith.index_cast %parallel_loop3A_374 : i32 to index
        %parallel_loop3A_376 = arith.constant 0 : index
        %parallel_loop3A_377 = tpu.vector_load %arg16[%parallel_loop3A_375, %parallel_loop3A_376] {strides = array<i32>} : memref<80x16xf32, #tpu.memory_space<vmem>>, vector<1x16xf32>,
        %parallel_loop3A_378 = vector.shape_cast %parallel_loop3A_377 : vector<1x16xf32> to vector<16xf32>
        %parallel_loop3A_379 = arith.select %parallel_loop3A_370, %parallel_loop3A_378, %parallel_loop3A_367 : vector<16xi1>, vector<16xf32>
        %parallel_loop3A_380 = arith.constant 15 : i32
        %parallel_loop3A_381 = vector.broadcast %parallel_loop3A_380 : i32 to vector<16xi32>
        %parallel_loop3A_382 = arith.cmpi eq, %iota3A, %parallel_loop3A_381 : vector<16xi32>
        %parallel_loop3A_383 = arith.constant 16 : i32
        %parallel_loop3A_384 = arith.muli %parallel_loop3A_205, %parallel_loop3A_383 : i32
        %parallel_loop3A_385 = arith.constant 15 : i32
        %parallel_loop3A_386 = arith.addi %parallel_loop3A_384, %parallel_loop3A_385 : i32
        %parallel_loop3A_387 = arith.index_cast %parallel_loop3A_386 : i32 to index
        %parallel_loop3A_388 = arith.constant 0 : index
        %parallel_loop3A_389 = tpu.vector_load %arg16[%parallel_loop3A_387, %parallel_loop3A_388] {strides = array<i32>} : memref<80x16xf32, #tpu.memory_space<vmem>>, vector<1x16xf32>,
        %parallel_loop3A_390 = vector.shape_cast %parallel_loop3A_389 : vector<1x16xf32> to vector<16xf32>
        %parallel_loop3A_391 = arith.select %parallel_loop3A_382, %parallel_loop3A_390, %parallel_loop3A_379 : vector<16xi1>, vector<16xf32>
        %parallel_loop3A_392 = arith.constant 16 : i32
        %parallel_loop3A_393 = arith.muli %parallel_loop3A_205, %parallel_loop3A_392 : i32
        %parallel_loop3A_394 = arith.addi %mul3A_101, %parallel_loop3A_393 : i32
        %parallel_loop3A_395 = arith.index_cast %parallel_loop3A_394 : i32 to index
        %parallel_loop3A_396 = tpu.vector_load %arg15[%parallel_loop3A_395] {strides = array<i32>} : memref<10000xf32, #tpu.memory_space<vmem>>, vector<16xf32>,
        %parallel_loop3A_397 = vector.shape_cast %parallel_loop3A_396 : vector<16xf32> to vector<16xf32>
        %parallel_loop3A_398 = vector.shape_cast %parallel_loop3A_391 : vector<16xf32> to vector<16xf32>
        tpu.vector_store %arg15[%parallel_loop3A_395], %parallel_loop3A_398 {strides = array<i32>} : memref<10000xf32, #tpu.memory_space<vmem>>, vector<16xf32>,
      } {sc.loop_unroll_factor = 1 : i64, sc.parallel_access}
      %add3A_108 = arith.constant 4 : i32
      %add3A_109 = arith.addi %add3A_87, %add3A_108 : i32
      %lt3A = arith.constant 125 : i32
      %lt3A_110 = arith.cmpi slt, %add3A_109, %lt3A : i32
      %convert_element_type3A = arith.extui %lt3A_110 : i1 to i32
      %cond3A = arith.constant 0 : i32
      %cond3A_111 = arith.cmpi ne, %convert_element_type3A, %cond3A : i32
      scf.if %cond3A_111 {
        %add3A_205 = arith.constant 4 : i32
        %add3A_206 = arith.addi %add3A_87, %add3A_205 : i32
        %mul3A_207 = arith.constant 80 : i32
        %mul3A_208 = arith.muli %add3A_206, %mul3A_207 : i32
        %dma_start3A_209 = tpu.memref_slice %arg5[%mul3A_208] : memref<10000xi32, #tpu.memory_space<vmem>> -> memref<80xi32, #tpu.memory_space<vmem>>
        %dma_start3A_210 = arith.constant 0 : i32
        %dma_start3A_211 = arith.constant 0 : i32
        %dma_start3A_212 = tpu.memref_slice %arg2[%dma_start3A_210, %dma_start3A_211] : memref<10000x64xi32, #tpu.memory_space<hbm>> -> memref<10000x64xi32, #tpu.memory_space<hbm>>
        tpu.enqueue_indirect_dma source(%dma_start3A_212 : memref<10000x64xi32, #tpu.memory_space<hbm>>) target(%arg7 : memref<80x64xi32, #tpu.memory_space<vmem>>) offsets(%dma_start3A_209 : memref<80xi32, #tpu.memory_space<vmem>>) semaphore(%arg17 : memref<!tpu.dma_semaphore, #tpu.memory_space<semaphore_mem>>)
        %mul3A_213 = arith.constant 80 : i32
        %mul3A_214 = arith.muli %add3A_206, %mul3A_213 : i32
        %dma_start3A_215 = tpu.memref_slice %arg6[%mul3A_214] : memref<10000xi32, #tpu.memory_space<vmem>> -> memref<80xi32, #tpu.memory_space<vmem>>
        %dma_start3A_216 = arith.constant 0 : i32
        %dma_start3A_217 = arith.constant 0 : i32
        %dma_start3A_218 = tpu.memref_slice %arg2[%dma_start3A_216, %dma_start3A_217] : memref<10000x64xi32, #tpu.memory_space<hbm>> -> memref<10000x64xi32, #tpu.memory_space<hbm>>
        tpu.enqueue_indirect_dma source(%dma_start3A_218 : memref<10000x64xi32, #tpu.memory_space<hbm>>) target(%arg11 : memref<80x64xi32, #tpu.memory_space<vmem>>) offsets(%dma_start3A_215 : memref<80xi32, #tpu.memory_space<vmem>>) semaphore(%arg21 : memref<!tpu.dma_semaphore, #tpu.memory_space<semaphore_mem>>)
      } else {
      }
      %mul3A_112 = arith.constant 4 : i32
      %mul3A_113 = arith.muli %mul3A_112, %scan3A_83 : i32
      %add3A_114 = arith.constant 1 : i32
      %add3A_115 = arith.addi %mul3A_113, %add3A_114 : i32
      %mul3A_116 = arith.constant 80 : i32
      %mul3A_117 = arith.muli %add3A_115, %mul3A_116 : i32
      %dma_wait3A_118 = tpu.memref_slice %arg5[%mul3A_117] : memref<10000xi32, #tpu.memory_space<vmem>> -> memref<80xi32, #tpu.memory_space<vmem>>
      %dma_wait3A_119 = arith.constant 0 : i32
      %dma_wait3A_120 = arith.constant 0 : i32
      %dma_wait3A_121 = tpu.memref_slice %arg2[%dma_wait3A_119, %dma_wait3A_120] : memref<10000x64xi32, #tpu.memory_space<hbm>> -> memref<10000x64xi32, #tpu.memory_space<hbm>>
      tpu.wait_indirect_dma semaphore(%arg18 : memref<!tpu.dma_semaphore, #tpu.memory_space<semaphore_mem>>) src(%dma_wait3A_121 : memref<10000x64xi32, #tpu.memory_space<hbm>>) dst(%arg8 : memref<80x64xi32, #tpu.memory_space<vmem>>)
      %mul3A_122 = arith.constant 80 : i32
      %mul3A_123 = arith.muli %add3A_115, %mul3A_122 : i32
      %dma_wait3A_124 = tpu.memref_slice %arg6[%mul3A_123] : memref<10000xi32, #tpu.memory_space<vmem>> -> memref<80xi32, #tpu.memory_space<vmem>>
      %dma_wait3A_125 = arith.constant 0 : i32
      %dma_wait3A_126 = arith.constant 0 : i32
      %dma_wait3A_127 = tpu.memref_slice %arg2[%dma_wait3A_125, %dma_wait3A_126] : memref<10000x64xi32, #tpu.memory_space<hbm>> -> memref<10000x64xi32, #tpu.memory_space<hbm>>
      tpu.wait_indirect_dma semaphore(%arg22 : memref<!tpu.dma_semaphore, #tpu.memory_space<semaphore_mem>>) src(%dma_wait3A_127 : memref<10000x64xi32, #tpu.memory_space<hbm>>) dst(%arg12 : memref<80x64xi32, #tpu.memory_space<vmem>>)
      %mul3A_128 = arith.constant 80 : i32
      %mul3A_129 = arith.muli %add3A_115, %mul3A_128 : i32
      %parallel_loop3A_130 = arith.constant 0 : i32
      %parallel_loop3A_131 = arith.constant 80 : i32
      %parallel_loop3A_132 = arith.constant 1 : i32
      scf.for %parallel_loop3A_205 = %parallel_loop3A_130 to %parallel_loop3A_131 step %parallel_loop3A_132  : i32 {
        %parallel_loop3A_206 = arith.constant 0.000000e+00 : f32
        %parallel_loop3A_207 = vector.broadcast %parallel_loop3A_206 : f32 to vector<16xf32>
        %parallel_loop3A_208 = arith.index_cast %parallel_loop3A_205 : i32 to index
        %parallel_loop3A_209 = arith.constant 0 : index
        %parallel_loop3A_210 = tpu.vector_load %arg8[%parallel_loop3A_208, %parallel_loop3A_209] {strides = array<i32>} : memref<80x64xi32, #tpu.memory_space<vmem>>, vector<1x16xi32>,
        %parallel_loop3A_211 = vector.shape_cast %parallel_loop3A_210 : vector<1x16xi32> to vector<16xi32>
        %parallel_loop3A_212 = arith.index_cast %parallel_loop3A_205 : i32 to index
        %parallel_loop3A_213 = arith.constant 0 : index
        %parallel_loop3A_214 = tpu.vector_load %arg12[%parallel_loop3A_212, %parallel_loop3A_213] {strides = array<i32>} : memref<80x64xi32, #tpu.memory_space<vmem>>, vector<1x16xi32>,
        %parallel_loop3A_215 = vector.shape_cast %parallel_loop3A_214 : vector<1x16xi32> to vector<16xi32>
        %parallel_loop3A_216 = arith.constant 16 : i32
        %parallel_loop3A_217 = vector.broadcast %parallel_loop3A_216 : i32 to vector<16xi32>
        %parallel_loop3A_218 = arith.shli %parallel_loop3A_211, %parallel_loop3A_217 : vector<16xi32>
        %parallel_loop3A_219 = tpu.bitcast %parallel_loop3A_218 : vector<16xi32> -> vector<16xf32>
        %parallel_loop3A_220 = arith.constant 16 : i32
        %parallel_loop3A_221 = vector.broadcast %parallel_loop3A_220 : i32 to vector<16xi32>
        %parallel_loop3A_222 = arith.shli %parallel_loop3A_215, %parallel_loop3A_221 : vector<16xi32>
        %parallel_loop3A_223 = tpu.bitcast %parallel_loop3A_222 : vector<16xi32> -> vector<16xf32>
        %parallel_loop3A_224 = vector.broadcast %scan3A_61 : i32 to vector<16xi32>
        %parallel_loop3A_225 = arith.andi %parallel_loop3A_211, %parallel_loop3A_224 : vector<16xi32>
        %parallel_loop3A_226 = tpu.bitcast %parallel_loop3A_225 : vector<16xi32> -> vector<16xf32>
        %parallel_loop3A_227 = vector.broadcast %scan3A_61 : i32 to vector<16xi32>
        %parallel_loop3A_228 = arith.andi %parallel_loop3A_215, %parallel_loop3A_227 : vector<16xi32>
        %parallel_loop3A_229 = tpu.bitcast %parallel_loop3A_228 : vector<16xi32> -> vector<16xf32>
        %parallel_loop3A_230 = arith.mulf %parallel_loop3A_219, %parallel_loop3A_223 : vector<16xf32>
        %parallel_loop3A_231 = arith.addf %parallel_loop3A_207, %parallel_loop3A_230 : vector<16xf32>
        %parallel_loop3A_232 = arith.mulf %parallel_loop3A_226, %parallel_loop3A_229 : vector<16xf32>
        %parallel_loop3A_233 = arith.addf %parallel_loop3A_231, %parallel_loop3A_232 : vector<16xf32>
        %parallel_loop3A_234 = arith.index_cast %parallel_loop3A_205 : i32 to index
        %parallel_loop3A_235 = arith.constant 16 : index
        %parallel_loop3A_236 = tpu.vector_load %arg8[%parallel_loop3A_234, %parallel_loop3A_235] {strides = array<i32>} : memref<80x64xi32, #tpu.memory_space<vmem>>, vector<1x16xi32>,
        %parallel_loop3A_237 = vector.shape_cast %parallel_loop3A_236 : vector<1x16xi32> to vector<16xi32>
        %parallel_loop3A_238 = arith.index_cast %parallel_loop3A_205 : i32 to index
        %parallel_loop3A_239 = arith.constant 16 : index
        %parallel_loop3A_240 = tpu.vector_load %arg12[%parallel_loop3A_238, %parallel_loop3A_239] {strides = array<i32>} : memref<80x64xi32, #tpu.memory_space<vmem>>, vector<1x16xi32>,
        %parallel_loop3A_241 = vector.shape_cast %parallel_loop3A_240 : vector<1x16xi32> to vector<16xi32>
        %parallel_loop3A_242 = arith.constant 16 : i32
        %parallel_loop3A_243 = vector.broadcast %parallel_loop3A_242 : i32 to vector<16xi32>
        %parallel_loop3A_244 = arith.shli %parallel_loop3A_237, %parallel_loop3A_243 : vector<16xi32>
        %parallel_loop3A_245 = tpu.bitcast %parallel_loop3A_244 : vector<16xi32> -> vector<16xf32>
        %parallel_loop3A_246 = arith.constant 16 : i32
        %parallel_loop3A_247 = vector.broadcast %parallel_loop3A_246 : i32 to vector<16xi32>
        %parallel_loop3A_248 = arith.shli %parallel_loop3A_241, %parallel_loop3A_247 : vector<16xi32>
        %parallel_loop3A_249 = tpu.bitcast %parallel_loop3A_248 : vector<16xi32> -> vector<16xf32>
        %parallel_loop3A_250 = vector.broadcast %scan3A_61 : i32 to vector<16xi32>
        %parallel_loop3A_251 = arith.andi %parallel_loop3A_237, %parallel_loop3A_250 : vector<16xi32>
        %parallel_loop3A_252 = tpu.bitcast %parallel_loop3A_251 : vector<16xi32> -> vector<16xf32>
        %parallel_loop3A_253 = vector.broadcast %scan3A_61 : i32 to vector<16xi32>
        %parallel_loop3A_254 = arith.andi %parallel_loop3A_241, %parallel_loop3A_253 : vector<16xi32>
        %parallel_loop3A_255 = tpu.bitcast %parallel_loop3A_254 : vector<16xi32> -> vector<16xf32>
        %parallel_loop3A_256 = arith.mulf %parallel_loop3A_245, %parallel_loop3A_249 : vector<16xf32>
        %parallel_loop3A_257 = arith.addf %parallel_loop3A_233, %parallel_loop3A_256 : vector<16xf32>
        %parallel_loop3A_258 = arith.mulf %parallel_loop3A_252, %parallel_loop3A_255 : vector<16xf32>
        %parallel_loop3A_259 = arith.addf %parallel_loop3A_257, %parallel_loop3A_258 : vector<16xf32>
        %parallel_loop3A_260 = arith.index_cast %parallel_loop3A_205 : i32 to index
        %parallel_loop3A_261 = arith.constant 32 : index
        %parallel_loop3A_262 = tpu.vector_load %arg8[%parallel_loop3A_260, %parallel_loop3A_261] {strides = array<i32>} : memref<80x64xi32, #tpu.memory_space<vmem>>, vector<1x16xi32>,
        %parallel_loop3A_263 = vector.shape_cast %parallel_loop3A_262 : vector<1x16xi32> to vector<16xi32>
        %parallel_loop3A_264 = arith.index_cast %parallel_loop3A_205 : i32 to index
        %parallel_loop3A_265 = arith.constant 32 : index
        %parallel_loop3A_266 = tpu.vector_load %arg12[%parallel_loop3A_264, %parallel_loop3A_265] {strides = array<i32>} : memref<80x64xi32, #tpu.memory_space<vmem>>, vector<1x16xi32>,
        %parallel_loop3A_267 = vector.shape_cast %parallel_loop3A_266 : vector<1x16xi32> to vector<16xi32>
        %parallel_loop3A_268 = arith.constant 16 : i32
        %parallel_loop3A_269 = vector.broadcast %parallel_loop3A_268 : i32 to vector<16xi32>
        %parallel_loop3A_270 = arith.shli %parallel_loop3A_263, %parallel_loop3A_269 : vector<16xi32>
        %parallel_loop3A_271 = tpu.bitcast %parallel_loop3A_270 : vector<16xi32> -> vector<16xf32>
        %parallel_loop3A_272 = arith.constant 16 : i32
        %parallel_loop3A_273 = vector.broadcast %parallel_loop3A_272 : i32 to vector<16xi32>
        %parallel_loop3A_274 = arith.shli %parallel_loop3A_267, %parallel_loop3A_273 : vector<16xi32>
        %parallel_loop3A_275 = tpu.bitcast %parallel_loop3A_274 : vector<16xi32> -> vector<16xf32>
        %parallel_loop3A_276 = vector.broadcast %scan3A_61 : i32 to vector<16xi32>
        %parallel_loop3A_277 = arith.andi %parallel_loop3A_263, %parallel_loop3A_276 : vector<16xi32>
        %parallel_loop3A_278 = tpu.bitcast %parallel_loop3A_277 : vector<16xi32> -> vector<16xf32>
        %parallel_loop3A_279 = vector.broadcast %scan3A_61 : i32 to vector<16xi32>
        %parallel_loop3A_280 = arith.andi %parallel_loop3A_267, %parallel_loop3A_279 : vector<16xi32>
        %parallel_loop3A_281 = tpu.bitcast %parallel_loop3A_280 : vector<16xi32> -> vector<16xf32>
        %parallel_loop3A_282 = arith.mulf %parallel_loop3A_271, %parallel_loop3A_275 : vector<16xf32>
        %parallel_loop3A_283 = arith.addf %parallel_loop3A_259, %parallel_loop3A_282 : vector<16xf32>
        %parallel_loop3A_284 = arith.mulf %parallel_loop3A_278, %parallel_loop3A_281 : vector<16xf32>
        %parallel_loop3A_285 = arith.addf %parallel_loop3A_283, %parallel_loop3A_284 : vector<16xf32>
        %parallel_loop3A_286 = arith.index_cast %parallel_loop3A_205 : i32 to index
        %parallel_loop3A_287 = arith.constant 48 : index
        %parallel_loop3A_288 = tpu.vector_load %arg8[%parallel_loop3A_286, %parallel_loop3A_287] {strides = array<i32>} : memref<80x64xi32, #tpu.memory_space<vmem>>, vector<1x16xi32>,
        %parallel_loop3A_289 = vector.shape_cast %parallel_loop3A_288 : vector<1x16xi32> to vector<16xi32>
        %parallel_loop3A_290 = arith.index_cast %parallel_loop3A_205 : i32 to index
        %parallel_loop3A_291 = arith.constant 48 : index
        %parallel_loop3A_292 = tpu.vector_load %arg12[%parallel_loop3A_290, %parallel_loop3A_291] {strides = array<i32>} : memref<80x64xi32, #tpu.memory_space<vmem>>, vector<1x16xi32>,
        %parallel_loop3A_293 = vector.shape_cast %parallel_loop3A_292 : vector<1x16xi32> to vector<16xi32>
        %parallel_loop3A_294 = arith.constant 16 : i32
        %parallel_loop3A_295 = vector.broadcast %parallel_loop3A_294 : i32 to vector<16xi32>
        %parallel_loop3A_296 = arith.shli %parallel_loop3A_289, %parallel_loop3A_295 : vector<16xi32>
        %parallel_loop3A_297 = tpu.bitcast %parallel_loop3A_296 : vector<16xi32> -> vector<16xf32>
        %parallel_loop3A_298 = arith.constant 16 : i32
        %parallel_loop3A_299 = vector.broadcast %parallel_loop3A_298 : i32 to vector<16xi32>
        %parallel_loop3A_300 = arith.shli %parallel_loop3A_293, %parallel_loop3A_299 : vector<16xi32>
        %parallel_loop3A_301 = tpu.bitcast %parallel_loop3A_300 : vector<16xi32> -> vector<16xf32>
        %parallel_loop3A_302 = vector.broadcast %scan3A_61 : i32 to vector<16xi32>
        %parallel_loop3A_303 = arith.andi %parallel_loop3A_289, %parallel_loop3A_302 : vector<16xi32>
        %parallel_loop3A_304 = tpu.bitcast %parallel_loop3A_303 : vector<16xi32> -> vector<16xf32>
        %parallel_loop3A_305 = vector.broadcast %scan3A_61 : i32 to vector<16xi32>
        %parallel_loop3A_306 = arith.andi %parallel_loop3A_293, %parallel_loop3A_305 : vector<16xi32>
        %parallel_loop3A_307 = tpu.bitcast %parallel_loop3A_306 : vector<16xi32> -> vector<16xf32>
        %parallel_loop3A_308 = arith.mulf %parallel_loop3A_297, %parallel_loop3A_301 : vector<16xf32>
        %parallel_loop3A_309 = arith.addf %parallel_loop3A_285, %parallel_loop3A_308 : vector<16xf32>
        %parallel_loop3A_310 = arith.mulf %parallel_loop3A_304, %parallel_loop3A_307 : vector<16xf32>
        %parallel_loop3A_311 = arith.addf %parallel_loop3A_309, %parallel_loop3A_310 : vector<16xf32>
        %parallel_loop3A_312 = arith.constant 8 : i32
        %parallel_loop3A_313 = vector.broadcast %parallel_loop3A_312 : i32 to vector<16xi32>
        %parallel_loop3A_314 = arith.xori %iota3A, %parallel_loop3A_313 : vector<16xi32>
        %parallel_loop3A_315 = vector.shape_cast %parallel_loop3A_314 : vector<16xi32> to vector<16x1xi32>
        %parallel_loop3A_316 = vector.shape_cast %parallel_loop3A_315 : vector<16x1xi32> to vector<16xi32>
        %parallel_loop3A_317 = tpu.dynamic_gather %parallel_loop3A_311[%parallel_loop3A_316] in [0] : vector<16xf32>, vector<16xi32> -> vector<16xf32>
        %parallel_loop3A_318 = arith.addf %parallel_loop3A_311, %parallel_loop3A_317 : vector<16xf32>
        %parallel_loop3A_319 = arith.constant 4 : i32
        %parallel_loop3A_320 = vector.broadcast %parallel_loop3A_319 : i32 to vector<16xi32>
        %parallel_loop3A_321 = arith.xori %iota3A, %parallel_loop3A_320 : vector<16xi32>
        %parallel_loop3A_322 = vector.shape_cast %parallel_loop3A_321 : vector<16xi32> to vector<16x1xi32>
        %parallel_loop3A_323 = vector.shape_cast %parallel_loop3A_322 : vector<16x1xi32> to vector<16xi32>
        %parallel_loop3A_324 = tpu.dynamic_gather %parallel_loop3A_318[%parallel_loop3A_323] in [0] : vector<16xf32>, vector<16xi32> -> vector<16xf32>
        %parallel_loop3A_325 = arith.addf %parallel_loop3A_318, %parallel_loop3A_324 : vector<16xf32>
        %parallel_loop3A_326 = arith.constant 2 : i32
        %parallel_loop3A_327 = vector.broadcast %parallel_loop3A_326 : i32 to vector<16xi32>
        %parallel_loop3A_328 = arith.xori %iota3A, %parallel_loop3A_327 : vector<16xi32>
        %parallel_loop3A_329 = vector.shape_cast %parallel_loop3A_328 : vector<16xi32> to vector<16x1xi32>
        %parallel_loop3A_330 = vector.shape_cast %parallel_loop3A_329 : vector<16x1xi32> to vector<16xi32>
        %parallel_loop3A_331 = tpu.dynamic_gather %parallel_loop3A_325[%parallel_loop3A_330] in [0] : vector<16xf32>, vector<16xi32> -> vector<16xf32>
        %parallel_loop3A_332 = arith.addf %parallel_loop3A_325, %parallel_loop3A_331 : vector<16xf32>
        %parallel_loop3A_333 = arith.constant 1 : i32
        %parallel_loop3A_334 = vector.broadcast %parallel_loop3A_333 : i32 to vector<16xi32>
        %parallel_loop3A_335 = arith.xori %iota3A, %parallel_loop3A_334 : vector<16xi32>
        %parallel_loop3A_336 = vector.shape_cast %parallel_loop3A_335 : vector<16xi32> to vector<16x1xi32>
        %parallel_loop3A_337 = vector.shape_cast %parallel_loop3A_336 : vector<16x1xi32> to vector<16xi32>
        %parallel_loop3A_338 = tpu.dynamic_gather %parallel_loop3A_332[%parallel_loop3A_337] in [0] : vector<16xf32>, vector<16xi32> -> vector<16xf32>
        %parallel_loop3A_339 = arith.addf %parallel_loop3A_332, %parallel_loop3A_338 : vector<16xf32>
        %parallel_loop3A_340 = arith.index_cast %parallel_loop3A_205 : i32 to index
        %parallel_loop3A_341 = arith.constant 0 : index
        %parallel_loop3A_342 = tpu.vector_load %arg16[%parallel_loop3A_340, %parallel_loop3A_341] {strides = array<i32>} : memref<80x16xf32, #tpu.memory_space<vmem>>, vector<1x16xf32>,
        %parallel_loop3A_343 = vector.shape_cast %parallel_loop3A_342 : vector<1x16xf32> to vector<16xf32>
        %parallel_loop3A_344 = vector.shape_cast %parallel_loop3A_339 : vector<16xf32> to vector<1x16xf32>
        tpu.vector_store %arg16[%parallel_loop3A_340, %parallel_loop3A_341], %parallel_loop3A_344 {strides = array<i32>} : memref<80x16xf32, #tpu.memory_space<vmem>>, vector<1x16xf32>,
      } {sc.loop_unroll_factor = 2 : i64, sc.parallel_access}
      %parallel_loop3A_133 = arith.constant 0 : i32
      %parallel_loop3A_134 = arith.constant 5 : i32
      %parallel_loop3A_135 = arith.constant 1 : i32
      scf.for %parallel_loop3A_205 = %parallel_loop3A_133 to %parallel_loop3A_134 step %parallel_loop3A_135  : i32 {
        %parallel_loop3A_206 = arith.constant 16 : i32
        %parallel_loop3A_207 = arith.muli %parallel_loop3A_205, %parallel_loop3A_206 : i32
        %parallel_loop3A_208 = arith.index_cast %parallel_loop3A_207 : i32 to index
        %parallel_loop3A_209 = arith.constant 0 : index
        %parallel_loop3A_210 = tpu.vector_load %arg16[%parallel_loop3A_208, %parallel_loop3A_209] {strides = array<i32>} : memref<80x16xf32, #tpu.memory_space<vmem>>, vector<1x16xf32>,
        %parallel_loop3A_211 = vector.shape_cast %parallel_loop3A_210 : vector<1x16xf32> to vector<16xf32>
        %parallel_loop3A_212 = arith.constant 1 : i32
        %parallel_loop3A_213 = vector.broadcast %parallel_loop3A_212 : i32 to vector<16xi32>
        %parallel_loop3A_214 = arith.cmpi eq, %iota3A, %parallel_loop3A_213 : vector<16xi32>
        %parallel_loop3A_215 = arith.constant 16 : i32
        %parallel_loop3A_216 = arith.muli %parallel_loop3A_205, %parallel_loop3A_215 : i32
        %parallel_loop3A_217 = arith.constant 1 : i32
        %parallel_loop3A_218 = arith.addi %parallel_loop3A_216, %parallel_loop3A_217 : i32
        %parallel_loop3A_219 = arith.index_cast %parallel_loop3A_218 : i32 to index
        %parallel_loop3A_220 = arith.constant 0 : index
        %parallel_loop3A_221 = tpu.vector_load %arg16[%parallel_loop3A_219, %parallel_loop3A_220] {strides = array<i32>} : memref<80x16xf32, #tpu.memory_space<vmem>>, vector<1x16xf32>,
        %parallel_loop3A_222 = vector.shape_cast %parallel_loop3A_221 : vector<1x16xf32> to vector<16xf32>
        %parallel_loop3A_223 = arith.select %parallel_loop3A_214, %parallel_loop3A_222, %parallel_loop3A_211 : vector<16xi1>, vector<16xf32>
        %parallel_loop3A_224 = arith.constant 2 : i32
        %parallel_loop3A_225 = vector.broadcast %parallel_loop3A_224 : i32 to vector<16xi32>
        %parallel_loop3A_226 = arith.cmpi eq, %iota3A, %parallel_loop3A_225 : vector<16xi32>
        %parallel_loop3A_227 = arith.constant 16 : i32
        %parallel_loop3A_228 = arith.muli %parallel_loop3A_205, %parallel_loop3A_227 : i32
        %parallel_loop3A_229 = arith.constant 2 : i32
        %parallel_loop3A_230 = arith.addi %parallel_loop3A_228, %parallel_loop3A_229 : i32
        %parallel_loop3A_231 = arith.index_cast %parallel_loop3A_230 : i32 to index
        %parallel_loop3A_232 = arith.constant 0 : index
        %parallel_loop3A_233 = tpu.vector_load %arg16[%parallel_loop3A_231, %parallel_loop3A_232] {strides = array<i32>} : memref<80x16xf32, #tpu.memory_space<vmem>>, vector<1x16xf32>,
        %parallel_loop3A_234 = vector.shape_cast %parallel_loop3A_233 : vector<1x16xf32> to vector<16xf32>
        %parallel_loop3A_235 = arith.select %parallel_loop3A_226, %parallel_loop3A_234, %parallel_loop3A_223 : vector<16xi1>, vector<16xf32>
        %parallel_loop3A_236 = arith.constant 3 : i32
        %parallel_loop3A_237 = vector.broadcast %parallel_loop3A_236 : i32 to vector<16xi32>
        %parallel_loop3A_238 = arith.cmpi eq, %iota3A, %parallel_loop3A_237 : vector<16xi32>
        %parallel_loop3A_239 = arith.constant 16 : i32
        %parallel_loop3A_240 = arith.muli %parallel_loop3A_205, %parallel_loop3A_239 : i32
        %parallel_loop3A_241 = arith.constant 3 : i32
        %parallel_loop3A_242 = arith.addi %parallel_loop3A_240, %parallel_loop3A_241 : i32
        %parallel_loop3A_243 = arith.index_cast %parallel_loop3A_242 : i32 to index
        %parallel_loop3A_244 = arith.constant 0 : index
        %parallel_loop3A_245 = tpu.vector_load %arg16[%parallel_loop3A_243, %parallel_loop3A_244] {strides = array<i32>} : memref<80x16xf32, #tpu.memory_space<vmem>>, vector<1x16xf32>,
        %parallel_loop3A_246 = vector.shape_cast %parallel_loop3A_245 : vector<1x16xf32> to vector<16xf32>
        %parallel_loop3A_247 = arith.select %parallel_loop3A_238, %parallel_loop3A_246, %parallel_loop3A_235 : vector<16xi1>, vector<16xf32>
        %parallel_loop3A_248 = arith.constant 4 : i32
        %parallel_loop3A_249 = vector.broadcast %parallel_loop3A_248 : i32 to vector<16xi32>
        %parallel_loop3A_250 = arith.cmpi eq, %iota3A, %parallel_loop3A_249 : vector<16xi32>
        %parallel_loop3A_251 = arith.constant 16 : i32
        %parallel_loop3A_252 = arith.muli %parallel_loop3A_205, %parallel_loop3A_251 : i32
        %parallel_loop3A_253 = arith.constant 4 : i32
        %parallel_loop3A_254 = arith.addi %parallel_loop3A_252, %parallel_loop3A_253 : i32
        %parallel_loop3A_255 = arith.index_cast %parallel_loop3A_254 : i32 to index
        %parallel_loop3A_256 = arith.constant 0 : index
        %parallel_loop3A_257 = tpu.vector_load %arg16[%parallel_loop3A_255, %parallel_loop3A_256] {strides = array<i32>} : memref<80x16xf32, #tpu.memory_space<vmem>>, vector<1x16xf32>,
        %parallel_loop3A_258 = vector.shape_cast %parallel_loop3A_257 : vector<1x16xf32> to vector<16xf32>
        %parallel_loop3A_259 = arith.select %parallel_loop3A_250, %parallel_loop3A_258, %parallel_loop3A_247 : vector<16xi1>, vector<16xf32>
        %parallel_loop3A_260 = arith.constant 5 : i32
        %parallel_loop3A_261 = vector.broadcast %parallel_loop3A_260 : i32 to vector<16xi32>
        %parallel_loop3A_262 = arith.cmpi eq, %iota3A, %parallel_loop3A_261 : vector<16xi32>
        %parallel_loop3A_263 = arith.constant 16 : i32
        %parallel_loop3A_264 = arith.muli %parallel_loop3A_205, %parallel_loop3A_263 : i32
        %parallel_loop3A_265 = arith.constant 5 : i32
        %parallel_loop3A_266 = arith.addi %parallel_loop3A_264, %parallel_loop3A_265 : i32
        %parallel_loop3A_267 = arith.index_cast %parallel_loop3A_266 : i32 to index
        %parallel_loop3A_268 = arith.constant 0 : index
        %parallel_loop3A_269 = tpu.vector_load %arg16[%parallel_loop3A_267, %parallel_loop3A_268] {strides = array<i32>} : memref<80x16xf32, #tpu.memory_space<vmem>>, vector<1x16xf32>,
        %parallel_loop3A_270 = vector.shape_cast %parallel_loop3A_269 : vector<1x16xf32> to vector<16xf32>
        %parallel_loop3A_271 = arith.select %parallel_loop3A_262, %parallel_loop3A_270, %parallel_loop3A_259 : vector<16xi1>, vector<16xf32>
        %parallel_loop3A_272 = arith.constant 6 : i32
        %parallel_loop3A_273 = vector.broadcast %parallel_loop3A_272 : i32 to vector<16xi32>
        %parallel_loop3A_274 = arith.cmpi eq, %iota3A, %parallel_loop3A_273 : vector<16xi32>
        %parallel_loop3A_275 = arith.constant 16 : i32
        %parallel_loop3A_276 = arith.muli %parallel_loop3A_205, %parallel_loop3A_275 : i32
        %parallel_loop3A_277 = arith.constant 6 : i32
        %parallel_loop3A_278 = arith.addi %parallel_loop3A_276, %parallel_loop3A_277 : i32
        %parallel_loop3A_279 = arith.index_cast %parallel_loop3A_278 : i32 to index
        %parallel_loop3A_280 = arith.constant 0 : index
        %parallel_loop3A_281 = tpu.vector_load %arg16[%parallel_loop3A_279, %parallel_loop3A_280] {strides = array<i32>} : memref<80x16xf32, #tpu.memory_space<vmem>>, vector<1x16xf32>,
        %parallel_loop3A_282 = vector.shape_cast %parallel_loop3A_281 : vector<1x16xf32> to vector<16xf32>
        %parallel_loop3A_283 = arith.select %parallel_loop3A_274, %parallel_loop3A_282, %parallel_loop3A_271 : vector<16xi1>, vector<16xf32>
        %parallel_loop3A_284 = arith.constant 7 : i32
        %parallel_loop3A_285 = vector.broadcast %parallel_loop3A_284 : i32 to vector<16xi32>
        %parallel_loop3A_286 = arith.cmpi eq, %iota3A, %parallel_loop3A_285 : vector<16xi32>
        %parallel_loop3A_287 = arith.constant 16 : i32
        %parallel_loop3A_288 = arith.muli %parallel_loop3A_205, %parallel_loop3A_287 : i32
        %parallel_loop3A_289 = arith.constant 7 : i32
        %parallel_loop3A_290 = arith.addi %parallel_loop3A_288, %parallel_loop3A_289 : i32
        %parallel_loop3A_291 = arith.index_cast %parallel_loop3A_290 : i32 to index
        %parallel_loop3A_292 = arith.constant 0 : index
        %parallel_loop3A_293 = tpu.vector_load %arg16[%parallel_loop3A_291, %parallel_loop3A_292] {strides = array<i32>} : memref<80x16xf32, #tpu.memory_space<vmem>>, vector<1x16xf32>,
        %parallel_loop3A_294 = vector.shape_cast %parallel_loop3A_293 : vector<1x16xf32> to vector<16xf32>
        %parallel_loop3A_295 = arith.select %parallel_loop3A_286, %parallel_loop3A_294, %parallel_loop3A_283 : vector<16xi1>, vector<16xf32>
        %parallel_loop3A_296 = arith.constant 8 : i32
        %parallel_loop3A_297 = vector.broadcast %parallel_loop3A_296 : i32 to vector<16xi32>
        %parallel_loop3A_298 = arith.cmpi eq, %iota3A, %parallel_loop3A_297 : vector<16xi32>
        %parallel_loop3A_299 = arith.constant 16 : i32
        %parallel_loop3A_300 = arith.muli %parallel_loop3A_205, %parallel_loop3A_299 : i32
        %parallel_loop3A_301 = arith.constant 8 : i32
        %parallel_loop3A_302 = arith.addi %parallel_loop3A_300, %parallel_loop3A_301 : i32
        %parallel_loop3A_303 = arith.index_cast %parallel_loop3A_302 : i32 to index
        %parallel_loop3A_304 = arith.constant 0 : index
        %parallel_loop3A_305 = tpu.vector_load %arg16[%parallel_loop3A_303, %parallel_loop3A_304] {strides = array<i32>} : memref<80x16xf32, #tpu.memory_space<vmem>>, vector<1x16xf32>,
        %parallel_loop3A_306 = vector.shape_cast %parallel_loop3A_305 : vector<1x16xf32> to vector<16xf32>
        %parallel_loop3A_307 = arith.select %parallel_loop3A_298, %parallel_loop3A_306, %parallel_loop3A_295 : vector<16xi1>, vector<16xf32>
        %parallel_loop3A_308 = arith.constant 9 : i32
        %parallel_loop3A_309 = vector.broadcast %parallel_loop3A_308 : i32 to vector<16xi32>
        %parallel_loop3A_310 = arith.cmpi eq, %iota3A, %parallel_loop3A_309 : vector<16xi32>
        %parallel_loop3A_311 = arith.constant 16 : i32
        %parallel_loop3A_312 = arith.muli %parallel_loop3A_205, %parallel_loop3A_311 : i32
        %parallel_loop3A_313 = arith.constant 9 : i32
        %parallel_loop3A_314 = arith.addi %parallel_loop3A_312, %parallel_loop3A_313 : i32
        %parallel_loop3A_315 = arith.index_cast %parallel_loop3A_314 : i32 to index
        %parallel_loop3A_316 = arith.constant 0 : index
        %parallel_loop3A_317 = tpu.vector_load %arg16[%parallel_loop3A_315, %parallel_loop3A_316] {strides = array<i32>} : memref<80x16xf32, #tpu.memory_space<vmem>>, vector<1x16xf32>,
        %parallel_loop3A_318 = vector.shape_cast %parallel_loop3A_317 : vector<1x16xf32> to vector<16xf32>
        %parallel_loop3A_319 = arith.select %parallel_loop3A_310, %parallel_loop3A_318, %parallel_loop3A_307 : vector<16xi1>, vector<16xf32>
        %parallel_loop3A_320 = arith.constant 10 : i32
        %parallel_loop3A_321 = vector.broadcast %parallel_loop3A_320 : i32 to vector<16xi32>
        %parallel_loop3A_322 = arith.cmpi eq, %iota3A, %parallel_loop3A_321 : vector<16xi32>
        %parallel_loop3A_323 = arith.constant 16 : i32
        %parallel_loop3A_324 = arith.muli %parallel_loop3A_205, %parallel_loop3A_323 : i32
        %parallel_loop3A_325 = arith.constant 10 : i32
        %parallel_loop3A_326 = arith.addi %parallel_loop3A_324, %parallel_loop3A_325 : i32
        %parallel_loop3A_327 = arith.index_cast %parallel_loop3A_326 : i32 to index
        %parallel_loop3A_328 = arith.constant 0 : index
        %parallel_loop3A_329 = tpu.vector_load %arg16[%parallel_loop3A_327, %parallel_loop3A_328] {strides = array<i32>} : memref<80x16xf32, #tpu.memory_space<vmem>>, vector<1x16xf32>,
        %parallel_loop3A_330 = vector.shape_cast %parallel_loop3A_329 : vector<1x16xf32> to vector<16xf32>
        %parallel_loop3A_331 = arith.select %parallel_loop3A_322, %parallel_loop3A_330, %parallel_loop3A_319 : vector<16xi1>, vector<16xf32>
        %parallel_loop3A_332 = arith.constant 11 : i32
        %parallel_loop3A_333 = vector.broadcast %parallel_loop3A_332 : i32 to vector<16xi32>
        %parallel_loop3A_334 = arith.cmpi eq, %iota3A, %parallel_loop3A_333 : vector<16xi32>
        %parallel_loop3A_335 = arith.constant 16 : i32
        %parallel_loop3A_336 = arith.muli %parallel_loop3A_205, %parallel_loop3A_335 : i32
        %parallel_loop3A_337 = arith.constant 11 : i32
        %parallel_loop3A_338 = arith.addi %parallel_loop3A_336, %parallel_loop3A_337 : i32
        %parallel_loop3A_339 = arith.index_cast %parallel_loop3A_338 : i32 to index
        %parallel_loop3A_340 = arith.constant 0 : index
        %parallel_loop3A_341 = tpu.vector_load %arg16[%parallel_loop3A_339, %parallel_loop3A_340] {strides = array<i32>} : memref<80x16xf32, #tpu.memory_space<vmem>>, vector<1x16xf32>,
        %parallel_loop3A_342 = vector.shape_cast %parallel_loop3A_341 : vector<1x16xf32> to vector<16xf32>
        %parallel_loop3A_343 = arith.select %parallel_loop3A_334, %parallel_loop3A_342, %parallel_loop3A_331 : vector<16xi1>, vector<16xf32>
        %parallel_loop3A_344 = arith.constant 12 : i32
        %parallel_loop3A_345 = vector.broadcast %parallel_loop3A_344 : i32 to vector<16xi32>
        %parallel_loop3A_346 = arith.cmpi eq, %iota3A, %parallel_loop3A_345 : vector<16xi32>
        %parallel_loop3A_347 = arith.constant 16 : i32
        %parallel_loop3A_348 = arith.muli %parallel_loop3A_205, %parallel_loop3A_347 : i32
        %parallel_loop3A_349 = arith.constant 12 : i32
        %parallel_loop3A_350 = arith.addi %parallel_loop3A_348, %parallel_loop3A_349 : i32
        %parallel_loop3A_351 = arith.index_cast %parallel_loop3A_350 : i32 to index
        %parallel_loop3A_352 = arith.constant 0 : index
        %parallel_loop3A_353 = tpu.vector_load %arg16[%parallel_loop3A_351, %parallel_loop3A_352] {strides = array<i32>} : memref<80x16xf32, #tpu.memory_space<vmem>>, vector<1x16xf32>,
        %parallel_loop3A_354 = vector.shape_cast %parallel_loop3A_353 : vector<1x16xf32> to vector<16xf32>
        %parallel_loop3A_355 = arith.select %parallel_loop3A_346, %parallel_loop3A_354, %parallel_loop3A_343 : vector<16xi1>, vector<16xf32>
        %parallel_loop3A_356 = arith.constant 13 : i32
        %parallel_loop3A_357 = vector.broadcast %parallel_loop3A_356 : i32 to vector<16xi32>
        %parallel_loop3A_358 = arith.cmpi eq, %iota3A, %parallel_loop3A_357 : vector<16xi32>
        %parallel_loop3A_359 = arith.constant 16 : i32
        %parallel_loop3A_360 = arith.muli %parallel_loop3A_205, %parallel_loop3A_359 : i32
        %parallel_loop3A_361 = arith.constant 13 : i32
        %parallel_loop3A_362 = arith.addi %parallel_loop3A_360, %parallel_loop3A_361 : i32
        %parallel_loop3A_363 = arith.index_cast %parallel_loop3A_362 : i32 to index
        %parallel_loop3A_364 = arith.constant 0 : index
        %parallel_loop3A_365 = tpu.vector_load %arg16[%parallel_loop3A_363, %parallel_loop3A_364] {strides = array<i32>} : memref<80x16xf32, #tpu.memory_space<vmem>>, vector<1x16xf32>,
        %parallel_loop3A_366 = vector.shape_cast %parallel_loop3A_365 : vector<1x16xf32> to vector<16xf32>
        %parallel_loop3A_367 = arith.select %parallel_loop3A_358, %parallel_loop3A_366, %parallel_loop3A_355 : vector<16xi1>, vector<16xf32>
        %parallel_loop3A_368 = arith.constant 14 : i32
        %parallel_loop3A_369 = vector.broadcast %parallel_loop3A_368 : i32 to vector<16xi32>
        %parallel_loop3A_370 = arith.cmpi eq, %iota3A, %parallel_loop3A_369 : vector<16xi32>
        %parallel_loop3A_371 = arith.constant 16 : i32
        %parallel_loop3A_372 = arith.muli %parallel_loop3A_205, %parallel_loop3A_371 : i32
        %parallel_loop3A_373 = arith.constant 14 : i32
        %parallel_loop3A_374 = arith.addi %parallel_loop3A_372, %parallel_loop3A_373 : i32
        %parallel_loop3A_375 = arith.index_cast %parallel_loop3A_374 : i32 to index
        %parallel_loop3A_376 = arith.constant 0 : index
        %parallel_loop3A_377 = tpu.vector_load %arg16[%parallel_loop3A_375, %parallel_loop3A_376] {strides = array<i32>} : memref<80x16xf32, #tpu.memory_space<vmem>>, vector<1x16xf32>,
        %parallel_loop3A_378 = vector.shape_cast %parallel_loop3A_377 : vector<1x16xf32> to vector<16xf32>
        %parallel_loop3A_379 = arith.select %parallel_loop3A_370, %parallel_loop3A_378, %parallel_loop3A_367 : vector<16xi1>, vector<16xf32>
        %parallel_loop3A_380 = arith.constant 15 : i32
        %parallel_loop3A_381 = vector.broadcast %parallel_loop3A_380 : i32 to vector<16xi32>
        %parallel_loop3A_382 = arith.cmpi eq, %iota3A, %parallel_loop3A_381 : vector<16xi32>
        %parallel_loop3A_383 = arith.constant 16 : i32
        %parallel_loop3A_384 = arith.muli %parallel_loop3A_205, %parallel_loop3A_383 : i32
        %parallel_loop3A_385 = arith.constant 15 : i32
        %parallel_loop3A_386 = arith.addi %parallel_loop3A_384, %parallel_loop3A_385 : i32
        %parallel_loop3A_387 = arith.index_cast %parallel_loop3A_386 : i32 to index
        %parallel_loop3A_388 = arith.constant 0 : index
        %parallel_loop3A_389 = tpu.vector_load %arg16[%parallel_loop3A_387, %parallel_loop3A_388] {strides = array<i32>} : memref<80x16xf32, #tpu.memory_space<vmem>>, vector<1x16xf32>,
        %parallel_loop3A_390 = vector.shape_cast %parallel_loop3A_389 : vector<1x16xf32> to vector<16xf32>
        %parallel_loop3A_391 = arith.select %parallel_loop3A_382, %parallel_loop3A_390, %parallel_loop3A_379 : vector<16xi1>, vector<16xf32>
        %parallel_loop3A_392 = arith.constant 16 : i32
        %parallel_loop3A_393 = arith.muli %parallel_loop3A_205, %parallel_loop3A_392 : i32
        %parallel_loop3A_394 = arith.addi %mul3A_129, %parallel_loop3A_393 : i32
        %parallel_loop3A_395 = arith.index_cast %parallel_loop3A_394 : i32 to index
        %parallel_loop3A_396 = tpu.vector_load %arg15[%parallel_loop3A_395] {strides = array<i32>} : memref<10000xf32, #tpu.memory_space<vmem>>, vector<16xf32>,
        %parallel_loop3A_397 = vector.shape_cast %parallel_loop3A_396 : vector<16xf32> to vector<16xf32>
        %parallel_loop3A_398 = vector.shape_cast %parallel_loop3A_391 : vector<16xf32> to vector<16xf32>
        tpu.vector_store %arg15[%parallel_loop3A_395], %parallel_loop3A_398 {strides = array<i32>} : memref<10000xf32, #tpu.memory_space<vmem>>, vector<16xf32>,
      } {sc.loop_unroll_factor = 1 : i64, sc.parallel_access}
      %add3A_136 = arith.constant 4 : i32
      %add3A_137 = arith.addi %add3A_115, %add3A_136 : i32
      %lt3A_138 = arith.constant 125 : i32
      %lt3A_139 = arith.cmpi slt, %add3A_137, %lt3A_138 : i32
      %convert_element_type3A_140 = arith.extui %lt3A_139 : i1 to i32
      %cond3A_141 = arith.constant 0 : i32
      %cond3A_142 = arith.cmpi ne, %convert_element_type3A_140, %cond3A_141 : i32
      scf.if %cond3A_142 {
        %add3A_205 = arith.constant 4 : i32
        %add3A_206 = arith.addi %add3A_115, %add3A_205 : i32
        %mul3A_207 = arith.constant 80 : i32
        %mul3A_208 = arith.muli %add3A_206, %mul3A_207 : i32
        %dma_start3A_209 = tpu.memref_slice %arg5[%mul3A_208] : memref<10000xi32, #tpu.memory_space<vmem>> -> memref<80xi32, #tpu.memory_space<vmem>>
        %dma_start3A_210 = arith.constant 0 : i32
        %dma_start3A_211 = arith.constant 0 : i32
        %dma_start3A_212 = tpu.memref_slice %arg2[%dma_start3A_210, %dma_start3A_211] : memref<10000x64xi32, #tpu.memory_space<hbm>> -> memref<10000x64xi32, #tpu.memory_space<hbm>>
        tpu.enqueue_indirect_dma source(%dma_start3A_212 : memref<10000x64xi32, #tpu.memory_space<hbm>>) target(%arg8 : memref<80x64xi32, #tpu.memory_space<vmem>>) offsets(%dma_start3A_209 : memref<80xi32, #tpu.memory_space<vmem>>) semaphore(%arg18 : memref<!tpu.dma_semaphore, #tpu.memory_space<semaphore_mem>>)
        %mul3A_213 = arith.constant 80 : i32
        %mul3A_214 = arith.muli %add3A_206, %mul3A_213 : i32
        %dma_start3A_215 = tpu.memref_slice %arg6[%mul3A_214] : memref<10000xi32, #tpu.memory_space<vmem>> -> memref<80xi32, #tpu.memory_space<vmem>>
        %dma_start3A_216 = arith.constant 0 : i32
        %dma_start3A_217 = arith.constant 0 : i32
        %dma_start3A_218 = tpu.memref_slice %arg2[%dma_start3A_216, %dma_start3A_217] : memref<10000x64xi32, #tpu.memory_space<hbm>> -> memref<10000x64xi32, #tpu.memory_space<hbm>>
        tpu.enqueue_indirect_dma source(%dma_start3A_218 : memref<10000x64xi32, #tpu.memory_space<hbm>>) target(%arg12 : memref<80x64xi32, #tpu.memory_space<vmem>>) offsets(%dma_start3A_215 : memref<80xi32, #tpu.memory_space<vmem>>) semaphore(%arg22 : memref<!tpu.dma_semaphore, #tpu.memory_space<semaphore_mem>>)
      } else {
      }
      %mul3A_143 = arith.constant 4 : i32
      %mul3A_144 = arith.muli %mul3A_143, %scan3A_83 : i32
      %add3A_145 = arith.constant 2 : i32
      %add3A_146 = arith.addi %mul3A_144, %add3A_145 : i32
      %mul3A_147 = arith.constant 80 : i32
      %mul3A_148 = arith.muli %add3A_146, %mul3A_147 : i32
      %dma_wait3A_149 = tpu.memref_slice %arg5[%mul3A_148] : memref<10000xi32, #tpu.memory_space<vmem>> -> memref<80xi32, #tpu.memory_space<vmem>>
      %dma_wait3A_150 = arith.constant 0 : i32
      %dma_wait3A_151 = arith.constant 0 : i32
      %dma_wait3A_152 = tpu.memref_slice %arg2[%dma_wait3A_150, %dma_wait3A_151] : memref<10000x64xi32, #tpu.memory_space<hbm>> -> memref<10000x64xi32, #tpu.memory_space<hbm>>
      tpu.wait_indirect_dma semaphore(%arg19 : memref<!tpu.dma_semaphore, #tpu.memory_space<semaphore_mem>>) src(%dma_wait3A_152 : memref<10000x64xi32, #tpu.memory_space<hbm>>) dst(%arg9 : memref<80x64xi32, #tpu.memory_space<vmem>>)
      %mul3A_153 = arith.constant 80 : i32
      %mul3A_154 = arith.muli %add3A_146, %mul3A_153 : i32
      %dma_wait3A_155 = tpu.memref_slice %arg6[%mul3A_154] : memref<10000xi32, #tpu.memory_space<vmem>> -> memref<80xi32, #tpu.memory_space<vmem>>
      %dma_wait3A_156 = arith.constant 0 : i32
      %dma_wait3A_157 = arith.constant 0 : i32
      %dma_wait3A_158 = tpu.memref_slice %arg2[%dma_wait3A_156, %dma_wait3A_157] : memref<10000x64xi32, #tpu.memory_space<hbm>> -> memref<10000x64xi32, #tpu.memory_space<hbm>>
      tpu.wait_indirect_dma semaphore(%arg23 : memref<!tpu.dma_semaphore, #tpu.memory_space<semaphore_mem>>) src(%dma_wait3A_158 : memref<10000x64xi32, #tpu.memory_space<hbm>>) dst(%arg13 : memref<80x64xi32, #tpu.memory_space<vmem>>)
      %mul3A_159 = arith.constant 80 : i32
      %mul3A_160 = arith.muli %add3A_146, %mul3A_159 : i32
      %parallel_loop3A_161 = arith.constant 0 : i32
      %parallel_loop3A_162 = arith.constant 80 : i32
      %parallel_loop3A_163 = arith.constant 1 : i32
      scf.for %parallel_loop3A_205 = %parallel_loop3A_161 to %parallel_loop3A_162 step %parallel_loop3A_163  : i32 {
        %parallel_loop3A_206 = arith.constant 0.000000e+00 : f32
        %parallel_loop3A_207 = vector.broadcast %parallel_loop3A_206 : f32 to vector<16xf32>
        %parallel_loop3A_208 = arith.index_cast %parallel_loop3A_205 : i32 to index
        %parallel_loop3A_209 = arith.constant 0 : index
        %parallel_loop3A_210 = tpu.vector_load %arg9[%parallel_loop3A_208, %parallel_loop3A_209] {strides = array<i32>} : memref<80x64xi32, #tpu.memory_space<vmem>>, vector<1x16xi32>,
        %parallel_loop3A_211 = vector.shape_cast %parallel_loop3A_210 : vector<1x16xi32> to vector<16xi32>
        %parallel_loop3A_212 = arith.index_cast %parallel_loop3A_205 : i32 to index
        %parallel_loop3A_213 = arith.constant 0 : index
        %parallel_loop3A_214 = tpu.vector_load %arg13[%parallel_loop3A_212, %parallel_loop3A_213] {strides = array<i32>} : memref<80x64xi32, #tpu.memory_space<vmem>>, vector<1x16xi32>,
        %parallel_loop3A_215 = vector.shape_cast %parallel_loop3A_214 : vector<1x16xi32> to vector<16xi32>
        %parallel_loop3A_216 = arith.constant 16 : i32
        %parallel_loop3A_217 = vector.broadcast %parallel_loop3A_216 : i32 to vector<16xi32>
        %parallel_loop3A_218 = arith.shli %parallel_loop3A_211, %parallel_loop3A_217 : vector<16xi32>
        %parallel_loop3A_219 = tpu.bitcast %parallel_loop3A_218 : vector<16xi32> -> vector<16xf32>
        %parallel_loop3A_220 = arith.constant 16 : i32
        %parallel_loop3A_221 = vector.broadcast %parallel_loop3A_220 : i32 to vector<16xi32>
        %parallel_loop3A_222 = arith.shli %parallel_loop3A_215, %parallel_loop3A_221 : vector<16xi32>
        %parallel_loop3A_223 = tpu.bitcast %parallel_loop3A_222 : vector<16xi32> -> vector<16xf32>
        %parallel_loop3A_224 = vector.broadcast %scan3A_61 : i32 to vector<16xi32>
        %parallel_loop3A_225 = arith.andi %parallel_loop3A_211, %parallel_loop3A_224 : vector<16xi32>
        %parallel_loop3A_226 = tpu.bitcast %parallel_loop3A_225 : vector<16xi32> -> vector<16xf32>
        %parallel_loop3A_227 = vector.broadcast %scan3A_61 : i32 to vector<16xi32>
        %parallel_loop3A_228 = arith.andi %parallel_loop3A_215, %parallel_loop3A_227 : vector<16xi32>
        %parallel_loop3A_229 = tpu.bitcast %parallel_loop3A_228 : vector<16xi32> -> vector<16xf32>
        %parallel_loop3A_230 = arith.mulf %parallel_loop3A_219, %parallel_loop3A_223 : vector<16xf32>
        %parallel_loop3A_231 = arith.addf %parallel_loop3A_207, %parallel_loop3A_230 : vector<16xf32>
        %parallel_loop3A_232 = arith.mulf %parallel_loop3A_226, %parallel_loop3A_229 : vector<16xf32>
        %parallel_loop3A_233 = arith.addf %parallel_loop3A_231, %parallel_loop3A_232 : vector<16xf32>
        %parallel_loop3A_234 = arith.index_cast %parallel_loop3A_205 : i32 to index
        %parallel_loop3A_235 = arith.constant 16 : index
        %parallel_loop3A_236 = tpu.vector_load %arg9[%parallel_loop3A_234, %parallel_loop3A_235] {strides = array<i32>} : memref<80x64xi32, #tpu.memory_space<vmem>>, vector<1x16xi32>,
        %parallel_loop3A_237 = vector.shape_cast %parallel_loop3A_236 : vector<1x16xi32> to vector<16xi32>
        %parallel_loop3A_238 = arith.index_cast %parallel_loop3A_205 : i32 to index
        %parallel_loop3A_239 = arith.constant 16 : index
        %parallel_loop3A_240 = tpu.vector_load %arg13[%parallel_loop3A_238, %parallel_loop3A_239] {strides = array<i32>} : memref<80x64xi32, #tpu.memory_space<vmem>>, vector<1x16xi32>,
        %parallel_loop3A_241 = vector.shape_cast %parallel_loop3A_240 : vector<1x16xi32> to vector<16xi32>
        %parallel_loop3A_242 = arith.constant 16 : i32
        %parallel_loop3A_243 = vector.broadcast %parallel_loop3A_242 : i32 to vector<16xi32>
        %parallel_loop3A_244 = arith.shli %parallel_loop3A_237, %parallel_loop3A_243 : vector<16xi32>
        %parallel_loop3A_245 = tpu.bitcast %parallel_loop3A_244 : vector<16xi32> -> vector<16xf32>
        %parallel_loop3A_246 = arith.constant 16 : i32
        %parallel_loop3A_247 = vector.broadcast %parallel_loop3A_246 : i32 to vector<16xi32>
        %parallel_loop3A_248 = arith.shli %parallel_loop3A_241, %parallel_loop3A_247 : vector<16xi32>
        %parallel_loop3A_249 = tpu.bitcast %parallel_loop3A_248 : vector<16xi32> -> vector<16xf32>
        %parallel_loop3A_250 = vector.broadcast %scan3A_61 : i32 to vector<16xi32>
        %parallel_loop3A_251 = arith.andi %parallel_loop3A_237, %parallel_loop3A_250 : vector<16xi32>
        %parallel_loop3A_252 = tpu.bitcast %parallel_loop3A_251 : vector<16xi32> -> vector<16xf32>
        %parallel_loop3A_253 = vector.broadcast %scan3A_61 : i32 to vector<16xi32>
        %parallel_loop3A_254 = arith.andi %parallel_loop3A_241, %parallel_loop3A_253 : vector<16xi32>
        %parallel_loop3A_255 = tpu.bitcast %parallel_loop3A_254 : vector<16xi32> -> vector<16xf32>
        %parallel_loop3A_256 = arith.mulf %parallel_loop3A_245, %parallel_loop3A_249 : vector<16xf32>
        %parallel_loop3A_257 = arith.addf %parallel_loop3A_233, %parallel_loop3A_256 : vector<16xf32>
        %parallel_loop3A_258 = arith.mulf %parallel_loop3A_252, %parallel_loop3A_255 : vector<16xf32>
        %parallel_loop3A_259 = arith.addf %parallel_loop3A_257, %parallel_loop3A_258 : vector<16xf32>
        %parallel_loop3A_260 = arith.index_cast %parallel_loop3A_205 : i32 to index
        %parallel_loop3A_261 = arith.constant 32 : index
        %parallel_loop3A_262 = tpu.vector_load %arg9[%parallel_loop3A_260, %parallel_loop3A_261] {strides = array<i32>} : memref<80x64xi32, #tpu.memory_space<vmem>>, vector<1x16xi32>,
        %parallel_loop3A_263 = vector.shape_cast %parallel_loop3A_262 : vector<1x16xi32> to vector<16xi32>
        %parallel_loop3A_264 = arith.index_cast %parallel_loop3A_205 : i32 to index
        %parallel_loop3A_265 = arith.constant 32 : index
        %parallel_loop3A_266 = tpu.vector_load %arg13[%parallel_loop3A_264, %parallel_loop3A_265] {strides = array<i32>} : memref<80x64xi32, #tpu.memory_space<vmem>>, vector<1x16xi32>,
        %parallel_loop3A_267 = vector.shape_cast %parallel_loop3A_266 : vector<1x16xi32> to vector<16xi32>
        %parallel_loop3A_268 = arith.constant 16 : i32
        %parallel_loop3A_269 = vector.broadcast %parallel_loop3A_268 : i32 to vector<16xi32>
        %parallel_loop3A_270 = arith.shli %parallel_loop3A_263, %parallel_loop3A_269 : vector<16xi32>
        %parallel_loop3A_271 = tpu.bitcast %parallel_loop3A_270 : vector<16xi32> -> vector<16xf32>
        %parallel_loop3A_272 = arith.constant 16 : i32
        %parallel_loop3A_273 = vector.broadcast %parallel_loop3A_272 : i32 to vector<16xi32>
        %parallel_loop3A_274 = arith.shli %parallel_loop3A_267, %parallel_loop3A_273 : vector<16xi32>
        %parallel_loop3A_275 = tpu.bitcast %parallel_loop3A_274 : vector<16xi32> -> vector<16xf32>
        %parallel_loop3A_276 = vector.broadcast %scan3A_61 : i32 to vector<16xi32>
        %parallel_loop3A_277 = arith.andi %parallel_loop3A_263, %parallel_loop3A_276 : vector<16xi32>
        %parallel_loop3A_278 = tpu.bitcast %parallel_loop3A_277 : vector<16xi32> -> vector<16xf32>
        %parallel_loop3A_279 = vector.broadcast %scan3A_61 : i32 to vector<16xi32>
        %parallel_loop3A_280 = arith.andi %parallel_loop3A_267, %parallel_loop3A_279 : vector<16xi32>
        %parallel_loop3A_281 = tpu.bitcast %parallel_loop3A_280 : vector<16xi32> -> vector<16xf32>
        %parallel_loop3A_282 = arith.mulf %parallel_loop3A_271, %parallel_loop3A_275 : vector<16xf32>
        %parallel_loop3A_283 = arith.addf %parallel_loop3A_259, %parallel_loop3A_282 : vector<16xf32>
        %parallel_loop3A_284 = arith.mulf %parallel_loop3A_278, %parallel_loop3A_281 : vector<16xf32>
        %parallel_loop3A_285 = arith.addf %parallel_loop3A_283, %parallel_loop3A_284 : vector<16xf32>
        %parallel_loop3A_286 = arith.index_cast %parallel_loop3A_205 : i32 to index
        %parallel_loop3A_287 = arith.constant 48 : index
        %parallel_loop3A_288 = tpu.vector_load %arg9[%parallel_loop3A_286, %parallel_loop3A_287] {strides = array<i32>} : memref<80x64xi32, #tpu.memory_space<vmem>>, vector<1x16xi32>,
        %parallel_loop3A_289 = vector.shape_cast %parallel_loop3A_288 : vector<1x16xi32> to vector<16xi32>
        %parallel_loop3A_290 = arith.index_cast %parallel_loop3A_205 : i32 to index
        %parallel_loop3A_291 = arith.constant 48 : index
        %parallel_loop3A_292 = tpu.vector_load %arg13[%parallel_loop3A_290, %parallel_loop3A_291] {strides = array<i32>} : memref<80x64xi32, #tpu.memory_space<vmem>>, vector<1x16xi32>,
        %parallel_loop3A_293 = vector.shape_cast %parallel_loop3A_292 : vector<1x16xi32> to vector<16xi32>
        %parallel_loop3A_294 = arith.constant 16 : i32
        %parallel_loop3A_295 = vector.broadcast %parallel_loop3A_294 : i32 to vector<16xi32>
        %parallel_loop3A_296 = arith.shli %parallel_loop3A_289, %parallel_loop3A_295 : vector<16xi32>
        %parallel_loop3A_297 = tpu.bitcast %parallel_loop3A_296 : vector<16xi32> -> vector<16xf32>
        %parallel_loop3A_298 = arith.constant 16 : i32
        %parallel_loop3A_299 = vector.broadcast %parallel_loop3A_298 : i32 to vector<16xi32>
        %parallel_loop3A_300 = arith.shli %parallel_loop3A_293, %parallel_loop3A_299 : vector<16xi32>
        %parallel_loop3A_301 = tpu.bitcast %parallel_loop3A_300 : vector<16xi32> -> vector<16xf32>
        %parallel_loop3A_302 = vector.broadcast %scan3A_61 : i32 to vector<16xi32>
        %parallel_loop3A_303 = arith.andi %parallel_loop3A_289, %parallel_loop3A_302 : vector<16xi32>
        %parallel_loop3A_304 = tpu.bitcast %parallel_loop3A_303 : vector<16xi32> -> vector<16xf32>
        %parallel_loop3A_305 = vector.broadcast %scan3A_61 : i32 to vector<16xi32>
        %parallel_loop3A_306 = arith.andi %parallel_loop3A_293, %parallel_loop3A_305 : vector<16xi32>
        %parallel_loop3A_307 = tpu.bitcast %parallel_loop3A_306 : vector<16xi32> -> vector<16xf32>
        %parallel_loop3A_308 = arith.mulf %parallel_loop3A_297, %parallel_loop3A_301 : vector<16xf32>
        %parallel_loop3A_309 = arith.addf %parallel_loop3A_285, %parallel_loop3A_308 : vector<16xf32>
        %parallel_loop3A_310 = arith.mulf %parallel_loop3A_304, %parallel_loop3A_307 : vector<16xf32>
        %parallel_loop3A_311 = arith.addf %parallel_loop3A_309, %parallel_loop3A_310 : vector<16xf32>
        %parallel_loop3A_312 = arith.constant 8 : i32
        %parallel_loop3A_313 = vector.broadcast %parallel_loop3A_312 : i32 to vector<16xi32>
        %parallel_loop3A_314 = arith.xori %iota3A, %parallel_loop3A_313 : vector<16xi32>
        %parallel_loop3A_315 = vector.shape_cast %parallel_loop3A_314 : vector<16xi32> to vector<16x1xi32>
        %parallel_loop3A_316 = vector.shape_cast %parallel_loop3A_315 : vector<16x1xi32> to vector<16xi32>
        %parallel_loop3A_317 = tpu.dynamic_gather %parallel_loop3A_311[%parallel_loop3A_316] in [0] : vector<16xf32>, vector<16xi32> -> vector<16xf32>
        %parallel_loop3A_318 = arith.addf %parallel_loop3A_311, %parallel_loop3A_317 : vector<16xf32>
        %parallel_loop3A_319 = arith.constant 4 : i32
        %parallel_loop3A_320 = vector.broadcast %parallel_loop3A_319 : i32 to vector<16xi32>
        %parallel_loop3A_321 = arith.xori %iota3A, %parallel_loop3A_320 : vector<16xi32>
        %parallel_loop3A_322 = vector.shape_cast %parallel_loop3A_321 : vector<16xi32> to vector<16x1xi32>
        %parallel_loop3A_323 = vector.shape_cast %parallel_loop3A_322 : vector<16x1xi32> to vector<16xi32>
        %parallel_loop3A_324 = tpu.dynamic_gather %parallel_loop3A_318[%parallel_loop3A_323] in [0] : vector<16xf32>, vector<16xi32> -> vector<16xf32>
        %parallel_loop3A_325 = arith.addf %parallel_loop3A_318, %parallel_loop3A_324 : vector<16xf32>
        %parallel_loop3A_326 = arith.constant 2 : i32
        %parallel_loop3A_327 = vector.broadcast %parallel_loop3A_326 : i32 to vector<16xi32>
        %parallel_loop3A_328 = arith.xori %iota3A, %parallel_loop3A_327 : vector<16xi32>
        %parallel_loop3A_329 = vector.shape_cast %parallel_loop3A_328 : vector<16xi32> to vector<16x1xi32>
        %parallel_loop3A_330 = vector.shape_cast %parallel_loop3A_329 : vector<16x1xi32> to vector<16xi32>
        %parallel_loop3A_331 = tpu.dynamic_gather %parallel_loop3A_325[%parallel_loop3A_330] in [0] : vector<16xf32>, vector<16xi32> -> vector<16xf32>
        %parallel_loop3A_332 = arith.addf %parallel_loop3A_325, %parallel_loop3A_331 : vector<16xf32>
        %parallel_loop3A_333 = arith.constant 1 : i32
        %parallel_loop3A_334 = vector.broadcast %parallel_loop3A_333 : i32 to vector<16xi32>
        %parallel_loop3A_335 = arith.xori %iota3A, %parallel_loop3A_334 : vector<16xi32>
        %parallel_loop3A_336 = vector.shape_cast %parallel_loop3A_335 : vector<16xi32> to vector<16x1xi32>
        %parallel_loop3A_337 = vector.shape_cast %parallel_loop3A_336 : vector<16x1xi32> to vector<16xi32>
        %parallel_loop3A_338 = tpu.dynamic_gather %parallel_loop3A_332[%parallel_loop3A_337] in [0] : vector<16xf32>, vector<16xi32> -> vector<16xf32>
        %parallel_loop3A_339 = arith.addf %parallel_loop3A_332, %parallel_loop3A_338 : vector<16xf32>
        %parallel_loop3A_340 = arith.index_cast %parallel_loop3A_205 : i32 to index
        %parallel_loop3A_341 = arith.constant 0 : index
        %parallel_loop3A_342 = tpu.vector_load %arg16[%parallel_loop3A_340, %parallel_loop3A_341] {strides = array<i32>} : memref<80x16xf32, #tpu.memory_space<vmem>>, vector<1x16xf32>,
        %parallel_loop3A_343 = vector.shape_cast %parallel_loop3A_342 : vector<1x16xf32> to vector<16xf32>
        %parallel_loop3A_344 = vector.shape_cast %parallel_loop3A_339 : vector<16xf32> to vector<1x16xf32>
        tpu.vector_store %arg16[%parallel_loop3A_340, %parallel_loop3A_341], %parallel_loop3A_344 {strides = array<i32>} : memref<80x16xf32, #tpu.memory_space<vmem>>, vector<1x16xf32>,
      } {sc.loop_unroll_factor = 2 : i64, sc.parallel_access}
      %parallel_loop3A_164 = arith.constant 0 : i32
      %parallel_loop3A_165 = arith.constant 5 : i32
      %parallel_loop3A_166 = arith.constant 1 : i32
      scf.for %parallel_loop3A_205 = %parallel_loop3A_164 to %parallel_loop3A_165 step %parallel_loop3A_166  : i32 {
        %parallel_loop3A_206 = arith.constant 16 : i32
        %parallel_loop3A_207 = arith.muli %parallel_loop3A_205, %parallel_loop3A_206 : i32
        %parallel_loop3A_208 = arith.index_cast %parallel_loop3A_207 : i32 to index
        %parallel_loop3A_209 = arith.constant 0 : index
        %parallel_loop3A_210 = tpu.vector_load %arg16[%parallel_loop3A_208, %parallel_loop3A_209] {strides = array<i32>} : memref<80x16xf32, #tpu.memory_space<vmem>>, vector<1x16xf32>,
        %parallel_loop3A_211 = vector.shape_cast %parallel_loop3A_210 : vector<1x16xf32> to vector<16xf32>
        %parallel_loop3A_212 = arith.constant 1 : i32
        %parallel_loop3A_213 = vector.broadcast %parallel_loop3A_212 : i32 to vector<16xi32>
        %parallel_loop3A_214 = arith.cmpi eq, %iota3A, %parallel_loop3A_213 : vector<16xi32>
        %parallel_loop3A_215 = arith.constant 16 : i32
        %parallel_loop3A_216 = arith.muli %parallel_loop3A_205, %parallel_loop3A_215 : i32
        %parallel_loop3A_217 = arith.constant 1 : i32
        %parallel_loop3A_218 = arith.addi %parallel_loop3A_216, %parallel_loop3A_217 : i32
        %parallel_loop3A_219 = arith.index_cast %parallel_loop3A_218 : i32 to index
        %parallel_loop3A_220 = arith.constant 0 : index
        %parallel_loop3A_221 = tpu.vector_load %arg16[%parallel_loop3A_219, %parallel_loop3A_220] {strides = array<i32>} : memref<80x16xf32, #tpu.memory_space<vmem>>, vector<1x16xf32>,
        %parallel_loop3A_222 = vector.shape_cast %parallel_loop3A_221 : vector<1x16xf32> to vector<16xf32>
        %parallel_loop3A_223 = arith.select %parallel_loop3A_214, %parallel_loop3A_222, %parallel_loop3A_211 : vector<16xi1>, vector<16xf32>
        %parallel_loop3A_224 = arith.constant 2 : i32
        %parallel_loop3A_225 = vector.broadcast %parallel_loop3A_224 : i32 to vector<16xi32>
        %parallel_loop3A_226 = arith.cmpi eq, %iota3A, %parallel_loop3A_225 : vector<16xi32>
        %parallel_loop3A_227 = arith.constant 16 : i32
        %parallel_loop3A_228 = arith.muli %parallel_loop3A_205, %parallel_loop3A_227 : i32
        %parallel_loop3A_229 = arith.constant 2 : i32
        %parallel_loop3A_230 = arith.addi %parallel_loop3A_228, %parallel_loop3A_229 : i32
        %parallel_loop3A_231 = arith.index_cast %parallel_loop3A_230 : i32 to index
        %parallel_loop3A_232 = arith.constant 0 : index
        %parallel_loop3A_233 = tpu.vector_load %arg16[%parallel_loop3A_231, %parallel_loop3A_232] {strides = array<i32>} : memref<80x16xf32, #tpu.memory_space<vmem>>, vector<1x16xf32>,
        %parallel_loop3A_234 = vector.shape_cast %parallel_loop3A_233 : vector<1x16xf32> to vector<16xf32>
        %parallel_loop3A_235 = arith.select %parallel_loop3A_226, %parallel_loop3A_234, %parallel_loop3A_223 : vector<16xi1>, vector<16xf32>
        %parallel_loop3A_236 = arith.constant 3 : i32
        %parallel_loop3A_237 = vector.broadcast %parallel_loop3A_236 : i32 to vector<16xi32>
        %parallel_loop3A_238 = arith.cmpi eq, %iota3A, %parallel_loop3A_237 : vector<16xi32>
        %parallel_loop3A_239 = arith.constant 16 : i32
        %parallel_loop3A_240 = arith.muli %parallel_loop3A_205, %parallel_loop3A_239 : i32
        %parallel_loop3A_241 = arith.constant 3 : i32
        %parallel_loop3A_242 = arith.addi %parallel_loop3A_240, %parallel_loop3A_241 : i32
        %parallel_loop3A_243 = arith.index_cast %parallel_loop3A_242 : i32 to index
        %parallel_loop3A_244 = arith.constant 0 : index
        %parallel_loop3A_245 = tpu.vector_load %arg16[%parallel_loop3A_243, %parallel_loop3A_244] {strides = array<i32>} : memref<80x16xf32, #tpu.memory_space<vmem>>, vector<1x16xf32>,
        %parallel_loop3A_246 = vector.shape_cast %parallel_loop3A_245 : vector<1x16xf32> to vector<16xf32>
        %parallel_loop3A_247 = arith.select %parallel_loop3A_238, %parallel_loop3A_246, %parallel_loop3A_235 : vector<16xi1>, vector<16xf32>
        %parallel_loop3A_248 = arith.constant 4 : i32
        %parallel_loop3A_249 = vector.broadcast %parallel_loop3A_248 : i32 to vector<16xi32>
        %parallel_loop3A_250 = arith.cmpi eq, %iota3A, %parallel_loop3A_249 : vector<16xi32>
        %parallel_loop3A_251 = arith.constant 16 : i32
        %parallel_loop3A_252 = arith.muli %parallel_loop3A_205, %parallel_loop3A_251 : i32
        %parallel_loop3A_253 = arith.constant 4 : i32
        %parallel_loop3A_254 = arith.addi %parallel_loop3A_252, %parallel_loop3A_253 : i32
        %parallel_loop3A_255 = arith.index_cast %parallel_loop3A_254 : i32 to index
        %parallel_loop3A_256 = arith.constant 0 : index
        %parallel_loop3A_257 = tpu.vector_load %arg16[%parallel_loop3A_255, %parallel_loop3A_256] {strides = array<i32>} : memref<80x16xf32, #tpu.memory_space<vmem>>, vector<1x16xf32>,
        %parallel_loop3A_258 = vector.shape_cast %parallel_loop3A_257 : vector<1x16xf32> to vector<16xf32>
        %parallel_loop3A_259 = arith.select %parallel_loop3A_250, %parallel_loop3A_258, %parallel_loop3A_247 : vector<16xi1>, vector<16xf32>
        %parallel_loop3A_260 = arith.constant 5 : i32
        %parallel_loop3A_261 = vector.broadcast %parallel_loop3A_260 : i32 to vector<16xi32>
        %parallel_loop3A_262 = arith.cmpi eq, %iota3A, %parallel_loop3A_261 : vector<16xi32>
        %parallel_loop3A_263 = arith.constant 16 : i32
        %parallel_loop3A_264 = arith.muli %parallel_loop3A_205, %parallel_loop3A_263 : i32
        %parallel_loop3A_265 = arith.constant 5 : i32
        %parallel_loop3A_266 = arith.addi %parallel_loop3A_264, %parallel_loop3A_265 : i32
        %parallel_loop3A_267 = arith.index_cast %parallel_loop3A_266 : i32 to index
        %parallel_loop3A_268 = arith.constant 0 : index
        %parallel_loop3A_269 = tpu.vector_load %arg16[%parallel_loop3A_267, %parallel_loop3A_268] {strides = array<i32>} : memref<80x16xf32, #tpu.memory_space<vmem>>, vector<1x16xf32>,
        %parallel_loop3A_270 = vector.shape_cast %parallel_loop3A_269 : vector<1x16xf32> to vector<16xf32>
        %parallel_loop3A_271 = arith.select %parallel_loop3A_262, %parallel_loop3A_270, %parallel_loop3A_259 : vector<16xi1>, vector<16xf32>
        %parallel_loop3A_272 = arith.constant 6 : i32
        %parallel_loop3A_273 = vector.broadcast %parallel_loop3A_272 : i32 to vector<16xi32>
        %parallel_loop3A_274 = arith.cmpi eq, %iota3A, %parallel_loop3A_273 : vector<16xi32>
        %parallel_loop3A_275 = arith.constant 16 : i32
        %parallel_loop3A_276 = arith.muli %parallel_loop3A_205, %parallel_loop3A_275 : i32
        %parallel_loop3A_277 = arith.constant 6 : i32
        %parallel_loop3A_278 = arith.addi %parallel_loop3A_276, %parallel_loop3A_277 : i32
        %parallel_loop3A_279 = arith.index_cast %parallel_loop3A_278 : i32 to index
        %parallel_loop3A_280 = arith.constant 0 : index
        %parallel_loop3A_281 = tpu.vector_load %arg16[%parallel_loop3A_279, %parallel_loop3A_280] {strides = array<i32>} : memref<80x16xf32, #tpu.memory_space<vmem>>, vector<1x16xf32>,
        %parallel_loop3A_282 = vector.shape_cast %parallel_loop3A_281 : vector<1x16xf32> to vector<16xf32>
        %parallel_loop3A_283 = arith.select %parallel_loop3A_274, %parallel_loop3A_282, %parallel_loop3A_271 : vector<16xi1>, vector<16xf32>
        %parallel_loop3A_284 = arith.constant 7 : i32
        %parallel_loop3A_285 = vector.broadcast %parallel_loop3A_284 : i32 to vector<16xi32>
        %parallel_loop3A_286 = arith.cmpi eq, %iota3A, %parallel_loop3A_285 : vector<16xi32>
        %parallel_loop3A_287 = arith.constant 16 : i32
        %parallel_loop3A_288 = arith.muli %parallel_loop3A_205, %parallel_loop3A_287 : i32
        %parallel_loop3A_289 = arith.constant 7 : i32
        %parallel_loop3A_290 = arith.addi %parallel_loop3A_288, %parallel_loop3A_289 : i32
        %parallel_loop3A_291 = arith.index_cast %parallel_loop3A_290 : i32 to index
        %parallel_loop3A_292 = arith.constant 0 : index
        %parallel_loop3A_293 = tpu.vector_load %arg16[%parallel_loop3A_291, %parallel_loop3A_292] {strides = array<i32>} : memref<80x16xf32, #tpu.memory_space<vmem>>, vector<1x16xf32>,
        %parallel_loop3A_294 = vector.shape_cast %parallel_loop3A_293 : vector<1x16xf32> to vector<16xf32>
        %parallel_loop3A_295 = arith.select %parallel_loop3A_286, %parallel_loop3A_294, %parallel_loop3A_283 : vector<16xi1>, vector<16xf32>
        %parallel_loop3A_296 = arith.constant 8 : i32
        %parallel_loop3A_297 = vector.broadcast %parallel_loop3A_296 : i32 to vector<16xi32>
        %parallel_loop3A_298 = arith.cmpi eq, %iota3A, %parallel_loop3A_297 : vector<16xi32>
        %parallel_loop3A_299 = arith.constant 16 : i32
        %parallel_loop3A_300 = arith.muli %parallel_loop3A_205, %parallel_loop3A_299 : i32
        %parallel_loop3A_301 = arith.constant 8 : i32
        %parallel_loop3A_302 = arith.addi %parallel_loop3A_300, %parallel_loop3A_301 : i32
        %parallel_loop3A_303 = arith.index_cast %parallel_loop3A_302 : i32 to index
        %parallel_loop3A_304 = arith.constant 0 : index
        %parallel_loop3A_305 = tpu.vector_load %arg16[%parallel_loop3A_303, %parallel_loop3A_304] {strides = array<i32>} : memref<80x16xf32, #tpu.memory_space<vmem>>, vector<1x16xf32>,
        %parallel_loop3A_306 = vector.shape_cast %parallel_loop3A_305 : vector<1x16xf32> to vector<16xf32>
        %parallel_loop3A_307 = arith.select %parallel_loop3A_298, %parallel_loop3A_306, %parallel_loop3A_295 : vector<16xi1>, vector<16xf32>
        %parallel_loop3A_308 = arith.constant 9 : i32
        %parallel_loop3A_309 = vector.broadcast %parallel_loop3A_308 : i32 to vector<16xi32>
        %parallel_loop3A_310 = arith.cmpi eq, %iota3A, %parallel_loop3A_309 : vector<16xi32>
        %parallel_loop3A_311 = arith.constant 16 : i32
        %parallel_loop3A_312 = arith.muli %parallel_loop3A_205, %parallel_loop3A_311 : i32
        %parallel_loop3A_313 = arith.constant 9 : i32
        %parallel_loop3A_314 = arith.addi %parallel_loop3A_312, %parallel_loop3A_313 : i32
        %parallel_loop3A_315 = arith.index_cast %parallel_loop3A_314 : i32 to index
        %parallel_loop3A_316 = arith.constant 0 : index
        %parallel_loop3A_317 = tpu.vector_load %arg16[%parallel_loop3A_315, %parallel_loop3A_316] {strides = array<i32>} : memref<80x16xf32, #tpu.memory_space<vmem>>, vector<1x16xf32>,
        %parallel_loop3A_318 = vector.shape_cast %parallel_loop3A_317 : vector<1x16xf32> to vector<16xf32>
        %parallel_loop3A_319 = arith.select %parallel_loop3A_310, %parallel_loop3A_318, %parallel_loop3A_307 : vector<16xi1>, vector<16xf32>
        %parallel_loop3A_320 = arith.constant 10 : i32
        %parallel_loop3A_321 = vector.broadcast %parallel_loop3A_320 : i32 to vector<16xi32>
        %parallel_loop3A_322 = arith.cmpi eq, %iota3A, %parallel_loop3A_321 : vector<16xi32>
        %parallel_loop3A_323 = arith.constant 16 : i32
        %parallel_loop3A_324 = arith.muli %parallel_loop3A_205, %parallel_loop3A_323 : i32
        %parallel_loop3A_325 = arith.constant 10 : i32
        %parallel_loop3A_326 = arith.addi %parallel_loop3A_324, %parallel_loop3A_325 : i32
        %parallel_loop3A_327 = arith.index_cast %parallel_loop3A_326 : i32 to index
        %parallel_loop3A_328 = arith.constant 0 : index
        %parallel_loop3A_329 = tpu.vector_load %arg16[%parallel_loop3A_327, %parallel_loop3A_328] {strides = array<i32>} : memref<80x16xf32, #tpu.memory_space<vmem>>, vector<1x16xf32>,
        %parallel_loop3A_330 = vector.shape_cast %parallel_loop3A_329 : vector<1x16xf32> to vector<16xf32>
        %parallel_loop3A_331 = arith.select %parallel_loop3A_322, %parallel_loop3A_330, %parallel_loop3A_319 : vector<16xi1>, vector<16xf32>
        %parallel_loop3A_332 = arith.constant 11 : i32
        %parallel_loop3A_333 = vector.broadcast %parallel_loop3A_332 : i32 to vector<16xi32>
        %parallel_loop3A_334 = arith.cmpi eq, %iota3A, %parallel_loop3A_333 : vector<16xi32>
        %parallel_loop3A_335 = arith.constant 16 : i32
        %parallel_loop3A_336 = arith.muli %parallel_loop3A_205, %parallel_loop3A_335 : i32
        %parallel_loop3A_337 = arith.constant 11 : i32
        %parallel_loop3A_338 = arith.addi %parallel_loop3A_336, %parallel_loop3A_337 : i32
        %parallel_loop3A_339 = arith.index_cast %parallel_loop3A_338 : i32 to index
        %parallel_loop3A_340 = arith.constant 0 : index
        %parallel_loop3A_341 = tpu.vector_load %arg16[%parallel_loop3A_339, %parallel_loop3A_340] {strides = array<i32>} : memref<80x16xf32, #tpu.memory_space<vmem>>, vector<1x16xf32>,
        %parallel_loop3A_342 = vector.shape_cast %parallel_loop3A_341 : vector<1x16xf32> to vector<16xf32>
        %parallel_loop3A_343 = arith.select %parallel_loop3A_334, %parallel_loop3A_342, %parallel_loop3A_331 : vector<16xi1>, vector<16xf32>
        %parallel_loop3A_344 = arith.constant 12 : i32
        %parallel_loop3A_345 = vector.broadcast %parallel_loop3A_344 : i32 to vector<16xi32>
        %parallel_loop3A_346 = arith.cmpi eq, %iota3A, %parallel_loop3A_345 : vector<16xi32>
        %parallel_loop3A_347 = arith.constant 16 : i32
        %parallel_loop3A_348 = arith.muli %parallel_loop3A_205, %parallel_loop3A_347 : i32
        %parallel_loop3A_349 = arith.constant 12 : i32
        %parallel_loop3A_350 = arith.addi %parallel_loop3A_348, %parallel_loop3A_349 : i32
        %parallel_loop3A_351 = arith.index_cast %parallel_loop3A_350 : i32 to index
        %parallel_loop3A_352 = arith.constant 0 : index
        %parallel_loop3A_353 = tpu.vector_load %arg16[%parallel_loop3A_351, %parallel_loop3A_352] {strides = array<i32>} : memref<80x16xf32, #tpu.memory_space<vmem>>, vector<1x16xf32>,
        %parallel_loop3A_354 = vector.shape_cast %parallel_loop3A_353 : vector<1x16xf32> to vector<16xf32>
        %parallel_loop3A_355 = arith.select %parallel_loop3A_346, %parallel_loop3A_354, %parallel_loop3A_343 : vector<16xi1>, vector<16xf32>
        %parallel_loop3A_356 = arith.constant 13 : i32
        %parallel_loop3A_357 = vector.broadcast %parallel_loop3A_356 : i32 to vector<16xi32>
        %parallel_loop3A_358 = arith.cmpi eq, %iota3A, %parallel_loop3A_357 : vector<16xi32>
        %parallel_loop3A_359 = arith.constant 16 : i32
        %parallel_loop3A_360 = arith.muli %parallel_loop3A_205, %parallel_loop3A_359 : i32
        %parallel_loop3A_361 = arith.constant 13 : i32
        %parallel_loop3A_362 = arith.addi %parallel_loop3A_360, %parallel_loop3A_361 : i32
        %parallel_loop3A_363 = arith.index_cast %parallel_loop3A_362 : i32 to index
        %parallel_loop3A_364 = arith.constant 0 : index
        %parallel_loop3A_365 = tpu.vector_load %arg16[%parallel_loop3A_363, %parallel_loop3A_364] {strides = array<i32>} : memref<80x16xf32, #tpu.memory_space<vmem>>, vector<1x16xf32>,
        %parallel_loop3A_366 = vector.shape_cast %parallel_loop3A_365 : vector<1x16xf32> to vector<16xf32>
        %parallel_loop3A_367 = arith.select %parallel_loop3A_358, %parallel_loop3A_366, %parallel_loop3A_355 : vector<16xi1>, vector<16xf32>
        %parallel_loop3A_368 = arith.constant 14 : i32
        %parallel_loop3A_369 = vector.broadcast %parallel_loop3A_368 : i32 to vector<16xi32>
        %parallel_loop3A_370 = arith.cmpi eq, %iota3A, %parallel_loop3A_369 : vector<16xi32>
        %parallel_loop3A_371 = arith.constant 16 : i32
        %parallel_loop3A_372 = arith.muli %parallel_loop3A_205, %parallel_loop3A_371 : i32
        %parallel_loop3A_373 = arith.constant 14 : i32
        %parallel_loop3A_374 = arith.addi %parallel_loop3A_372, %parallel_loop3A_373 : i32
        %parallel_loop3A_375 = arith.index_cast %parallel_loop3A_374 : i32 to index
        %parallel_loop3A_376 = arith.constant 0 : index
        %parallel_loop3A_377 = tpu.vector_load %arg16[%parallel_loop3A_375, %parallel_loop3A_376] {strides = array<i32>} : memref<80x16xf32, #tpu.memory_space<vmem>>, vector<1x16xf32>,
        %parallel_loop3A_378 = vector.shape_cast %parallel_loop3A_377 : vector<1x16xf32> to vector<16xf32>
        %parallel_loop3A_379 = arith.select %parallel_loop3A_370, %parallel_loop3A_378, %parallel_loop3A_367 : vector<16xi1>, vector<16xf32>
        %parallel_loop3A_380 = arith.constant 15 : i32
        %parallel_loop3A_381 = vector.broadcast %parallel_loop3A_380 : i32 to vector<16xi32>
        %parallel_loop3A_382 = arith.cmpi eq, %iota3A, %parallel_loop3A_381 : vector<16xi32>
        %parallel_loop3A_383 = arith.constant 16 : i32
        %parallel_loop3A_384 = arith.muli %parallel_loop3A_205, %parallel_loop3A_383 : i32
        %parallel_loop3A_385 = arith.constant 15 : i32
        %parallel_loop3A_386 = arith.addi %parallel_loop3A_384, %parallel_loop3A_385 : i32
        %parallel_loop3A_387 = arith.index_cast %parallel_loop3A_386 : i32 to index
        %parallel_loop3A_388 = arith.constant 0 : index
        %parallel_loop3A_389 = tpu.vector_load %arg16[%parallel_loop3A_387, %parallel_loop3A_388] {strides = array<i32>} : memref<80x16xf32, #tpu.memory_space<vmem>>, vector<1x16xf32>,
        %parallel_loop3A_390 = vector.shape_cast %parallel_loop3A_389 : vector<1x16xf32> to vector<16xf32>
        %parallel_loop3A_391 = arith.select %parallel_loop3A_382, %parallel_loop3A_390, %parallel_loop3A_379 : vector<16xi1>, vector<16xf32>
        %parallel_loop3A_392 = arith.constant 16 : i32
        %parallel_loop3A_393 = arith.muli %parallel_loop3A_205, %parallel_loop3A_392 : i32
        %parallel_loop3A_394 = arith.addi %mul3A_160, %parallel_loop3A_393 : i32
        %parallel_loop3A_395 = arith.index_cast %parallel_loop3A_394 : i32 to index
        %parallel_loop3A_396 = tpu.vector_load %arg15[%parallel_loop3A_395] {strides = array<i32>} : memref<10000xf32, #tpu.memory_space<vmem>>, vector<16xf32>,
        %parallel_loop3A_397 = vector.shape_cast %parallel_loop3A_396 : vector<16xf32> to vector<16xf32>
        %parallel_loop3A_398 = vector.shape_cast %parallel_loop3A_391 : vector<16xf32> to vector<16xf32>
        tpu.vector_store %arg15[%parallel_loop3A_395], %parallel_loop3A_398 {strides = array<i32>} : memref<10000xf32, #tpu.memory_space<vmem>>, vector<16xf32>,
      } {sc.loop_unroll_factor = 1 : i64, sc.parallel_access}
      %add3A_167 = arith.constant 4 : i32
      %add3A_168 = arith.addi %add3A_146, %add3A_167 : i32
      %lt3A_169 = arith.constant 125 : i32
      %lt3A_170 = arith.cmpi slt, %add3A_168, %lt3A_169 : i32
      %convert_element_type3A_171 = arith.extui %lt3A_170 : i1 to i32
      %cond3A_172 = arith.constant 0 : i32
      %cond3A_173 = arith.cmpi ne, %convert_element_type3A_171, %cond3A_172 : i32
      scf.if %cond3A_173 {
        %add3A_205 = arith.constant 4 : i32
        %add3A_206 = arith.addi %add3A_146, %add3A_205 : i32
        %mul3A_207 = arith.constant 80 : i32
        %mul3A_208 = arith.muli %add3A_206, %mul3A_207 : i32
        %dma_start3A_209 = tpu.memref_slice %arg5[%mul3A_208] : memref<10000xi32, #tpu.memory_space<vmem>> -> memref<80xi32, #tpu.memory_space<vmem>>
        %dma_start3A_210 = arith.constant 0 : i32
        %dma_start3A_211 = arith.constant 0 : i32
        %dma_start3A_212 = tpu.memref_slice %arg2[%dma_start3A_210, %dma_start3A_211] : memref<10000x64xi32, #tpu.memory_space<hbm>> -> memref<10000x64xi32, #tpu.memory_space<hbm>>
        tpu.enqueue_indirect_dma source(%dma_start3A_212 : memref<10000x64xi32, #tpu.memory_space<hbm>>) target(%arg9 : memref<80x64xi32, #tpu.memory_space<vmem>>) offsets(%dma_start3A_209 : memref<80xi32, #tpu.memory_space<vmem>>) semaphore(%arg19 : memref<!tpu.dma_semaphore, #tpu.memory_space<semaphore_mem>>)
        %mul3A_213 = arith.constant 80 : i32
        %mul3A_214 = arith.muli %add3A_206, %mul3A_213 : i32
        %dma_start3A_215 = tpu.memref_slice %arg6[%mul3A_214] : memref<10000xi32, #tpu.memory_space<vmem>> -> memref<80xi32, #tpu.memory_space<vmem>>
        %dma_start3A_216 = arith.constant 0 : i32
        %dma_start3A_217 = arith.constant 0 : i32
        %dma_start3A_218 = tpu.memref_slice %arg2[%dma_start3A_216, %dma_start3A_217] : memref<10000x64xi32, #tpu.memory_space<hbm>> -> memref<10000x64xi32, #tpu.memory_space<hbm>>
        tpu.enqueue_indirect_dma source(%dma_start3A_218 : memref<10000x64xi32, #tpu.memory_space<hbm>>) target(%arg13 : memref<80x64xi32, #tpu.memory_space<vmem>>) offsets(%dma_start3A_215 : memref<80xi32, #tpu.memory_space<vmem>>) semaphore(%arg23 : memref<!tpu.dma_semaphore, #tpu.memory_space<semaphore_mem>>)
      } else {
      }
      %mul3A_174 = arith.constant 4 : i32
      %mul3A_175 = arith.muli %mul3A_174, %scan3A_83 : i32
      %add3A_176 = arith.constant 3 : i32
      %add3A_177 = arith.addi %mul3A_175, %add3A_176 : i32
      %mul3A_178 = arith.constant 80 : i32
      %mul3A_179 = arith.muli %add3A_177, %mul3A_178 : i32
      %dma_wait3A_180 = tpu.memref_slice %arg5[%mul3A_179] : memref<10000xi32, #tpu.memory_space<vmem>> -> memref<80xi32, #tpu.memory_space<vmem>>
      %dma_wait3A_181 = arith.constant 0 : i32
      %dma_wait3A_182 = arith.constant 0 : i32
      %dma_wait3A_183 = tpu.memref_slice %arg2[%dma_wait3A_181, %dma_wait3A_182] : memref<10000x64xi32, #tpu.memory_space<hbm>> -> memref<10000x64xi32, #tpu.memory_space<hbm>>
      tpu.wait_indirect_dma semaphore(%arg20 : memref<!tpu.dma_semaphore, #tpu.memory_space<semaphore_mem>>) src(%dma_wait3A_183 : memref<10000x64xi32, #tpu.memory_space<hbm>>) dst(%arg10 : memref<80x64xi32, #tpu.memory_space<vmem>>)
      %mul3A_184 = arith.constant 80 : i32
      %mul3A_185 = arith.muli %add3A_177, %mul3A_184 : i32
      %dma_wait3A_186 = tpu.memref_slice %arg6[%mul3A_185] : memref<10000xi32, #tpu.memory_space<vmem>> -> memref<80xi32, #tpu.memory_space<vmem>>
      %dma_wait3A_187 = arith.constant 0 : i32
      %dma_wait3A_188 = arith.constant 0 : i32
      %dma_wait3A_189 = tpu.memref_slice %arg2[%dma_wait3A_187, %dma_wait3A_188] : memref<10000x64xi32, #tpu.memory_space<hbm>> -> memref<10000x64xi32, #tpu.memory_space<hbm>>
      tpu.wait_indirect_dma semaphore(%arg24 : memref<!tpu.dma_semaphore, #tpu.memory_space<semaphore_mem>>) src(%dma_wait3A_189 : memref<10000x64xi32, #tpu.memory_space<hbm>>) dst(%arg14 : memref<80x64xi32, #tpu.memory_space<vmem>>)
      %mul3A_190 = arith.constant 80 : i32
      %mul3A_191 = arith.muli %add3A_177, %mul3A_190 : i32
      %parallel_loop3A_192 = arith.constant 0 : i32
      %parallel_loop3A_193 = arith.constant 80 : i32
      %parallel_loop3A_194 = arith.constant 1 : i32
      scf.for %parallel_loop3A_205 = %parallel_loop3A_192 to %parallel_loop3A_193 step %parallel_loop3A_194  : i32 {
        %parallel_loop3A_206 = arith.constant 0.000000e+00 : f32
        %parallel_loop3A_207 = vector.broadcast %parallel_loop3A_206 : f32 to vector<16xf32>
        %parallel_loop3A_208 = arith.index_cast %parallel_loop3A_205 : i32 to index
        %parallel_loop3A_209 = arith.constant 0 : index
        %parallel_loop3A_210 = tpu.vector_load %arg10[%parallel_loop3A_208, %parallel_loop3A_209] {strides = array<i32>} : memref<80x64xi32, #tpu.memory_space<vmem>>, vector<1x16xi32>,
        %parallel_loop3A_211 = vector.shape_cast %parallel_loop3A_210 : vector<1x16xi32> to vector<16xi32>
        %parallel_loop3A_212 = arith.index_cast %parallel_loop3A_205 : i32 to index
        %parallel_loop3A_213 = arith.constant 0 : index
        %parallel_loop3A_214 = tpu.vector_load %arg14[%parallel_loop3A_212, %parallel_loop3A_213] {strides = array<i32>} : memref<80x64xi32, #tpu.memory_space<vmem>>, vector<1x16xi32>,
        %parallel_loop3A_215 = vector.shape_cast %parallel_loop3A_214 : vector<1x16xi32> to vector<16xi32>
        %parallel_loop3A_216 = arith.constant 16 : i32
        %parallel_loop3A_217 = vector.broadcast %parallel_loop3A_216 : i32 to vector<16xi32>
        %parallel_loop3A_218 = arith.shli %parallel_loop3A_211, %parallel_loop3A_217 : vector<16xi32>
        %parallel_loop3A_219 = tpu.bitcast %parallel_loop3A_218 : vector<16xi32> -> vector<16xf32>
        %parallel_loop3A_220 = arith.constant 16 : i32
        %parallel_loop3A_221 = vector.broadcast %parallel_loop3A_220 : i32 to vector<16xi32>
        %parallel_loop3A_222 = arith.shli %parallel_loop3A_215, %parallel_loop3A_221 : vector<16xi32>
        %parallel_loop3A_223 = tpu.bitcast %parallel_loop3A_222 : vector<16xi32> -> vector<16xf32>
        %parallel_loop3A_224 = vector.broadcast %scan3A_61 : i32 to vector<16xi32>
        %parallel_loop3A_225 = arith.andi %parallel_loop3A_211, %parallel_loop3A_224 : vector<16xi32>
        %parallel_loop3A_226 = tpu.bitcast %parallel_loop3A_225 : vector<16xi32> -> vector<16xf32>
        %parallel_loop3A_227 = vector.broadcast %scan3A_61 : i32 to vector<16xi32>
        %parallel_loop3A_228 = arith.andi %parallel_loop3A_215, %parallel_loop3A_227 : vector<16xi32>
        %parallel_loop3A_229 = tpu.bitcast %parallel_loop3A_228 : vector<16xi32> -> vector<16xf32>
        %parallel_loop3A_230 = arith.mulf %parallel_loop3A_219, %parallel_loop3A_223 : vector<16xf32>
        %parallel_loop3A_231 = arith.addf %parallel_loop3A_207, %parallel_loop3A_230 : vector<16xf32>
        %parallel_loop3A_232 = arith.mulf %parallel_loop3A_226, %parallel_loop3A_229 : vector<16xf32>
        %parallel_loop3A_233 = arith.addf %parallel_loop3A_231, %parallel_loop3A_232 : vector<16xf32>
        %parallel_loop3A_234 = arith.index_cast %parallel_loop3A_205 : i32 to index
        %parallel_loop3A_235 = arith.constant 16 : index
        %parallel_loop3A_236 = tpu.vector_load %arg10[%parallel_loop3A_234, %parallel_loop3A_235] {strides = array<i32>} : memref<80x64xi32, #tpu.memory_space<vmem>>, vector<1x16xi32>,
        %parallel_loop3A_237 = vector.shape_cast %parallel_loop3A_236 : vector<1x16xi32> to vector<16xi32>
        %parallel_loop3A_238 = arith.index_cast %parallel_loop3A_205 : i32 to index
        %parallel_loop3A_239 = arith.constant 16 : index
        %parallel_loop3A_240 = tpu.vector_load %arg14[%parallel_loop3A_238, %parallel_loop3A_239] {strides = array<i32>} : memref<80x64xi32, #tpu.memory_space<vmem>>, vector<1x16xi32>,
        %parallel_loop3A_241 = vector.shape_cast %parallel_loop3A_240 : vector<1x16xi32> to vector<16xi32>
        %parallel_loop3A_242 = arith.constant 16 : i32
        %parallel_loop3A_243 = vector.broadcast %parallel_loop3A_242 : i32 to vector<16xi32>
        %parallel_loop3A_244 = arith.shli %parallel_loop3A_237, %parallel_loop3A_243 : vector<16xi32>
        %parallel_loop3A_245 = tpu.bitcast %parallel_loop3A_244 : vector<16xi32> -> vector<16xf32>
        %parallel_loop3A_246 = arith.constant 16 : i32
        %parallel_loop3A_247 = vector.broadcast %parallel_loop3A_246 : i32 to vector<16xi32>
        %parallel_loop3A_248 = arith.shli %parallel_loop3A_241, %parallel_loop3A_247 : vector<16xi32>
        %parallel_loop3A_249 = tpu.bitcast %parallel_loop3A_248 : vector<16xi32> -> vector<16xf32>
        %parallel_loop3A_250 = vector.broadcast %scan3A_61 : i32 to vector<16xi32>
        %parallel_loop3A_251 = arith.andi %parallel_loop3A_237, %parallel_loop3A_250 : vector<16xi32>
        %parallel_loop3A_252 = tpu.bitcast %parallel_loop3A_251 : vector<16xi32> -> vector<16xf32>
        %parallel_loop3A_253 = vector.broadcast %scan3A_61 : i32 to vector<16xi32>
        %parallel_loop3A_254 = arith.andi %parallel_loop3A_241, %parallel_loop3A_253 : vector<16xi32>
        %parallel_loop3A_255 = tpu.bitcast %parallel_loop3A_254 : vector<16xi32> -> vector<16xf32>
        %parallel_loop3A_256 = arith.mulf %parallel_loop3A_245, %parallel_loop3A_249 : vector<16xf32>
        %parallel_loop3A_257 = arith.addf %parallel_loop3A_233, %parallel_loop3A_256 : vector<16xf32>
        %parallel_loop3A_258 = arith.mulf %parallel_loop3A_252, %parallel_loop3A_255 : vector<16xf32>
        %parallel_loop3A_259 = arith.addf %parallel_loop3A_257, %parallel_loop3A_258 : vector<16xf32>
        %parallel_loop3A_260 = arith.index_cast %parallel_loop3A_205 : i32 to index
        %parallel_loop3A_261 = arith.constant 32 : index
        %parallel_loop3A_262 = tpu.vector_load %arg10[%parallel_loop3A_260, %parallel_loop3A_261] {strides = array<i32>} : memref<80x64xi32, #tpu.memory_space<vmem>>, vector<1x16xi32>,
        %parallel_loop3A_263 = vector.shape_cast %parallel_loop3A_262 : vector<1x16xi32> to vector<16xi32>
        %parallel_loop3A_264 = arith.index_cast %parallel_loop3A_205 : i32 to index
        %parallel_loop3A_265 = arith.constant 32 : index
        %parallel_loop3A_266 = tpu.vector_load %arg14[%parallel_loop3A_264, %parallel_loop3A_265] {strides = array<i32>} : memref<80x64xi32, #tpu.memory_space<vmem>>, vector<1x16xi32>,
        %parallel_loop3A_267 = vector.shape_cast %parallel_loop3A_266 : vector<1x16xi32> to vector<16xi32>
        %parallel_loop3A_268 = arith.constant 16 : i32
        %parallel_loop3A_269 = vector.broadcast %parallel_loop3A_268 : i32 to vector<16xi32>
        %parallel_loop3A_270 = arith.shli %parallel_loop3A_263, %parallel_loop3A_269 : vector<16xi32>
        %parallel_loop3A_271 = tpu.bitcast %parallel_loop3A_270 : vector<16xi32> -> vector<16xf32>
        %parallel_loop3A_272 = arith.constant 16 : i32
        %parallel_loop3A_273 = vector.broadcast %parallel_loop3A_272 : i32 to vector<16xi32>
        %parallel_loop3A_274 = arith.shli %parallel_loop3A_267, %parallel_loop3A_273 : vector<16xi32>
        %parallel_loop3A_275 = tpu.bitcast %parallel_loop3A_274 : vector<16xi32> -> vector<16xf32>
        %parallel_loop3A_276 = vector.broadcast %scan3A_61 : i32 to vector<16xi32>
        %parallel_loop3A_277 = arith.andi %parallel_loop3A_263, %parallel_loop3A_276 : vector<16xi32>
        %parallel_loop3A_278 = tpu.bitcast %parallel_loop3A_277 : vector<16xi32> -> vector<16xf32>
        %parallel_loop3A_279 = vector.broadcast %scan3A_61 : i32 to vector<16xi32>
        %parallel_loop3A_280 = arith.andi %parallel_loop3A_267, %parallel_loop3A_279 : vector<16xi32>
        %parallel_loop3A_281 = tpu.bitcast %parallel_loop3A_280 : vector<16xi32> -> vector<16xf32>
        %parallel_loop3A_282 = arith.mulf %parallel_loop3A_271, %parallel_loop3A_275 : vector<16xf32>
        %parallel_loop3A_283 = arith.addf %parallel_loop3A_259, %parallel_loop3A_282 : vector<16xf32>
        %parallel_loop3A_284 = arith.mulf %parallel_loop3A_278, %parallel_loop3A_281 : vector<16xf32>
        %parallel_loop3A_285 = arith.addf %parallel_loop3A_283, %parallel_loop3A_284 : vector<16xf32>
        %parallel_loop3A_286 = arith.index_cast %parallel_loop3A_205 : i32 to index
        %parallel_loop3A_287 = arith.constant 48 : index
        %parallel_loop3A_288 = tpu.vector_load %arg10[%parallel_loop3A_286, %parallel_loop3A_287] {strides = array<i32>} : memref<80x64xi32, #tpu.memory_space<vmem>>, vector<1x16xi32>,
        %parallel_loop3A_289 = vector.shape_cast %parallel_loop3A_288 : vector<1x16xi32> to vector<16xi32>
        %parallel_loop3A_290 = arith.index_cast %parallel_loop3A_205 : i32 to index
        %parallel_loop3A_291 = arith.constant 48 : index
        %parallel_loop3A_292 = tpu.vector_load %arg14[%parallel_loop3A_290, %parallel_loop3A_291] {strides = array<i32>} : memref<80x64xi32, #tpu.memory_space<vmem>>, vector<1x16xi32>,
        %parallel_loop3A_293 = vector.shape_cast %parallel_loop3A_292 : vector<1x16xi32> to vector<16xi32>
        %parallel_loop3A_294 = arith.constant 16 : i32
        %parallel_loop3A_295 = vector.broadcast %parallel_loop3A_294 : i32 to vector<16xi32>
        %parallel_loop3A_296 = arith.shli %parallel_loop3A_289, %parallel_loop3A_295 : vector<16xi32>
        %parallel_loop3A_297 = tpu.bitcast %parallel_loop3A_296 : vector<16xi32> -> vector<16xf32>
        %parallel_loop3A_298 = arith.constant 16 : i32
        %parallel_loop3A_299 = vector.broadcast %parallel_loop3A_298 : i32 to vector<16xi32>
        %parallel_loop3A_300 = arith.shli %parallel_loop3A_293, %parallel_loop3A_299 : vector<16xi32>
        %parallel_loop3A_301 = tpu.bitcast %parallel_loop3A_300 : vector<16xi32> -> vector<16xf32>
        %parallel_loop3A_302 = vector.broadcast %scan3A_61 : i32 to vector<16xi32>
        %parallel_loop3A_303 = arith.andi %parallel_loop3A_289, %parallel_loop3A_302 : vector<16xi32>
        %parallel_loop3A_304 = tpu.bitcast %parallel_loop3A_303 : vector<16xi32> -> vector<16xf32>
        %parallel_loop3A_305 = vector.broadcast %scan3A_61 : i32 to vector<16xi32>
        %parallel_loop3A_306 = arith.andi %parallel_loop3A_293, %parallel_loop3A_305 : vector<16xi32>
        %parallel_loop3A_307 = tpu.bitcast %parallel_loop3A_306 : vector<16xi32> -> vector<16xf32>
        %parallel_loop3A_308 = arith.mulf %parallel_loop3A_297, %parallel_loop3A_301 : vector<16xf32>
        %parallel_loop3A_309 = arith.addf %parallel_loop3A_285, %parallel_loop3A_308 : vector<16xf32>
        %parallel_loop3A_310 = arith.mulf %parallel_loop3A_304, %parallel_loop3A_307 : vector<16xf32>
        %parallel_loop3A_311 = arith.addf %parallel_loop3A_309, %parallel_loop3A_310 : vector<16xf32>
        %parallel_loop3A_312 = arith.constant 8 : i32
        %parallel_loop3A_313 = vector.broadcast %parallel_loop3A_312 : i32 to vector<16xi32>
        %parallel_loop3A_314 = arith.xori %iota3A, %parallel_loop3A_313 : vector<16xi32>
        %parallel_loop3A_315 = vector.shape_cast %parallel_loop3A_314 : vector<16xi32> to vector<16x1xi32>
        %parallel_loop3A_316 = vector.shape_cast %parallel_loop3A_315 : vector<16x1xi32> to vector<16xi32>
        %parallel_loop3A_317 = tpu.dynamic_gather %parallel_loop3A_311[%parallel_loop3A_316] in [0] : vector<16xf32>, vector<16xi32> -> vector<16xf32>
        %parallel_loop3A_318 = arith.addf %parallel_loop3A_311, %parallel_loop3A_317 : vector<16xf32>
        %parallel_loop3A_319 = arith.constant 4 : i32
        %parallel_loop3A_320 = vector.broadcast %parallel_loop3A_319 : i32 to vector<16xi32>
        %parallel_loop3A_321 = arith.xori %iota3A, %parallel_loop3A_320 : vector<16xi32>
        %parallel_loop3A_322 = vector.shape_cast %parallel_loop3A_321 : vector<16xi32> to vector<16x1xi32>
        %parallel_loop3A_323 = vector.shape_cast %parallel_loop3A_322 : vector<16x1xi32> to vector<16xi32>
        %parallel_loop3A_324 = tpu.dynamic_gather %parallel_loop3A_318[%parallel_loop3A_323] in [0] : vector<16xf32>, vector<16xi32> -> vector<16xf32>
        %parallel_loop3A_325 = arith.addf %parallel_loop3A_318, %parallel_loop3A_324 : vector<16xf32>
        %parallel_loop3A_326 = arith.constant 2 : i32
        %parallel_loop3A_327 = vector.broadcast %parallel_loop3A_326 : i32 to vector<16xi32>
        %parallel_loop3A_328 = arith.xori %iota3A, %parallel_loop3A_327 : vector<16xi32>
        %parallel_loop3A_329 = vector.shape_cast %parallel_loop3A_328 : vector<16xi32> to vector<16x1xi32>
        %parallel_loop3A_330 = vector.shape_cast %parallel_loop3A_329 : vector<16x1xi32> to vector<16xi32>
        %parallel_loop3A_331 = tpu.dynamic_gather %parallel_loop3A_325[%parallel_loop3A_330] in [0] : vector<16xf32>, vector<16xi32> -> vector<16xf32>
        %parallel_loop3A_332 = arith.addf %parallel_loop3A_325, %parallel_loop3A_331 : vector<16xf32>
        %parallel_loop3A_333 = arith.constant 1 : i32
        %parallel_loop3A_334 = vector.broadcast %parallel_loop3A_333 : i32 to vector<16xi32>
        %parallel_loop3A_335 = arith.xori %iota3A, %parallel_loop3A_334 : vector<16xi32>
        %parallel_loop3A_336 = vector.shape_cast %parallel_loop3A_335 : vector<16xi32> to vector<16x1xi32>
        %parallel_loop3A_337 = vector.shape_cast %parallel_loop3A_336 : vector<16x1xi32> to vector<16xi32>
        %parallel_loop3A_338 = tpu.dynamic_gather %parallel_loop3A_332[%parallel_loop3A_337] in [0] : vector<16xf32>, vector<16xi32> -> vector<16xf32>
        %parallel_loop3A_339 = arith.addf %parallel_loop3A_332, %parallel_loop3A_338 : vector<16xf32>
        %parallel_loop3A_340 = arith.index_cast %parallel_loop3A_205 : i32 to index
        %parallel_loop3A_341 = arith.constant 0 : index
        %parallel_loop3A_342 = tpu.vector_load %arg16[%parallel_loop3A_340, %parallel_loop3A_341] {strides = array<i32>} : memref<80x16xf32, #tpu.memory_space<vmem>>, vector<1x16xf32>,
        %parallel_loop3A_343 = vector.shape_cast %parallel_loop3A_342 : vector<1x16xf32> to vector<16xf32>
        %parallel_loop3A_344 = vector.shape_cast %parallel_loop3A_339 : vector<16xf32> to vector<1x16xf32>
        tpu.vector_store %arg16[%parallel_loop3A_340, %parallel_loop3A_341], %parallel_loop3A_344 {strides = array<i32>} : memref<80x16xf32, #tpu.memory_space<vmem>>, vector<1x16xf32>,
      } {sc.loop_unroll_factor = 2 : i64, sc.parallel_access}
      %parallel_loop3A_195 = arith.constant 0 : i32
      %parallel_loop3A_196 = arith.constant 5 : i32
      %parallel_loop3A_197 = arith.constant 1 : i32
      scf.for %parallel_loop3A_205 = %parallel_loop3A_195 to %parallel_loop3A_196 step %parallel_loop3A_197  : i32 {
        %parallel_loop3A_206 = arith.constant 16 : i32
        %parallel_loop3A_207 = arith.muli %parallel_loop3A_205, %parallel_loop3A_206 : i32
        %parallel_loop3A_208 = arith.index_cast %parallel_loop3A_207 : i32 to index
        %parallel_loop3A_209 = arith.constant 0 : index
        %parallel_loop3A_210 = tpu.vector_load %arg16[%parallel_loop3A_208, %parallel_loop3A_209] {strides = array<i32>} : memref<80x16xf32, #tpu.memory_space<vmem>>, vector<1x16xf32>,
        %parallel_loop3A_211 = vector.shape_cast %parallel_loop3A_210 : vector<1x16xf32> to vector<16xf32>
        %parallel_loop3A_212 = arith.constant 1 : i32
        %parallel_loop3A_213 = vector.broadcast %parallel_loop3A_212 : i32 to vector<16xi32>
        %parallel_loop3A_214 = arith.cmpi eq, %iota3A, %parallel_loop3A_213 : vector<16xi32>
        %parallel_loop3A_215 = arith.constant 16 : i32
        %parallel_loop3A_216 = arith.muli %parallel_loop3A_205, %parallel_loop3A_215 : i32
        %parallel_loop3A_217 = arith.constant 1 : i32
        %parallel_loop3A_218 = arith.addi %parallel_loop3A_216, %parallel_loop3A_217 : i32
        %parallel_loop3A_219 = arith.index_cast %parallel_loop3A_218 : i32 to index
        %parallel_loop3A_220 = arith.constant 0 : index
        %parallel_loop3A_221 = tpu.vector_load %arg16[%parallel_loop3A_219, %parallel_loop3A_220] {strides = array<i32>} : memref<80x16xf32, #tpu.memory_space<vmem>>, vector<1x16xf32>,
        %parallel_loop3A_222 = vector.shape_cast %parallel_loop3A_221 : vector<1x16xf32> to vector<16xf32>
        %parallel_loop3A_223 = arith.select %parallel_loop3A_214, %parallel_loop3A_222, %parallel_loop3A_211 : vector<16xi1>, vector<16xf32>
        %parallel_loop3A_224 = arith.constant 2 : i32
        %parallel_loop3A_225 = vector.broadcast %parallel_loop3A_224 : i32 to vector<16xi32>
        %parallel_loop3A_226 = arith.cmpi eq, %iota3A, %parallel_loop3A_225 : vector<16xi32>
        %parallel_loop3A_227 = arith.constant 16 : i32
        %parallel_loop3A_228 = arith.muli %parallel_loop3A_205, %parallel_loop3A_227 : i32
        %parallel_loop3A_229 = arith.constant 2 : i32
        %parallel_loop3A_230 = arith.addi %parallel_loop3A_228, %parallel_loop3A_229 : i32
        %parallel_loop3A_231 = arith.index_cast %parallel_loop3A_230 : i32 to index
        %parallel_loop3A_232 = arith.constant 0 : index
        %parallel_loop3A_233 = tpu.vector_load %arg16[%parallel_loop3A_231, %parallel_loop3A_232] {strides = array<i32>} : memref<80x16xf32, #tpu.memory_space<vmem>>, vector<1x16xf32>,
        %parallel_loop3A_234 = vector.shape_cast %parallel_loop3A_233 : vector<1x16xf32> to vector<16xf32>
        %parallel_loop3A_235 = arith.select %parallel_loop3A_226, %parallel_loop3A_234, %parallel_loop3A_223 : vector<16xi1>, vector<16xf32>
        %parallel_loop3A_236 = arith.constant 3 : i32
        %parallel_loop3A_237 = vector.broadcast %parallel_loop3A_236 : i32 to vector<16xi32>
        %parallel_loop3A_238 = arith.cmpi eq, %iota3A, %parallel_loop3A_237 : vector<16xi32>
        %parallel_loop3A_239 = arith.constant 16 : i32
        %parallel_loop3A_240 = arith.muli %parallel_loop3A_205, %parallel_loop3A_239 : i32
        %parallel_loop3A_241 = arith.constant 3 : i32
        %parallel_loop3A_242 = arith.addi %parallel_loop3A_240, %parallel_loop3A_241 : i32
        %parallel_loop3A_243 = arith.index_cast %parallel_loop3A_242 : i32 to index
        %parallel_loop3A_244 = arith.constant 0 : index
        %parallel_loop3A_245 = tpu.vector_load %arg16[%parallel_loop3A_243, %parallel_loop3A_244] {strides = array<i32>} : memref<80x16xf32, #tpu.memory_space<vmem>>, vector<1x16xf32>,
        %parallel_loop3A_246 = vector.shape_cast %parallel_loop3A_245 : vector<1x16xf32> to vector<16xf32>
        %parallel_loop3A_247 = arith.select %parallel_loop3A_238, %parallel_loop3A_246, %parallel_loop3A_235 : vector<16xi1>, vector<16xf32>
        %parallel_loop3A_248 = arith.constant 4 : i32
        %parallel_loop3A_249 = vector.broadcast %parallel_loop3A_248 : i32 to vector<16xi32>
        %parallel_loop3A_250 = arith.cmpi eq, %iota3A, %parallel_loop3A_249 : vector<16xi32>
        %parallel_loop3A_251 = arith.constant 16 : i32
        %parallel_loop3A_252 = arith.muli %parallel_loop3A_205, %parallel_loop3A_251 : i32
        %parallel_loop3A_253 = arith.constant 4 : i32
        %parallel_loop3A_254 = arith.addi %parallel_loop3A_252, %parallel_loop3A_253 : i32
        %parallel_loop3A_255 = arith.index_cast %parallel_loop3A_254 : i32 to index
        %parallel_loop3A_256 = arith.constant 0 : index
        %parallel_loop3A_257 = tpu.vector_load %arg16[%parallel_loop3A_255, %parallel_loop3A_256] {strides = array<i32>} : memref<80x16xf32, #tpu.memory_space<vmem>>, vector<1x16xf32>,
        %parallel_loop3A_258 = vector.shape_cast %parallel_loop3A_257 : vector<1x16xf32> to vector<16xf32>
        %parallel_loop3A_259 = arith.select %parallel_loop3A_250, %parallel_loop3A_258, %parallel_loop3A_247 : vector<16xi1>, vector<16xf32>
        %parallel_loop3A_260 = arith.constant 5 : i32
        %parallel_loop3A_261 = vector.broadcast %parallel_loop3A_260 : i32 to vector<16xi32>
        %parallel_loop3A_262 = arith.cmpi eq, %iota3A, %parallel_loop3A_261 : vector<16xi32>
        %parallel_loop3A_263 = arith.constant 16 : i32
        %parallel_loop3A_264 = arith.muli %parallel_loop3A_205, %parallel_loop3A_263 : i32
        %parallel_loop3A_265 = arith.constant 5 : i32
        %parallel_loop3A_266 = arith.addi %parallel_loop3A_264, %parallel_loop3A_265 : i32
        %parallel_loop3A_267 = arith.index_cast %parallel_loop3A_266 : i32 to index
        %parallel_loop3A_268 = arith.constant 0 : index
        %parallel_loop3A_269 = tpu.vector_load %arg16[%parallel_loop3A_267, %parallel_loop3A_268] {strides = array<i32>} : memref<80x16xf32, #tpu.memory_space<vmem>>, vector<1x16xf32>,
        %parallel_loop3A_270 = vector.shape_cast %parallel_loop3A_269 : vector<1x16xf32> to vector<16xf32>
        %parallel_loop3A_271 = arith.select %parallel_loop3A_262, %parallel_loop3A_270, %parallel_loop3A_259 : vector<16xi1>, vector<16xf32>
        %parallel_loop3A_272 = arith.constant 6 : i32
        %parallel_loop3A_273 = vector.broadcast %parallel_loop3A_272 : i32 to vector<16xi32>
        %parallel_loop3A_274 = arith.cmpi eq, %iota3A, %parallel_loop3A_273 : vector<16xi32>
        %parallel_loop3A_275 = arith.constant 16 : i32
        %parallel_loop3A_276 = arith.muli %parallel_loop3A_205, %parallel_loop3A_275 : i32
        %parallel_loop3A_277 = arith.constant 6 : i32
        %parallel_loop3A_278 = arith.addi %parallel_loop3A_276, %parallel_loop3A_277 : i32
        %parallel_loop3A_279 = arith.index_cast %parallel_loop3A_278 : i32 to index
        %parallel_loop3A_280 = arith.constant 0 : index
        %parallel_loop3A_281 = tpu.vector_load %arg16[%parallel_loop3A_279, %parallel_loop3A_280] {strides = array<i32>} : memref<80x16xf32, #tpu.memory_space<vmem>>, vector<1x16xf32>,
        %parallel_loop3A_282 = vector.shape_cast %parallel_loop3A_281 : vector<1x16xf32> to vector<16xf32>
        %parallel_loop3A_283 = arith.select %parallel_loop3A_274, %parallel_loop3A_282, %parallel_loop3A_271 : vector<16xi1>, vector<16xf32>
        %parallel_loop3A_284 = arith.constant 7 : i32
        %parallel_loop3A_285 = vector.broadcast %parallel_loop3A_284 : i32 to vector<16xi32>
        %parallel_loop3A_286 = arith.cmpi eq, %iota3A, %parallel_loop3A_285 : vector<16xi32>
        %parallel_loop3A_287 = arith.constant 16 : i32
        %parallel_loop3A_288 = arith.muli %parallel_loop3A_205, %parallel_loop3A_287 : i32
        %parallel_loop3A_289 = arith.constant 7 : i32
        %parallel_loop3A_290 = arith.addi %parallel_loop3A_288, %parallel_loop3A_289 : i32
        %parallel_loop3A_291 = arith.index_cast %parallel_loop3A_290 : i32 to index
        %parallel_loop3A_292 = arith.constant 0 : index
        %parallel_loop3A_293 = tpu.vector_load %arg16[%parallel_loop3A_291, %parallel_loop3A_292] {strides = array<i32>} : memref<80x16xf32, #tpu.memory_space<vmem>>, vector<1x16xf32>,
        %parallel_loop3A_294 = vector.shape_cast %parallel_loop3A_293 : vector<1x16xf32> to vector<16xf32>
        %parallel_loop3A_295 = arith.select %parallel_loop3A_286, %parallel_loop3A_294, %parallel_loop3A_283 : vector<16xi1>, vector<16xf32>
        %parallel_loop3A_296 = arith.constant 8 : i32
        %parallel_loop3A_297 = vector.broadcast %parallel_loop3A_296 : i32 to vector<16xi32>
        %parallel_loop3A_298 = arith.cmpi eq, %iota3A, %parallel_loop3A_297 : vector<16xi32>
        %parallel_loop3A_299 = arith.constant 16 : i32
        %parallel_loop3A_300 = arith.muli %parallel_loop3A_205, %parallel_loop3A_299 : i32
        %parallel_loop3A_301 = arith.constant 8 : i32
        %parallel_loop3A_302 = arith.addi %parallel_loop3A_300, %parallel_loop3A_301 : i32
        %parallel_loop3A_303 = arith.index_cast %parallel_loop3A_302 : i32 to index
        %parallel_loop3A_304 = arith.constant 0 : index
        %parallel_loop3A_305 = tpu.vector_load %arg16[%parallel_loop3A_303, %parallel_loop3A_304] {strides = array<i32>} : memref<80x16xf32, #tpu.memory_space<vmem>>, vector<1x16xf32>,
        %parallel_loop3A_306 = vector.shape_cast %parallel_loop3A_305 : vector<1x16xf32> to vector<16xf32>
        %parallel_loop3A_307 = arith.select %parallel_loop3A_298, %parallel_loop3A_306, %parallel_loop3A_295 : vector<16xi1>, vector<16xf32>
        %parallel_loop3A_308 = arith.constant 9 : i32
        %parallel_loop3A_309 = vector.broadcast %parallel_loop3A_308 : i32 to vector<16xi32>
        %parallel_loop3A_310 = arith.cmpi eq, %iota3A, %parallel_loop3A_309 : vector<16xi32>
        %parallel_loop3A_311 = arith.constant 16 : i32
        %parallel_loop3A_312 = arith.muli %parallel_loop3A_205, %parallel_loop3A_311 : i32
        %parallel_loop3A_313 = arith.constant 9 : i32
        %parallel_loop3A_314 = arith.addi %parallel_loop3A_312, %parallel_loop3A_313 : i32
        %parallel_loop3A_315 = arith.index_cast %parallel_loop3A_314 : i32 to index
        %parallel_loop3A_316 = arith.constant 0 : index
        %parallel_loop3A_317 = tpu.vector_load %arg16[%parallel_loop3A_315, %parallel_loop3A_316] {strides = array<i32>} : memref<80x16xf32, #tpu.memory_space<vmem>>, vector<1x16xf32>,
        %parallel_loop3A_318 = vector.shape_cast %parallel_loop3A_317 : vector<1x16xf32> to vector<16xf32>
        %parallel_loop3A_319 = arith.select %parallel_loop3A_310, %parallel_loop3A_318, %parallel_loop3A_307 : vector<16xi1>, vector<16xf32>
        %parallel_loop3A_320 = arith.constant 10 : i32
        %parallel_loop3A_321 = vector.broadcast %parallel_loop3A_320 : i32 to vector<16xi32>
        %parallel_loop3A_322 = arith.cmpi eq, %iota3A, %parallel_loop3A_321 : vector<16xi32>
        %parallel_loop3A_323 = arith.constant 16 : i32
        %parallel_loop3A_324 = arith.muli %parallel_loop3A_205, %parallel_loop3A_323 : i32
        %parallel_loop3A_325 = arith.constant 10 : i32
        %parallel_loop3A_326 = arith.addi %parallel_loop3A_324, %parallel_loop3A_325 : i32
        %parallel_loop3A_327 = arith.index_cast %parallel_loop3A_326 : i32 to index
        %parallel_loop3A_328 = arith.constant 0 : index
        %parallel_loop3A_329 = tpu.vector_load %arg16[%parallel_loop3A_327, %parallel_loop3A_328] {strides = array<i32>} : memref<80x16xf32, #tpu.memory_space<vmem>>, vector<1x16xf32>,
        %parallel_loop3A_330 = vector.shape_cast %parallel_loop3A_329 : vector<1x16xf32> to vector<16xf32>
        %parallel_loop3A_331 = arith.select %parallel_loop3A_322, %parallel_loop3A_330, %parallel_loop3A_319 : vector<16xi1>, vector<16xf32>
        %parallel_loop3A_332 = arith.constant 11 : i32
        %parallel_loop3A_333 = vector.broadcast %parallel_loop3A_332 : i32 to vector<16xi32>
        %parallel_loop3A_334 = arith.cmpi eq, %iota3A, %parallel_loop3A_333 : vector<16xi32>
        %parallel_loop3A_335 = arith.constant 16 : i32
        %parallel_loop3A_336 = arith.muli %parallel_loop3A_205, %parallel_loop3A_335 : i32
        %parallel_loop3A_337 = arith.constant 11 : i32
        %parallel_loop3A_338 = arith.addi %parallel_loop3A_336, %parallel_loop3A_337 : i32
        %parallel_loop3A_339 = arith.index_cast %parallel_loop3A_338 : i32 to index
        %parallel_loop3A_340 = arith.constant 0 : index
        %parallel_loop3A_341 = tpu.vector_load %arg16[%parallel_loop3A_339, %parallel_loop3A_340] {strides = array<i32>} : memref<80x16xf32, #tpu.memory_space<vmem>>, vector<1x16xf32>,
        %parallel_loop3A_342 = vector.shape_cast %parallel_loop3A_341 : vector<1x16xf32> to vector<16xf32>
        %parallel_loop3A_343 = arith.select %parallel_loop3A_334, %parallel_loop3A_342, %parallel_loop3A_331 : vector<16xi1>, vector<16xf32>
        %parallel_loop3A_344 = arith.constant 12 : i32
        %parallel_loop3A_345 = vector.broadcast %parallel_loop3A_344 : i32 to vector<16xi32>
        %parallel_loop3A_346 = arith.cmpi eq, %iota3A, %parallel_loop3A_345 : vector<16xi32>
        %parallel_loop3A_347 = arith.constant 16 : i32
        %parallel_loop3A_348 = arith.muli %parallel_loop3A_205, %parallel_loop3A_347 : i32
        %parallel_loop3A_349 = arith.constant 12 : i32
        %parallel_loop3A_350 = arith.addi %parallel_loop3A_348, %parallel_loop3A_349 : i32
        %parallel_loop3A_351 = arith.index_cast %parallel_loop3A_350 : i32 to index
        %parallel_loop3A_352 = arith.constant 0 : index
        %parallel_loop3A_353 = tpu.vector_load %arg16[%parallel_loop3A_351, %parallel_loop3A_352] {strides = array<i32>} : memref<80x16xf32, #tpu.memory_space<vmem>>, vector<1x16xf32>,
        %parallel_loop3A_354 = vector.shape_cast %parallel_loop3A_353 : vector<1x16xf32> to vector<16xf32>
        %parallel_loop3A_355 = arith.select %parallel_loop3A_346, %parallel_loop3A_354, %parallel_loop3A_343 : vector<16xi1>, vector<16xf32>
        %parallel_loop3A_356 = arith.constant 13 : i32
        %parallel_loop3A_357 = vector.broadcast %parallel_loop3A_356 : i32 to vector<16xi32>
        %parallel_loop3A_358 = arith.cmpi eq, %iota3A, %parallel_loop3A_357 : vector<16xi32>
        %parallel_loop3A_359 = arith.constant 16 : i32
        %parallel_loop3A_360 = arith.muli %parallel_loop3A_205, %parallel_loop3A_359 : i32
        %parallel_loop3A_361 = arith.constant 13 : i32
        %parallel_loop3A_362 = arith.addi %parallel_loop3A_360, %parallel_loop3A_361 : i32
        %parallel_loop3A_363 = arith.index_cast %parallel_loop3A_362 : i32 to index
        %parallel_loop3A_364 = arith.constant 0 : index
        %parallel_loop3A_365 = tpu.vector_load %arg16[%parallel_loop3A_363, %parallel_loop3A_364] {strides = array<i32>} : memref<80x16xf32, #tpu.memory_space<vmem>>, vector<1x16xf32>,
        %parallel_loop3A_366 = vector.shape_cast %parallel_loop3A_365 : vector<1x16xf32> to vector<16xf32>
        %parallel_loop3A_367 = arith.select %parallel_loop3A_358, %parallel_loop3A_366, %parallel_loop3A_355 : vector<16xi1>, vector<16xf32>
        %parallel_loop3A_368 = arith.constant 14 : i32
        %parallel_loop3A_369 = vector.broadcast %parallel_loop3A_368 : i32 to vector<16xi32>
        %parallel_loop3A_370 = arith.cmpi eq, %iota3A, %parallel_loop3A_369 : vector<16xi32>
        %parallel_loop3A_371 = arith.constant 16 : i32
        %parallel_loop3A_372 = arith.muli %parallel_loop3A_205, %parallel_loop3A_371 : i32
        %parallel_loop3A_373 = arith.constant 14 : i32
        %parallel_loop3A_374 = arith.addi %parallel_loop3A_372, %parallel_loop3A_373 : i32
        %parallel_loop3A_375 = arith.index_cast %parallel_loop3A_374 : i32 to index
        %parallel_loop3A_376 = arith.constant 0 : index
        %parallel_loop3A_377 = tpu.vector_load %arg16[%parallel_loop3A_375, %parallel_loop3A_376] {strides = array<i32>} : memref<80x16xf32, #tpu.memory_space<vmem>>, vector<1x16xf32>,
        %parallel_loop3A_378 = vector.shape_cast %parallel_loop3A_377 : vector<1x16xf32> to vector<16xf32>
        %parallel_loop3A_379 = arith.select %parallel_loop3A_370, %parallel_loop3A_378, %parallel_loop3A_367 : vector<16xi1>, vector<16xf32>
        %parallel_loop3A_380 = arith.constant 15 : i32
        %parallel_loop3A_381 = vector.broadcast %parallel_loop3A_380 : i32 to vector<16xi32>
        %parallel_loop3A_382 = arith.cmpi eq, %iota3A, %parallel_loop3A_381 : vector<16xi32>
        %parallel_loop3A_383 = arith.constant 16 : i32
        %parallel_loop3A_384 = arith.muli %parallel_loop3A_205, %parallel_loop3A_383 : i32
        %parallel_loop3A_385 = arith.constant 15 : i32
        %parallel_loop3A_386 = arith.addi %parallel_loop3A_384, %parallel_loop3A_385 : i32
        %parallel_loop3A_387 = arith.index_cast %parallel_loop3A_386 : i32 to index
        %parallel_loop3A_388 = arith.constant 0 : index
        %parallel_loop3A_389 = tpu.vector_load %arg16[%parallel_loop3A_387, %parallel_loop3A_388] {strides = array<i32>} : memref<80x16xf32, #tpu.memory_space<vmem>>, vector<1x16xf32>,
        %parallel_loop3A_390 = vector.shape_cast %parallel_loop3A_389 : vector<1x16xf32> to vector<16xf32>
        %parallel_loop3A_391 = arith.select %parallel_loop3A_382, %parallel_loop3A_390, %parallel_loop3A_379 : vector<16xi1>, vector<16xf32>
        %parallel_loop3A_392 = arith.constant 16 : i32
        %parallel_loop3A_393 = arith.muli %parallel_loop3A_205, %parallel_loop3A_392 : i32
        %parallel_loop3A_394 = arith.addi %mul3A_191, %parallel_loop3A_393 : i32
        %parallel_loop3A_395 = arith.index_cast %parallel_loop3A_394 : i32 to index
        %parallel_loop3A_396 = tpu.vector_load %arg15[%parallel_loop3A_395] {strides = array<i32>} : memref<10000xf32, #tpu.memory_space<vmem>>, vector<16xf32>,
        %parallel_loop3A_397 = vector.shape_cast %parallel_loop3A_396 : vector<16xf32> to vector<16xf32>
        %parallel_loop3A_398 = vector.shape_cast %parallel_loop3A_391 : vector<16xf32> to vector<16xf32>
        tpu.vector_store %arg15[%parallel_loop3A_395], %parallel_loop3A_398 {strides = array<i32>} : memref<10000xf32, #tpu.memory_space<vmem>>, vector<16xf32>,
      } {sc.loop_unroll_factor = 1 : i64, sc.parallel_access}
      %add3A_198 = arith.constant 4 : i32
      %add3A_199 = arith.addi %add3A_177, %add3A_198 : i32
      %lt3A_200 = arith.constant 125 : i32
      %lt3A_201 = arith.cmpi slt, %add3A_199, %lt3A_200 : i32
      %convert_element_type3A_202 = arith.extui %lt3A_201 : i1 to i32
      %cond3A_203 = arith.constant 0 : i32
      %cond3A_204 = arith.cmpi ne, %convert_element_type3A_202, %cond3A_203 : i32
      scf.if %cond3A_204 {
        %add3A_205 = arith.constant 4 : i32
        %add3A_206 = arith.addi %add3A_177, %add3A_205 : i32
        %mul3A_207 = arith.constant 80 : i32
        %mul3A_208 = arith.muli %add3A_206, %mul3A_207 : i32
        %dma_start3A_209 = tpu.memref_slice %arg5[%mul3A_208] : memref<10000xi32, #tpu.memory_space<vmem>> -> memref<80xi32, #tpu.memory_space<vmem>>
        %dma_start3A_210 = arith.constant 0 : i32
        %dma_start3A_211 = arith.constant 0 : i32
        %dma_start3A_212 = tpu.memref_slice %arg2[%dma_start3A_210, %dma_start3A_211] : memref<10000x64xi32, #tpu.memory_space<hbm>> -> memref<10000x64xi32, #tpu.memory_space<hbm>>
        tpu.enqueue_indirect_dma source(%dma_start3A_212 : memref<10000x64xi32, #tpu.memory_space<hbm>>) target(%arg10 : memref<80x64xi32, #tpu.memory_space<vmem>>) offsets(%dma_start3A_209 : memref<80xi32, #tpu.memory_space<vmem>>) semaphore(%arg20 : memref<!tpu.dma_semaphore, #tpu.memory_space<semaphore_mem>>)
        %mul3A_213 = arith.constant 80 : i32
        %mul3A_214 = arith.muli %add3A_206, %mul3A_213 : i32
        %dma_start3A_215 = tpu.memref_slice %arg6[%mul3A_214] : memref<10000xi32, #tpu.memory_space<vmem>> -> memref<80xi32, #tpu.memory_space<vmem>>
        %dma_start3A_216 = arith.constant 0 : i32
        %dma_start3A_217 = arith.constant 0 : i32
        %dma_start3A_218 = tpu.memref_slice %arg2[%dma_start3A_216, %dma_start3A_217] : memref<10000x64xi32, #tpu.memory_space<hbm>> -> memref<10000x64xi32, #tpu.memory_space<hbm>>
        tpu.enqueue_indirect_dma source(%dma_start3A_218 : memref<10000x64xi32, #tpu.memory_space<hbm>>) target(%arg14 : memref<80x64xi32, #tpu.memory_space<vmem>>) offsets(%dma_start3A_215 : memref<80xi32, #tpu.memory_space<vmem>>) semaphore(%arg24 : memref<!tpu.dma_semaphore, #tpu.memory_space<semaphore_mem>>)
      } else {
      }
    }
    %scan3A_66 = arith.constant 31 : i32
    %dma_wait3A_67 = arith.constant 9920 : i32
    %dma_wait3A_68 = tpu.memref_slice %arg5[%dma_wait3A_67] : memref<10000xi32, #tpu.memory_space<vmem>> -> memref<80xi32, #tpu.memory_space<vmem>>
    %dma_wait3A_69 = arith.constant 0 : i32
    %dma_wait3A_70 = arith.constant 0 : i32
    %dma_wait3A_71 = tpu.memref_slice %arg2[%dma_wait3A_69, %dma_wait3A_70] : memref<10000x64xi32, #tpu.memory_space<hbm>> -> memref<10000x64xi32, #tpu.memory_space<hbm>>
    tpu.wait_indirect_dma semaphore(%arg17 : memref<!tpu.dma_semaphore, #tpu.memory_space<semaphore_mem>>) src(%dma_wait3A_71 : memref<10000x64xi32, #tpu.memory_space<hbm>>) dst(%arg7 : memref<80x64xi32, #tpu.memory_space<vmem>>)
    %dma_wait3A_72 = arith.constant 9920 : i32
    %dma_wait3A_73 = tpu.memref_slice %arg6[%dma_wait3A_72] : memref<10000xi32, #tpu.memory_space<vmem>> -> memref<80xi32, #tpu.memory_space<vmem>>
    %dma_wait3A_74 = arith.constant 0 : i32
    %dma_wait3A_75 = arith.constant 0 : i32
    %dma_wait3A_76 = tpu.memref_slice %arg2[%dma_wait3A_74, %dma_wait3A_75] : memref<10000x64xi32, #tpu.memory_space<hbm>> -> memref<10000x64xi32, #tpu.memory_space<hbm>>
    tpu.wait_indirect_dma semaphore(%arg21 : memref<!tpu.dma_semaphore, #tpu.memory_space<semaphore_mem>>) src(%dma_wait3A_76 : memref<10000x64xi32, #tpu.memory_space<hbm>>) dst(%arg11 : memref<80x64xi32, #tpu.memory_space<vmem>>)
    %parallel_loop3A = arith.constant 0 : i32
    %parallel_loop3A_77 = arith.constant 80 : i32
    %parallel_loop3A_78 = arith.constant 1 : i32
    %parallel_loop3A_79 = arith.constant -65536 : i32
    scf.for %parallel_loop3A_83 = %parallel_loop3A to %parallel_loop3A_77 step %parallel_loop3A_78  : i32 {
      %parallel_loop3A_84 = arith.constant 0.000000e+00 : f32
      %parallel_loop3A_85 = vector.broadcast %parallel_loop3A_84 : f32 to vector<16xf32>
      %parallel_loop3A_86 = arith.index_cast %parallel_loop3A_83 : i32 to index
      %parallel_loop3A_87 = arith.constant 0 : index
      %parallel_loop3A_88 = tpu.vector_load %arg7[%parallel_loop3A_86, %parallel_loop3A_87] {strides = array<i32>} : memref<80x64xi32, #tpu.memory_space<vmem>>, vector<1x16xi32>,
      %parallel_loop3A_89 = vector.shape_cast %parallel_loop3A_88 : vector<1x16xi32> to vector<16xi32>
      %parallel_loop3A_90 = arith.index_cast %parallel_loop3A_83 : i32 to index
      %parallel_loop3A_91 = arith.constant 0 : index
      %parallel_loop3A_92 = tpu.vector_load %arg11[%parallel_loop3A_90, %parallel_loop3A_91] {strides = array<i32>} : memref<80x64xi32, #tpu.memory_space<vmem>>, vector<1x16xi32>,
      %parallel_loop3A_93 = vector.shape_cast %parallel_loop3A_92 : vector<1x16xi32> to vector<16xi32>
      %parallel_loop3A_94 = arith.constant 16 : i32
      %parallel_loop3A_95 = vector.broadcast %parallel_loop3A_94 : i32 to vector<16xi32>
      %parallel_loop3A_96 = arith.shli %parallel_loop3A_89, %parallel_loop3A_95 : vector<16xi32>
      %parallel_loop3A_97 = tpu.bitcast %parallel_loop3A_96 : vector<16xi32> -> vector<16xf32>
      %parallel_loop3A_98 = arith.constant 16 : i32
      %parallel_loop3A_99 = vector.broadcast %parallel_loop3A_98 : i32 to vector<16xi32>
      %parallel_loop3A_100 = arith.shli %parallel_loop3A_93, %parallel_loop3A_99 : vector<16xi32>
      %parallel_loop3A_101 = tpu.bitcast %parallel_loop3A_100 : vector<16xi32> -> vector<16xf32>
      %parallel_loop3A_102 = vector.broadcast %parallel_loop3A_79 : i32 to vector<16xi32>
      %parallel_loop3A_103 = arith.andi %parallel_loop3A_89, %parallel_loop3A_102 : vector<16xi32>
      %parallel_loop3A_104 = tpu.bitcast %parallel_loop3A_103 : vector<16xi32> -> vector<16xf32>
      %parallel_loop3A_105 = vector.broadcast %parallel_loop3A_79 : i32 to vector<16xi32>
      %parallel_loop3A_106 = arith.andi %parallel_loop3A_93, %parallel_loop3A_105 : vector<16xi32>
      %parallel_loop3A_107 = tpu.bitcast %parallel_loop3A_106 : vector<16xi32> -> vector<16xf32>
      %parallel_loop3A_108 = arith.mulf %parallel_loop3A_97, %parallel_loop3A_101 : vector<16xf32>
      %parallel_loop3A_109 = arith.addf %parallel_loop3A_85, %parallel_loop3A_108 : vector<16xf32>
      %parallel_loop3A_110 = arith.mulf %parallel_loop3A_104, %parallel_loop3A_107 : vector<16xf32>
      %parallel_loop3A_111 = arith.addf %parallel_loop3A_109, %parallel_loop3A_110 : vector<16xf32>
      %parallel_loop3A_112 = arith.index_cast %parallel_loop3A_83 : i32 to index
      %parallel_loop3A_113 = arith.constant 16 : index
      %parallel_loop3A_114 = tpu.vector_load %arg7[%parallel_loop3A_112, %parallel_loop3A_113] {strides = array<i32>} : memref<80x64xi32, #tpu.memory_space<vmem>>, vector<1x16xi32>,
      %parallel_loop3A_115 = vector.shape_cast %parallel_loop3A_114 : vector<1x16xi32> to vector<16xi32>
      %parallel_loop3A_116 = arith.index_cast %parallel_loop3A_83 : i32 to index
      %parallel_loop3A_117 = arith.constant 16 : index
      %parallel_loop3A_118 = tpu.vector_load %arg11[%parallel_loop3A_116, %parallel_loop3A_117] {strides = array<i32>} : memref<80x64xi32, #tpu.memory_space<vmem>>, vector<1x16xi32>,
      %parallel_loop3A_119 = vector.shape_cast %parallel_loop3A_118 : vector<1x16xi32> to vector<16xi32>
      %parallel_loop3A_120 = arith.constant 16 : i32
      %parallel_loop3A_121 = vector.broadcast %parallel_loop3A_120 : i32 to vector<16xi32>
      %parallel_loop3A_122 = arith.shli %parallel_loop3A_115, %parallel_loop3A_121 : vector<16xi32>
      %parallel_loop3A_123 = tpu.bitcast %parallel_loop3A_122 : vector<16xi32> -> vector<16xf32>
      %parallel_loop3A_124 = arith.constant 16 : i32
      %parallel_loop3A_125 = vector.broadcast %parallel_loop3A_124 : i32 to vector<16xi32>
      %parallel_loop3A_126 = arith.shli %parallel_loop3A_119, %parallel_loop3A_125 : vector<16xi32>
      %parallel_loop3A_127 = tpu.bitcast %parallel_loop3A_126 : vector<16xi32> -> vector<16xf32>
      %parallel_loop3A_128 = vector.broadcast %parallel_loop3A_79 : i32 to vector<16xi32>
      %parallel_loop3A_129 = arith.andi %parallel_loop3A_115, %parallel_loop3A_128 : vector<16xi32>
      %parallel_loop3A_130 = tpu.bitcast %parallel_loop3A_129 : vector<16xi32> -> vector<16xf32>
      %parallel_loop3A_131 = vector.broadcast %parallel_loop3A_79 : i32 to vector<16xi32>
      %parallel_loop3A_132 = arith.andi %parallel_loop3A_119, %parallel_loop3A_131 : vector<16xi32>
      %parallel_loop3A_133 = tpu.bitcast %parallel_loop3A_132 : vector<16xi32> -> vector<16xf32>
      %parallel_loop3A_134 = arith.mulf %parallel_loop3A_123, %parallel_loop3A_127 : vector<16xf32>
      %parallel_loop3A_135 = arith.addf %parallel_loop3A_111, %parallel_loop3A_134 : vector<16xf32>
      %parallel_loop3A_136 = arith.mulf %parallel_loop3A_130, %parallel_loop3A_133 : vector<16xf32>
      %parallel_loop3A_137 = arith.addf %parallel_loop3A_135, %parallel_loop3A_136 : vector<16xf32>
      %parallel_loop3A_138 = arith.index_cast %parallel_loop3A_83 : i32 to index
      %parallel_loop3A_139 = arith.constant 32 : index
      %parallel_loop3A_140 = tpu.vector_load %arg7[%parallel_loop3A_138, %parallel_loop3A_139] {strides = array<i32>} : memref<80x64xi32, #tpu.memory_space<vmem>>, vector<1x16xi32>,
      %parallel_loop3A_141 = vector.shape_cast %parallel_loop3A_140 : vector<1x16xi32> to vector<16xi32>
      %parallel_loop3A_142 = arith.index_cast %parallel_loop3A_83 : i32 to index
      %parallel_loop3A_143 = arith.constant 32 : index
      %parallel_loop3A_144 = tpu.vector_load %arg11[%parallel_loop3A_142, %parallel_loop3A_143] {strides = array<i32>} : memref<80x64xi32, #tpu.memory_space<vmem>>, vector<1x16xi32>,
      %parallel_loop3A_145 = vector.shape_cast %parallel_loop3A_144 : vector<1x16xi32> to vector<16xi32>
      %parallel_loop3A_146 = arith.constant 16 : i32
      %parallel_loop3A_147 = vector.broadcast %parallel_loop3A_146 : i32 to vector<16xi32>
      %parallel_loop3A_148 = arith.shli %parallel_loop3A_141, %parallel_loop3A_147 : vector<16xi32>
      %parallel_loop3A_149 = tpu.bitcast %parallel_loop3A_148 : vector<16xi32> -> vector<16xf32>
      %parallel_loop3A_150 = arith.constant 16 : i32
      %parallel_loop3A_151 = vector.broadcast %parallel_loop3A_150 : i32 to vector<16xi32>
      %parallel_loop3A_152 = arith.shli %parallel_loop3A_145, %parallel_loop3A_151 : vector<16xi32>
      %parallel_loop3A_153 = tpu.bitcast %parallel_loop3A_152 : vector<16xi32> -> vector<16xf32>
      %parallel_loop3A_154 = vector.broadcast %parallel_loop3A_79 : i32 to vector<16xi32>
      %parallel_loop3A_155 = arith.andi %parallel_loop3A_141, %parallel_loop3A_154 : vector<16xi32>
      %parallel_loop3A_156 = tpu.bitcast %parallel_loop3A_155 : vector<16xi32> -> vector<16xf32>
      %parallel_loop3A_157 = vector.broadcast %parallel_loop3A_79 : i32 to vector<16xi32>
      %parallel_loop3A_158 = arith.andi %parallel_loop3A_145, %parallel_loop3A_157 : vector<16xi32>
      %parallel_loop3A_159 = tpu.bitcast %parallel_loop3A_158 : vector<16xi32> -> vector<16xf32>
      %parallel_loop3A_160 = arith.mulf %parallel_loop3A_149, %parallel_loop3A_153 : vector<16xf32>
      %parallel_loop3A_161 = arith.addf %parallel_loop3A_137, %parallel_loop3A_160 : vector<16xf32>
      %parallel_loop3A_162 = arith.mulf %parallel_loop3A_156, %parallel_loop3A_159 : vector<16xf32>
      %parallel_loop3A_163 = arith.addf %parallel_loop3A_161, %parallel_loop3A_162 : vector<16xf32>
      %parallel_loop3A_164 = arith.index_cast %parallel_loop3A_83 : i32 to index
      %parallel_loop3A_165 = arith.constant 48 : index
      %parallel_loop3A_166 = tpu.vector_load %arg7[%parallel_loop3A_164, %parallel_loop3A_165] {strides = array<i32>} : memref<80x64xi32, #tpu.memory_space<vmem>>, vector<1x16xi32>,
      %parallel_loop3A_167 = vector.shape_cast %parallel_loop3A_166 : vector<1x16xi32> to vector<16xi32>
      %parallel_loop3A_168 = arith.index_cast %parallel_loop3A_83 : i32 to index
      %parallel_loop3A_169 = arith.constant 48 : index
      %parallel_loop3A_170 = tpu.vector_load %arg11[%parallel_loop3A_168, %parallel_loop3A_169] {strides = array<i32>} : memref<80x64xi32, #tpu.memory_space<vmem>>, vector<1x16xi32>,
      %parallel_loop3A_171 = vector.shape_cast %parallel_loop3A_170 : vector<1x16xi32> to vector<16xi32>
      %parallel_loop3A_172 = arith.constant 16 : i32
      %parallel_loop3A_173 = vector.broadcast %parallel_loop3A_172 : i32 to vector<16xi32>
      %parallel_loop3A_174 = arith.shli %parallel_loop3A_167, %parallel_loop3A_173 : vector<16xi32>
      %parallel_loop3A_175 = tpu.bitcast %parallel_loop3A_174 : vector<16xi32> -> vector<16xf32>
      %parallel_loop3A_176 = arith.constant 16 : i32
      %parallel_loop3A_177 = vector.broadcast %parallel_loop3A_176 : i32 to vector<16xi32>
      %parallel_loop3A_178 = arith.shli %parallel_loop3A_171, %parallel_loop3A_177 : vector<16xi32>
      %parallel_loop3A_179 = tpu.bitcast %parallel_loop3A_178 : vector<16xi32> -> vector<16xf32>
      %parallel_loop3A_180 = vector.broadcast %parallel_loop3A_79 : i32 to vector<16xi32>
      %parallel_loop3A_181 = arith.andi %parallel_loop3A_167, %parallel_loop3A_180 : vector<16xi32>
      %parallel_loop3A_182 = tpu.bitcast %parallel_loop3A_181 : vector<16xi32> -> vector<16xf32>
      %parallel_loop3A_183 = vector.broadcast %parallel_loop3A_79 : i32 to vector<16xi32>
      %parallel_loop3A_184 = arith.andi %parallel_loop3A_171, %parallel_loop3A_183 : vector<16xi32>
      %parallel_loop3A_185 = tpu.bitcast %parallel_loop3A_184 : vector<16xi32> -> vector<16xf32>
      %parallel_loop3A_186 = arith.mulf %parallel_loop3A_175, %parallel_loop3A_179 : vector<16xf32>
      %parallel_loop3A_187 = arith.addf %parallel_loop3A_163, %parallel_loop3A_186 : vector<16xf32>
      %parallel_loop3A_188 = arith.mulf %parallel_loop3A_182, %parallel_loop3A_185 : vector<16xf32>
      %parallel_loop3A_189 = arith.addf %parallel_loop3A_187, %parallel_loop3A_188 : vector<16xf32>
      %parallel_loop3A_190 = arith.constant 8 : i32
      %parallel_loop3A_191 = vector.broadcast %parallel_loop3A_190 : i32 to vector<16xi32>
      %parallel_loop3A_192 = arith.xori %iota3A, %parallel_loop3A_191 : vector<16xi32>
      %parallel_loop3A_193 = vector.shape_cast %parallel_loop3A_192 : vector<16xi32> to vector<16x1xi32>
      %parallel_loop3A_194 = vector.shape_cast %parallel_loop3A_193 : vector<16x1xi32> to vector<16xi32>
      %parallel_loop3A_195 = tpu.dynamic_gather %parallel_loop3A_189[%parallel_loop3A_194] in [0] : vector<16xf32>, vector<16xi32> -> vector<16xf32>
      %parallel_loop3A_196 = arith.addf %parallel_loop3A_189, %parallel_loop3A_195 : vector<16xf32>
      %parallel_loop3A_197 = arith.constant 4 : i32
      %parallel_loop3A_198 = vector.broadcast %parallel_loop3A_197 : i32 to vector<16xi32>
      %parallel_loop3A_199 = arith.xori %iota3A, %parallel_loop3A_198 : vector<16xi32>
      %parallel_loop3A_200 = vector.shape_cast %parallel_loop3A_199 : vector<16xi32> to vector<16x1xi32>
      %parallel_loop3A_201 = vector.shape_cast %parallel_loop3A_200 : vector<16x1xi32> to vector<16xi32>
      %parallel_loop3A_202 = tpu.dynamic_gather %parallel_loop3A_196[%parallel_loop3A_201] in [0] : vector<16xf32>, vector<16xi32> -> vector<16xf32>
      %parallel_loop3A_203 = arith.addf %parallel_loop3A_196, %parallel_loop3A_202 : vector<16xf32>
      %parallel_loop3A_204 = arith.constant 2 : i32
      %parallel_loop3A_205 = vector.broadcast %parallel_loop3A_204 : i32 to vector<16xi32>
      %parallel_loop3A_206 = arith.xori %iota3A, %parallel_loop3A_205 : vector<16xi32>
      %parallel_loop3A_207 = vector.shape_cast %parallel_loop3A_206 : vector<16xi32> to vector<16x1xi32>
      %parallel_loop3A_208 = vector.shape_cast %parallel_loop3A_207 : vector<16x1xi32> to vector<16xi32>
      %parallel_loop3A_209 = tpu.dynamic_gather %parallel_loop3A_203[%parallel_loop3A_208] in [0] : vector<16xf32>, vector<16xi32> -> vector<16xf32>
      %parallel_loop3A_210 = arith.addf %parallel_loop3A_203, %parallel_loop3A_209 : vector<16xf32>
      %parallel_loop3A_211 = arith.constant 1 : i32
      %parallel_loop3A_212 = vector.broadcast %parallel_loop3A_211 : i32 to vector<16xi32>
      %parallel_loop3A_213 = arith.xori %iota3A, %parallel_loop3A_212 : vector<16xi32>
      %parallel_loop3A_214 = vector.shape_cast %parallel_loop3A_213 : vector<16xi32> to vector<16x1xi32>
      %parallel_loop3A_215 = vector.shape_cast %parallel_loop3A_214 : vector<16x1xi32> to vector<16xi32>
      %parallel_loop3A_216 = tpu.dynamic_gather %parallel_loop3A_210[%parallel_loop3A_215] in [0] : vector<16xf32>, vector<16xi32> -> vector<16xf32>
      %parallel_loop3A_217 = arith.addf %parallel_loop3A_210, %parallel_loop3A_216 : vector<16xf32>
      %parallel_loop3A_218 = arith.index_cast %parallel_loop3A_83 : i32 to index
      %parallel_loop3A_219 = arith.constant 0 : index
      %parallel_loop3A_220 = tpu.vector_load %arg16[%parallel_loop3A_218, %parallel_loop3A_219] {strides = array<i32>} : memref<80x16xf32, #tpu.memory_space<vmem>>, vector<1x16xf32>,
      %parallel_loop3A_221 = vector.shape_cast %parallel_loop3A_220 : vector<1x16xf32> to vector<16xf32>
      %parallel_loop3A_222 = vector.shape_cast %parallel_loop3A_217 : vector<16xf32> to vector<1x16xf32>
      tpu.vector_store %arg16[%parallel_loop3A_218, %parallel_loop3A_219], %parallel_loop3A_222 {strides = array<i32>} : memref<80x16xf32, #tpu.memory_space<vmem>>, vector<1x16xf32>,
    } {sc.loop_unroll_factor = 2 : i64, sc.parallel_access}
    %parallel_loop3A_80 = arith.constant 0 : i32
    %parallel_loop3A_81 = arith.constant 5 : i32
    %parallel_loop3A_82 = arith.constant 1 : i32
    scf.for %parallel_loop3A_83 = %parallel_loop3A_80 to %parallel_loop3A_81 step %parallel_loop3A_82  : i32 {
      %parallel_loop3A_84 = arith.constant 16 : i32
      %parallel_loop3A_85 = arith.muli %parallel_loop3A_83, %parallel_loop3A_84 : i32
      %parallel_loop3A_86 = arith.index_cast %parallel_loop3A_85 : i32 to index
      %parallel_loop3A_87 = arith.constant 0 : index
      %parallel_loop3A_88 = tpu.vector_load %arg16[%parallel_loop3A_86, %parallel_loop3A_87] {strides = array<i32>} : memref<80x16xf32, #tpu.memory_space<vmem>>, vector<1x16xf32>,
      %parallel_loop3A_89 = vector.shape_cast %parallel_loop3A_88 : vector<1x16xf32> to vector<16xf32>
      %parallel_loop3A_90 = arith.constant 1 : i32
      %parallel_loop3A_91 = vector.broadcast %parallel_loop3A_90 : i32 to vector<16xi32>
      %parallel_loop3A_92 = arith.cmpi eq, %iota3A, %parallel_loop3A_91 : vector<16xi32>
      %parallel_loop3A_93 = arith.constant 16 : i32
      %parallel_loop3A_94 = arith.muli %parallel_loop3A_83, %parallel_loop3A_93 : i32
      %parallel_loop3A_95 = arith.constant 1 : i32
      %parallel_loop3A_96 = arith.addi %parallel_loop3A_94, %parallel_loop3A_95 : i32
      %parallel_loop3A_97 = arith.index_cast %parallel_loop3A_96 : i32 to index
      %parallel_loop3A_98 = arith.constant 0 : index
      %parallel_loop3A_99 = tpu.vector_load %arg16[%parallel_loop3A_97, %parallel_loop3A_98] {strides = array<i32>} : memref<80x16xf32, #tpu.memory_space<vmem>>, vector<1x16xf32>,
      %parallel_loop3A_100 = vector.shape_cast %parallel_loop3A_99 : vector<1x16xf32> to vector<16xf32>
      %parallel_loop3A_101 = arith.select %parallel_loop3A_92, %parallel_loop3A_100, %parallel_loop3A_89 : vector<16xi1>, vector<16xf32>
      %parallel_loop3A_102 = arith.constant 2 : i32
      %parallel_loop3A_103 = vector.broadcast %parallel_loop3A_102 : i32 to vector<16xi32>
      %parallel_loop3A_104 = arith.cmpi eq, %iota3A, %parallel_loop3A_103 : vector<16xi32>
      %parallel_loop3A_105 = arith.constant 16 : i32
      %parallel_loop3A_106 = arith.muli %parallel_loop3A_83, %parallel_loop3A_105 : i32
      %parallel_loop3A_107 = arith.constant 2 : i32
      %parallel_loop3A_108 = arith.addi %parallel_loop3A_106, %parallel_loop3A_107 : i32
      %parallel_loop3A_109 = arith.index_cast %parallel_loop3A_108 : i32 to index
      %parallel_loop3A_110 = arith.constant 0 : index
      %parallel_loop3A_111 = tpu.vector_load %arg16[%parallel_loop3A_109, %parallel_loop3A_110] {strides = array<i32>} : memref<80x16xf32, #tpu.memory_space<vmem>>, vector<1x16xf32>,
      %parallel_loop3A_112 = vector.shape_cast %parallel_loop3A_111 : vector<1x16xf32> to vector<16xf32>
      %parallel_loop3A_113 = arith.select %parallel_loop3A_104, %parallel_loop3A_112, %parallel_loop3A_101 : vector<16xi1>, vector<16xf32>
      %parallel_loop3A_114 = arith.constant 3 : i32
      %parallel_loop3A_115 = vector.broadcast %parallel_loop3A_114 : i32 to vector<16xi32>
      %parallel_loop3A_116 = arith.cmpi eq, %iota3A, %parallel_loop3A_115 : vector<16xi32>
      %parallel_loop3A_117 = arith.constant 16 : i32
      %parallel_loop3A_118 = arith.muli %parallel_loop3A_83, %parallel_loop3A_117 : i32
      %parallel_loop3A_119 = arith.constant 3 : i32
      %parallel_loop3A_120 = arith.addi %parallel_loop3A_118, %parallel_loop3A_119 : i32
      %parallel_loop3A_121 = arith.index_cast %parallel_loop3A_120 : i32 to index
      %parallel_loop3A_122 = arith.constant 0 : index
      %parallel_loop3A_123 = tpu.vector_load %arg16[%parallel_loop3A_121, %parallel_loop3A_122] {strides = array<i32>} : memref<80x16xf32, #tpu.memory_space<vmem>>, vector<1x16xf32>,
      %parallel_loop3A_124 = vector.shape_cast %parallel_loop3A_123 : vector<1x16xf32> to vector<16xf32>
      %parallel_loop3A_125 = arith.select %parallel_loop3A_116, %parallel_loop3A_124, %parallel_loop3A_113 : vector<16xi1>, vector<16xf32>
      %parallel_loop3A_126 = arith.constant 4 : i32
      %parallel_loop3A_127 = vector.broadcast %parallel_loop3A_126 : i32 to vector<16xi32>
      %parallel_loop3A_128 = arith.cmpi eq, %iota3A, %parallel_loop3A_127 : vector<16xi32>
      %parallel_loop3A_129 = arith.constant 16 : i32
      %parallel_loop3A_130 = arith.muli %parallel_loop3A_83, %parallel_loop3A_129 : i32
      %parallel_loop3A_131 = arith.constant 4 : i32
      %parallel_loop3A_132 = arith.addi %parallel_loop3A_130, %parallel_loop3A_131 : i32
      %parallel_loop3A_133 = arith.index_cast %parallel_loop3A_132 : i32 to index
      %parallel_loop3A_134 = arith.constant 0 : index
      %parallel_loop3A_135 = tpu.vector_load %arg16[%parallel_loop3A_133, %parallel_loop3A_134] {strides = array<i32>} : memref<80x16xf32, #tpu.memory_space<vmem>>, vector<1x16xf32>,
      %parallel_loop3A_136 = vector.shape_cast %parallel_loop3A_135 : vector<1x16xf32> to vector<16xf32>
      %parallel_loop3A_137 = arith.select %parallel_loop3A_128, %parallel_loop3A_136, %parallel_loop3A_125 : vector<16xi1>, vector<16xf32>
      %parallel_loop3A_138 = arith.constant 5 : i32
      %parallel_loop3A_139 = vector.broadcast %parallel_loop3A_138 : i32 to vector<16xi32>
      %parallel_loop3A_140 = arith.cmpi eq, %iota3A, %parallel_loop3A_139 : vector<16xi32>
      %parallel_loop3A_141 = arith.constant 16 : i32
      %parallel_loop3A_142 = arith.muli %parallel_loop3A_83, %parallel_loop3A_141 : i32
      %parallel_loop3A_143 = arith.constant 5 : i32
      %parallel_loop3A_144 = arith.addi %parallel_loop3A_142, %parallel_loop3A_143 : i32
      %parallel_loop3A_145 = arith.index_cast %parallel_loop3A_144 : i32 to index
      %parallel_loop3A_146 = arith.constant 0 : index
      %parallel_loop3A_147 = tpu.vector_load %arg16[%parallel_loop3A_145, %parallel_loop3A_146] {strides = array<i32>} : memref<80x16xf32, #tpu.memory_space<vmem>>, vector<1x16xf32>,
      %parallel_loop3A_148 = vector.shape_cast %parallel_loop3A_147 : vector<1x16xf32> to vector<16xf32>
      %parallel_loop3A_149 = arith.select %parallel_loop3A_140, %parallel_loop3A_148, %parallel_loop3A_137 : vector<16xi1>, vector<16xf32>
      %parallel_loop3A_150 = arith.constant 6 : i32
      %parallel_loop3A_151 = vector.broadcast %parallel_loop3A_150 : i32 to vector<16xi32>
      %parallel_loop3A_152 = arith.cmpi eq, %iota3A, %parallel_loop3A_151 : vector<16xi32>
      %parallel_loop3A_153 = arith.constant 16 : i32
      %parallel_loop3A_154 = arith.muli %parallel_loop3A_83, %parallel_loop3A_153 : i32
      %parallel_loop3A_155 = arith.constant 6 : i32
      %parallel_loop3A_156 = arith.addi %parallel_loop3A_154, %parallel_loop3A_155 : i32
      %parallel_loop3A_157 = arith.index_cast %parallel_loop3A_156 : i32 to index
      %parallel_loop3A_158 = arith.constant 0 : index
      %parallel_loop3A_159 = tpu.vector_load %arg16[%parallel_loop3A_157, %parallel_loop3A_158] {strides = array<i32>} : memref<80x16xf32, #tpu.memory_space<vmem>>, vector<1x16xf32>,
      %parallel_loop3A_160 = vector.shape_cast %parallel_loop3A_159 : vector<1x16xf32> to vector<16xf32>
      %parallel_loop3A_161 = arith.select %parallel_loop3A_152, %parallel_loop3A_160, %parallel_loop3A_149 : vector<16xi1>, vector<16xf32>
      %parallel_loop3A_162 = arith.constant 7 : i32
      %parallel_loop3A_163 = vector.broadcast %parallel_loop3A_162 : i32 to vector<16xi32>
      %parallel_loop3A_164 = arith.cmpi eq, %iota3A, %parallel_loop3A_163 : vector<16xi32>
      %parallel_loop3A_165 = arith.constant 16 : i32
      %parallel_loop3A_166 = arith.muli %parallel_loop3A_83, %parallel_loop3A_165 : i32
      %parallel_loop3A_167 = arith.constant 7 : i32
      %parallel_loop3A_168 = arith.addi %parallel_loop3A_166, %parallel_loop3A_167 : i32
      %parallel_loop3A_169 = arith.index_cast %parallel_loop3A_168 : i32 to index
      %parallel_loop3A_170 = arith.constant 0 : index
      %parallel_loop3A_171 = tpu.vector_load %arg16[%parallel_loop3A_169, %parallel_loop3A_170] {strides = array<i32>} : memref<80x16xf32, #tpu.memory_space<vmem>>, vector<1x16xf32>,
      %parallel_loop3A_172 = vector.shape_cast %parallel_loop3A_171 : vector<1x16xf32> to vector<16xf32>
      %parallel_loop3A_173 = arith.select %parallel_loop3A_164, %parallel_loop3A_172, %parallel_loop3A_161 : vector<16xi1>, vector<16xf32>
      %parallel_loop3A_174 = arith.constant 8 : i32
      %parallel_loop3A_175 = vector.broadcast %parallel_loop3A_174 : i32 to vector<16xi32>
      %parallel_loop3A_176 = arith.cmpi eq, %iota3A, %parallel_loop3A_175 : vector<16xi32>
      %parallel_loop3A_177 = arith.constant 16 : i32
      %parallel_loop3A_178 = arith.muli %parallel_loop3A_83, %parallel_loop3A_177 : i32
      %parallel_loop3A_179 = arith.constant 8 : i32
      %parallel_loop3A_180 = arith.addi %parallel_loop3A_178, %parallel_loop3A_179 : i32
      %parallel_loop3A_181 = arith.index_cast %parallel_loop3A_180 : i32 to index
      %parallel_loop3A_182 = arith.constant 0 : index
      %parallel_loop3A_183 = tpu.vector_load %arg16[%parallel_loop3A_181, %parallel_loop3A_182] {strides = array<i32>} : memref<80x16xf32, #tpu.memory_space<vmem>>, vector<1x16xf32>,
      %parallel_loop3A_184 = vector.shape_cast %parallel_loop3A_183 : vector<1x16xf32> to vector<16xf32>
      %parallel_loop3A_185 = arith.select %parallel_loop3A_176, %parallel_loop3A_184, %parallel_loop3A_173 : vector<16xi1>, vector<16xf32>
      %parallel_loop3A_186 = arith.constant 9 : i32
      %parallel_loop3A_187 = vector.broadcast %parallel_loop3A_186 : i32 to vector<16xi32>
      %parallel_loop3A_188 = arith.cmpi eq, %iota3A, %parallel_loop3A_187 : vector<16xi32>
      %parallel_loop3A_189 = arith.constant 16 : i32
      %parallel_loop3A_190 = arith.muli %parallel_loop3A_83, %parallel_loop3A_189 : i32
      %parallel_loop3A_191 = arith.constant 9 : i32
      %parallel_loop3A_192 = arith.addi %parallel_loop3A_190, %parallel_loop3A_191 : i32
      %parallel_loop3A_193 = arith.index_cast %parallel_loop3A_192 : i32 to index
      %parallel_loop3A_194 = arith.constant 0 : index
      %parallel_loop3A_195 = tpu.vector_load %arg16[%parallel_loop3A_193, %parallel_loop3A_194] {strides = array<i32>} : memref<80x16xf32, #tpu.memory_space<vmem>>, vector<1x16xf32>,
      %parallel_loop3A_196 = vector.shape_cast %parallel_loop3A_195 : vector<1x16xf32> to vector<16xf32>
      %parallel_loop3A_197 = arith.select %parallel_loop3A_188, %parallel_loop3A_196, %parallel_loop3A_185 : vector<16xi1>, vector<16xf32>
      %parallel_loop3A_198 = arith.constant 10 : i32
      %parallel_loop3A_199 = vector.broadcast %parallel_loop3A_198 : i32 to vector<16xi32>
      %parallel_loop3A_200 = arith.cmpi eq, %iota3A, %parallel_loop3A_199 : vector<16xi32>
      %parallel_loop3A_201 = arith.constant 16 : i32
      %parallel_loop3A_202 = arith.muli %parallel_loop3A_83, %parallel_loop3A_201 : i32
      %parallel_loop3A_203 = arith.constant 10 : i32
      %parallel_loop3A_204 = arith.addi %parallel_loop3A_202, %parallel_loop3A_203 : i32
      %parallel_loop3A_205 = arith.index_cast %parallel_loop3A_204 : i32 to index
      %parallel_loop3A_206 = arith.constant 0 : index
      %parallel_loop3A_207 = tpu.vector_load %arg16[%parallel_loop3A_205, %parallel_loop3A_206] {strides = array<i32>} : memref<80x16xf32, #tpu.memory_space<vmem>>, vector<1x16xf32>,
      %parallel_loop3A_208 = vector.shape_cast %parallel_loop3A_207 : vector<1x16xf32> to vector<16xf32>
      %parallel_loop3A_209 = arith.select %parallel_loop3A_200, %parallel_loop3A_208, %parallel_loop3A_197 : vector<16xi1>, vector<16xf32>
      %parallel_loop3A_210 = arith.constant 11 : i32
      %parallel_loop3A_211 = vector.broadcast %parallel_loop3A_210 : i32 to vector<16xi32>
      %parallel_loop3A_212 = arith.cmpi eq, %iota3A, %parallel_loop3A_211 : vector<16xi32>
      %parallel_loop3A_213 = arith.constant 16 : i32
      %parallel_loop3A_214 = arith.muli %parallel_loop3A_83, %parallel_loop3A_213 : i32
      %parallel_loop3A_215 = arith.constant 11 : i32
      %parallel_loop3A_216 = arith.addi %parallel_loop3A_214, %parallel_loop3A_215 : i32
      %parallel_loop3A_217 = arith.index_cast %parallel_loop3A_216 : i32 to index
      %parallel_loop3A_218 = arith.constant 0 : index
      %parallel_loop3A_219 = tpu.vector_load %arg16[%parallel_loop3A_217, %parallel_loop3A_218] {strides = array<i32>} : memref<80x16xf32, #tpu.memory_space<vmem>>, vector<1x16xf32>,
      %parallel_loop3A_220 = vector.shape_cast %parallel_loop3A_219 : vector<1x16xf32> to vector<16xf32>
      %parallel_loop3A_221 = arith.select %parallel_loop3A_212, %parallel_loop3A_220, %parallel_loop3A_209 : vector<16xi1>, vector<16xf32>
      %parallel_loop3A_222 = arith.constant 12 : i32
      %parallel_loop3A_223 = vector.broadcast %parallel_loop3A_222 : i32 to vector<16xi32>
      %parallel_loop3A_224 = arith.cmpi eq, %iota3A, %parallel_loop3A_223 : vector<16xi32>
      %parallel_loop3A_225 = arith.constant 16 : i32
      %parallel_loop3A_226 = arith.muli %parallel_loop3A_83, %parallel_loop3A_225 : i32
      %parallel_loop3A_227 = arith.constant 12 : i32
      %parallel_loop3A_228 = arith.addi %parallel_loop3A_226, %parallel_loop3A_227 : i32
      %parallel_loop3A_229 = arith.index_cast %parallel_loop3A_228 : i32 to index
      %parallel_loop3A_230 = arith.constant 0 : index
      %parallel_loop3A_231 = tpu.vector_load %arg16[%parallel_loop3A_229, %parallel_loop3A_230] {strides = array<i32>} : memref<80x16xf32, #tpu.memory_space<vmem>>, vector<1x16xf32>,
      %parallel_loop3A_232 = vector.shape_cast %parallel_loop3A_231 : vector<1x16xf32> to vector<16xf32>
      %parallel_loop3A_233 = arith.select %parallel_loop3A_224, %parallel_loop3A_232, %parallel_loop3A_221 : vector<16xi1>, vector<16xf32>
      %parallel_loop3A_234 = arith.constant 13 : i32
      %parallel_loop3A_235 = vector.broadcast %parallel_loop3A_234 : i32 to vector<16xi32>
      %parallel_loop3A_236 = arith.cmpi eq, %iota3A, %parallel_loop3A_235 : vector<16xi32>
      %parallel_loop3A_237 = arith.constant 16 : i32
      %parallel_loop3A_238 = arith.muli %parallel_loop3A_83, %parallel_loop3A_237 : i32
      %parallel_loop3A_239 = arith.constant 13 : i32
      %parallel_loop3A_240 = arith.addi %parallel_loop3A_238, %parallel_loop3A_239 : i32
      %parallel_loop3A_241 = arith.index_cast %parallel_loop3A_240 : i32 to index
      %parallel_loop3A_242 = arith.constant 0 : index
      %parallel_loop3A_243 = tpu.vector_load %arg16[%parallel_loop3A_241, %parallel_loop3A_242] {strides = array<i32>} : memref<80x16xf32, #tpu.memory_space<vmem>>, vector<1x16xf32>,
      %parallel_loop3A_244 = vector.shape_cast %parallel_loop3A_243 : vector<1x16xf32> to vector<16xf32>
      %parallel_loop3A_245 = arith.select %parallel_loop3A_236, %parallel_loop3A_244, %parallel_loop3A_233 : vector<16xi1>, vector<16xf32>
      %parallel_loop3A_246 = arith.constant 14 : i32
      %parallel_loop3A_247 = vector.broadcast %parallel_loop3A_246 : i32 to vector<16xi32>
      %parallel_loop3A_248 = arith.cmpi eq, %iota3A, %parallel_loop3A_247 : vector<16xi32>
      %parallel_loop3A_249 = arith.constant 16 : i32
      %parallel_loop3A_250 = arith.muli %parallel_loop3A_83, %parallel_loop3A_249 : i32
      %parallel_loop3A_251 = arith.constant 14 : i32
      %parallel_loop3A_252 = arith.addi %parallel_loop3A_250, %parallel_loop3A_251 : i32
      %parallel_loop3A_253 = arith.index_cast %parallel_loop3A_252 : i32 to index
      %parallel_loop3A_254 = arith.constant 0 : index
      %parallel_loop3A_255 = tpu.vector_load %arg16[%parallel_loop3A_253, %parallel_loop3A_254] {strides = array<i32>} : memref<80x16xf32, #tpu.memory_space<vmem>>, vector<1x16xf32>,
      %parallel_loop3A_256 = vector.shape_cast %parallel_loop3A_255 : vector<1x16xf32> to vector<16xf32>
      %parallel_loop3A_257 = arith.select %parallel_loop3A_248, %parallel_loop3A_256, %parallel_loop3A_245 : vector<16xi1>, vector<16xf32>
      %parallel_loop3A_258 = arith.constant 15 : i32
      %parallel_loop3A_259 = vector.broadcast %parallel_loop3A_258 : i32 to vector<16xi32>
      %parallel_loop3A_260 = arith.cmpi eq, %iota3A, %parallel_loop3A_259 : vector<16xi32>
      %parallel_loop3A_261 = arith.constant 16 : i32
      %parallel_loop3A_262 = arith.muli %parallel_loop3A_83, %parallel_loop3A_261 : i32
      %parallel_loop3A_263 = arith.constant 15 : i32
      %parallel_loop3A_264 = arith.addi %parallel_loop3A_262, %parallel_loop3A_263 : i32
      %parallel_loop3A_265 = arith.index_cast %parallel_loop3A_264 : i32 to index
      %parallel_loop3A_266 = arith.constant 0 : index
      %parallel_loop3A_267 = tpu.vector_load %arg16[%parallel_loop3A_265, %parallel_loop3A_266] {strides = array<i32>} : memref<80x16xf32, #tpu.memory_space<vmem>>, vector<1x16xf32>,
      %parallel_loop3A_268 = vector.shape_cast %parallel_loop3A_267 : vector<1x16xf32> to vector<16xf32>
      %parallel_loop3A_269 = arith.select %parallel_loop3A_260, %parallel_loop3A_268, %parallel_loop3A_257 : vector<16xi1>, vector<16xf32>
      %parallel_loop3A_270 = arith.constant 16 : i32
      %parallel_loop3A_271 = arith.muli %parallel_loop3A_83, %parallel_loop3A_270 : i32
      %parallel_loop3A_272 = arith.constant 9920 : i32
      %parallel_loop3A_273 = arith.addi %parallel_loop3A_272, %parallel_loop3A_271 : i32
      %parallel_loop3A_274 = arith.index_cast %parallel_loop3A_273 : i32 to index
      %parallel_loop3A_275 = tpu.vector_load %arg15[%parallel_loop3A_274] {strides = array<i32>} : memref<10000xf32, #tpu.memory_space<vmem>>, vector<16xf32>,
      %parallel_loop3A_276 = vector.shape_cast %parallel_loop3A_275 : vector<16xf32> to vector<16xf32>
      %parallel_loop3A_277 = vector.shape_cast %parallel_loop3A_269 : vector<16xf32> to vector<16xf32>
      tpu.vector_store %arg15[%parallel_loop3A_274], %parallel_loop3A_277 {strides = array<i32>} : memref<10000xf32, #tpu.memory_space<vmem>>, vector<16xf32>,
    } {sc.loop_unroll_factor = 1 : i64, sc.parallel_access}
    "tpu.region"() ({
      %run_scoped3A = tpu.sem_alloc : memref<!tpu.dma_semaphore, #tpu.memory_space<semaphore_mem>>
      %dma_start3A_83 = tpu.memref_slice %arg4[%mul3A_2] : memref<320000xf32, #tpu.memory_space<hbm>> -> memref<10000xf32, #tpu.memory_space<hbm>>
      %dma_start3A_84 = tpu.memref_slice %arg4[%mul3A_2] : memref<320000xf32, #tpu.memory_space<hbm>> -> memref<10000xf32, #tpu.memory_space<hbm>>
      tpu.enqueue_dma source(%arg15 : memref<10000xf32, #tpu.memory_space<vmem>>) target(%dma_start3A_84 : memref<10000xf32, #tpu.memory_space<hbm>>) target_semaphore(%run_scoped3A : memref<!tpu.dma_semaphore, #tpu.memory_space<semaphore_mem>>)
      %dma_wait3A_85 = tpu.memref_slice %arg4[%mul3A_2] : memref<320000xf32, #tpu.memory_space<hbm>> -> memref<10000xf32, #tpu.memory_space<hbm>>
      %dma_wait3A_86 = tpu.memref_slice %arg4[%mul3A_2] : memref<320000xf32, #tpu.memory_space<hbm>> -> memref<10000xf32, #tpu.memory_space<hbm>>
      tpu.wait_dma2 semaphore(%run_scoped3A : memref<!tpu.dma_semaphore, #tpu.memory_space<semaphore_mem>>) src(%arg15 : memref<10000xf32, #tpu.memory_space<vmem>>) dst(%dma_wait3A_86 : memref<10000xf32, #tpu.memory_space<hbm>>)
      tpu.yield
    }) : () -> ()
    return
  }
}

module attributes {stable_mosaic.version = 14 : i64} {
  func.func @body(%arg0: i32, %arg1: memref<2000x128xf32, #tpu.memory_space<vmem>>, %arg2: memref<2000x64xi32, #tpu.memory_space<vmem>>) attributes {dimension_semantics = [#tpu.dimension_semantics<arbitrary>], iteration_bounds = array<i64: 5>, scalar_prefetch = 0 : i64, scratch_operands = 0 : i64, tpu.core_type = #tpu.core_type<tc>, window_params = [{transform_indices = @transform_0, window_bounds = array<i64: 2000, 128>}, {transform_indices = @transform_1, window_bounds = array<i64: 2000, 64>}]} {
    %get3A = arith.constant 0 : index
    %get3A_0 = arith.constant 0 : index
    %get3A_1 = vector.load %arg1[%get3A, %get3A_0] : memref<2000x128xf32, #tpu.memory_space<vmem>>, vector<2000x128xf32>
    %mul3A = arith.mulf %get3A_1, %get3A_1 : vector<2000x128xf32>
    %reduce_sum3A = arith.constant dense<0.000000e+00> : vector<2000xf32>
    %reduce_sum3A_2 = vector.multi_reduction <add>, %mul3A, %reduce_sum3A [1] : vector<2000x128xf32> to vector<2000xf32>
    %broadcast_in_dim3A = vector.shape_cast %reduce_sum3A_2 : vector<2000xf32> to vector<2000x1xf32>
    %max3A = arith.constant 1.000000e-24 : f32
    %max3A_3 = vector.broadcast %max3A : f32 to vector<2000x1xf32>
    %max3A_4 = arith.maximumf %broadcast_in_dim3A, %max3A_3 : vector<2000x1xf32>
    %rsqrt3A = math.rsqrt %max3A_4 : vector<2000x1xf32>
    %mul3A_5 = vector.broadcast %rsqrt3A : vector<2000x1xf32> to vector<2000x128xf32>
    %mul3A_6 = arith.mulf %get3A_1, %mul3A_5 : vector<2000x128xf32>
    %bitcast_convert_type3A = tpu.bitcast %mul3A_6 : vector<2000x128xf32> -> vector<2000x128xi32>
    %add3A = arith.constant 32767 : i32
    %add3A_7 = vector.broadcast %add3A : i32 to vector<2000x128xi32>
    %add3A_8 = arith.addi %bitcast_convert_type3A, %add3A_7 : vector<2000x128xi32>
    %shift_right_logical3A = arith.constant 16 : i32
    %shift_right_logical3A_9 = vector.broadcast %shift_right_logical3A : i32 to vector<2000x128xi32>
    %shift_right_logical3A_10 = arith.shrui %bitcast_convert_type3A, %shift_right_logical3A_9 : vector<2000x128xi32>
    %and3A = arith.constant 1 : i32
    %and3A_11 = vector.broadcast %and3A : i32 to vector<2000x128xi32>
    %and3A_12 = arith.andi %shift_right_logical3A_10, %and3A_11 : vector<2000x128xi32>
    %add3A_13 = arith.addi %add3A_8, %and3A_12 : vector<2000x128xi32>
    %shift_right_logical3A_14 = arith.constant 16 : i32
    %shift_right_logical3A_15 = vector.broadcast %shift_right_logical3A_14 : i32 to vector<2000x128xi32>
    %shift_right_logical3A_16 = arith.shrui %add3A_13, %shift_right_logical3A_15 : vector<2000x128xi32>
    %slice3A = vector.extract_strided_slice %shift_right_logical3A_16 {offsets = [0, 0], sizes = [2000, 64], strides = [1, 1]} : vector<2000x128xi32> to vector<2000x64xi32>
    %slice3A_17 = vector.extract_strided_slice %shift_right_logical3A_16 {offsets = [0, 64], sizes = [2000, 64], strides = [1, 1]} : vector<2000x128xi32> to vector<2000x64xi32>
    %shift_left3A = arith.constant 16 : i32
    %shift_left3A_18 = vector.broadcast %shift_left3A : i32 to vector<2000x64xi32>
    %shift_left3A_19 = arith.shli %slice3A_17, %shift_left3A_18 : vector<2000x64xi32>
    %or3A = arith.ori %slice3A, %shift_left3A_19 : vector<2000x64xi32>
    %swap3A = arith.constant 0 : index
    %swap3A_20 = arith.constant 0 : index
    %swap3A_21 = vector.load %arg2[%swap3A, %swap3A_20] : memref<2000x64xi32, #tpu.memory_space<vmem>>, vector<2000x64xi32>
    tpu.vector_store %arg2[%swap3A, %swap3A_20], %or3A {strides = array<i32>} : memref<2000x64xi32, #tpu.memory_space<vmem>>, vector<2000x64xi32>,
    return
  }
  func.func @transform_0(%arg0: i32) -> (i32, i32) {
    %c0_i32 = arith.constant 0 : i32
    %c0_i32_0 = arith.constant 0 : i32
    return %arg0, %c0_i32 : i32, i32
  }
  func.func @transform_1(%arg0: i32) -> (i32, i32) {
    %c0_i32 = arith.constant 0 : i32
    %c0_i32_0 = arith.constant 0 : i32
    return %arg0, %c0_i32 : i32, i32
  }
}

</mosaic_0001>

<sc_bundles>
// kernel: kernel.4.cloned.1.call-start
scs
__scs_entry_jumppad:
0x0: {  	(pc) =	sbr.rel $0x88, $3  }
0x1: {  	(tag) =	ssettag $0x0;
	lr =	simm.s32 $0x1  }
0x2: {  	[smem:$0x3F9F] =	sst lr;
	_ =	strace $0xD0000000  }
0x3: {  	_ = 	snop  }
0x4: {  	_ = 	snop  }
0x5: {  	_ = 	snop  }
0x6: {  	_ = 	snop  }
0x7: {  	_ = 	snop  }
__scs_overlays_trampoline_lowered:
0x8: {  	[smem:$0x3FAE] =	sst s0  }
0x9: {  	[smem:$0x3FAF] =	sst s1  }
0xa: {  	[smem:$0x3FB0] =	sst s2  }
0xb: {  	[smem:$0x3FB1] =	sst s3  }
0xc: {  	[smem:$0x3FB2] =	sst s4  }
0xd: {  	[smem:$0x3FB3] =	sst s5  }
0xe: {  	[smem:$0x3FB4] =	sst s6  }
0xf: {  	[smem:$0x3FB5] =	sst s7  }
0x10: {  	[smem:$0x3FB6] =	sst s8  }
0x11: {  	[smem:$0x3FB7] =	sst s9;
	s0 =	simm.s32 @!p0 $0x0  }
0x12: {  	s1 =	sld [smem:$0x3F9D];
	s0 =	simm.s32 @p0 $0x1  }
0x13: {  	[smem:$0x3FB8] =	sst s0;
	s0 =	simm.s32 @!p1 $0x0  }
0x14: {  	s2 =	sld [smem:$0x3F9C];
	s0 =	simm.s32 @p1 $0x1  }
0x15: {  	[smem:$0x3FB9] =	sst s0;
	s0 =	simm.s32 @!p2 $0x0  }
0x16: {  	s3 =	sld [smem:$0x3FDB];
	s0 =	simm.s32 @p2 $0x1  }
0x17: {  	s4 =	simm.s32 $0x1BF5;
	[smem:$0x3FBB] =	sst s0  }
0x18: {  	s0 =	sld [smem:$0x3F9E];
	_ =	swait.ge [sflag:s4], $0x0  }
0x19: {  	s7 =	sld [smem:$0x3F9F]  }
0x1a: {  	s8 =	sadd.s32 $0xFFFFE003, lr  }
0x1b: {  	s9 =	sadd.s32 $0xFFFFFEF7, lr;
	s5 =	simm.s32 $0xFFFFFFFF;
	p2 =	slt.u32 s8, $0xFFFFF086  }
0x1c: {  	p1 =	slt.u32 s9, $0xF7A;
	s5 =	simm.s32 @!p2 $0x0  }
0x1d: {  	s5 =	simm.s32 @p1 $0x1;
	p0 =	seq.s32 s7, s2  }
0x1e: {  	s7 =	smul.u32 @!p0 $0xF7A, s2;
	p2 =	seq.s32 @!p0 s5, $0x0  }
0x1f: {  	s9 =	smul.u32 $0xF7A, s1;
	s8 =	simm.s32 @!p0 $0x1BF5;
	p2 =	por !p2, p0  }
0x20: {  	[sflag:s8] =	ssyncset.s32 @!p0 $0xFFFFF086;
	s6 =	sadd.s32 @!p0 s3, s7;
	s7 =	simm.s32 @!p0 $0x108  }
0x21: {  	s3 =	sadd.s32 s3, s9;
	s6 =	sadd.s32 @!p0 $0x88, s6;
	s7 =	simm.s32 @p2 $0x1082  }
0x22: {  	[simem:s7], [sflag:s8] =	dma.local @!p0 [hbm:s6], $0xF7A  }
0x23: {  	s9 =	sor.u32 $0xD0000000, s2;
	s6 =	simm.s32 $0x108;
	_ =	swait.ge @!p0 [sflag:s8], $0x0  }
0x24: {  	s3 =	sadd.s32 $0x88, s3;
	s6 =	simm.s32 @!p1 $0x1082;
	[sflag:s4] =	ssyncset.s32 $0xFFFFF086  }
0x25: {  	[simem:s6], [sflag:s4] =	dma.local [hbm:s3], $0xF7A  }
0x26: {  	[smem:$0x3F9F] =	sst s1;
	(tag) =	ssettag s2;
	_ =	strace s9  }
0x27: {  	s1 =	sld [smem:$0x3FAF]  }
0x28: {  	s2 =	sld [smem:$0x3FB0]  }
0x29: {  	s4 =	sld [smem:$0x3FB2]  }
0x2a: {  	p0 =	seq.s32 s5, $0x0;
	s5 =	sld [smem:$0x3FB3]  }
0x2b: {  	s6 =	sld [smem:$0x3FB4]  }
0x2c: {  	s7 =	sld [smem:$0x3FB5]  }
0x2d: {  	s3 =	simm.s32 $0x108;
	s8 =	sld [smem:$0x3FB6]  }
0x2e: {  	s3 =	simm.s32 @!p0 $0x1082;
	s9 =	sld [smem:$0x3FB7]  }
0x2f: {  	lr =	sadd.s32 s0, s3;
	s0 =	sld [smem:$0x3FAE]  }
0x30: {  	s3 =	sld [smem:$0x3FB1]  }
0x31: {  	[smem:$0x3FBA] =	sst s10  }
0x32: {  	s10 =	sld [smem:$0x3FB8];
	_ =	sdelay $0x3  }
0x33: {  	p0 =	seq.s32 s10, $0x1;
	s10 =	sld [smem:$0x3FBA];
	_ =	sdelay $0x3  }
0x34: {  	[smem:$0x3FBA] =	sst s10  }
0x35: {  	s10 =	sld [smem:$0x3FB9];
	_ =	sdelay $0x3  }
0x36: {  	p1 =	seq.s32 s10, $0x1;
	s10 =	sld [smem:$0x3FBA];
	_ =	sdelay $0x3  }
0x37: {  	[smem:$0x3FBA] =	sst s10  }
0x38: {  	s10 =	sld [smem:$0x3FBB]  }
0x39: {  	_ = 	snop;
	(pc) =	sbr.ind lr, $3  }
0x3a: {  	_ = 	snop  }
0x3b: {  	_ = 	snop  }
0x3c: {  	p2 =	seq.s32 s10, $0x1;
	s10 =	sld [smem:$0x3FBA]  }
0x3d: {  	_ =	shalt  }
0x3e: {  	_ =	shalt  }
0x3f: {  	_ =	shalt  }
0x40: {  	_ =	shalt  }
0x41: {  	_ =	shalt  }
0x42: {  	_ =	shalt  }
0x43: {  	_ =	shalt  }
0x44: {  	_ =	shalt  }
0x45: {  	_ =	shalt  }
0x46: {  	_ =	shalt  }
0x47: {  	_ =	shalt  }
0x48: {  	_ =	shalt  }
0x49: {  	_ =	shalt  }
0x4a: {  	_ =	shalt  }
0x4b: {  	_ =	shalt  }
0x4c: {  	_ =	shalt  }
0x4d: {  	_ =	shalt  }
0x4e: {  	_ =	shalt  }
0x4f: {  	_ =	shalt  }
0x50: {  	_ =	shalt  }
0x51: {  	_ =	shalt  }
0x52: {  	_ =	shalt  }
0x53: {  	_ =	shalt  }
0x54: {  	_ =	shalt  }
0x55: {  	_ =	shalt  }
0x56: {  	_ =	shalt  }
0x57: {  	_ =	shalt  }
0x58: {  	_ =	shalt  }
0x59: {  	_ =	shalt  }
0x5a: {  	_ =	shalt  }
0x5b: {  	_ =	shalt  }
0x5c: {  	_ =	shalt  }
0x5d: {  	_ =	shalt  }
0x5e: {  	_ =	shalt  }
0x5f: {  	_ =	shalt  }
0x60: {  	_ =	shalt  }
0x61: {  	_ =	shalt  }
0x62: {  	_ =	shalt  }
0x63: {  	_ =	shalt  }
0x64: {  	_ =	shalt  }
0x65: {  	_ =	shalt  }
0x66: {  	_ =	shalt  }
0x67: {  	_ =	shalt  }
0x68: {  	_ =	shalt  }
0x69: {  	_ =	shalt  }
0x6a: {  	_ =	shalt  }
0x6b: {  	_ =	shalt  }
0x6c: {  	_ =	shalt  }
0x6d: {  	_ =	shalt  }
0x6e: {  	_ =	shalt  }
0x6f: {  	_ =	shalt  }
0x70: {  	_ =	shalt  }
0x71: {  	_ =	shalt  }
0x72: {  	_ =	shalt  }
0x73: {  	_ =	shalt  }
0x74: {  	_ =	shalt  }
0x75: {  	_ =	shalt  }
0x76: {  	_ =	shalt  }
0x77: {  	_ =	shalt  }
0x78: {  	_ =	shalt  }
0x79: {  	_ =	shalt  }
0x7a: {  	_ =	shalt  }
0x7b: {  	_ =	shalt  }
0x7c: {  	_ =	shalt  }
0x7d: {  	_ =	shalt  }
0x7e: {  	_ =	shalt  }
0x7f: {  	_ =	shalt  }
0x80: {  	_ =	shalt  }
0x81: {  	_ =	shalt  }
0x82: {  	_ =	shalt  }
0x83: {  	_ =	shalt  }
0x84: {  	_ =	shalt  }
0x85: {  	_ =	shalt  }
0x86: {  	_ =	shalt  }
0x87: {  	_ =	shalt  }
.Lfunc_end0:
.L_simem_size_0:
called_computation_lowered:
.L_overlay_start_0:
0x88: {  	s2 =	sld [smem:$0x3FD9]  }
0x89: {  	s3 =	sld [smem:$0x3FFE];
	_ =	sdelay $0x1  }
0x8a: {  	s1 =	srdreg.scid  }
0x8b: {  	s0 =	sand.u32 $0x1, s1  }
0x8c: {  	s17 =	sshll.u32 s0, $0xA;
	s2 =	sadd.s32 s3, s2  }
0x8d: {  	s2 =	sadd.s32 s2, s17  }
0x8e: {  	[smem:$0x3FC6] =	sst s2  }
0x8f: {  	_ = 	snop  }
0x90: {  	s2 =	sld [smem:$0x3FD0];
	(tm) =	ssettm $0x1  }
0x91: {  	s18 =	sld [smem:$0x3FFB];
	_ =	sdelay $0x3  }
0x92: {  	_ =	strace s18  }
0x93: {  	s3 =	sld [smem:$0x3FFC];
	_ =	sdelay $0x3  }
0x94: {  	_ =	strace s3  }
0x95: {  	s3 =	sld [smem:$0x3FFD];
	_ =	sdelay $0x3  }
0x96: {  	_ =	strace s3  }
0x97: {  	_ =	strace $0x8FFFFFFF  }
0x98: {  	s19 =	sld [smem:$0x3FDB];
	_ =	sdelay $0x1  }
0x99: {  	s4 =	simm.s32 $_scs_section_size  }
0x9a: {  	s5 =	simm.s32 $_size__tile_overlayer_lowered;
	s6 =	simm.s32 $_tile_overlayer_lowered  }
0x9b: {  	s22 =	simm.s32 $0x1BFF;
	s21 =	sshll.u32 s6, $0x1;
	s3 =	sadd.s32 s4, s19  }
0x9c: {  	s7 =	simm.s32 $0x0;
	s20 =	sshll.u32 s5, $0x1;
	s5 =	sadd.s32 s21, s3  }
0x9d: {  	[timem:s7], [sflag:s22] =	dma.local [hbm:s5], s20  }
0x9e: {  	_ =	swait.ge [sflag:s22], s20  }
0x9f: {  	s4 =	ssub.s32 $0x0, s20;
	[sflag:s22] =	ssyncset.done $0x0  }
0xa0: {  	[sflag:s22] =	ssyncadd.s32 s4;
	_ =	sdelay $0x1  }
0xa1: {  	s23 =	simm.s32 $0x1B8B  }
0xa2: {  	_ =	swait.ge [sflag:s23], $0x1  }
0xa3: {  	[sflag:s23] =	ssyncset.done $0x0  }
0xa4: {  	s25 =	simm.s32 $0x1B8E;
	s24 =	sld [smem:$0x3FFE];
	[sflag:s23] =	ssyncadd.s32 $0xFFFFFFFF  }
0xa5: {  	s26 =	simm.s32 $execute0_lowered;
	[smem:$0x3FD2] =	sst s25  }
0xa6: {  	s5 =	sshll.u32 s26, $0x1;
	_ =	strace $0x80000046;
	[dreg:$0x1] =	wrdreg $0xFFFFFFFF  }
0xa7: {  	s28 =	simm.s32 $_size_execute0_lowered;
	s3 =	sadd.s32 s3, s5;
	[dreg:$0x0] =	wrdreg $0x0  }
0xa8: {  	s5 =	sshll.u32 s28, $0x1;
	[dreg:$0x2] =	wrdreg s3  }
0xa9: {  	[dreg:$0x3] =	wrdreg s5  }
0xaa: {  	[dreg:$0x4] =	wrdreg $0xC0  }
0xab: {  	_ =	task [dreg:s7], $0x5FFFF  }
0xac: {  	[dreg:$0x1] =	wrdreg $0xFFFFFFFF  }
0xad: {  	[dreg:$0x0] =	wrdreg $0x60  }
0xae: {  	[dreg:$0x2] =	wrdreg s24  }
0xaf: {  	[dreg:$0x3] =	wrdreg s2  }
0xb0: {  	[dreg:$0x4] =	wrdreg $0x9  }
0xb1: {  	_ =	task.clear_ibuf [dreg:s7], $0x5FFFF;
	_ =	strace $0x90000046  }
0xb2: {  	s29 =	simm.s32 $0x9;
	_ =	strace $0x80000048  }
0xb3: {  	_ =	swait.ge [sflag:s29], $0x1  }
0xb4: {  	[sflag:s29] =	ssyncadd.s32 $0xFFFFFFFF  }
0xb5: {  	_ =	strace $0x90000048  }
0xb6: {  	_ =	sfence  }
0xb7: {  	s30 =	sld [smem:$0x0];
	_ =	sdelay $0x2  }
0xb8: {  	s31 =	sshll.u32 s1, $0xD;
	s1 =	sshrl.u32 s1, $0x2  }
0xb9: {  	s3 =	sand.u32 $0x4000, s31;
	s1 =	sadd.s32 s1, s30  }
0xba: {  	s0 =	sor.u32 s3, s0;
	s1 =	sshll.u32 s1, $0x11  }
0xbb: {  	s0 =	sor.u32 s1, s0  }
0xbc: {  	s0 =	sadd.s32 $0x8F2B, s0  }
0xbd: {  	[sflag:s0] =	ssyncadd.remote.s32 $0x1  }
0xbe: {  	_ =	sfence.sel $0xFFFF  }
0xbf: {  	[dreg:$0x0] =	wrdreg $0xFFFFFFFF;
	(pc) =	sbr.abs _section_cstart, $3  }
0xc0: {  	[dreg:$0x1] =	wrdreg $0xFFFFFFFF  }
0xc1: {  	_ =	task.clear_ibuf [dreg:s7], $0x2FFFF;
	_ =	strace $0x9FFFFFFF  }
0xc2: {  	(tm) =	ssettm $0x7FFFFFFF  }
0xc3: {  	_ =	shalt  }
tec
execute0_lowered:
.L_overlay_start_1:
0x0: {  	(tag) =	ssettag $0x1  }
0x1: {  	v0 =	vimm.s32 $0xFEDCBA98;
	v1 =	vimm.s32 $0x76543210  }
0x2: {  	v2 =	vimm.s32 $0xBA98FEDC;
	v3 =	vimm.s32 $0x32107654;
	v4 =	vimm.s32 $0xDCFE98BA  }
0x3: {  	s0 =	srdreg.scid;
	v5 =	vimm.s32 $0x54761032;
	v6 =	vimm.s32 $0xEFCDAB89;
	v7 =	vimm.s32 $0x67452301  }
0x4: {  	s1 =	stileid.u32;
	s2 =	rddreg [dreg:$0x0];
	vm0 =	vmmov $0x1;
	vm1 =	vmmov $0x3;
	vm2 =	vmmov $0x7  }
0x5: {  	s4 =	rddreg [dreg:$0x1];
	s9 =	simm.s32 $0x1;
	s10 =	simm.s32 $0x5;
	vm3 =	vmmov $0xf;
	vm4 =	vmmov $0x1f;
	vm5 =	vmmov $0x3f  }
0x6: {  	s11 =	simm.s32 $0x50;
	s12 =	simm.s32 $0x4E20;
	s13 =	simm.s32 $0x9E20;
	vm6 =	vmmov $0x7f;
	vm7 =	vmmov $0xff;
	vm8 =	vmmov $0x1ff  }
0x7: {  	s22 =	simm.s32 $0x8A20;
	s24 =	simm.s32 $0xDA20;
	s28 =	simm.s32 $0x3;
	vm9 =	vmmov $0x3ff;
	vm10 =	vmmov $0x7ff;
	vm11 =	vmmov $0xfff  }
0x8: {  	s29 =	simm.s32 $0x7;
	v0 =	vunpack.c.l.s4.s8 v0;
	s0 =	sand.u32 $0x1, s0;
	s3 =	sshll.u32 s1, $0x1;
	v1 =	vunpack.c.l.s4.s8 v1;
	v2 =	vunpack.c.l.s4.s8 v2  }
0x9: {  	s30 =	simm.s32 $0x4;
	s31 =	simm.s32 $0x8;
	v3 =	vunpack.c.l.s4.s8 v3;
	v4 =	vunpack.c.l.s4.s8 v4;
	v5 =	vunpack.c.l.s4.s8 v5;
	s3 =	sor.u32 s0, s3  }
0xa: {  	s1 =	simm.s32 $0x0;
	v6 =	vunpack.c.l.s4.s8 v6;
	v7 =	vunpack.c.l.s4.s8 v7;
	s0 =	ssub.s32 $0x2, s0;
	v0 =	vunpack.c.0.s8.s32 v0;
	s3 =	smul.u32 $0x2710, s3  }
0xb: {  	s14 =	simm.s32 $0x0;
	[smem:$0x7FF] =	sst s1;
	s6 =	sshrl.u32 s0, $0x1;
	v2 =	vunpack.c.0.s8.s32 v2;
	v3 =	vunpack.c.0.s8.s32 v3;
	v4 =	vunpack.c.0.s8.s32 v4  }
0xc: {  	_ =	strace $0x80000047;
	v5 =	vunpack.c.0.s8.s32 v5;
	v6 =	vunpack.c.0.s8.s32 v6;
	v7 =	vunpack.c.0.s8.s32 v7;
	s0 =	ssub.s32 s0, s6;
	s5 =	sshrl.u32 s3, $0x3  }
0xd: {  	vm12 =	vmmov $0x1fff;
	v1 =	vunpack.c.0.s8.s32 v1;
	s3 =	sadd.s32 $0x800, s2;
	v2 =	vcombine.low v3, v2;
	s2 =	sadd.s32 s5, s2;
	s26 =	sadd.s32 s4, s5  }
0xe: {  	s7 =	smax.u32 s0, $0x1;
	v3 =	vcombine.low v5, v4;
	v4 =	vcombine.low v7, v6;
	v0 =	vand.u32 $0xF, v0;
	s25 =	sadd.s32 $0x14200, s2;
	[dreg:$0x5] =	wrdreg s26  }
0xf: {  	vm13 =	vmmov $0x3fff;
	vm14 =	vmmov $0x7fff;
	s0 =	simm.s32 $0x9;
	v0 =	vcombine.low v0, v1;
	s2 =	sadd.s32 $0x1DE40, s2;
	[dreg:$0x3] =	wrdreg s25  }
0x10: {  	v1 =	vand.u32 $0xF, v2;
	v2 =	vand.u32 $0xF, v3;
	v3 =	vand.u32 $0xF, v4;
	s26 =	simm.s32 $0x6;
	[dreg:$0x4] =	wrdreg s2;
	s25 =	simm.s32 $0x2  }
.LBB2_1:
0x11: {  	s2 =	rddreg [dreg:$0x3]  }
0x12: {  	[tilespmem:s1], [sflag:$0x1] =	stream.linear.gather [hbm4b:s2+s1], $0x2710, $0x38;
	[tilespmem:$0x11A30] =	vst v63  }
0x13: {  	s6 =	rddreg [dreg:$0x4];
	s4 =	simm.s32 $0x2710  }
0x14: {  	[tilespmem:s4], [sflag:$0x5] =	stream.linear.gather [hbm4b:s6+s1], $0x2710, $0x38;
	[tilespmem:$0x11A30] =	vst v63  }
0x15: {  	_ =	swait.ge [sflag:s9], $0x2710  }
0x16: {  	[sflag:s9] =	ssyncset.done $0x0  }
0x17: {  	[sflag:s9] =	ssyncadd.s32 $0xFFFFD8F0  }
0x18: {  	_ =	swait.ge [sflag:s10], $0x2710  }
0x19: {  	[sflag:s10] =	ssyncset.done $0x0  }
0x1a: {  	[sflag:s10] =	ssyncadd.s32 $0xFFFFD8F0  }
0x1b: {  	[tilespmem:s12], [sflag:$0x1] =	stream.indirect.gather [hbm4b:s3+s11], $0x40, s1, s11, $0xb8;
	[tilespmem:$0x11A30] =	vst v63  }
0x1c: {  	_ = 	snop  }
0x1d: {  	[tilespmem:s13], [sflag:$0x5] =	stream.indirect.gather [hbm4b:s3+s11], $0x40, s4, s11, $0xb8;
	[tilespmem:$0x11A30] =	vst v63  }
0x1e: {  	s8 =	simm.s32 $0x6220  }
0x1f: {  	[tilespmem:s8], [sflag:$0x2] =	stream.indirect.gather [hbm4b:s3+s11], $0x40, s11, s11, $0xb8;
	[tilespmem:$0x11A30] =	vst v63  }
0x20: {  	s15 =	simm.s32 $0x2760;
	s16 =	simm.s32 $0xB220  }
0x21: {  	[tilespmem:s16], [sflag:$0x6] =	stream.indirect.gather [hbm4b:s3+s11], $0x40, s15, s11, $0xb8;
	[tilespmem:$0x11A30] =	vst v63  }
0x22: {  	s17 =	simm.s32 $0xA0;
	s18 =	simm.s32 $0x7620  }
0x23: {  	[tilespmem:s18], [sflag:$0x3] =	stream.indirect.gather [hbm4b:s3+s11], $0x40, s17, s11, $0xb8;
	[tilespmem:$0x11A30] =	vst v63  }
0x24: {  	s19 =	simm.s32 $0x27B0;
	s20 =	simm.s32 $0xC620;
	s21 =	simm.s32 $0xF0  }
0x25: {  	[tilespmem:s20], [sflag:$0x7] =	stream.indirect.gather [hbm4b:s3+s11], $0x40, s19, s11, $0xb8;
	[tilespmem:$0x11A30] =	vst v63  }
0x26: {  	s23 =	simm.s32 $0x2800;
	s15 =	simm.s32 $0xEE70;
	s16 =	simm.s32 $0xEEC0  }
0x27: {  	[tilespmem:s22], [sflag:$0x4] =	stream.indirect.gather [hbm4b:s3+s11], $0x40, s21, s11, $0xb8;
	[tilespmem:$0x11A30] =	vst v63  }
0x28: {  	s17 =	simm.s32 $0xEF10;
	s18 =	simm.s32 $0xEE20;
	s19 =	simm.s32 $0x0  }
0x29: {  	[tilespmem:s24], [sflag:$0x8] =	stream.indirect.gather [hbm4b:s3+s11], $0x40, s23, s11, $0xb8;
	[tilespmem:$0x11A30] =	vst v63  }
.LBB2_2:
0x2a: {  	_ =	swait.ge [sflag:s9], $0x1400  }
0x2b: {  	[sflag:s9] =	ssyncset.done $0x0  }
0x2c: {  	[sflag:s9] =	ssyncadd.s32 $0xFFFFEC00  }
0x2d: {  	_ =	swait.ge [sflag:s10], $0x1400  }
0x2e: {  	[sflag:s10] =	ssyncset.done $0x0  }
0x2f: {  	s2 =	simm.s32 $0x4E60;
	[sflag:s10] =	ssyncadd.s32 $0xFFFFEC00  }
0x30: {  	s4 =	simm.s32 $0x9E60;
	v4 =	vld [tilespmem:s2+$0x0]  }
0x31: {  	v5 =	vld [tilespmem:s4+$0x0]  }
0x32: {  	v6 =	vld [tilespmem:s4+$0xFFFFFFC0]  }
0x33: {  	v7 =	vld [tilespmem:s2+$0x10]  }
0x34: {  	v8 =	vld [tilespmem:s4+$0x10]  }
0x35: {  	v9 =	vld [tilespmem:s2+$0xFFFFFFC0]  }
0x36: {  	v10 =	vshll.u32 v4, $0x10;
	v11 =	vshll.u32 v5, $0x10  }
0x37: {  	v10 =	vmul.f32 v11, v10  }
0x38: {  	v4 =	vand.u32 $0xFFFF0000, v4;
	v5 =	vand.u32 $0xFFFF0000, v5;
	v12 =	vshll.u32 v6, $0x10;
	v11 =	vld [tilespmem:s2+$0x20]  }
0x39: {  	v14 =	vshll.u32 v7, $0x10;
	v4 =	vmul.f32 v5, v4;
	v5 =	vld [tilespmem:s4+$0x20];
	v10 =	vadd.f32 $0.0e+00, v10  }
0x3a: {  	v15 =	vshll.u32 v8, $0x10;
	v17 =	vshll.u32 v9, $0x10;
	v7 =	vand.u32 $0xFFFF0000, v7  }
0x3b: {  	v13 =	vld [tilespmem:s2+$0xFFFFFFD0];
	v8 =	vand.u32 $0xFFFF0000, v8;
	v4 =	vadd.f32 v10, v4;
	v10 =	vmul.f32 v15, v14  }
0x3c: {  	v12 =	vmul.f32 v12, v17;
	v7 =	vmul.f32 v8, v7;
	v8 =	vld [tilespmem:s4+$0x30]  }
0x3d: {  	v6 =	vand.u32 $0xFFFF0000, v6;
	v9 =	vand.u32 $0xFFFF0000, v9;
	v14 =	vld [tilespmem:s2+$0x30];
	v4 =	vadd.f32 v10, v4  }
0x3e: {  	v16 =	vld [tilespmem:s4+$0xFFFFFFD0];
	v15 =	vshll.u32 v5, $0x10;
	v10 =	vadd.f32 $0.0e+00, v12;
	v12 =	vshll.u32 v11, $0x10  }
0x3f: {  	v6 =	vmul.f32 v6, v9;
	v4 =	vadd.f32 v4, v7;
	v7 =	vmul.f32 v15, v12  }
0x40: {  	v9 =	vshll.u32 v13, $0x10;
	v5 =	vand.u32 $0xFFFF0000, v5;
	v11 =	vand.u32 $0xFFFF0000, v11  }
0x41: {  	v5 =	vmul.f32 v5, v11;
	v11 =	vshll.u32 v8, $0x10;
	v12 =	vld [tilespmem:s2+$0xFFFFFFE0];
	v4 =	vadd.f32 v7, v4  }
0x42: {  	v8 =	vand.u32 $0xFFFF0000, v8;
	v6 =	vadd.f32 v10, v6;
	v10 =	vshll.u32 v14, $0x10;
	v7 =	vld [tilespmem:s4+$0xFFFFFFE0]  }
0x43: {  	v15 =	vshll.u32 v16, $0x10;
	v4 =	vadd.f32 v4, v5;
	v5 =	vmul.f32 v11, v10  }
0x44: {  	v9 =	vmul.f32 v15, v9;
	v10 =	vand.u32 $0xFFFF0000, v13;
	v11 =	vand.u32 $0xFFFF0000, v14  }
0x45: {  	v13 =	vld [tilespmem:s2+$0xFFFFFFF0];
	v14 =	vand.u32 $0xFFFF0000, v16;
	v4 =	vadd.f32 v5, v4;
	v5 =	vmul.f32 v8, v11  }
0x46: {  	s8 =	simm.s32 $0x9F60;
	v6 =	vadd.f32 v9, v6;
	v9 =	vmul.f32 v14, v10;
	v8 =	vld [tilespmem:s4+$0xFFFFFFF0]  }
0x47: {  	s21 =	simm.s32 $0x9FE0;
	v22 =	vld [tilespmem:s8+$0xFFFFFFD0];
	v10 =	vshll.u32 v12, $0x10;
	v11 =	vshll.u32 v7, $0x10;
	v4 =	vadd.f32 v4, v5  }
0x48: {  	v26 =	vld [tilespmem:s21+$0xFFFFFFD0];
	s4 =	simm.s32 $0x4EE0;
	v5 =	vadd.f32 v6, v9;
	v6 =	vmul.f32 v11, v10  }
0x49: {  	s5 =	simm.s32 $0x9EE0;
	v7 =	vand.u32 $0xFFFF0000, v7;
	v9 =	vand.u32 $0xFFFF0000, v12;
	v11 =	vld [tilespmem:s4+$0x0];
	v10 =	vperm.xlane v4, v0  }
0x4a: {  	v7 =	vmul.f32 v7, v9;
	v5 =	vadd.f32 v6, v5;
	v6 =	vld [tilespmem:s5+$0x0]  }
0x4b: {  	v9 =	vshll.u32 v13, $0x10;
	v12 =	vshll.u32 v8, $0x10;
	v4 =	vadd.f32 v4, v10  }
0x4c: {  	v32 =	vshll.u32 v22, $0x10;
	v9 =	vmul.f32 v12, v9;
	v5 =	vadd.f32 v5, v7;
	v7 =	vld [tilespmem:s5+$0xFFFFFFC0]  }
0x4d: {  	v8 =	vand.u32 $0xFFFF0000, v8;
	v10 =	vand.u32 $0xFFFF0000, v13;
	v13 =	vld [tilespmem:s4+$0x10];
	v12 =	vperm.xlane v4, v1  }
0x4e: {  	v40 =	vshll.u32 v26, $0x10;
	v8 =	vmul.f32 v8, v10;
	v5 =	vadd.f32 v9, v5;
	v9 =	vld [tilespmem:s5+$0x10]  }
0x4f: {  	v10 =	vld [tilespmem:s4+$0xFFFFFFC0];
	v14 =	vshll.u32 v6, $0x10;
	v4 =	vadd.f32 v4, v12;
	v12 =	vshll.u32 v11, $0x10  }
0x50: {  	v42 =	vand.u32 $0xFFFF0000, v26;
	v5 =	vadd.f32 v5, v8;
	v8 =	vmul.f32 v14, v12  }
0x51: {  	v6 =	vand.u32 $0xFFFF0000, v6;
	v11 =	vand.u32 $0xFFFF0000, v11;
	v14 =	vld [tilespmem:s4+$0x20];
	v15 =	vshll.u32 v7, $0x10  }
0x52: {  	v6 =	vmul.f32 v6, v11;
	v11 =	vld [tilespmem:s5+$0x20];
	v7 =	vand.u32 $0xFFFF0000, v7;
	v8 =	vadd.f32 $0.0e+00, v8  }
0x53: {  	v19 =	vld [tilespmem:s5+$0xFFFFFFD0];
	v17 =	vshll.u32 v13, $0x10;
	v13 =	vand.u32 $0xFFFF0000, v13;
	v18 =	vshll.u32 v9, $0x10  }
0x54: {  	v16 =	vld [tilespmem:s4+$0xFFFFFFD0];
	v20 =	vshll.u32 v10, $0x10;
	v6 =	vadd.f32 v8, v6;
	v8 =	vmul.f32 v18, v17  }
0x55: {  	v12 =	vperm.xlane v4, v2;
	v15 =	vmul.f32 v15, v20;
	v9 =	vand.u32 $0xFFFF0000, v9;
	v17 =	vld [tilespmem:s4+$0x30]  }
0x56: {  	v10 =	vand.u32 $0xFFFF0000, v10;
	v6 =	vadd.f32 v8, v6;
	v8 =	vmul.f32 v9, v13;
	v9 =	vld [tilespmem:s5+$0x30]  }
0x57: {  	v18 =	vshll.u32 v11, $0x10;
	v13 =	vadd.f32 $0.0e+00, v15;
	v15 =	vshll.u32 v14, $0x10  }
0x58: {  	v7 =	vmul.f32 v7, v10;
	v6 =	vadd.f32 v6, v8;
	v8 =	vmul.f32 v18, v15  }
0x59: {  	v10 =	vshll.u32 v16, $0x10;
	v11 =	vand.u32 $0xFFFF0000, v11;
	v14 =	vand.u32 $0xFFFF0000, v14  }
0x5a: {  	v15 =	vld [tilespmem:s4+$0xFFFFFFE0];
	v18 =	vshll.u32 v19, $0x10;
	v6 =	vadd.f32 v8, v6;
	v8 =	vmul.f32 v11, v14  }
0x5b: {  	v7 =	vadd.f32 v13, v7;
	v13 =	vshll.u32 v17, $0x10;
	v11 =	vld [tilespmem:s5+$0xFFFFFFE0];
	v14 =	vshll.u32 v9, $0x10  }
0x5c: {  	v10 =	vmul.f32 v18, v10;
	v6 =	vadd.f32 v6, v8;
	v8 =	vmul.f32 v14, v13  }
0x5d: {  	v9 =	vand.u32 $0xFFFF0000, v9;
	v13 =	vand.u32 $0xFFFF0000, v16;
	v14 =	vand.u32 $0xFFFF0000, v17  }
0x5e: {  	v16 =	vld [tilespmem:s4+$0xFFFFFFF0];
	v17 =	vand.u32 $0xFFFF0000, v19;
	v6 =	vadd.f32 v8, v6;
	v8 =	vmul.f32 v9, v14  }
0x5f: {  	v4 =	vadd.f32 v4, v12;
	v7 =	vadd.f32 v10, v7;
	v10 =	vmul.f32 v17, v13;
	v9 =	vld [tilespmem:s5+$0xFFFFFFF0]  }
0x60: {  	s23 =	simm.s32 $0x5060;
	v12 =	vshll.u32 v15, $0x10;
	v13 =	vshll.u32 v11, $0x10;
	v6 =	vadd.f32 v6, v8  }
0x61: {  	s6 =	simm.s32 $0x4F60;
	v50 =	vld [tilespmem:s23+$0xFFFFFFD0];
	v7 =	vadd.f32 v7, v10;
	v8 =	vperm.xlane v4, v3;
	v10 =	vmul.f32 v13, v12  }
0x62: {  	v14 =	vld [tilespmem:s6+$0x0];
	v11 =	vand.u32 $0xFFFF0000, v11;
	v12 =	vand.u32 $0xFFFF0000, v15;
	v13 =	vperm.xlane v6, v0  }
0x63: {  	v4 =	vadd.f32 v4, v8;
	v8 =	vmul.f32 v11, v12;
	v7 =	vadd.f32 v10, v7;
	v10 =	vld [tilespmem:s8+$0x0]  }
0x64: {  	v53 =	vld [tilespmem:s23+$0x30];
	v11 =	vshll.u32 v16, $0x10;
	v12 =	vshll.u32 v9, $0x10;
	v6 =	vadd.f32 v6, v13  }
0x65: {  	v11 =	vmul.f32 v12, v11;
	v7 =	vadd.f32 v7, v8;
	v8 =	vperm.xlane v5, v0;
	v12 =	vld [tilespmem:s8+$0xFFFFFFC0]  }
0x66: {  	v9 =	vand.u32 $0xFFFF0000, v9;
	v13 =	vand.u32 $0xFFFF0000, v16;
	v16 =	vld [tilespmem:s6+$0x10];
	v15 =	vperm.xlane v6, v1  }
0x67: {  	v9 =	vmul.f32 v9, v13;
	v13 =	vshll.u32 v14, $0x10;
	v5 =	vadd.f32 v5, v8;
	v8 =	vld [tilespmem:s8+$0x10]  }
0x68: {  	v7 =	vadd.f32 v11, v7;
	v11 =	vld [tilespmem:s6+$0xFFFFFFC0];
	v6 =	vadd.f32 v6, v15;
	v15 =	vshll.u32 v10, $0x10  }
0x69: {  	v61 =	vand.u32 $0xFFFF0000, v50;
	v62 =	vand.u32 $0xFFFF0000, v53;
	v13 =	vmul.f32 v15, v13  }
0x6a: {  	v17 =	vld [tilespmem:s6+$0x20];
	v14 =	vand.u32 $0xFFFF0000, v14;
	v7 =	vadd.f32 v7, v9;
	v10 =	vand.u32 $0xFFFF0000, v10  }
0x6b: {  	v9 =	vperm.xlane v5, v1;
	v10 =	vmul.f32 v10, v14;
	v14 =	vld [tilespmem:s8+$0x20];
	v13 =	vadd.f32 $0.0e+00, v13  }
0x6c: {  	v18 =	vshll.u32 v12, $0x10;
	v20 =	vshll.u32 v16, $0x10;
	v21 =	vshll.u32 v8, $0x10  }
0x6d: {  	v23 =	vshll.u32 v11, $0x10;
	v10 =	vadd.f32 v13, v10;
	v13 =	vmul.f32 v21, v20  }
0x6e: {  	v16 =	vand.u32 $0xFFFF0000, v16;
	v8 =	vand.u32 $0xFFFF0000, v8;
	v18 =	vmul.f32 v18, v23;
	v20 =	vld [tilespmem:s6+$0x30]  }
0x6f: {  	v12 =	vand.u32 $0xFFFF0000, v12;
	v8 =	vmul.f32 v8, v16;
	v10 =	vadd.f32 v13, v10;
	v13 =	vld [tilespmem:s8+$0x30]  }
0x70: {  	v16 =	vadd.f32 $0.0e+00, v18;
	v18 =	vshll.u32 v17, $0x10;
	v31 =	vshll.u32 v14, $0x10  }
0x71: {  	v19 =	vld [tilespmem:s6+$0xFFFFFFD0];
	v11 =	vand.u32 $0xFFFF0000, v11;
	v8 =	vadd.f32 v10, v8;
	v10 =	vmul.f32 v31, v18  }
0x72: {  	s20 =	simm.s32 $0x4FE0;
	v11 =	vmul.f32 v12, v11;
	v17 =	vand.u32 $0xFFFF0000, v17;
	v14 =	vand.u32 $0xFFFF0000, v14  }
0x73: {  	v5 =	vadd.f32 v5, v9;
	v9 =	vld [tilespmem:s20+$0xFFFFFFC0];
	v8 =	vadd.f32 v10, v8;
	v10 =	vmul.f32 v14, v17  }
0x74: {  	v11 =	vadd.f32 v16, v11;
	v18 =	vld [tilespmem:s6+$0xFFFFFFE0];
	v16 =	vshll.u32 v20, $0x10;
	v17 =	vshll.u32 v13, $0x10  }
0x75: {  	v15 =	vperm.xlane v6, v2;
	v14 =	vld [tilespmem:s8+$0xFFFFFFE0];
	v8 =	vadd.f32 v8, v10;
	v10 =	vmul.f32 v17, v16  }
0x76: {  	v12 =	vshll.u32 v19, $0x10;
	v13 =	vand.u32 $0xFFFF0000, v13;
	v17 =	vand.u32 $0xFFFF0000, v20  }
0x77: {  	v12 =	vmul.f32 v32, v12;
	v8 =	vadd.f32 v10, v8;
	v10 =	vmul.f32 v13, v17  }
0x78: {  	v6 =	vadd.f32 v6, v15;
	v16 =	vand.u32 $0xFFFF0000, v19;
	v20 =	vand.u32 $0xFFFF0000, v22  }
0x79: {  	v11 =	vadd.f32 v12, v11;
	v19 =	vld [tilespmem:s6+$0xFFFFFFF0];
	v12 =	vmul.f32 v20, v16;
	v8 =	vadd.f32 v8, v10  }
0x7a: {  	v35 =	vshll.u32 v9, $0x10;
	v15 =	vshll.u32 v18, $0x10;
	v13 =	vld [tilespmem:s8+$0xFFFFFFF0];
	v16 =	vshll.u32 v14, $0x10  }
0x7b: {  	v11 =	vadd.f32 v11, v12;
	v12 =	vmul.f32 v16, v15;
	v16 =	vperm.xlane v8, v0  }
0x7c: {  	v17 =	vld [tilespmem:s20+$0x0];
	v14 =	vand.u32 $0xFFFF0000, v14;
	v10 =	vperm.xlane v6, v3;
	v15 =	vand.u32 $0xFFFF0000, v18  }
0x7d: {  	v14 =	vmul.f32 v14, v15;
	v11 =	vadd.f32 v12, v11;
	v8 =	vadd.f32 v8, v16;
	v16 =	vld [tilespmem:s21+$0x0]  }
0x7e: {  	v20 =	vld [tilespmem:s21+$0xFFFFFFC0];
	v15 =	vshll.u32 v19, $0x10;
	v18 =	vand.u32 $0xFFFF0000, v19;
	v19 =	vperm.xlane v7, v0  }
0x7f: {  	v12 =	vshll.u32 v13, $0x10;
	v11 =	vadd.f32 v11, v14;
	v14 =	vperm.xlane v8, v1  }
0x80: {  	v9 =	vand.u32 $0xFFFF0000, v9;
	v15 =	vmul.f32 v12, v15;
	v12 =	vadd.f32 v6, v10;
	v10 =	vld [tilespmem:s20+$0x10]  }
0x81: {  	v13 =	vand.u32 $0xFFFF0000, v13;
	v7 =	vadd.f32 v7, v19;
	v8 =	vadd.f32 v8, v14;
	v14 =	vld [tilespmem:s21+$0x10]  }
0x82: {  	v6 =	vmul.f32 v13, v18;
	v18 =	vshll.u32 v17, $0x10;
	v19 =	vshll.u32 v16, $0x10  }
0x83: {  	v34 =	vshll.u32 v20, $0x10;
	v33 =	vperm.xlane v8, v2;
	v18 =	vmul.f32 v19, v18  }
0x84: {  	v17 =	vand.u32 $0xFFFF0000, v17;
	v16 =	vand.u32 $0xFFFF0000, v16;
	v19 =	vand.u32 $0xFFFF0000, v20;
	v20 =	vld [tilespmem:s20+$0x20]  }
0x85: {  	v16 =	vmul.f32 v16, v17;
	v17 =	vld [tilespmem:s21+$0x20];
	v21 =	vadd.f32 v8, v33;
	v8 =	vadd.f32 $0.0e+00, v18  }
0x86: {  	v22 =	vmul.f32 v34, v35;
	v24 =	vshll.u32 v10, $0x10;
	v25 =	vshll.u32 v14, $0x10  }
0x87: {  	v13 =	vperm.xlane v5, v2;
	v8 =	vadd.f32 v8, v16;
	v16 =	vmul.f32 v25, v24  }
0x88: {  	v36 =	vld [tilespmem:s20+$0x30];
	v11 =	vadd.f32 v15, v11;
	v10 =	vand.u32 $0xFFFF0000, v10;
	v14 =	vand.u32 $0xFFFF0000, v14  }
0x89: {  	v15 =	vperm.xlane v7, v1;
	v10 =	vmul.f32 v14, v10;
	v14 =	vld [tilespmem:s21+$0x30];
	v8 =	vadd.f32 v16, v8  }
0x8a: {  	v5 =	vadd.f32 v5, v13;
	v18 =	vld [tilespmem:s20+$0xFFFFFFD0];
	v37 =	vshll.u32 v20, $0x10;
	v38 =	vshll.u32 v17, $0x10  }
0x8b: {  	v9 =	vmul.f32 v19, v9;
	v8 =	vadd.f32 v8, v10;
	v10 =	vmul.f32 v38, v37  }
0x8c: {  	v20 =	vand.u32 $0xFFFF0000, v20;
	v17 =	vand.u32 $0xFFFF0000, v17;
	v16 =	vadd.f32 $0.0e+00, v22  }
0x8d: {  	v39 =	vld [tilespmem:s20+$0xFFFFFFE0];
	v27 =	vperm.xlane v21, v3;
	v8 =	vadd.f32 v10, v8;
	v10 =	vmul.f32 v17, v20  }
0x8e: {  	v9 =	vadd.f32 v16, v9;
	v16 =	vshll.u32 v36, $0x10;
	v17 =	vld [tilespmem:s21+$0xFFFFFFE0];
	v20 =	vshll.u32 v14, $0x10  }
0x8f: {  	v19 =	vshll.u32 v18, $0x10;
	v8 =	vadd.f32 v8, v10;
	v10 =	vmul.f32 v20, v16  }
0x90: {  	v41 =	vld [tilespmem:s21+$0xFFFFFFF0];
	v19 =	vmul.f32 v40, v19;
	v14 =	vand.u32 $0xFFFF0000, v14;
	v20 =	vand.u32 $0xFFFF0000, v36  }
0x91: {  	v18 =	vand.u32 $0xFFFF0000, v18;
	v16 =	vld [tilespmem:s20+$0xFFFFFFF0];
	v8 =	vadd.f32 v10, v8;
	v10 =	vmul.f32 v14, v20  }
0x92: {  	v57 =	vld [tilespmem:s23+$0xFFFFFFE0];
	v9 =	vadd.f32 v19, v9;
	v14 =	vmul.f32 v42, v18;
	v18 =	vshll.u32 v39, $0x10  }
0x93: {  	s20 =	simm.s32 $0xA060;
	v20 =	vand.u32 $0xFFFF0000, v39;
	v19 =	vshll.u32 v17, $0x10;
	v8 =	vadd.f32 v8, v10  }
0x94: {  	v45 =	vld [tilespmem:s20+$0x10];
	v9 =	vadd.f32 v9, v14;
	v10 =	vand.u32 $0xFFFF0000, v17;
	v14 =	vmul.f32 v19, v18  }
0x95: {  	v11 =	vadd.f32 v11, v6;
	v54 =	vld [tilespmem:s20+$0x30];
	v6 =	vmul.f32 v10, v20;
	v10 =	vperm.xlane v8, v0  }
0x96: {  	v18 =	vld [tilespmem:s23+$0x0];
	v17 =	vshll.u32 v16, $0x10;
	v9 =	vadd.f32 v14, v9;
	v14 =	vshll.u32 v41, $0x10  }
0x97: {  	v24 =	vand.u32 $0xFFFF0000, v57;
	v10 =	vadd.f32 v8, v10;
	v8 =	vmul.f32 v14, v17;
	v14 =	vld [tilespmem:s20+$0x0]  }
0x98: {  	v19 =	vand.u32 $0xFFFF0000, v41;
	v16 =	vand.u32 $0xFFFF0000, v16;
	v9 =	vadd.f32 v9, v6  }
0x99: {  	v13 =	vmul.f32 v19, v16;
	v51 =	vshll.u32 v45, $0x10;
	v43 =	vperm.xlane v10, v1  }
0x9a: {  	v20 =	vld [tilespmem:s20+$0xFFFFFFC0];
	v22 =	vand.u32 $0xFFFF0000, v45;
	v59 =	vshll.u32 v54, $0x10;
	v16 =	vadd.f32 v8, v9  }
0x9b: {  	v19 =	vld [tilespmem:s23+$0x10];
	v17 =	vperm.xlane v11, v0;
	v6 =	vadd.f32 v7, v15;
	v44 =	vadd.f32 v10, v43  }
0x9c: {  	v10 =	vadd.f32 v16, v13;
	v13 =	vshll.u32 v18, $0x10;
	v16 =	vshll.u32 v14, $0x10  }
0x9d: {  	v15 =	vld [tilespmem:s23+$0xFFFFFFC0];
	v7 =	vperm.xlane v5, v3;
	v8 =	vadd.f32 v11, v17;
	v13 =	vmul.f32 v16, v13  }
0x9e: {  	v17 =	vadd.f32 v21, v27;
	v14 =	vand.u32 $0xFFFF0000, v14;
	v16 =	vand.u32 $0xFFFF0000, v18;
	v18 =	vld [tilespmem:s23+$0x20]  }
0x9f: {  	v9 =	vperm.xlane v6, v2;
	v14 =	vmul.f32 v14, v16;
	v16 =	vld [tilespmem:s20+$0x20];
	v13 =	vadd.f32 $0.0e+00, v13  }
0xa0: {  	v47 =	vshll.u32 v20, $0x10;
	v20 =	vand.u32 $0xFFFF0000, v20;
	v49 =	vshll.u32 v19, $0x10  }
0xa1: {  	v19 =	vand.u32 $0xFFFF0000, v19;
	v25 =	vmul.f32 v51, v49;
	v13 =	vadd.f32 v13, v14  }
0xa2: {  	v11 =	vperm.xlane v8, v1;
	v19 =	vmul.f32 v22, v19;
	v22 =	vand.u32 $0xFFFF0000, v54  }
0xa3: {  	v48 =	vshll.u32 v15, $0x10;
	v15 =	vand.u32 $0xFFFF0000, v15;
	v13 =	vadd.f32 v25, v13  }
0xa4: {  	v46 =	vperm.xlane v44, v2;
	v14 =	vld [tilespmem:s20+$0xFFFFFFD0];
	v55 =	vshll.u32 v18, $0x10;
	v56 =	vshll.u32 v16, $0x10  }
0xa5: {  	v23 =	vmul.f32 v47, v48;
	v13 =	vadd.f32 v13, v19;
	v19 =	vmul.f32 v56, v55  }
0xa6: {  	v15 =	vmul.f32 v20, v15;
	v18 =	vand.u32 $0xFFFF0000, v18;
	v16 =	vand.u32 $0xFFFF0000, v16  }
0xa7: {  	v20 =	vshll.u32 v50, $0x10;
	v16 =	vmul.f32 v16, v18;
	v13 =	vadd.f32 v19, v13  }
0xa8: {  	v21 =	vadd.f32 v44, v46;
	v23 =	vadd.f32 $0.0e+00, v23;
	v18 =	vld [tilespmem:s20+$0xFFFFFFE0];
	v19 =	vshll.u32 v53, $0x10  }
0xa9: {  	v58 =	vshll.u32 v14, $0x10;
	v19 =	vmul.f32 v59, v19;
	v16 =	vadd.f32 v13, v16  }
0xaa: {  	v60 =	vld [tilespmem:s23+$0xFFFFFFF0];
	v52 =	vperm.xlane v21, v3;
	v15 =	vadd.f32 v23, v15;
	v20 =	vmul.f32 v58, v20  }
0xab: {  	v14 =	vand.u32 $0xFFFF0000, v14;
	v13 =	vld [tilespmem:s20+$0xFFFFFFF0];
	v16 =	vadd.f32 v19, v16;
	v19 =	vmul.f32 v22, v62  }
0xac: {  	s23 =	simm.s32 $0x11540;
	v21 =	vadd.f32 v21, v52;
	v14 =	vmul.f32 v14, v61;
	v15 =	vadd.f32 v20, v15  }
0xad: {  	s21 =	simm.s32 $0x11560;
	[tilespmem:s23+$0x0] =	vst v4;
	v20 =	vshll.u32 v57, $0x10;
	v63 =	vshll.u32 v18, $0x10;
	v4 =	vadd.f32 v16, v19  }
0xae: {  	s2 =	simm.s32 $0x11580;
	[tilespmem:s21+$0x0] =	vst v12;
	v12 =	vand.u32 $0xFFFF0000, v18;
	v18 =	vmul.f32 v63, v20;
	v16 =	vadd.f32 v15, v14  }
0xaf: {  	s8 =	simm.s32 $0x115A0;
	[tilespmem:s2+$0x0] =	vst v17;
	v17 =	vand.u32 $0xFFFF0000, v60;
	v12 =	vmul.f32 v12, v24;
	v14 =	vperm.xlane v4, v0  }
0xb0: {  	s4 =	simm.s32 $0x8;
	s5 =	simm.s32 $0x50E0;
	[tilespmem:s8+$0x0] =	vst v21;
	v15 =	vshll.u32 v60, $0x10;
	v16 =	vadd.f32 v18, v16;
	v18 =	vshll.u32 v13, $0x10  }
.LBB2_3:
0xb1: {  	v19 =	vld [tilespmem:s5+$0x0];
	v13 =	vand.u32 $0xFFFF0000, v13;
	v15 =	vmul.f32 v18, v15;
	v4 =	vadd.f32 v4, v14;
	s20 =	sadd.s32 $0x80, s20  }
0xb2: {  	s4 =	sadd.s32 $0x2, s4;
	v14 =	vld [tilespmem:s20+$0x0];
	v12 =	vadd.f32 v16, v12;
	v13 =	vmul.f32 v13, v17;
	v16 =	vperm.xlane v10, v0  }
0xb3: {  	v20 =	vadd.f32 v6, v9;
	v6 =	vadd.f32 v8, v11;
	p0 =	slt.u32 s4, $0x4E;
	v17 =	vld [tilespmem:s20+$0xFFFFFFC0];
	v18 =	vperm.xlane v4, v1  }
0xb4: {  	v21 =	vld [tilespmem:s5+$0xFFFFFFC0];
	v11 =	vadd.f32 v15, v12;
	v8 =	vadd.f32 v10, v16  }
0xb5: {  	v9 =	vperm.xlane v6, v2;
	v15 =	vperm.xlane v20, v3;
	v12 =	vld [tilespmem:s5+$0x10];
	v4 =	vadd.f32 v4, v18  }
0xb6: {  	v16 =	vld [tilespmem:s20+$0x10];
	v10 =	vadd.f32 v11, v13;
	v11 =	vperm.xlane v8, v1;
	v13 =	vadd.f32 v5, v7;
	v5 =	vmovc v20  }
0xb7: {  	v20 =	vshll.u32 v19, $0x10;
	v7 =	vmovc v15;
	v18 =	vld [tilespmem:s5+$0xFFFFFFD0];
	v22 =	vshll.u32 v14, $0x10;
	v23 =	vperm.xlane v4, v2  }
0xb8: {  	v15 =	vshll.u32 v17, $0x10;
	v17 =	vand.u32 $0xFFFF0000, v17;
	v24 =	vld [tilespmem:s20+$0xFFFFFFD0];
	v20 =	vmul.f32 v22, v20;
	[tilespmem:s23+$0xFFFFFFF0] =	vst v13;
	s23 =	smov.u32 s21;
	s21 =	smov.u32 s2;
	s2 =	smov.u32 s8  }
0xb9: {  	v14 =	vand.u32 $0xFFFF0000, v14;
	v13 =	vand.u32 $0xFFFF0000, v19;
	v19 =	vld [tilespmem:s5+$0x20];
	v4 =	vadd.f32 v4, v23  }
0xba: {  	v22 =	vshll.u32 v21, $0x10;
	v13 =	vmul.f32 v14, v13;
	v20 =	vadd.f32 $0.0e+00, v20;
	v14 =	vld [tilespmem:s20+$0x20]  }
0xbb: {  	v25 =	vshll.u32 v12, $0x10;
	v23 =	vld [tilespmem:s5+$0xFFFFFFE0];
	v26 =	vshll.u32 v16, $0x10;
	v27 =	vperm.xlane v4, v3  }
0xbc: {  	v15 =	vmul.f32 v15, v22;
	v22 =	vld [tilespmem:s20+$0xFFFFFFE0];
	v13 =	vadd.f32 v20, v13;
	v20 =	vmul.f32 v26, v25  }
0xbd: {  	v12 =	vand.u32 $0xFFFF0000, v12;
	v16 =	vand.u32 $0xFFFF0000, v16;
	v25 =	vld [tilespmem:s5+$0x30];
	v4 =	vadd.f32 v4, v27  }
0xbe: {  	s8 =	sadd.s32 $0x20, s8;
	v21 =	vand.u32 $0xFFFF0000, v21;
	v12 =	vmul.f32 v16, v12;
	v20 =	vadd.f32 v20, v13;
	v16 =	vld [tilespmem:s20+$0x30]  }
0xbf: {  	v15 =	vadd.f32 $0.0e+00, v15;
	v27 =	vshll.u32 v19, $0x10;
	v26 =	vld [tilespmem:s5+$0xFFFFFFF0];
	v28 =	vshll.u32 v14, $0x10;
	[tilespmem:s8+$0x0] =	vst v4  }
0xc0: {  	v4 =	vmul.f32 v17, v21;
	v13 =	vld [tilespmem:s20+$0xFFFFFFF0];
	v12 =	vadd.f32 v20, v12;
	v17 =	vmul.f32 v28, v27  }
0xc1: {  	v19 =	vand.u32 $0xFFFF0000, v19;
	v14 =	vand.u32 $0xFFFF0000, v14;
	v20 =	vshll.u32 v18, $0x10  }
0xc2: {  	v21 =	vshll.u32 v24, $0x10;
	v14 =	vmul.f32 v14, v19;
	v12 =	vadd.f32 v17, v12  }
0xc3: {  	v4 =	vadd.f32 v15, v4;
	v15 =	vshll.u32 v25, $0x10;
	v17 =	vshll.u32 v16, $0x10  }
0xc4: {  	v19 =	vmul.f32 v21, v20;
	v12 =	vadd.f32 v12, v14;
	v14 =	vmul.f32 v17, v15  }
0xc5: {  	v16 =	vand.u32 $0xFFFF0000, v16;
	v15 =	vand.u32 $0xFFFF0000, v18;
	v17 =	vand.u32 $0xFFFF0000, v25  }
0xc6: {  	v18 =	vand.u32 $0xFFFF0000, v24;
	v12 =	vadd.f32 v14, v12;
	v14 =	vmul.f32 v16, v17  }
.Ltmp0:
0xc7: {  	v15 =	vmul.f32 v18, v15;
	v16 =	vadd.f32 v19, v4;
	v17 =	vshll.u32 v23, $0x10;
	(pc) =	sbr.rel @p0 .LBB2_3-.Ltmp0, $4  }
0xc8: {  	v18 =	vshll.u32 v22, $0x10;
	v19 =	vand.u32 $0xFFFF0000, v23;
	v4 =	vadd.f32 v12, v14  }
0xc9: {  	v17 =	vmul.f32 v18, v17;
	v16 =	vadd.f32 v16, v15;
	v12 =	vand.u32 $0xFFFF0000, v22  }
0xca: {  	v15 =	vshll.u32 v26, $0x10;
	v12 =	vmul.f32 v12, v19;
	v14 =	vperm.xlane v4, v0  }
0xcb: {  	s5 =	sadd.s32 $0x80, s5;
	v18 =	vshll.u32 v13, $0x10;
	v16 =	vadd.f32 v17, v16;
	v17 =	vand.u32 $0xFFFF0000, v26  }
0xcc: {  	_ = 	snop  }
0xcd: {  	v15 =	vmul.f32 v18, v15;
	v12 =	vadd.f32 v16, v12  }
0xce: {  	v13 =	vand.u32 $0xFFFF0000, v13  }
0xcf: {  	v13 =	vmul.f32 v13, v17;
	v12 =	vadd.f32 v15, v12;
	_ =	sdelay $0x1  }
0xd0: {  	v4 =	vadd.f32 v4, v14;
	v12 =	vadd.f32 v12, v13  }
0xd1: {  	v57 =	vperm.xlane v10, v0  }
0xd2: {  	v14 =	vperm.xlane v4, v1;
	v58 =	vperm.xlane v12, v0  }
0xd3: {  	v10 =	vadd.f32 v10, v57  }
0xd4: {  	v4 =	vadd.f32 v4, v14;
	v12 =	vadd.f32 v12, v58  }
0xd5: {  	v13 =	vperm.xlane v10, v1  }
0xd6: {  	v8 =	vadd.f32 v8, v11;
	v11 =	vperm.xlane v4, v2;
	v59 =	vperm.xlane v12, v1  }
0xd7: {  	v10 =	vadd.f32 v10, v13  }
0xd8: {  	v60 =	vperm.xlane v8, v2;
	v4 =	vadd.f32 v4, v11;
	v11 =	vadd.f32 v12, v59  }
0xd9: {  	v6 =	vadd.f32 v6, v9;
	v9 =	vperm.xlane v10, v2  }
0xda: {  	v8 =	vadd.f32 v8, v60;
	v61 =	vperm.xlane v4, v3;
	v62 =	vperm.xlane v11, v2  }
0xdb: {  	v5 =	vadd.f32 v5, v7;
	v63 =	vperm.xlane v6, v3;
	v7 =	vadd.f32 v10, v9  }
0xdc: {  	v9 =	vperm.xlane v8, v3;
	v4 =	vadd.f32 v4, v61;
	v10 =	vadd.f32 v11, v62  }
0xdd: {  	s5 =	sadd.s32 $0x20, s8;
	[tilespmem:s23+$0xFFFFFFF0] =	vst v5;
	v5 =	vadd.f32 v6, v63;
	v6 =	vperm.xlane v7, v3  }
0xde: {  	[tilespmem:s5+$0x0] =	vst v4;
	v4 =	vadd.f32 v8, v9;
	v8 =	vperm.xlane v10, v3  }
0xdf: {  	p1 =	por $0x1, $0x1;
	[tilespmem:s21+$0xFFFFFFF0] =	vst v5;
	v5 =	vadd.f32 v7, v6  }
.Ltmp1:
0xe0: {  	[tilespmem:s2+$0xFFFFFFF0] =	vst v4;
	v4 =	vadd.f32 v10, v8;
	(pc) =	sbr.rel @!p1 .LBB2_5-.Ltmp1, $4  }
0xe1: {  	[tilespmem:s8+$0xFFFFFFF0] =	vst v5  }
0xe2: {  	s4 =	simm.s32 $0x115B0;
	[tilespmem:s5+$0xFFFFFFF0] =	vst v4  }
0xe3: {  	v7 =	vld [tilespmem:s4+$0xFFFFFF80]  }
0xe4: {  	p0 =	por $0x0, $0x0;
	s2 =	simm.s32 $0x0;
	s5 =	simm.s32 $0x40;
	v8 =	vld [tilespmem:s4+$0xFFFFFF90]  }
0xe5: {  	v4 =	vld [tilespmem:s4+$0xFFFFFFA0]  }
0xe6: {  	v5 =	vld [tilespmem:s4+$0xFFFFFFB0]  }
0xe7: {  	v6 =	vld [tilespmem:s4+$0xFFFFFFC0]  }
0xe8: {  	v9 =	vld [tilespmem:s4+$0xFFFFFFD0]  }
0xe9: {  	v10 =	vld [tilespmem:s4+$0xFFFFFFE0];
	v7 =	vsel vm0, v7, v8  }
0xea: {  	v8 =	vld [tilespmem:s4+$0xFFFFFFF0];
	v4 =	vsel vm1, v7, v4  }
0xeb: {  	v7 =	vld [tilespmem:s4+$0x0];
	v4 =	vsel vm2, v4, v5  }
0xec: {  	v11 =	vld [tilespmem:s4+$0x10];
	v4 =	vsel vm3, v4, v6  }
0xed: {  	v12 =	vld [tilespmem:s4+$0x20];
	v4 =	vsel vm4, v4, v9  }
0xee: {  	v9 =	vld [tilespmem:s4+$0x30];
	v4 =	vsel vm5, v4, v10  }
0xef: {  	p1 =	por $0x1, $0x1;
	v10 =	vld [tilespmem:s4+$0x40];
	v4 =	vsel vm6, v4, v8  }
.Ltmp2:
0xf0: {  	v5 =	vld [tilespmem:s4+$0x50];
	v4 =	vsel vm7, v4, v7;
	(pc) =	sbr.rel @!p1 .LBB2_7-.Ltmp2, $4  }
0xf1: {  	v6 =	vld [tilespmem:s4+$0x60];
	v7 =	vsel vm8, v4, v11  }
0xf2: {  	v4 =	vld [tilespmem:s4+$0x70];
	s4 =	simm.s32 $0x116B0;
	v8 =	vsel vm9, v7, v12  }
0xf3: {  	v7 =	vld [tilespmem:s4+$0xFFFFFF80];
	v9 =	vsel vm10, v8, v9  }
0xf4: {  	s6 =	simm.s32 $0x80;
	p0 =	por $0x1, $0x1;
	v8 =	vld [tilespmem:s4+$0xFFFFFF90];
	v9 =	vsel vm11, v9, v10  }
.LBB2_8:
0xf5: {  	p1 =	sne.s32 s6, $0x100;
	v10 =	vld [tilespmem:s4+$0xFFFFFFA0];
	v5 =	vsel vm12, v9, v5  }
0xf6: {  	s8 =	sshra.s32 s2, $0x2;
	s2 =	smov.u32 s5;
	s5 =	smov.u32 s6;
	v9 =	vld [tilespmem:s4+$0xFFFFFFB0];
	v5 =	vsel vm13, v5, v6  }
0xf7: {  	s8 =	sadd.s32 s8, s18;
	v6 =	vld [tilespmem:s4+$0xFFFFFFC0];
	v4 =	vsel vm14, v5, v4  }
0xf8: {  	v5 =	vld [tilespmem:s4+$0xFFFFFFD0];
	[tilespmem:s8+$0x0] =	vst v4  }
0xf9: {  	v4 =	vsel vm0, v7, v8;
	v7 =	vld [tilespmem:s4+$0xFFFFFFE0]  }
0xfa: {  	v4 =	vsel vm1, v4, v10;
	v8 =	vld [tilespmem:s4+$0xFFFFFFF0]  }
0xfb: {  	v4 =	vsel vm2, v4, v9;
	v9 =	vld [tilespmem:s4+$0x0]  }
0xfc: {  	v4 =	vsel vm3, v4, v6;
	v6 =	vld [tilespmem:s4+$0x10]  }
0xfd: {  	v4 =	vsel vm4, v4, v5;
	v10 =	vld [tilespmem:s4+$0x20]  }
0xfe: {  	v4 =	vsel vm5, v4, v7;
	v11 =	vld [tilespmem:s4+$0x30]  }
0xff: {  	v4 =	vsel vm6, v4, v8;
	v12 =	vld [tilespmem:s4+$0x40]  }
.Ltmp3:
0x100: {  	v4 =	vsel vm7, v4, v9;
	v5 =	vld [tilespmem:s4+$0x50];
	(pc) =	sbr.rel @p1 .LBB2_8-.Ltmp3, $4  }
0x101: {  	v4 =	vsel vm8, v4, v6;
	v6 =	vld [tilespmem:s4+$0x60]  }
0x102: {  	v8 =	vsel vm9, v4, v10;
	v4 =	vld [tilespmem:s4+$0x70];
	s4 =	sadd.s32 $0x100, s4  }
0x103: {  	v7 =	vld [tilespmem:s4+$0xFFFFFF80];
	v9 =	vsel vm10, v8, v11  }
0x104: {  	s6 =	sadd.s32 $0x40, s6;
	v8 =	vld [tilespmem:s4+$0xFFFFFF90];
	v9 =	vsel vm11, v9, v12  }
0x105: {  	s6 =	smov.u32 s2;
	s2 =	smov.u32 s5  }
.LBB2_10:
0x106: {  	v10 =	vld [tilespmem:s4+$0xFFFFFFA0]  }
0x107: {  	v11 =	vld [tilespmem:s4+$0xFFFFFFB0]  }
0x108: {  	v12 =	vld [tilespmem:s4+$0xFFFFFFC0]  }
0x109: {  	v13 =	vld [tilespmem:s4+$0xFFFFFFD0]  }
0x10a: {  	v7 =	vsel vm0, v7, v8;
	v8 =	vld [tilespmem:s4+$0xFFFFFFE0]  }
0x10b: {  	v7 =	vsel vm1, v7, v10;
	v10 =	vld [tilespmem:s4+$0xFFFFFFF0]  }
0x10c: {  	v7 =	vsel vm2, v7, v11;
	v11 =	vld [tilespmem:s4+$0x0]  }
0x10d: {  	v7 =	vsel vm3, v7, v12;
	v12 =	vld [tilespmem:s4+$0x10]  }
0x10e: {  	v7 =	vsel vm4, v7, v13;
	v13 =	vld [tilespmem:s4+$0x20]  }
0x10f: {  	v7 =	vsel vm5, v7, v8;
	v8 =	vld [tilespmem:s4+$0x30]  }
0x110: {  	v7 =	vsel vm6, v7, v10;
	v10 =	vld [tilespmem:s4+$0x40]  }
0x111: {  	v7 =	vsel vm7, v7, v11;
	v11 =	vld [tilespmem:s4+$0x50]  }
0x112: {  	v7 =	vsel vm8, v7, v12;
	v12 =	vld [tilespmem:s4+$0x60]  }
0x113: {  	v7 =	vsel vm9, v7, v13;
	v13 =	vld [tilespmem:s4+$0x70]  }
0x114: {  	v7 =	vsel vm10, v7, v8  }
0x115: {  	v5 =	vsel @p0 vm12, v9, v5;
	v7 =	vsel vm11, v7, v10  }
0x116: {  	v5 =	vsel @p0 vm13, v5, v6;
	s4 =	sshra.s32 @p0 s6, $0x2;
	v6 =	vsel vm12, v7, v11  }
0x117: {  	s2 =	sshra.s32 s2, $0x2;
	s20 =	smul.u32 $0x140, s19;
	v4 =	vsel @p0 vm14, v5, v4;
	s4 =	sadd.s32 @p0 s4, s18;
	v5 =	vsel vm13, v6, v12  }
0x118: {  	s2 =	sadd.s32 s2, s18;
	[tilespmem:s4+$0x0] =	vst @p0 v4;
	v4 =	vsel vm14, v5, v13  }
0x119: {  	s4 =	sadd.s32 $0x140, s20;
	[tilespmem:s2+$0x0] =	vst v4  }
0x11a: {  	[tilespmem:s12], [sflag:$0x1] =	stream.indirect.gather [hbm4b:s3+s11], $0x40, s4, s11, $0xb8;
	[tilespmem:$0x11A30] =	vst v63  }
0x11b: {  	s5 =	sadd.s32 $0x2850, s20  }
0x11c: {  	[tilespmem:s13], [sflag:$0x5] =	stream.indirect.gather [hbm4b:s3+s11], $0x40, s5, s11, $0xb8;
	[tilespmem:$0x11A30] =	vst v63  }
0x11d: {  	_ =	swait.ge [sflag:s25], $0x1400  }
0x11e: {  	[sflag:s25] =	ssyncset.done $0x0  }
0x11f: {  	[sflag:s25] =	ssyncadd.s32 $0xFFFFEC00  }
0x120: {  	_ =	swait.ge [sflag:s26], $0x1400  }
0x121: {  	[sflag:s26] =	ssyncset.done $0x0  }
0x122: {  	s6 =	simm.s32 $0x6260;
	[sflag:s26] =	ssyncadd.s32 $0xFFFFEC00  }
0x123: {  	s8 =	simm.s32 $0xB260;
	v4 =	vld [tilespmem:s6+$0x0]  }
0x124: {  	v5 =	vld [tilespmem:s8+$0x0]  }
0x125: {  	v6 =	vld [tilespmem:s8+$0xFFFFFFC0]  }
0x126: {  	v7 =	vld [tilespmem:s6+$0x10]  }
0x127: {  	v8 =	vld [tilespmem:s8+$0x10]  }
0x128: {  	v9 =	vld [tilespmem:s6+$0xFFFFFFC0]  }
0x129: {  	v10 =	vshll.u32 v4, $0x10;
	v11 =	vshll.u32 v5, $0x10  }
0x12a: {  	v4 =	vand.u32 $0xFFFF0000, v4;
	v5 =	vand.u32 $0xFFFF0000, v5;
	v10 =	vmul.f32 v11, v10  }
0x12b: {  	v12 =	vshll.u32 v6, $0x10;
	v4 =	vmul.f32 v5, v4;
	v5 =	vld [tilespmem:s8+$0x20]  }
0x12c: {  	v6 =	vand.u32 $0xFFFF0000, v6;
	v14 =	vshll.u32 v7, $0x10;
	v11 =	vld [tilespmem:s6+$0x20];
	v10 =	vadd.f32 $0.0e+00, v10  }
0x12d: {  	v13 =	vld [tilespmem:s6+$0xFFFFFFD0];
	v15 =	vshll.u32 v8, $0x10;
	v17 =	vshll.u32 v9, $0x10;
	v7 =	vand.u32 $0xFFFF0000, v7  }
0x12e: {  	v16 =	vld [tilespmem:s8+$0xFFFFFFD0];
	v8 =	vand.u32 $0xFFFF0000, v8;
	v4 =	vadd.f32 v10, v4;
	v10 =	vmul.f32 v15, v14  }
0x12f: {  	v9 =	vand.u32 $0xFFFF0000, v9;
	v12 =	vmul.f32 v12, v17;
	v7 =	vmul.f32 v8, v7;
	v8 =	vld [tilespmem:s8+$0x30]  }
0x130: {  	v6 =	vmul.f32 v6, v9;
	v14 =	vld [tilespmem:s6+$0x30];
	v15 =	vshll.u32 v5, $0x10;
	v4 =	vadd.f32 v10, v4  }
0x131: {  	v5 =	vand.u32 $0xFFFF0000, v5;
	v10 =	vadd.f32 $0.0e+00, v12;
	v12 =	vshll.u32 v11, $0x10  }
0x132: {  	v11 =	vand.u32 $0xFFFF0000, v11;
	v4 =	vadd.f32 v4, v7;
	v7 =	vmul.f32 v15, v12  }
0x133: {  	v9 =	vshll.u32 v13, $0x10;
	v5 =	vmul.f32 v5, v11;
	v12 =	vld [tilespmem:s6+$0xFFFFFFE0];
	v15 =	vshll.u32 v16, $0x10  }
0x134: {  	v6 =	vadd.f32 v10, v6;
	v9 =	vmul.f32 v15, v9;
	v4 =	vadd.f32 v7, v4;
	v7 =	vld [tilespmem:s8+$0xFFFFFFE0]  }
0x135: {  	v11 =	vshll.u32 v8, $0x10;
	v8 =	vand.u32 $0xFFFF0000, v8;
	v10 =	vshll.u32 v14, $0x10  }
0x136: {  	v6 =	vadd.f32 v9, v6;
	v4 =	vadd.f32 v4, v5;
	v5 =	vmul.f32 v11, v10  }
0x137: {  	v10 =	vand.u32 $0xFFFF0000, v13;
	v11 =	vand.u32 $0xFFFF0000, v14;
	v13 =	vld [tilespmem:s6+$0xFFFFFFF0];
	v14 =	vand.u32 $0xFFFF0000, v16  }
0x138: {  	v9 =	vmul.f32 v14, v10;
	v4 =	vadd.f32 v5, v4;
	v5 =	vmul.f32 v8, v11;
	v8 =	vld [tilespmem:s8+$0xFFFFFFF0]  }
0x139: {  	v10 =	vshll.u32 v12, $0x10;
	v11 =	vshll.u32 v7, $0x10  }
0x13a: {  	v4 =	vadd.f32 v4, v5;
	v5 =	vadd.f32 v6, v9;
	v6 =	vmul.f32 v11, v10  }
0x13b: {  	s23 =	simm.s32 $0xB2E0;
	v7 =	vand.u32 $0xFFFF0000, v7;
	v9 =	vand.u32 $0xFFFF0000, v12  }
0x13c: {  	s21 =	simm.s32 $0x62E0;
	v7 =	vmul.f32 v7, v9;
	v10 =	vperm.xlane v4, v0;
	v5 =	vadd.f32 v6, v5;
	v6 =	vld [tilespmem:s23+$0x0]  }
0x13d: {  	v11 =	vld [tilespmem:s21+$0x0];
	v9 =	vshll.u32 v13, $0x10;
	v12 =	vshll.u32 v8, $0x10  }
0x13e: {  	v4 =	vadd.f32 v4, v10;
	v9 =	vmul.f32 v12, v9;
	v5 =	vadd.f32 v5, v7;
	v7 =	vld [tilespmem:s23+$0xFFFFFFC0]  }
0x13f: {  	v8 =	vand.u32 $0xFFFF0000, v8;
	v10 =	vand.u32 $0xFFFF0000, v13;
	v13 =	vld [tilespmem:s21+$0x10]  }
0x140: {  	v8 =	vmul.f32 v8, v10;
	v10 =	vld [tilespmem:s21+$0xFFFFFFC0];
	v12 =	vperm.xlane v4, v1;
	v5 =	vadd.f32 v9, v5  }
0x141: {  	v9 =	vld [tilespmem:s23+$0x10];
	v14 =	vshll.u32 v6, $0x10;
	v6 =	vand.u32 $0xFFFF0000, v6  }
0x142: {  	v4 =	vadd.f32 v4, v12;
	v12 =	vshll.u32 v11, $0x10;
	v5 =	vadd.f32 v5, v8  }
0x143: {  	v16 =	vld [tilespmem:s21+$0xFFFFFFD0];
	v11 =	vand.u32 $0xFFFF0000, v11;
	v8 =	vmul.f32 v14, v12;
	v15 =	vshll.u32 v7, $0x10  }
0x144: {  	v14 =	vld [tilespmem:s21+$0x20];
	v6 =	vmul.f32 v6, v11;
	v7 =	vand.u32 $0xFFFF0000, v7;
	v17 =	vshll.u32 v13, $0x10  }
0x145: {  	v11 =	vld [tilespmem:s23+$0x20];
	v13 =	vand.u32 $0xFFFF0000, v13;
	v12 =	vperm.xlane v4, v2;
	v8 =	vadd.f32 $0.0e+00, v8  }
0x146: {  	v20 =	vshll.u32 v10, $0x10;
	v10 =	vand.u32 $0xFFFF0000, v10;
	v18 =	vshll.u32 v9, $0x10  }
0x147: {  	v19 =	vld [tilespmem:s23+$0xFFFFFFD0];
	v15 =	vmul.f32 v15, v20;
	v6 =	vadd.f32 v8, v6;
	v8 =	vmul.f32 v18, v17  }
0x148: {  	v9 =	vand.u32 $0xFFFF0000, v9;
	v7 =	vmul.f32 v7, v10;
	v10 =	vshll.u32 v16, $0x10;
	v17 =	vld [tilespmem:s21+$0x30]  }
0x149: {  	v4 =	vadd.f32 v4, v12;
	v6 =	vadd.f32 v8, v6;
	v8 =	vmul.f32 v9, v13;
	v9 =	vld [tilespmem:s23+$0x30]  }
0x14a: {  	s6 =	simm.s32 $0xB360;
	v18 =	vshll.u32 v11, $0x10;
	v13 =	vadd.f32 $0.0e+00, v15;
	v15 =	vshll.u32 v14, $0x10  }
0x14b: {  	v22 =	vld [tilespmem:s6+$0xFFFFFFD0];
	v11 =	vand.u32 $0xFFFF0000, v11;
	v6 =	vadd.f32 v6, v8;
	v8 =	vmul.f32 v18, v15  }
0x14c: {  	v14 =	vand.u32 $0xFFFF0000, v14;
	v15 =	vld [tilespmem:s21+$0xFFFFFFE0];
	v18 =	vshll.u32 v19, $0x10;
	v7 =	vadd.f32 v13, v7  }
0x14d: {  	v10 =	vmul.f32 v18, v10;
	v6 =	vadd.f32 v8, v6;
	v8 =	vmul.f32 v11, v14;
	v11 =	vld [tilespmem:s23+$0xFFFFFFE0]  }
0x14e: {  	v13 =	vshll.u32 v17, $0x10;
	v14 =	vshll.u32 v9, $0x10;
	v9 =	vand.u32 $0xFFFF0000, v9  }
0x14f: {  	v7 =	vadd.f32 v10, v7;
	v6 =	vadd.f32 v6, v8;
	v8 =	vmul.f32 v14, v13  }
0x150: {  	v13 =	vand.u32 $0xFFFF0000, v16;
	v14 =	vand.u32 $0xFFFF0000, v17;
	v16 =	vld [tilespmem:s21+$0xFFFFFFF0];
	v17 =	vand.u32 $0xFFFF0000, v19;
	s21 =	simm.s32 $0xB3E0  }
0x151: {  	v10 =	vmul.f32 v17, v13;
	v26 =	vld [tilespmem:s21+$0xFFFFFFD0];
	v6 =	vadd.f32 v8, v6;
	v8 =	vmul.f32 v9, v14  }
0x152: {  	v32 =	vshll.u32 v22, $0x10;
	v12 =	vshll.u32 v15, $0x10;
	v9 =	vld [tilespmem:s23+$0xFFFFFFF0];
	v13 =	vshll.u32 v11, $0x10  }
0x153: {  	s5 =	simm.s32 $0x6360;
	v7 =	vadd.f32 v7, v10;
	v6 =	vadd.f32 v6, v8;
	v8 =	vperm.xlane v4, v3  }
0x154: {  	v14 =	vld [tilespmem:s5+$0x0];
	s23 =	simm.s32 $0x6460;
	v11 =	vand.u32 $0xFFFF0000, v11;
	v10 =	vmul.f32 v13, v12;
	v12 =	vand.u32 $0xFFFF0000, v15  }
0x155: {  	v50 =	vld [tilespmem:s23+$0xFFFFFFD0];
	v13 =	vperm.xlane v6, v0;
	v4 =	vadd.f32 v4, v8;
	v8 =	vmul.f32 v11, v12  }
0x156: {  	v7 =	vadd.f32 v10, v7;
	v10 =	vld [tilespmem:s6+$0x0];
	v11 =	vshll.u32 v16, $0x10;
	v40 =	vshll.u32 v26, $0x10  }
0x157: {  	v53 =	vld [tilespmem:s23+$0x30];
	v42 =	vand.u32 $0xFFFF0000, v26;
	v12 =	vshll.u32 v9, $0x10;
	v6 =	vadd.f32 v6, v13  }
0x158: {  	v11 =	vmul.f32 v12, v11;
	v7 =	vadd.f32 v7, v8;
	v8 =	vperm.xlane v5, v0;
	v12 =	vld [tilespmem:s6+$0xFFFFFFC0]  }
0x159: {  	v9 =	vand.u32 $0xFFFF0000, v9;
	v13 =	vand.u32 $0xFFFF0000, v16;
	v16 =	vld [tilespmem:s5+$0x10];
	v15 =	vperm.xlane v6, v1  }
0x15a: {  	v9 =	vmul.f32 v9, v13;
	v13 =	vshll.u32 v14, $0x10;
	v5 =	vadd.f32 v5, v8;
	v8 =	vld [tilespmem:s6+$0x10]  }
0x15b: {  	v7 =	vadd.f32 v11, v7;
	v11 =	vld [tilespmem:s5+$0xFFFFFFC0];
	v6 =	vadd.f32 v6, v15;
	v15 =	vshll.u32 v10, $0x10  }
0x15c: {  	v61 =	vand.u32 $0xFFFF0000, v50;
	v62 =	vand.u32 $0xFFFF0000, v53;
	v13 =	vmul.f32 v15, v13  }
0x15d: {  	v17 =	vld [tilespmem:s5+$0x20];
	v14 =	vand.u32 $0xFFFF0000, v14;
	v7 =	vadd.f32 v7, v9;
	v10 =	vand.u32 $0xFFFF0000, v10  }
0x15e: {  	v9 =	vperm.xlane v5, v1;
	v10 =	vmul.f32 v10, v14;
	v14 =	vld [tilespmem:s6+$0x20];
	v13 =	vadd.f32 $0.0e+00, v13  }
0x15f: {  	v18 =	vshll.u32 v12, $0x10;
	v20 =	vshll.u32 v16, $0x10;
	v21 =	vshll.u32 v8, $0x10  }
0x160: {  	v23 =	vshll.u32 v11, $0x10;
	v10 =	vadd.f32 v13, v10;
	v13 =	vmul.f32 v21, v20  }
0x161: {  	v16 =	vand.u32 $0xFFFF0000, v16;
	v8 =	vand.u32 $0xFFFF0000, v8;
	v18 =	vmul.f32 v18, v23;
	v20 =	vld [tilespmem:s5+$0x30]  }
0x162: {  	v12 =	vand.u32 $0xFFFF0000, v12;
	v8 =	vmul.f32 v8, v16;
	v10 =	vadd.f32 v13, v10;
	v13 =	vld [tilespmem:s6+$0x30]  }
0x163: {  	v16 =	vadd.f32 $0.0e+00, v18;
	v18 =	vshll.u32 v17, $0x10;
	v31 =	vshll.u32 v14, $0x10  }
0x164: {  	v19 =	vld [tilespmem:s5+$0xFFFFFFD0];
	v11 =	vand.u32 $0xFFFF0000, v11;
	v8 =	vadd.f32 v10, v8;
	v10 =	vmul.f32 v31, v18  }
0x165: {  	s8 =	simm.s32 $0x63E0;
	v11 =	vmul.f32 v12, v11;
	v17 =	vand.u32 $0xFFFF0000, v17;
	v14 =	vand.u32 $0xFFFF0000, v14  }
0x166: {  	v5 =	vadd.f32 v5, v9;
	v9 =	vld [tilespmem:s8+$0xFFFFFFC0];
	v8 =	vadd.f32 v10, v8;
	v10 =	vmul.f32 v14, v17  }
0x167: {  	v11 =	vadd.f32 v16, v11;
	v18 =	vld [tilespmem:s5+$0xFFFFFFE0];
	v16 =	vshll.u32 v20, $0x10;
	v17 =	vshll.u32 v13, $0x10  }
0x168: {  	v15 =	vperm.xlane v6, v2;
	v14 =	vld [tilespmem:s6+$0xFFFFFFE0];
	v8 =	vadd.f32 v8, v10;
	v10 =	vmul.f32 v17, v16  }
0x169: {  	v12 =	vshll.u32 v19, $0x10;
	v13 =	vand.u32 $0xFFFF0000, v13;
	v17 =	vand.u32 $0xFFFF0000, v20  }
0x16a: {  	v12 =	vmul.f32 v32, v12;
	v8 =	vadd.f32 v10, v8;
	v10 =	vmul.f32 v13, v17  }
0x16b: {  	v6 =	vadd.f32 v6, v15;
	v16 =	vand.u32 $0xFFFF0000, v19;
	v20 =	vand.u32 $0xFFFF0000, v22  }
0x16c: {  	v11 =	vadd.f32 v12, v11;
	v19 =	vld [tilespmem:s5+$0xFFFFFFF0];
	v12 =	vmul.f32 v20, v16;
	v8 =	vadd.f32 v8, v10  }
0x16d: {  	v35 =	vshll.u32 v9, $0x10;
	v15 =	vshll.u32 v18, $0x10;
	v13 =	vld [tilespmem:s6+$0xFFFFFFF0];
	v16 =	vshll.u32 v14, $0x10  }
0x16e: {  	v11 =	vadd.f32 v11, v12;
	v12 =	vmul.f32 v16, v15;
	v16 =	vperm.xlane v8, v0  }
0x16f: {  	v17 =	vld [tilespmem:s8+$0x0];
	v14 =	vand.u32 $0xFFFF0000, v14;
	v10 =	vperm.xlane v6, v3;
	v15 =	vand.u32 $0xFFFF0000, v18  }
0x170: {  	v14 =	vmul.f32 v14, v15;
	v11 =	vadd.f32 v12, v11;
	v8 =	vadd.f32 v8, v16;
	v16 =	vld [tilespmem:s21+$0x0]  }
0x171: {  	v20 =	vld [tilespmem:s21+$0xFFFFFFC0];
	v15 =	vshll.u32 v19, $0x10;
	v18 =	vand.u32 $0xFFFF0000, v19;
	v19 =	vperm.xlane v7, v0  }
0x172: {  	v12 =	vshll.u32 v13, $0x10;
	v11 =	vadd.f32 v11, v14;
	v14 =	vperm.xlane v8, v1  }
0x173: {  	v9 =	vand.u32 $0xFFFF0000, v9;
	v15 =	vmul.f32 v12, v15;
	v12 =	vadd.f32 v6, v10;
	v10 =	vld [tilespmem:s8+$0x10]  }
0x174: {  	v13 =	vand.u32 $0xFFFF0000, v13;
	v7 =	vadd.f32 v7, v19;
	v8 =	vadd.f32 v8, v14;
	v14 =	vld [tilespmem:s21+$0x10]  }
0x175: {  	v6 =	vmul.f32 v13, v18;
	v18 =	vshll.u32 v17, $0x10;
	v19 =	vshll.u32 v16, $0x10  }
0x176: {  	v34 =	vshll.u32 v20, $0x10;
	v33 =	vperm.xlane v8, v2;
	v18 =	vmul.f32 v19, v18  }
0x177: {  	v17 =	vand.u32 $0xFFFF0000, v17;
	v16 =	vand.u32 $0xFFFF0000, v16;
	v19 =	vand.u32 $0xFFFF0000, v20;
	v20 =	vld [tilespmem:s8+$0x20]  }
0x178: {  	v16 =	vmul.f32 v16, v17;
	v17 =	vld [tilespmem:s21+$0x20];
	v21 =	vadd.f32 v8, v33;
	v8 =	vadd.f32 $0.0e+00, v18  }
0x179: {  	v22 =	vmul.f32 v34, v35;
	v24 =	vshll.u32 v10, $0x10;
	v25 =	vshll.u32 v14, $0x10  }
0x17a: {  	v13 =	vperm.xlane v5, v2;
	v8 =	vadd.f32 v8, v16;
	v16 =	vmul.f32 v25, v24  }
0x17b: {  	v36 =	vld [tilespmem:s8+$0x30];
	v11 =	vadd.f32 v15, v11;
	v10 =	vand.u32 $0xFFFF0000, v10;
	v14 =	vand.u32 $0xFFFF0000, v14  }
0x17c: {  	v15 =	vperm.xlane v7, v1;
	v10 =	vmul.f32 v14, v10;
	v14 =	vld [tilespmem:s21+$0x30];
	v8 =	vadd.f32 v16, v8  }
0x17d: {  	v5 =	vadd.f32 v5, v13;
	v18 =	vld [tilespmem:s8+$0xFFFFFFD0];
	v37 =	vshll.u32 v20, $0x10;
	v38 =	vshll.u32 v17, $0x10  }
0x17e: {  	v9 =	vmul.f32 v19, v9;
	v8 =	vadd.f32 v8, v10;
	v10 =	vmul.f32 v38, v37  }
0x17f: {  	v20 =	vand.u32 $0xFFFF0000, v20;
	v17 =	vand.u32 $0xFFFF0000, v17;
	v16 =	vadd.f32 $0.0e+00, v22  }
0x180: {  	v39 =	vld [tilespmem:s8+$0xFFFFFFE0];
	v27 =	vperm.xlane v21, v3;
	v8 =	vadd.f32 v10, v8;
	v10 =	vmul.f32 v17, v20  }
0x181: {  	v9 =	vadd.f32 v16, v9;
	v16 =	vshll.u32 v36, $0x10;
	v17 =	vld [tilespmem:s21+$0xFFFFFFE0];
	v20 =	vshll.u32 v14, $0x10  }
0x182: {  	v19 =	vshll.u32 v18, $0x10;
	v8 =	vadd.f32 v8, v10;
	v10 =	vmul.f32 v20, v16  }
0x183: {  	v41 =	vld [tilespmem:s21+$0xFFFFFFF0];
	v19 =	vmul.f32 v40, v19;
	v14 =	vand.u32 $0xFFFF0000, v14;
	v20 =	vand.u32 $0xFFFF0000, v36  }
0x184: {  	v18 =	vand.u32 $0xFFFF0000, v18;
	v16 =	vld [tilespmem:s8+$0xFFFFFFF0];
	v8 =	vadd.f32 v10, v8;
	v10 =	vmul.f32 v14, v20  }
0x185: {  	v57 =	vld [tilespmem:s23+$0xFFFFFFE0];
	v9 =	vadd.f32 v19, v9;
	s21 =	simm.s32 $0xB460;
	v14 =	vmul.f32 v42, v18;
	v18 =	vshll.u32 v39, $0x10  }
0x186: {  	v45 =	vld [tilespmem:s21+$0x10];
	v20 =	vand.u32 $0xFFFF0000, v39;
	v19 =	vshll.u32 v17, $0x10;
	v8 =	vadd.f32 v8, v10  }
0x187: {  	v9 =	vadd.f32 v9, v14;
	v10 =	vand.u32 $0xFFFF0000, v17;
	v14 =	vmul.f32 v19, v18  }
0x188: {  	v11 =	vadd.f32 v11, v6;
	v54 =	vld [tilespmem:s21+$0x30];
	v6 =	vmul.f32 v10, v20;
	v10 =	vperm.xlane v8, v0  }
0x189: {  	v18 =	vld [tilespmem:s23+$0x0];
	v17 =	vshll.u32 v16, $0x10;
	v9 =	vadd.f32 v14, v9;
	v14 =	vshll.u32 v41, $0x10  }
0x18a: {  	v24 =	vand.u32 $0xFFFF0000, v57;
	v10 =	vadd.f32 v8, v10;
	v8 =	vmul.f32 v14, v17;
	v14 =	vld [tilespmem:s21+$0x0]  }
0x18b: {  	v19 =	vand.u32 $0xFFFF0000, v41;
	v51 =	vshll.u32 v45, $0x10;
	v9 =	vadd.f32 v9, v6  }
0x18c: {  	v22 =	vand.u32 $0xFFFF0000, v45;
	v16 =	vand.u32 $0xFFFF0000, v16;
	v43 =	vperm.xlane v10, v1  }
0x18d: {  	v59 =	vshll.u32 v54, $0x10;
	v20 =	vld [tilespmem:s21+$0xFFFFFFC0];
	v13 =	vmul.f32 v19, v16;
	v16 =	vadd.f32 v8, v9  }
0x18e: {  	v19 =	vld [tilespmem:s23+$0x10];
	v17 =	vperm.xlane v11, v0;
	v6 =	vadd.f32 v7, v15;
	v44 =	vadd.f32 v10, v43  }
0x18f: {  	v10 =	vadd.f32 v16, v13;
	v13 =	vshll.u32 v18, $0x10;
	v16 =	vshll.u32 v14, $0x10  }
0x190: {  	v15 =	vld [tilespmem:s23+$0xFFFFFFC0];
	v7 =	vperm.xlane v5, v3;
	v8 =	vadd.f32 v11, v17;
	v13 =	vmul.f32 v16, v13  }
0x191: {  	v17 =	vadd.f32 v21, v27;
	v14 =	vand.u32 $0xFFFF0000, v14;
	v16 =	vand.u32 $0xFFFF0000, v18;
	v18 =	vld [tilespmem:s23+$0x20]  }
0x192: {  	v9 =	vperm.xlane v6, v2;
	v14 =	vmul.f32 v14, v16;
	v16 =	vld [tilespmem:s21+$0x20];
	v13 =	vadd.f32 $0.0e+00, v13  }
0x193: {  	v47 =	vshll.u32 v20, $0x10;
	v20 =	vand.u32 $0xFFFF0000, v20;
	v49 =	vshll.u32 v19, $0x10  }
0x194: {  	v19 =	vand.u32 $0xFFFF0000, v19;
	v25 =	vmul.f32 v51, v49;
	v13 =	vadd.f32 v13, v14  }
0x195: {  	v11 =	vperm.xlane v8, v1;
	v19 =	vmul.f32 v22, v19;
	v22 =	vand.u32 $0xFFFF0000, v54  }
0x196: {  	v48 =	vshll.u32 v15, $0x10;
	v15 =	vand.u32 $0xFFFF0000, v15;
	v13 =	vadd.f32 v25, v13  }
0x197: {  	v46 =	vperm.xlane v44, v2;
	v14 =	vld [tilespmem:s21+$0xFFFFFFD0];
	v55 =	vshll.u32 v18, $0x10;
	v56 =	vshll.u32 v16, $0x10  }
0x198: {  	v23 =	vmul.f32 v47, v48;
	v13 =	vadd.f32 v13, v19;
	v19 =	vmul.f32 v56, v55  }
0x199: {  	v15 =	vmul.f32 v20, v15;
	v18 =	vand.u32 $0xFFFF0000, v18;
	v16 =	vand.u32 $0xFFFF0000, v16  }
0x19a: {  	v20 =	vshll.u32 v50, $0x10;
	v16 =	vmul.f32 v16, v18;
	v13 =	vadd.f32 v19, v13  }
0x19b: {  	v21 =	vadd.f32 v44, v46;
	v23 =	vadd.f32 $0.0e+00, v23;
	v18 =	vld [tilespmem:s21+$0xFFFFFFE0];
	v19 =	vshll.u32 v53, $0x10  }
0x19c: {  	v58 =	vshll.u32 v14, $0x10;
	v19 =	vmul.f32 v59, v19;
	v16 =	vadd.f32 v13, v16  }
0x19d: {  	v60 =	vld [tilespmem:s23+$0xFFFFFFF0];
	v52 =	vperm.xlane v21, v3;
	v15 =	vadd.f32 v23, v15;
	v20 =	vmul.f32 v58, v20  }
0x19e: {  	v14 =	vand.u32 $0xFFFF0000, v14;
	v13 =	vld [tilespmem:s21+$0xFFFFFFF0];
	v16 =	vadd.f32 v19, v16;
	v19 =	vmul.f32 v22, v62  }
0x19f: {  	s2 =	simm.s32 $0x11540;
	v21 =	vadd.f32 v21, v52;
	v14 =	vmul.f32 v14, v61;
	v15 =	vadd.f32 v20, v15  }
0x1a0: {  	[tilespmem:s2+$0x0] =	vst v4;
	s23 =	simm.s32 $0x11560;
	v20 =	vshll.u32 v57, $0x10;
	v63 =	vshll.u32 v18, $0x10;
	v4 =	vadd.f32 v16, v19  }
0x1a1: {  	s8 =	simm.s32 $0x11580;
	[tilespmem:s23+$0x0] =	vst v12;
	v12 =	vand.u32 $0xFFFF0000, v18;
	v18 =	vmul.f32 v63, v20;
	v16 =	vadd.f32 v15, v14  }
0x1a2: {  	s4 =	simm.s32 $0x115A0;
	[tilespmem:s8+$0x0] =	vst v17;
	v17 =	vand.u32 $0xFFFF0000, v60;
	v12 =	vmul.f32 v12, v24;
	v14 =	vperm.xlane v4, v0  }
0x1a3: {  	s5 =	simm.s32 $0x8;
	s6 =	simm.s32 $0x64E0;
	[tilespmem:s4+$0x0] =	vst v21;
	v15 =	vshll.u32 v60, $0x10;
	v16 =	vadd.f32 v18, v16;
	v18 =	vshll.u32 v13, $0x10  }
.LBB2_11:
0x1a4: {  	v19 =	vld [tilespmem:s6+$0x0];
	v13 =	vand.u32 $0xFFFF0000, v13;
	v15 =	vmul.f32 v18, v15;
	v4 =	vadd.f32 v4, v14;
	s21 =	sadd.s32 $0x80, s21  }
0x1a5: {  	s5 =	sadd.s32 $0x2, s5;
	v14 =	vld [tilespmem:s21+$0x0];
	v12 =	vadd.f32 v16, v12;
	v13 =	vmul.f32 v13, v17;
	v16 =	vperm.xlane v10, v0  }
0x1a6: {  	v20 =	vadd.f32 v6, v9;
	v6 =	vadd.f32 v8, v11;
	p0 =	slt.u32 s5, $0x4E;
	v17 =	vld [tilespmem:s21+$0xFFFFFFC0];
	v18 =	vperm.xlane v4, v1  }
0x1a7: {  	v21 =	vld [tilespmem:s6+$0xFFFFFFC0];
	v11 =	vadd.f32 v15, v12;
	v8 =	vadd.f32 v10, v16  }
0x1a8: {  	v9 =	vperm.xlane v6, v2;
	v15 =	vperm.xlane v20, v3;
	v12 =	vld [tilespmem:s6+$0x10];
	v4 =	vadd.f32 v4, v18  }
0x1a9: {  	v16 =	vld [tilespmem:s21+$0x10];
	v10 =	vadd.f32 v11, v13;
	v11 =	vperm.xlane v8, v1;
	v13 =	vadd.f32 v5, v7;
	v5 =	vmovc v20  }
0x1aa: {  	v20 =	vshll.u32 v19, $0x10;
	v7 =	vmovc v15;
	v18 =	vld [tilespmem:s6+$0xFFFFFFD0];
	v22 =	vshll.u32 v14, $0x10;
	v23 =	vperm.xlane v4, v2  }
0x1ab: {  	v15 =	vshll.u32 v17, $0x10;
	v17 =	vand.u32 $0xFFFF0000, v17;
	v24 =	vld [tilespmem:s21+$0xFFFFFFD0];
	v20 =	vmul.f32 v22, v20;
	[tilespmem:s2+$0xFFFFFFF0] =	vst v13;
	s2 =	smov.u32 s23;
	s23 =	smov.u32 s8;
	s8 =	smov.u32 s4  }
0x1ac: {  	v14 =	vand.u32 $0xFFFF0000, v14;
	v13 =	vand.u32 $0xFFFF0000, v19;
	v19 =	vld [tilespmem:s6+$0x20];
	v4 =	vadd.f32 v4, v23  }
0x1ad: {  	v22 =	vshll.u32 v21, $0x10;
	v13 =	vmul.f32 v14, v13;
	v20 =	vadd.f32 $0.0e+00, v20;
	v14 =	vld [tilespmem:s21+$0x20]  }
0x1ae: {  	v25 =	vshll.u32 v12, $0x10;
	v23 =	vld [tilespmem:s6+$0xFFFFFFE0];
	v26 =	vshll.u32 v16, $0x10;
	v27 =	vperm.xlane v4, v3  }
0x1af: {  	v15 =	vmul.f32 v15, v22;
	v22 =	vld [tilespmem:s21+$0xFFFFFFE0];
	v13 =	vadd.f32 v20, v13;
	v20 =	vmul.f32 v26, v25  }
0x1b0: {  	v12 =	vand.u32 $0xFFFF0000, v12;
	v16 =	vand.u32 $0xFFFF0000, v16;
	v25 =	vld [tilespmem:s6+$0x30];
	v4 =	vadd.f32 v4, v27  }
0x1b1: {  	s4 =	sadd.s32 $0x20, s4;
	v21 =	vand.u32 $0xFFFF0000, v21;
	v12 =	vmul.f32 v16, v12;
	v20 =	vadd.f32 v20, v13;
	v16 =	vld [tilespmem:s21+$0x30]  }
0x1b2: {  	v15 =	vadd.f32 $0.0e+00, v15;
	v27 =	vshll.u32 v19, $0x10;
	v26 =	vld [tilespmem:s6+$0xFFFFFFF0];
	v28 =	vshll.u32 v14, $0x10;
	[tilespmem:s4+$0x0] =	vst v4  }
0x1b3: {  	v4 =	vmul.f32 v17, v21;
	v13 =	vld [tilespmem:s21+$0xFFFFFFF0];
	v12 =	vadd.f32 v20, v12;
	v17 =	vmul.f32 v28, v27  }
0x1b4: {  	v19 =	vand.u32 $0xFFFF0000, v19;
	v14 =	vand.u32 $0xFFFF0000, v14;
	v20 =	vshll.u32 v18, $0x10  }
0x1b5: {  	v21 =	vshll.u32 v24, $0x10;
	v14 =	vmul.f32 v14, v19;
	v12 =	vadd.f32 v17, v12  }
0x1b6: {  	v4 =	vadd.f32 v15, v4;
	v15 =	vshll.u32 v25, $0x10;
	v17 =	vshll.u32 v16, $0x10  }
0x1b7: {  	v19 =	vmul.f32 v21, v20;
	v12 =	vadd.f32 v12, v14;
	v14 =	vmul.f32 v17, v15  }
0x1b8: {  	v16 =	vand.u32 $0xFFFF0000, v16;
	v15 =	vand.u32 $0xFFFF0000, v18;
	v17 =	vand.u32 $0xFFFF0000, v25  }
0x1b9: {  	v18 =	vand.u32 $0xFFFF0000, v24;
	v12 =	vadd.f32 v14, v12;
	v14 =	vmul.f32 v16, v17  }
.Ltmp4:
0x1ba: {  	v15 =	vmul.f32 v18, v15;
	v16 =	vadd.f32 v19, v4;
	v17 =	vshll.u32 v23, $0x10;
	(pc) =	sbr.rel @p0 .LBB2_11-.Ltmp4, $4  }
0x1bb: {  	v18 =	vshll.u32 v22, $0x10;
	v19 =	vand.u32 $0xFFFF0000, v23;
	v4 =	vadd.f32 v12, v14  }
0x1bc: {  	v17 =	vmul.f32 v18, v17;
	v16 =	vadd.f32 v16, v15;
	v12 =	vand.u32 $0xFFFF0000, v22  }
0x1bd: {  	v15 =	vshll.u32 v26, $0x10;
	v12 =	vmul.f32 v12, v19;
	v14 =	vperm.xlane v4, v0  }
0x1be: {  	s6 =	sadd.s32 $0x80, s6;
	v18 =	vshll.u32 v13, $0x10;
	v16 =	vadd.f32 v17, v16;
	v17 =	vand.u32 $0xFFFF0000, v26  }
0x1bf: {  	_ = 	snop  }
0x1c0: {  	v15 =	vmul.f32 v18, v15;
	v12 =	vadd.f32 v16, v12  }
0x1c1: {  	v13 =	vand.u32 $0xFFFF0000, v13  }
0x1c2: {  	v13 =	vmul.f32 v13, v17;
	v12 =	vadd.f32 v15, v12;
	_ =	sdelay $0x1  }
0x1c3: {  	v4 =	vadd.f32 v4, v14;
	v12 =	vadd.f32 v12, v13  }
0x1c4: {  	v57 =	vperm.xlane v10, v0  }
0x1c5: {  	v14 =	vperm.xlane v4, v1;
	v58 =	vperm.xlane v12, v0  }
0x1c6: {  	v10 =	vadd.f32 v10, v57  }
0x1c7: {  	v4 =	vadd.f32 v4, v14;
	v12 =	vadd.f32 v12, v58  }
0x1c8: {  	v13 =	vperm.xlane v10, v1  }
0x1c9: {  	v8 =	vadd.f32 v8, v11;
	v11 =	vperm.xlane v4, v2;
	v59 =	vperm.xlane v12, v1  }
0x1ca: {  	v10 =	vadd.f32 v10, v13  }
0x1cb: {  	v60 =	vperm.xlane v8, v2;
	v4 =	vadd.f32 v4, v11;
	v11 =	vadd.f32 v12, v59  }
0x1cc: {  	v6 =	vadd.f32 v6, v9;
	v9 =	vperm.xlane v10, v2  }
0x1cd: {  	v8 =	vadd.f32 v8, v60;
	v61 =	vperm.xlane v4, v3;
	v62 =	vperm.xlane v11, v2  }
0x1ce: {  	v5 =	vadd.f32 v5, v7;
	v63 =	vperm.xlane v6, v3;
	v7 =	vadd.f32 v10, v9  }
0x1cf: {  	v9 =	vperm.xlane v8, v3;
	v4 =	vadd.f32 v4, v61;
	v10 =	vadd.f32 v11, v62  }
0x1d0: {  	s21 =	sadd.s32 $0x20, s4;
	[tilespmem:s2+$0xFFFFFFF0] =	vst v5;
	v5 =	vadd.f32 v6, v63;
	v6 =	vperm.xlane v7, v3  }
0x1d1: {  	[tilespmem:s21+$0x0] =	vst v4;
	v4 =	vadd.f32 v8, v9;
	v8 =	vperm.xlane v10, v3  }
0x1d2: {  	p1 =	por $0x1, $0x1;
	[tilespmem:s23+$0xFFFFFFF0] =	vst v5;
	v5 =	vadd.f32 v7, v6  }
.Ltmp5:
0x1d3: {  	[tilespmem:s8+$0xFFFFFFF0] =	vst v4;
	v4 =	vadd.f32 v10, v8;
	(pc) =	sbr.rel @!p1 .LBB2_13-.Ltmp5, $4  }
0x1d4: {  	[tilespmem:s4+$0xFFFFFFF0] =	vst v5  }
0x1d5: {  	s4 =	simm.s32 $0x115B0;
	[tilespmem:s21+$0xFFFFFFF0] =	vst v4  }
0x1d6: {  	v7 =	vld [tilespmem:s4+$0xFFFFFF80]  }
0x1d7: {  	s5 =	simm.s32 $0x40;
	p0 =	por $0x0, $0x0;
	s2 =	simm.s32 $0x0;
	v8 =	vld [tilespmem:s4+$0xFFFFFF90]  }
0x1d8: {  	v4 =	vld [tilespmem:s4+$0xFFFFFFA0]  }
0x1d9: {  	v5 =	vld [tilespmem:s4+$0xFFFFFFB0]  }
0x1da: {  	v6 =	vld [tilespmem:s4+$0xFFFFFFC0]  }
0x1db: {  	v9 =	vld [tilespmem:s4+$0xFFFFFFD0]  }
0x1dc: {  	v10 =	vld [tilespmem:s4+$0xFFFFFFE0];
	v7 =	vsel vm0, v7, v8  }
0x1dd: {  	v8 =	vld [tilespmem:s4+$0xFFFFFFF0];
	v4 =	vsel vm1, v7, v4  }
0x1de: {  	v7 =	vld [tilespmem:s4+$0x0];
	v4 =	vsel vm2, v4, v5  }
0x1df: {  	v11 =	vld [tilespmem:s4+$0x10];
	v4 =	vsel vm3, v4, v6  }
0x1e0: {  	v12 =	vld [tilespmem:s4+$0x20];
	v4 =	vsel vm4, v4, v9  }
0x1e1: {  	v9 =	vld [tilespmem:s4+$0x30];
	v4 =	vsel vm5, v4, v10  }
0x1e2: {  	p1 =	por $0x1, $0x1;
	v10 =	vld [tilespmem:s4+$0x40];
	v4 =	vsel vm6, v4, v8  }
.Ltmp6:
0x1e3: {  	v5 =	vld [tilespmem:s4+$0x50];
	v4 =	vsel vm7, v4, v7;
	(pc) =	sbr.rel @!p1 .LBB2_15-.Ltmp6, $4  }
0x1e4: {  	v6 =	vld [tilespmem:s4+$0x60];
	v7 =	vsel vm8, v4, v11  }
0x1e5: {  	v4 =	vld [tilespmem:s4+$0x70];
	s4 =	simm.s32 $0x116B0;
	v8 =	vsel vm9, v7, v12  }
0x1e6: {  	v7 =	vld [tilespmem:s4+$0xFFFFFF80];
	v9 =	vsel vm10, v8, v9  }
0x1e7: {  	s6 =	simm.s32 $0x80;
	p0 =	por $0x1, $0x1;
	v8 =	vld [tilespmem:s4+$0xFFFFFF90];
	v9 =	vsel vm11, v9, v10  }
.LBB2_16:
0x1e8: {  	p1 =	sne.s32 s6, $0x100;
	v10 =	vld [tilespmem:s4+$0xFFFFFFA0];
	v5 =	vsel vm12, v9, v5  }
0x1e9: {  	s8 =	sshra.s32 s2, $0x2;
	s2 =	smov.u32 s5;
	s5 =	smov.u32 s6;
	v9 =	vld [tilespmem:s4+$0xFFFFFFB0];
	v5 =	vsel vm13, v5, v6  }
0x1ea: {  	s8 =	sadd.s32 s8, s15;
	v6 =	vld [tilespmem:s4+$0xFFFFFFC0];
	v4 =	vsel vm14, v5, v4  }
0x1eb: {  	v5 =	vld [tilespmem:s4+$0xFFFFFFD0];
	[tilespmem:s8+$0x0] =	vst v4  }
0x1ec: {  	v4 =	vsel vm0, v7, v8;
	v7 =	vld [tilespmem:s4+$0xFFFFFFE0]  }
0x1ed: {  	v4 =	vsel vm1, v4, v10;
	v8 =	vld [tilespmem:s4+$0xFFFFFFF0]  }
0x1ee: {  	v4 =	vsel vm2, v4, v9;
	v9 =	vld [tilespmem:s4+$0x0]  }
0x1ef: {  	v4 =	vsel vm3, v4, v6;
	v6 =	vld [tilespmem:s4+$0x10]  }
0x1f0: {  	v4 =	vsel vm4, v4, v5;
	v10 =	vld [tilespmem:s4+$0x20]  }
0x1f1: {  	v4 =	vsel vm5, v4, v7;
	v11 =	vld [tilespmem:s4+$0x30]  }
0x1f2: {  	v4 =	vsel vm6, v4, v8;
	v12 =	vld [tilespmem:s4+$0x40]  }
.Ltmp7:
0x1f3: {  	v4 =	vsel vm7, v4, v9;
	v5 =	vld [tilespmem:s4+$0x50];
	(pc) =	sbr.rel @p1 .LBB2_16-.Ltmp7, $4  }
0x1f4: {  	v4 =	vsel vm8, v4, v6;
	v6 =	vld [tilespmem:s4+$0x60]  }
0x1f5: {  	v8 =	vsel vm9, v4, v10;
	v4 =	vld [tilespmem:s4+$0x70];
	s4 =	sadd.s32 $0x100, s4  }
0x1f6: {  	v7 =	vld [tilespmem:s4+$0xFFFFFF80];
	v9 =	vsel vm10, v8, v11  }
0x1f7: {  	s6 =	sadd.s32 $0x40, s6;
	v8 =	vld [tilespmem:s4+$0xFFFFFF90];
	v9 =	vsel vm11, v9, v12  }
0x1f8: {  	s6 =	smov.u32 s2;
	s2 =	smov.u32 s5  }
.LBB2_18:
0x1f9: {  	v10 =	vld [tilespmem:s4+$0xFFFFFFA0]  }
0x1fa: {  	v11 =	vld [tilespmem:s4+$0xFFFFFFB0]  }
0x1fb: {  	v12 =	vld [tilespmem:s4+$0xFFFFFFC0]  }
0x1fc: {  	v13 =	vld [tilespmem:s4+$0xFFFFFFD0]  }
0x1fd: {  	v7 =	vsel vm0, v7, v8;
	v8 =	vld [tilespmem:s4+$0xFFFFFFE0]  }
0x1fe: {  	v7 =	vsel vm1, v7, v10;
	v10 =	vld [tilespmem:s4+$0xFFFFFFF0]  }
0x1ff: {  	v7 =	vsel vm2, v7, v11;
	v11 =	vld [tilespmem:s4+$0x0]  }
0x200: {  	v7 =	vsel vm3, v7, v12;
	v12 =	vld [tilespmem:s4+$0x10]  }
0x201: {  	v7 =	vsel vm4, v7, v13;
	v13 =	vld [tilespmem:s4+$0x20]  }
0x202: {  	v7 =	vsel vm5, v7, v8;
	v8 =	vld [tilespmem:s4+$0x30]  }
0x203: {  	v7 =	vsel vm6, v7, v10;
	v10 =	vld [tilespmem:s4+$0x40]  }
0x204: {  	v7 =	vsel vm7, v7, v11;
	v11 =	vld [tilespmem:s4+$0x50]  }
0x205: {  	v7 =	vsel vm8, v7, v12;
	v12 =	vld [tilespmem:s4+$0x60]  }
0x206: {  	v7 =	vsel vm9, v7, v13;
	v13 =	vld [tilespmem:s4+$0x70]  }
0x207: {  	v7 =	vsel vm10, v7, v8  }
0x208: {  	v5 =	vsel @p0 vm12, v9, v5;
	v7 =	vsel vm11, v7, v10  }
0x209: {  	v5 =	vsel @p0 vm13, v5, v6;
	s4 =	sshra.s32 @p0 s6, $0x2;
	v6 =	vsel vm12, v7, v11  }
0x20a: {  	s2 =	sshra.s32 s2, $0x2;
	v4 =	vsel @p0 vm14, v5, v4;
	s4 =	sadd.s32 @p0 s4, s15;
	v5 =	vsel vm13, v6, v12  }
0x20b: {  	s2 =	sadd.s32 s2, s15;
	[tilespmem:s4+$0x0] =	vst @p0 v4;
	p0 =	seq.s32 s19, $0x1E;
	v4 =	vsel vm14, v5, v13  }
0x20c: {  	s4 =	simm.s32 @!p0 $0x50;
	s5 =	simm.s32 @!p0 $0x6220;
	[tilespmem:s2+$0x0] =	vst v4;
	s2 =	sadd.s32 @!p0 $0x190, s20  }
0x20d: {  	[tilespmem:s5], [sflag:$0x2] =	stream.indirect.gather @!p0 [hbm4b:s3+s4], $0x40, s2, s4, $0xb8;
	[tilespmem:$0x11A30] =	vst v63  }
0x20e: {  	s2 =	sadd.s32 @!p0 $0x28A0, s20;
	s5 =	simm.s32 @!p0 $0xB220  }
0x20f: {  	[tilespmem:s5], [sflag:$0x6] =	stream.indirect.gather @!p0 [hbm4b:s3+s4], $0x40, s2, s4, $0xb8;
	[tilespmem:$0x11A30] =	vst v63  }
0x210: {  	_ =	swait.ge [sflag:s28], $0x1400  }
0x211: {  	[sflag:s28] =	ssyncset.done $0x0  }
0x212: {  	[sflag:s28] =	ssyncadd.s32 $0xFFFFEC00  }
0x213: {  	_ =	swait.ge [sflag:s29], $0x1400  }
0x214: {  	[sflag:s29] =	ssyncset.done $0x0  }
0x215: {  	s6 =	simm.s32 $0x7660;
	[sflag:s29] =	ssyncadd.s32 $0xFFFFEC00  }
0x216: {  	s8 =	simm.s32 $0xC660;
	v4 =	vld [tilespmem:s6+$0x0]  }
0x217: {  	v5 =	vld [tilespmem:s8+$0x0]  }
0x218: {  	v6 =	vld [tilespmem:s8+$0xFFFFFFC0]  }
0x219: {  	v7 =	vld [tilespmem:s6+$0x10]  }
0x21a: {  	v8 =	vld [tilespmem:s8+$0x10]  }
0x21b: {  	v9 =	vld [tilespmem:s6+$0xFFFFFFC0]  }
0x21c: {  	v10 =	vshll.u32 v4, $0x10;
	v11 =	vshll.u32 v5, $0x10  }
0x21d: {  	v4 =	vand.u32 $0xFFFF0000, v4;
	v5 =	vand.u32 $0xFFFF0000, v5;
	v10 =	vmul.f32 v11, v10  }
0x21e: {  	v12 =	vshll.u32 v6, $0x10;
	v4 =	vmul.f32 v5, v4;
	v5 =	vld [tilespmem:s8+$0x20]  }
0x21f: {  	v6 =	vand.u32 $0xFFFF0000, v6;
	v14 =	vshll.u32 v7, $0x10;
	v11 =	vld [tilespmem:s6+$0x20];
	v10 =	vadd.f32 $0.0e+00, v10  }
0x220: {  	v13 =	vld [tilespmem:s6+$0xFFFFFFD0];
	v15 =	vshll.u32 v8, $0x10;
	v17 =	vshll.u32 v9, $0x10;
	v7 =	vand.u32 $0xFFFF0000, v7  }
0x221: {  	v16 =	vld [tilespmem:s8+$0xFFFFFFD0];
	v8 =	vand.u32 $0xFFFF0000, v8;
	v4 =	vadd.f32 v10, v4;
	v10 =	vmul.f32 v15, v14  }
0x222: {  	v9 =	vand.u32 $0xFFFF0000, v9;
	v12 =	vmul.f32 v12, v17;
	v7 =	vmul.f32 v8, v7;
	v8 =	vld [tilespmem:s8+$0x30]  }
0x223: {  	v6 =	vmul.f32 v6, v9;
	v14 =	vld [tilespmem:s6+$0x30];
	v15 =	vshll.u32 v5, $0x10;
	v4 =	vadd.f32 v10, v4  }
0x224: {  	v5 =	vand.u32 $0xFFFF0000, v5;
	v10 =	vadd.f32 $0.0e+00, v12;
	v12 =	vshll.u32 v11, $0x10  }
0x225: {  	v11 =	vand.u32 $0xFFFF0000, v11;
	v4 =	vadd.f32 v4, v7;
	v7 =	vmul.f32 v15, v12  }
0x226: {  	v9 =	vshll.u32 v13, $0x10;
	v5 =	vmul.f32 v5, v11;
	v12 =	vld [tilespmem:s6+$0xFFFFFFE0];
	v15 =	vshll.u32 v16, $0x10  }
0x227: {  	v6 =	vadd.f32 v10, v6;
	v9 =	vmul.f32 v15, v9;
	v4 =	vadd.f32 v7, v4;
	v7 =	vld [tilespmem:s8+$0xFFFFFFE0]  }
0x228: {  	v11 =	vshll.u32 v8, $0x10;
	v8 =	vand.u32 $0xFFFF0000, v8;
	v10 =	vshll.u32 v14, $0x10  }
0x229: {  	v6 =	vadd.f32 v9, v6;
	v4 =	vadd.f32 v4, v5;
	v5 =	vmul.f32 v11, v10  }
0x22a: {  	v10 =	vand.u32 $0xFFFF0000, v13;
	v11 =	vand.u32 $0xFFFF0000, v14;
	v13 =	vld [tilespmem:s6+$0xFFFFFFF0];
	v14 =	vand.u32 $0xFFFF0000, v16  }
0x22b: {  	v9 =	vmul.f32 v14, v10;
	v4 =	vadd.f32 v5, v4;
	v5 =	vmul.f32 v8, v11;
	v8 =	vld [tilespmem:s8+$0xFFFFFFF0]  }
0x22c: {  	v10 =	vshll.u32 v12, $0x10;
	v11 =	vshll.u32 v7, $0x10  }
0x22d: {  	v4 =	vadd.f32 v4, v5;
	v5 =	vadd.f32 v6, v9;
	v6 =	vmul.f32 v11, v10  }
0x22e: {  	s23 =	simm.s32 $0xC6E0;
	v7 =	vand.u32 $0xFFFF0000, v7;
	v9 =	vand.u32 $0xFFFF0000, v12  }
0x22f: {  	s21 =	simm.s32 $0x76E0;
	v7 =	vmul.f32 v7, v9;
	v10 =	vperm.xlane v4, v0;
	v5 =	vadd.f32 v6, v5;
	v6 =	vld [tilespmem:s23+$0x0]  }
0x230: {  	v11 =	vld [tilespmem:s21+$0x0];
	v9 =	vshll.u32 v13, $0x10;
	v12 =	vshll.u32 v8, $0x10  }
0x231: {  	v4 =	vadd.f32 v4, v10;
	v9 =	vmul.f32 v12, v9;
	v5 =	vadd.f32 v5, v7;
	v7 =	vld [tilespmem:s23+$0xFFFFFFC0]  }
0x232: {  	v8 =	vand.u32 $0xFFFF0000, v8;
	v10 =	vand.u32 $0xFFFF0000, v13;
	v13 =	vld [tilespmem:s21+$0x10]  }
0x233: {  	v8 =	vmul.f32 v8, v10;
	v10 =	vld [tilespmem:s21+$0xFFFFFFC0];
	v12 =	vperm.xlane v4, v1;
	v5 =	vadd.f32 v9, v5  }
0x234: {  	v9 =	vld [tilespmem:s23+$0x10];
	v14 =	vshll.u32 v6, $0x10;
	v6 =	vand.u32 $0xFFFF0000, v6  }
0x235: {  	v4 =	vadd.f32 v4, v12;
	v12 =	vshll.u32 v11, $0x10;
	v5 =	vadd.f32 v5, v8  }
0x236: {  	v16 =	vld [tilespmem:s21+$0xFFFFFFD0];
	v11 =	vand.u32 $0xFFFF0000, v11;
	v8 =	vmul.f32 v14, v12;
	v15 =	vshll.u32 v7, $0x10  }
0x237: {  	v14 =	vld [tilespmem:s21+$0x20];
	v6 =	vmul.f32 v6, v11;
	v7 =	vand.u32 $0xFFFF0000, v7;
	v17 =	vshll.u32 v13, $0x10  }
0x238: {  	v11 =	vld [tilespmem:s23+$0x20];
	v13 =	vand.u32 $0xFFFF0000, v13;
	v12 =	vperm.xlane v4, v2;
	v8 =	vadd.f32 $0.0e+00, v8  }
0x239: {  	v20 =	vshll.u32 v10, $0x10;
	v10 =	vand.u32 $0xFFFF0000, v10;
	v18 =	vshll.u32 v9, $0x10  }
0x23a: {  	v19 =	vld [tilespmem:s23+$0xFFFFFFD0];
	v15 =	vmul.f32 v15, v20;
	v6 =	vadd.f32 v8, v6;
	v8 =	vmul.f32 v18, v17  }
0x23b: {  	v9 =	vand.u32 $0xFFFF0000, v9;
	v7 =	vmul.f32 v7, v10;
	v10 =	vshll.u32 v16, $0x10;
	v17 =	vld [tilespmem:s21+$0x30]  }
0x23c: {  	v4 =	vadd.f32 v4, v12;
	v6 =	vadd.f32 v8, v6;
	v8 =	vmul.f32 v9, v13;
	v9 =	vld [tilespmem:s23+$0x30]  }
0x23d: {  	s6 =	simm.s32 $0xC760;
	v18 =	vshll.u32 v11, $0x10;
	v13 =	vadd.f32 $0.0e+00, v15;
	v15 =	vshll.u32 v14, $0x10  }
0x23e: {  	v22 =	vld [tilespmem:s6+$0xFFFFFFD0];
	v11 =	vand.u32 $0xFFFF0000, v11;
	v6 =	vadd.f32 v6, v8;
	v8 =	vmul.f32 v18, v15  }
0x23f: {  	v14 =	vand.u32 $0xFFFF0000, v14;
	v15 =	vld [tilespmem:s21+$0xFFFFFFE0];
	v18 =	vshll.u32 v19, $0x10;
	v7 =	vadd.f32 v13, v7  }
0x240: {  	v10 =	vmul.f32 v18, v10;
	v6 =	vadd.f32 v8, v6;
	v8 =	vmul.f32 v11, v14;
	v11 =	vld [tilespmem:s23+$0xFFFFFFE0]  }
0x241: {  	v13 =	vshll.u32 v17, $0x10;
	v14 =	vshll.u32 v9, $0x10;
	v9 =	vand.u32 $0xFFFF0000, v9  }
0x242: {  	v7 =	vadd.f32 v10, v7;
	v6 =	vadd.f32 v6, v8;
	v8 =	vmul.f32 v14, v13  }
0x243: {  	v13 =	vand.u32 $0xFFFF0000, v16;
	v14 =	vand.u32 $0xFFFF0000, v17;
	v16 =	vld [tilespmem:s21+$0xFFFFFFF0];
	v17 =	vand.u32 $0xFFFF0000, v19;
	s21 =	simm.s32 $0xC7E0  }
0x244: {  	v10 =	vmul.f32 v17, v13;
	v26 =	vld [tilespmem:s21+$0xFFFFFFD0];
	v6 =	vadd.f32 v8, v6;
	v8 =	vmul.f32 v9, v14  }
0x245: {  	v32 =	vshll.u32 v22, $0x10;
	v12 =	vshll.u32 v15, $0x10;
	v9 =	vld [tilespmem:s23+$0xFFFFFFF0];
	v13 =	vshll.u32 v11, $0x10  }
0x246: {  	s5 =	simm.s32 $0x7760;
	v7 =	vadd.f32 v7, v10;
	v6 =	vadd.f32 v6, v8;
	v8 =	vperm.xlane v4, v3  }
0x247: {  	v14 =	vld [tilespmem:s5+$0x0];
	s23 =	simm.s32 $0x7860;
	v11 =	vand.u32 $0xFFFF0000, v11;
	v10 =	vmul.f32 v13, v12;
	v12 =	vand.u32 $0xFFFF0000, v15  }
0x248: {  	v50 =	vld [tilespmem:s23+$0xFFFFFFD0];
	v13 =	vperm.xlane v6, v0;
	v4 =	vadd.f32 v4, v8;
	v8 =	vmul.f32 v11, v12  }
0x249: {  	v7 =	vadd.f32 v10, v7;
	v10 =	vld [tilespmem:s6+$0x0];
	v11 =	vshll.u32 v16, $0x10;
	v40 =	vshll.u32 v26, $0x10  }
0x24a: {  	v53 =	vld [tilespmem:s23+$0x30];
	v42 =	vand.u32 $0xFFFF0000, v26;
	v12 =	vshll.u32 v9, $0x10;
	v6 =	vadd.f32 v6, v13  }
0x24b: {  	v11 =	vmul.f32 v12, v11;
	v7 =	vadd.f32 v7, v8;
	v8 =	vperm.xlane v5, v0;
	v12 =	vld [tilespmem:s6+$0xFFFFFFC0]  }
0x24c: {  	v9 =	vand.u32 $0xFFFF0000, v9;
	v13 =	vand.u32 $0xFFFF0000, v16;
	v16 =	vld [tilespmem:s5+$0x10];
	v15 =	vperm.xlane v6, v1  }
0x24d: {  	v9 =	vmul.f32 v9, v13;
	v13 =	vshll.u32 v14, $0x10;
	v5 =	vadd.f32 v5, v8;
	v8 =	vld [tilespmem:s6+$0x10]  }
0x24e: {  	v7 =	vadd.f32 v11, v7;
	v11 =	vld [tilespmem:s5+$0xFFFFFFC0];
	v6 =	vadd.f32 v6, v15;
	v15 =	vshll.u32 v10, $0x10  }
0x24f: {  	v61 =	vand.u32 $0xFFFF0000, v50;
	v62 =	vand.u32 $0xFFFF0000, v53;
	v13 =	vmul.f32 v15, v13  }
0x250: {  	v17 =	vld [tilespmem:s5+$0x20];
	v14 =	vand.u32 $0xFFFF0000, v14;
	v7 =	vadd.f32 v7, v9;
	v10 =	vand.u32 $0xFFFF0000, v10  }
0x251: {  	v9 =	vperm.xlane v5, v1;
	v10 =	vmul.f32 v10, v14;
	v14 =	vld [tilespmem:s6+$0x20];
	v13 =	vadd.f32 $0.0e+00, v13  }
0x252: {  	v18 =	vshll.u32 v12, $0x10;
	v20 =	vshll.u32 v16, $0x10;
	v21 =	vshll.u32 v8, $0x10  }
0x253: {  	v23 =	vshll.u32 v11, $0x10;
	v10 =	vadd.f32 v13, v10;
	v13 =	vmul.f32 v21, v20  }
0x254: {  	v16 =	vand.u32 $0xFFFF0000, v16;
	v8 =	vand.u32 $0xFFFF0000, v8;
	v18 =	vmul.f32 v18, v23;
	v20 =	vld [tilespmem:s5+$0x30]  }
0x255: {  	v12 =	vand.u32 $0xFFFF0000, v12;
	v8 =	vmul.f32 v8, v16;
	v10 =	vadd.f32 v13, v10;
	v13 =	vld [tilespmem:s6+$0x30]  }
0x256: {  	v16 =	vadd.f32 $0.0e+00, v18;
	v18 =	vshll.u32 v17, $0x10;
	v31 =	vshll.u32 v14, $0x10  }
0x257: {  	v19 =	vld [tilespmem:s5+$0xFFFFFFD0];
	v11 =	vand.u32 $0xFFFF0000, v11;
	v8 =	vadd.f32 v10, v8;
	v10 =	vmul.f32 v31, v18  }
0x258: {  	s8 =	simm.s32 $0x77E0;
	v11 =	vmul.f32 v12, v11;
	v17 =	vand.u32 $0xFFFF0000, v17;
	v14 =	vand.u32 $0xFFFF0000, v14  }
0x259: {  	v5 =	vadd.f32 v5, v9;
	v9 =	vld [tilespmem:s8+$0xFFFFFFC0];
	v8 =	vadd.f32 v10, v8;
	v10 =	vmul.f32 v14, v17  }
0x25a: {  	v11 =	vadd.f32 v16, v11;
	v18 =	vld [tilespmem:s5+$0xFFFFFFE0];
	v16 =	vshll.u32 v20, $0x10;
	v17 =	vshll.u32 v13, $0x10  }
0x25b: {  	v15 =	vperm.xlane v6, v2;
	v14 =	vld [tilespmem:s6+$0xFFFFFFE0];
	v8 =	vadd.f32 v8, v10;
	v10 =	vmul.f32 v17, v16  }
0x25c: {  	v12 =	vshll.u32 v19, $0x10;
	v13 =	vand.u32 $0xFFFF0000, v13;
	v17 =	vand.u32 $0xFFFF0000, v20  }
0x25d: {  	v12 =	vmul.f32 v32, v12;
	v8 =	vadd.f32 v10, v8;
	v10 =	vmul.f32 v13, v17  }
0x25e: {  	v6 =	vadd.f32 v6, v15;
	v16 =	vand.u32 $0xFFFF0000, v19;
	v20 =	vand.u32 $0xFFFF0000, v22  }
0x25f: {  	v11 =	vadd.f32 v12, v11;
	v19 =	vld [tilespmem:s5+$0xFFFFFFF0];
	v12 =	vmul.f32 v20, v16;
	v8 =	vadd.f32 v8, v10  }
0x260: {  	v35 =	vshll.u32 v9, $0x10;
	v15 =	vshll.u32 v18, $0x10;
	v13 =	vld [tilespmem:s6+$0xFFFFFFF0];
	v16 =	vshll.u32 v14, $0x10  }
0x261: {  	v11 =	vadd.f32 v11, v12;
	v12 =	vmul.f32 v16, v15;
	v16 =	vperm.xlane v8, v0  }
0x262: {  	v17 =	vld [tilespmem:s8+$0x0];
	v14 =	vand.u32 $0xFFFF0000, v14;
	v10 =	vperm.xlane v6, v3;
	v15 =	vand.u32 $0xFFFF0000, v18  }
0x263: {  	v14 =	vmul.f32 v14, v15;
	v11 =	vadd.f32 v12, v11;
	v8 =	vadd.f32 v8, v16;
	v16 =	vld [tilespmem:s21+$0x0]  }
0x264: {  	v20 =	vld [tilespmem:s21+$0xFFFFFFC0];
	v15 =	vshll.u32 v19, $0x10;
	v18 =	vand.u32 $0xFFFF0000, v19;
	v19 =	vperm.xlane v7, v0  }
0x265: {  	v12 =	vshll.u32 v13, $0x10;
	v11 =	vadd.f32 v11, v14;
	v14 =	vperm.xlane v8, v1  }
0x266: {  	v9 =	vand.u32 $0xFFFF0000, v9;
	v15 =	vmul.f32 v12, v15;
	v12 =	vadd.f32 v6, v10;
	v10 =	vld [tilespmem:s8+$0x10]  }
0x267: {  	v13 =	vand.u32 $0xFFFF0000, v13;
	v7 =	vadd.f32 v7, v19;
	v8 =	vadd.f32 v8, v14;
	v14 =	vld [tilespmem:s21+$0x10]  }
0x268: {  	v6 =	vmul.f32 v13, v18;
	v18 =	vshll.u32 v17, $0x10;
	v19 =	vshll.u32 v16, $0x10  }
0x269: {  	v34 =	vshll.u32 v20, $0x10;
	v33 =	vperm.xlane v8, v2;
	v18 =	vmul.f32 v19, v18  }
0x26a: {  	v17 =	vand.u32 $0xFFFF0000, v17;
	v16 =	vand.u32 $0xFFFF0000, v16;
	v19 =	vand.u32 $0xFFFF0000, v20;
	v20 =	vld [tilespmem:s8+$0x20]  }
0x26b: {  	v16 =	vmul.f32 v16, v17;
	v17 =	vld [tilespmem:s21+$0x20];
	v21 =	vadd.f32 v8, v33;
	v8 =	vadd.f32 $0.0e+00, v18  }
0x26c: {  	v22 =	vmul.f32 v34, v35;
	v24 =	vshll.u32 v10, $0x10;
	v25 =	vshll.u32 v14, $0x10  }
0x26d: {  	v13 =	vperm.xlane v5, v2;
	v8 =	vadd.f32 v8, v16;
	v16 =	vmul.f32 v25, v24  }
0x26e: {  	v36 =	vld [tilespmem:s8+$0x30];
	v11 =	vadd.f32 v15, v11;
	v10 =	vand.u32 $0xFFFF0000, v10;
	v14 =	vand.u32 $0xFFFF0000, v14  }
0x26f: {  	v15 =	vperm.xlane v7, v1;
	v10 =	vmul.f32 v14, v10;
	v14 =	vld [tilespmem:s21+$0x30];
	v8 =	vadd.f32 v16, v8  }
0x270: {  	v5 =	vadd.f32 v5, v13;
	v18 =	vld [tilespmem:s8+$0xFFFFFFD0];
	v37 =	vshll.u32 v20, $0x10;
	v38 =	vshll.u32 v17, $0x10  }
0x271: {  	v9 =	vmul.f32 v19, v9;
	v8 =	vadd.f32 v8, v10;
	v10 =	vmul.f32 v38, v37  }
0x272: {  	v20 =	vand.u32 $0xFFFF0000, v20;
	v17 =	vand.u32 $0xFFFF0000, v17;
	v16 =	vadd.f32 $0.0e+00, v22  }
0x273: {  	v39 =	vld [tilespmem:s8+$0xFFFFFFE0];
	v27 =	vperm.xlane v21, v3;
	v8 =	vadd.f32 v10, v8;
	v10 =	vmul.f32 v17, v20  }
0x274: {  	v9 =	vadd.f32 v16, v9;
	v16 =	vshll.u32 v36, $0x10;
	v17 =	vld [tilespmem:s21+$0xFFFFFFE0];
	v20 =	vshll.u32 v14, $0x10  }
0x275: {  	v19 =	vshll.u32 v18, $0x10;
	v8 =	vadd.f32 v8, v10;
	v10 =	vmul.f32 v20, v16  }
0x276: {  	v41 =	vld [tilespmem:s21+$0xFFFFFFF0];
	v19 =	vmul.f32 v40, v19;
	v14 =	vand.u32 $0xFFFF0000, v14;
	v20 =	vand.u32 $0xFFFF0000, v36  }
0x277: {  	v18 =	vand.u32 $0xFFFF0000, v18;
	v16 =	vld [tilespmem:s8+$0xFFFFFFF0];
	v8 =	vadd.f32 v10, v8;
	v10 =	vmul.f32 v14, v20  }
0x278: {  	v57 =	vld [tilespmem:s23+$0xFFFFFFE0];
	v9 =	vadd.f32 v19, v9;
	s21 =	simm.s32 $0xC860;
	v14 =	vmul.f32 v42, v18;
	v18 =	vshll.u32 v39, $0x10  }
0x279: {  	v45 =	vld [tilespmem:s21+$0x10];
	v20 =	vand.u32 $0xFFFF0000, v39;
	v19 =	vshll.u32 v17, $0x10;
	v8 =	vadd.f32 v8, v10  }
0x27a: {  	v9 =	vadd.f32 v9, v14;
	v10 =	vand.u32 $0xFFFF0000, v17;
	v14 =	vmul.f32 v19, v18  }
0x27b: {  	v11 =	vadd.f32 v11, v6;
	v54 =	vld [tilespmem:s21+$0x30];
	v6 =	vmul.f32 v10, v20;
	v10 =	vperm.xlane v8, v0  }
0x27c: {  	v18 =	vld [tilespmem:s23+$0x0];
	v17 =	vshll.u32 v16, $0x10;
	v9 =	vadd.f32 v14, v9;
	v14 =	vshll.u32 v41, $0x10  }
0x27d: {  	v24 =	vand.u32 $0xFFFF0000, v57;
	v10 =	vadd.f32 v8, v10;
	v8 =	vmul.f32 v14, v17;
	v14 =	vld [tilespmem:s21+$0x0]  }
0x27e: {  	v19 =	vand.u32 $0xFFFF0000, v41;
	v51 =	vshll.u32 v45, $0x10;
	v9 =	vadd.f32 v9, v6  }
0x27f: {  	v22 =	vand.u32 $0xFFFF0000, v45;
	v16 =	vand.u32 $0xFFFF0000, v16;
	v43 =	vperm.xlane v10, v1  }
0x280: {  	v59 =	vshll.u32 v54, $0x10;
	v20 =	vld [tilespmem:s21+$0xFFFFFFC0];
	v13 =	vmul.f32 v19, v16;
	v16 =	vadd.f32 v8, v9  }
0x281: {  	v19 =	vld [tilespmem:s23+$0x10];
	v17 =	vperm.xlane v11, v0;
	v6 =	vadd.f32 v7, v15;
	v44 =	vadd.f32 v10, v43  }
0x282: {  	v10 =	vadd.f32 v16, v13;
	v13 =	vshll.u32 v18, $0x10;
	v16 =	vshll.u32 v14, $0x10  }
0x283: {  	v15 =	vld [tilespmem:s23+$0xFFFFFFC0];
	v7 =	vperm.xlane v5, v3;
	v8 =	vadd.f32 v11, v17;
	v13 =	vmul.f32 v16, v13  }
0x284: {  	v17 =	vadd.f32 v21, v27;
	v14 =	vand.u32 $0xFFFF0000, v14;
	v16 =	vand.u32 $0xFFFF0000, v18;
	v18 =	vld [tilespmem:s23+$0x20]  }
0x285: {  	v9 =	vperm.xlane v6, v2;
	v14 =	vmul.f32 v14, v16;
	v16 =	vld [tilespmem:s21+$0x20];
	v13 =	vadd.f32 $0.0e+00, v13  }
0x286: {  	v47 =	vshll.u32 v20, $0x10;
	v20 =	vand.u32 $0xFFFF0000, v20;
	v49 =	vshll.u32 v19, $0x10  }
0x287: {  	v19 =	vand.u32 $0xFFFF0000, v19;
	v25 =	vmul.f32 v51, v49;
	v13 =	vadd.f32 v13, v14  }
0x288: {  	v11 =	vperm.xlane v8, v1;
	v19 =	vmul.f32 v22, v19;
	v22 =	vand.u32 $0xFFFF0000, v54  }
0x289: {  	v48 =	vshll.u32 v15, $0x10;
	v15 =	vand.u32 $0xFFFF0000, v15;
	v13 =	vadd.f32 v25, v13  }
0x28a: {  	v46 =	vperm.xlane v44, v2;
	v14 =	vld [tilespmem:s21+$0xFFFFFFD0];
	v55 =	vshll.u32 v18, $0x10;
	v56 =	vshll.u32 v16, $0x10  }
0x28b: {  	v23 =	vmul.f32 v47, v48;
	v13 =	vadd.f32 v13, v19;
	v19 =	vmul.f32 v56, v55  }
0x28c: {  	v15 =	vmul.f32 v20, v15;
	v18 =	vand.u32 $0xFFFF0000, v18;
	v16 =	vand.u32 $0xFFFF0000, v16  }
0x28d: {  	v20 =	vshll.u32 v50, $0x10;
	v16 =	vmul.f32 v16, v18;
	v13 =	vadd.f32 v19, v13  }
0x28e: {  	v21 =	vadd.f32 v44, v46;
	v23 =	vadd.f32 $0.0e+00, v23;
	v18 =	vld [tilespmem:s21+$0xFFFFFFE0];
	v19 =	vshll.u32 v53, $0x10  }
0x28f: {  	v58 =	vshll.u32 v14, $0x10;
	v19 =	vmul.f32 v59, v19;
	v16 =	vadd.f32 v13, v16  }
0x290: {  	v60 =	vld [tilespmem:s23+$0xFFFFFFF0];
	v52 =	vperm.xlane v21, v3;
	v15 =	vadd.f32 v23, v15;
	v20 =	vmul.f32 v58, v20  }
0x291: {  	v14 =	vand.u32 $0xFFFF0000, v14;
	v13 =	vld [tilespmem:s21+$0xFFFFFFF0];
	v16 =	vadd.f32 v19, v16;
	v19 =	vmul.f32 v22, v62  }
0x292: {  	s2 =	simm.s32 $0x11540;
	v21 =	vadd.f32 v21, v52;
	v14 =	vmul.f32 v14, v61;
	v15 =	vadd.f32 v20, v15  }
0x293: {  	[tilespmem:s2+$0x0] =	vst v4;
	s23 =	simm.s32 $0x11560;
	v20 =	vshll.u32 v57, $0x10;
	v63 =	vshll.u32 v18, $0x10;
	v4 =	vadd.f32 v16, v19  }
0x294: {  	s8 =	simm.s32 $0x11580;
	[tilespmem:s23+$0x0] =	vst v12;
	v12 =	vand.u32 $0xFFFF0000, v18;
	v18 =	vmul.f32 v63, v20;
	v16 =	vadd.f32 v15, v14  }
0x295: {  	s4 =	simm.s32 $0x115A0;
	[tilespmem:s8+$0x0] =	vst v17;
	v17 =	vand.u32 $0xFFFF0000, v60;
	v12 =	vmul.f32 v12, v24;
	v14 =	vperm.xlane v4, v0  }
0x296: {  	s5 =	simm.s32 $0x8;
	s6 =	simm.s32 $0x78E0;
	[tilespmem:s4+$0x0] =	vst v21;
	v15 =	vshll.u32 v60, $0x10;
	v16 =	vadd.f32 v18, v16;
	v18 =	vshll.u32 v13, $0x10  }
.LBB2_19:
0x297: {  	v19 =	vld [tilespmem:s6+$0x0];
	v13 =	vand.u32 $0xFFFF0000, v13;
	v15 =	vmul.f32 v18, v15;
	v4 =	vadd.f32 v4, v14;
	s21 =	sadd.s32 $0x80, s21  }
0x298: {  	s5 =	sadd.s32 $0x2, s5;
	v14 =	vld [tilespmem:s21+$0x0];
	v12 =	vadd.f32 v16, v12;
	v13 =	vmul.f32 v13, v17;
	v16 =	vperm.xlane v10, v0  }
0x299: {  	v20 =	vadd.f32 v6, v9;
	v6 =	vadd.f32 v8, v11;
	p1 =	slt.u32 s5, $0x4E;
	v17 =	vld [tilespmem:s21+$0xFFFFFFC0];
	v18 =	vperm.xlane v4, v1  }
0x29a: {  	v21 =	vld [tilespmem:s6+$0xFFFFFFC0];
	v11 =	vadd.f32 v15, v12;
	v8 =	vadd.f32 v10, v16  }
0x29b: {  	v9 =	vperm.xlane v6, v2;
	v15 =	vperm.xlane v20, v3;
	v12 =	vld [tilespmem:s6+$0x10];
	v4 =	vadd.f32 v4, v18  }
0x29c: {  	v16 =	vld [tilespmem:s21+$0x10];
	v10 =	vadd.f32 v11, v13;
	v11 =	vperm.xlane v8, v1;
	v13 =	vadd.f32 v5, v7;
	v5 =	vmovc v20  }
0x29d: {  	v20 =	vshll.u32 v19, $0x10;
	v7 =	vmovc v15;
	v18 =	vld [tilespmem:s6+$0xFFFFFFD0];
	v22 =	vshll.u32 v14, $0x10;
	v23 =	vperm.xlane v4, v2  }
0x29e: {  	v15 =	vshll.u32 v17, $0x10;
	v17 =	vand.u32 $0xFFFF0000, v17;
	v24 =	vld [tilespmem:s21+$0xFFFFFFD0];
	v20 =	vmul.f32 v22, v20;
	[tilespmem:s2+$0xFFFFFFF0] =	vst v13;
	s2 =	smov.u32 s23;
	s23 =	smov.u32 s8;
	s8 =	smov.u32 s4  }
0x29f: {  	v14 =	vand.u32 $0xFFFF0000, v14;
	v13 =	vand.u32 $0xFFFF0000, v19;
	v19 =	vld [tilespmem:s6+$0x20];
	v4 =	vadd.f32 v4, v23  }
0x2a0: {  	v22 =	vshll.u32 v21, $0x10;
	v13 =	vmul.f32 v14, v13;
	v20 =	vadd.f32 $0.0e+00, v20;
	v14 =	vld [tilespmem:s21+$0x20]  }
0x2a1: {  	v25 =	vshll.u32 v12, $0x10;
	v23 =	vld [tilespmem:s6+$0xFFFFFFE0];
	v26 =	vshll.u32 v16, $0x10;
	v27 =	vperm.xlane v4, v3  }
0x2a2: {  	v15 =	vmul.f32 v15, v22;
	v22 =	vld [tilespmem:s21+$0xFFFFFFE0];
	v13 =	vadd.f32 v20, v13;
	v20 =	vmul.f32 v26, v25  }
0x2a3: {  	v12 =	vand.u32 $0xFFFF0000, v12;
	v16 =	vand.u32 $0xFFFF0000, v16;
	v25 =	vld [tilespmem:s6+$0x30];
	v4 =	vadd.f32 v4, v27  }
0x2a4: {  	s4 =	sadd.s32 $0x20, s4;
	v21 =	vand.u32 $0xFFFF0000, v21;
	v12 =	vmul.f32 v16, v12;
	v20 =	vadd.f32 v20, v13;
	v16 =	vld [tilespmem:s21+$0x30]  }
0x2a5: {  	v15 =	vadd.f32 $0.0e+00, v15;
	v27 =	vshll.u32 v19, $0x10;
	v26 =	vld [tilespmem:s6+$0xFFFFFFF0];
	v28 =	vshll.u32 v14, $0x10;
	[tilespmem:s4+$0x0] =	vst v4  }
0x2a6: {  	v4 =	vmul.f32 v17, v21;
	v13 =	vld [tilespmem:s21+$0xFFFFFFF0];
	v12 =	vadd.f32 v20, v12;
	v17 =	vmul.f32 v28, v27  }
0x2a7: {  	v19 =	vand.u32 $0xFFFF0000, v19;
	v14 =	vand.u32 $0xFFFF0000, v14;
	v20 =	vshll.u32 v18, $0x10  }
0x2a8: {  	v21 =	vshll.u32 v24, $0x10;
	v14 =	vmul.f32 v14, v19;
	v12 =	vadd.f32 v17, v12  }
0x2a9: {  	v4 =	vadd.f32 v15, v4;
	v15 =	vshll.u32 v25, $0x10;
	v17 =	vshll.u32 v16, $0x10  }
0x2aa: {  	v19 =	vmul.f32 v21, v20;
	v12 =	vadd.f32 v12, v14;
	v14 =	vmul.f32 v17, v15  }
0x2ab: {  	v16 =	vand.u32 $0xFFFF0000, v16;
	v15 =	vand.u32 $0xFFFF0000, v18;
	v17 =	vand.u32 $0xFFFF0000, v25  }
0x2ac: {  	v18 =	vand.u32 $0xFFFF0000, v24;
	v12 =	vadd.f32 v14, v12;
	v14 =	vmul.f32 v16, v17  }
.Ltmp8:
0x2ad: {  	v15 =	vmul.f32 v18, v15;
	v16 =	vadd.f32 v19, v4;
	v17 =	vshll.u32 v23, $0x10;
	(pc) =	sbr.rel @p1 .LBB2_19-.Ltmp8, $4  }
0x2ae: {  	v18 =	vshll.u32 v22, $0x10;
	v19 =	vand.u32 $0xFFFF0000, v23;
	v4 =	vadd.f32 v12, v14  }
0x2af: {  	v17 =	vmul.f32 v18, v17;
	v16 =	vadd.f32 v16, v15;
	v12 =	vand.u32 $0xFFFF0000, v22  }
0x2b0: {  	v15 =	vshll.u32 v26, $0x10;
	v12 =	vmul.f32 v12, v19;
	v14 =	vperm.xlane v4, v0  }
0x2b1: {  	s6 =	sadd.s32 $0x80, s6;
	v18 =	vshll.u32 v13, $0x10;
	v16 =	vadd.f32 v17, v16;
	v17 =	vand.u32 $0xFFFF0000, v26  }
0x2b2: {  	_ = 	snop  }
0x2b3: {  	v15 =	vmul.f32 v18, v15;
	v12 =	vadd.f32 v16, v12  }
0x2b4: {  	v13 =	vand.u32 $0xFFFF0000, v13  }
0x2b5: {  	v13 =	vmul.f32 v13, v17;
	v12 =	vadd.f32 v15, v12;
	_ =	sdelay $0x1  }
0x2b6: {  	v4 =	vadd.f32 v4, v14;
	v12 =	vadd.f32 v12, v13  }
0x2b7: {  	v57 =	vperm.xlane v10, v0  }
0x2b8: {  	v14 =	vperm.xlane v4, v1;
	v58 =	vperm.xlane v12, v0  }
0x2b9: {  	v10 =	vadd.f32 v10, v57  }
0x2ba: {  	v4 =	vadd.f32 v4, v14;
	v12 =	vadd.f32 v12, v58  }
0x2bb: {  	v13 =	vperm.xlane v10, v1  }
0x2bc: {  	v8 =	vadd.f32 v8, v11;
	v11 =	vperm.xlane v4, v2;
	v59 =	vperm.xlane v12, v1  }
0x2bd: {  	v10 =	vadd.f32 v10, v13  }
0x2be: {  	v60 =	vperm.xlane v8, v2;
	v4 =	vadd.f32 v4, v11;
	v11 =	vadd.f32 v12, v59  }
0x2bf: {  	v6 =	vadd.f32 v6, v9;
	v9 =	vperm.xlane v10, v2  }
0x2c0: {  	v8 =	vadd.f32 v8, v60;
	v61 =	vperm.xlane v4, v3;
	v62 =	vperm.xlane v11, v2  }
0x2c1: {  	v5 =	vadd.f32 v5, v7;
	v63 =	vperm.xlane v6, v3;
	v7 =	vadd.f32 v10, v9  }
0x2c2: {  	v9 =	vperm.xlane v8, v3;
	v4 =	vadd.f32 v4, v61;
	v10 =	vadd.f32 v11, v62  }
0x2c3: {  	s21 =	sadd.s32 $0x20, s4;
	[tilespmem:s2+$0xFFFFFFF0] =	vst v5;
	v5 =	vadd.f32 v6, v63;
	v6 =	vperm.xlane v7, v3  }
0x2c4: {  	[tilespmem:s21+$0x0] =	vst v4;
	v4 =	vadd.f32 v8, v9;
	v8 =	vperm.xlane v10, v3  }
0x2c5: {  	p2 =	por $0x1, $0x1;
	[tilespmem:s23+$0xFFFFFFF0] =	vst v5;
	v5 =	vadd.f32 v7, v6  }
.Ltmp9:
0x2c6: {  	[tilespmem:s8+$0xFFFFFFF0] =	vst v4;
	v4 =	vadd.f32 v10, v8;
	(pc) =	sbr.rel @!p2 .LBB2_21-.Ltmp9, $4  }
0x2c7: {  	[tilespmem:s4+$0xFFFFFFF0] =	vst v5  }
0x2c8: {  	s4 =	simm.s32 $0x115B0;
	[tilespmem:s21+$0xFFFFFFF0] =	vst v4  }
0x2c9: {  	v7 =	vld [tilespmem:s4+$0xFFFFFF80]  }
0x2ca: {  	s5 =	simm.s32 $0x40;
	p1 =	por $0x0, $0x0;
	s2 =	simm.s32 $0x0;
	v8 =	vld [tilespmem:s4+$0xFFFFFF90]  }
0x2cb: {  	v4 =	vld [tilespmem:s4+$0xFFFFFFA0]  }
0x2cc: {  	v5 =	vld [tilespmem:s4+$0xFFFFFFB0]  }
0x2cd: {  	v6 =	vld [tilespmem:s4+$0xFFFFFFC0]  }
0x2ce: {  	v9 =	vld [tilespmem:s4+$0xFFFFFFD0]  }
0x2cf: {  	v10 =	vld [tilespmem:s4+$0xFFFFFFE0];
	v7 =	vsel vm0, v7, v8  }
0x2d0: {  	v8 =	vld [tilespmem:s4+$0xFFFFFFF0];
	v4 =	vsel vm1, v7, v4  }
0x2d1: {  	v7 =	vld [tilespmem:s4+$0x0];
	v4 =	vsel vm2, v4, v5  }
0x2d2: {  	v11 =	vld [tilespmem:s4+$0x10];
	v4 =	vsel vm3, v4, v6  }
0x2d3: {  	v12 =	vld [tilespmem:s4+$0x20];
	v4 =	vsel vm4, v4, v9  }
0x2d4: {  	v9 =	vld [tilespmem:s4+$0x30];
	v4 =	vsel vm5, v4, v10  }
0x2d5: {  	p2 =	por $0x1, $0x1;
	v10 =	vld [tilespmem:s4+$0x40];
	v4 =	vsel vm6, v4, v8  }
.Ltmp10:
0x2d6: {  	v5 =	vld [tilespmem:s4+$0x50];
	v4 =	vsel vm7, v4, v7;
	(pc) =	sbr.rel @!p2 .LBB2_23-.Ltmp10, $4  }
0x2d7: {  	v6 =	vld [tilespmem:s4+$0x60];
	v7 =	vsel vm8, v4, v11  }
0x2d8: {  	v4 =	vld [tilespmem:s4+$0x70];
	s4 =	simm.s32 $0x116B0;
	v8 =	vsel vm9, v7, v12  }
0x2d9: {  	v7 =	vld [tilespmem:s4+$0xFFFFFF80];
	v9 =	vsel vm10, v8, v9  }
0x2da: {  	s6 =	simm.s32 $0x80;
	p1 =	por $0x1, $0x1;
	v8 =	vld [tilespmem:s4+$0xFFFFFF90];
	v9 =	vsel vm11, v9, v10  }
.LBB2_24:
0x2db: {  	p2 =	sne.s32 s6, $0x100;
	v10 =	vld [tilespmem:s4+$0xFFFFFFA0];
	v5 =	vsel vm12, v9, v5  }
0x2dc: {  	s8 =	sshra.s32 s2, $0x2;
	s2 =	smov.u32 s5;
	s5 =	smov.u32 s6;
	v9 =	vld [tilespmem:s4+$0xFFFFFFB0];
	v5 =	vsel vm13, v5, v6  }
0x2dd: {  	s8 =	sadd.s32 s8, s16;
	v6 =	vld [tilespmem:s4+$0xFFFFFFC0];
	v4 =	vsel vm14, v5, v4  }
0x2de: {  	v5 =	vld [tilespmem:s4+$0xFFFFFFD0];
	[tilespmem:s8+$0x0] =	vst v4  }
0x2df: {  	v4 =	vsel vm0, v7, v8;
	v7 =	vld [tilespmem:s4+$0xFFFFFFE0]  }
0x2e0: {  	v4 =	vsel vm1, v4, v10;
	v8 =	vld [tilespmem:s4+$0xFFFFFFF0]  }
0x2e1: {  	v4 =	vsel vm2, v4, v9;
	v9 =	vld [tilespmem:s4+$0x0]  }
0x2e2: {  	v4 =	vsel vm3, v4, v6;
	v6 =	vld [tilespmem:s4+$0x10]  }
0x2e3: {  	v4 =	vsel vm4, v4, v5;
	v10 =	vld [tilespmem:s4+$0x20]  }
0x2e4: {  	v4 =	vsel vm5, v4, v7;
	v11 =	vld [tilespmem:s4+$0x30]  }
0x2e5: {  	v4 =	vsel vm6, v4, v8;
	v12 =	vld [tilespmem:s4+$0x40]  }
.Ltmp11:
0x2e6: {  	v4 =	vsel vm7, v4, v9;
	v5 =	vld [tilespmem:s4+$0x50];
	(pc) =	sbr.rel @p2 .LBB2_24-.Ltmp11, $4  }
0x2e7: {  	v4 =	vsel vm8, v4, v6;
	v6 =	vld [tilespmem:s4+$0x60]  }
0x2e8: {  	v8 =	vsel vm9, v4, v10;
	v4 =	vld [tilespmem:s4+$0x70];
	s4 =	sadd.s32 $0x100, s4  }
0x2e9: {  	v7 =	vld [tilespmem:s4+$0xFFFFFF80];
	v9 =	vsel vm10, v8, v11  }
0x2ea: {  	s6 =	sadd.s32 $0x40, s6;
	v8 =	vld [tilespmem:s4+$0xFFFFFF90];
	v9 =	vsel vm11, v9, v12  }
0x2eb: {  	s6 =	smov.u32 s2;
	s2 =	smov.u32 s5  }
.LBB2_26:
0x2ec: {  	v10 =	vld [tilespmem:s4+$0xFFFFFFA0]  }
0x2ed: {  	v11 =	vld [tilespmem:s4+$0xFFFFFFB0]  }
0x2ee: {  	v12 =	vld [tilespmem:s4+$0xFFFFFFC0]  }
0x2ef: {  	v13 =	vld [tilespmem:s4+$0xFFFFFFD0]  }
0x2f0: {  	v7 =	vsel vm0, v7, v8;
	v8 =	vld [tilespmem:s4+$0xFFFFFFE0]  }
0x2f1: {  	v7 =	vsel vm1, v7, v10;
	v10 =	vld [tilespmem:s4+$0xFFFFFFF0]  }
0x2f2: {  	v7 =	vsel vm2, v7, v11;
	v11 =	vld [tilespmem:s4+$0x0]  }
0x2f3: {  	v7 =	vsel vm3, v7, v12;
	v12 =	vld [tilespmem:s4+$0x10]  }
0x2f4: {  	v7 =	vsel vm4, v7, v13;
	v13 =	vld [tilespmem:s4+$0x20]  }
0x2f5: {  	v7 =	vsel vm5, v7, v8;
	v8 =	vld [tilespmem:s4+$0x30]  }
0x2f6: {  	v7 =	vsel vm6, v7, v10;
	v10 =	vld [tilespmem:s4+$0x40]  }
0x2f7: {  	v7 =	vsel vm7, v7, v11;
	v11 =	vld [tilespmem:s4+$0x50]  }
0x2f8: {  	v7 =	vsel vm8, v7, v12;
	v12 =	vld [tilespmem:s4+$0x60]  }
0x2f9: {  	v7 =	vsel vm9, v7, v13;
	v13 =	vld [tilespmem:s4+$0x70]  }
0x2fa: {  	v7 =	vsel vm10, v7, v8  }
0x2fb: {  	v5 =	vsel @p1 vm12, v9, v5;
	v7 =	vsel vm11, v7, v10  }
0x2fc: {  	v5 =	vsel @p1 vm13, v5, v6;
	s4 =	sshra.s32 @p1 s6, $0x2;
	v6 =	vsel vm12, v7, v11  }
0x2fd: {  	s2 =	sshra.s32 s2, $0x2;
	v4 =	vsel @p1 vm14, v5, v4;
	s4 =	sadd.s32 @p1 s4, s16;
	v5 =	vsel vm13, v6, v12  }
0x2fe: {  	s2 =	sadd.s32 s2, s16;
	[tilespmem:s4+$0x0] =	vst @p1 v4;
	v4 =	vsel vm14, v5, v13  }
0x2ff: {  	s5 =	simm.s32 @!p0 $0x7620;
	s4 =	simm.s32 @!p0 $0x50;
	[tilespmem:s2+$0x0] =	vst v4;
	s2 =	sadd.s32 @!p0 $0x1E0, s20  }
0x300: {  	[tilespmem:s5], [sflag:$0x3] =	stream.indirect.gather @!p0 [hbm4b:s3+s4], $0x40, s2, s4, $0xb8;
	[tilespmem:$0x11A30] =	vst v63  }
0x301: {  	s2 =	sadd.s32 @!p0 $0x28F0, s20;
	s5 =	simm.s32 @!p0 $0xC620  }
0x302: {  	[tilespmem:s5], [sflag:$0x7] =	stream.indirect.gather @!p0 [hbm4b:s3+s4], $0x40, s2, s4, $0xb8;
	[tilespmem:$0x11A30] =	vst v63  }
0x303: {  	_ =	swait.ge [sflag:s30], $0x1400  }
0x304: {  	[sflag:s30] =	ssyncset.done $0x0  }
0x305: {  	[sflag:s30] =	ssyncadd.s32 $0xFFFFEC00  }
0x306: {  	_ =	swait.ge [sflag:s31], $0x1400  }
0x307: {  	[sflag:s31] =	ssyncset.done $0x0  }
0x308: {  	s6 =	simm.s32 $0x8A60;
	[sflag:s31] =	ssyncadd.s32 $0xFFFFEC00  }
0x309: {  	s8 =	simm.s32 $0xDA60;
	v4 =	vld [tilespmem:s6+$0x0]  }
0x30a: {  	v5 =	vld [tilespmem:s8+$0x0]  }
0x30b: {  	v6 =	vld [tilespmem:s8+$0xFFFFFFC0]  }
0x30c: {  	v7 =	vld [tilespmem:s6+$0x10]  }
0x30d: {  	v8 =	vld [tilespmem:s8+$0x10]  }
0x30e: {  	v9 =	vld [tilespmem:s6+$0xFFFFFFC0]  }
0x30f: {  	v10 =	vshll.u32 v4, $0x10;
	v11 =	vshll.u32 v5, $0x10  }
0x310: {  	v4 =	vand.u32 $0xFFFF0000, v4;
	v5 =	vand.u32 $0xFFFF0000, v5;
	v10 =	vmul.f32 v11, v10  }
0x311: {  	v12 =	vshll.u32 v6, $0x10;
	v4 =	vmul.f32 v5, v4;
	v5 =	vld [tilespmem:s8+$0x20]  }
0x312: {  	v6 =	vand.u32 $0xFFFF0000, v6;
	v14 =	vshll.u32 v7, $0x10;
	v11 =	vld [tilespmem:s6+$0x20];
	v10 =	vadd.f32 $0.0e+00, v10  }
0x313: {  	v13 =	vld [tilespmem:s6+$0xFFFFFFD0];
	v15 =	vshll.u32 v8, $0x10;
	v17 =	vshll.u32 v9, $0x10;
	v7 =	vand.u32 $0xFFFF0000, v7  }
0x314: {  	v16 =	vld [tilespmem:s8+$0xFFFFFFD0];
	v8 =	vand.u32 $0xFFFF0000, v8;
	v4 =	vadd.f32 v10, v4;
	v10 =	vmul.f32 v15, v14  }
0x315: {  	v9 =	vand.u32 $0xFFFF0000, v9;
	v12 =	vmul.f32 v12, v17;
	v7 =	vmul.f32 v8, v7;
	v8 =	vld [tilespmem:s8+$0x30]  }
0x316: {  	v6 =	vmul.f32 v6, v9;
	v14 =	vld [tilespmem:s6+$0x30];
	v15 =	vshll.u32 v5, $0x10;
	v4 =	vadd.f32 v10, v4  }
0x317: {  	v5 =	vand.u32 $0xFFFF0000, v5;
	v10 =	vadd.f32 $0.0e+00, v12;
	v12 =	vshll.u32 v11, $0x10  }
0x318: {  	v11 =	vand.u32 $0xFFFF0000, v11;
	v4 =	vadd.f32 v4, v7;
	v7 =	vmul.f32 v15, v12  }
0x319: {  	v9 =	vshll.u32 v13, $0x10;
	v5 =	vmul.f32 v5, v11;
	v12 =	vld [tilespmem:s6+$0xFFFFFFE0];
	v15 =	vshll.u32 v16, $0x10  }
0x31a: {  	v6 =	vadd.f32 v10, v6;
	v9 =	vmul.f32 v15, v9;
	v4 =	vadd.f32 v7, v4;
	v7 =	vld [tilespmem:s8+$0xFFFFFFE0]  }
0x31b: {  	v11 =	vshll.u32 v8, $0x10;
	v8 =	vand.u32 $0xFFFF0000, v8;
	v10 =	vshll.u32 v14, $0x10  }
0x31c: {  	v6 =	vadd.f32 v9, v6;
	v4 =	vadd.f32 v4, v5;
	v5 =	vmul.f32 v11, v10  }
0x31d: {  	v10 =	vand.u32 $0xFFFF0000, v13;
	v11 =	vand.u32 $0xFFFF0000, v14;
	v13 =	vld [tilespmem:s6+$0xFFFFFFF0];
	v14 =	vand.u32 $0xFFFF0000, v16  }
0x31e: {  	v9 =	vmul.f32 v14, v10;
	v4 =	vadd.f32 v5, v4;
	v5 =	vmul.f32 v8, v11;
	v8 =	vld [tilespmem:s8+$0xFFFFFFF0]  }
0x31f: {  	v10 =	vshll.u32 v12, $0x10;
	v11 =	vshll.u32 v7, $0x10  }
0x320: {  	v4 =	vadd.f32 v4, v5;
	v5 =	vadd.f32 v6, v9;
	v6 =	vmul.f32 v11, v10  }
0x321: {  	s23 =	simm.s32 $0xDAE0;
	v7 =	vand.u32 $0xFFFF0000, v7;
	v9 =	vand.u32 $0xFFFF0000, v12  }
0x322: {  	s21 =	simm.s32 $0x8AE0;
	v7 =	vmul.f32 v7, v9;
	v10 =	vperm.xlane v4, v0;
	v5 =	vadd.f32 v6, v5;
	v6 =	vld [tilespmem:s23+$0x0]  }
0x323: {  	v11 =	vld [tilespmem:s21+$0x0];
	v9 =	vshll.u32 v13, $0x10;
	v12 =	vshll.u32 v8, $0x10  }
0x324: {  	v4 =	vadd.f32 v4, v10;
	v9 =	vmul.f32 v12, v9;
	v5 =	vadd.f32 v5, v7;
	v7 =	vld [tilespmem:s23+$0xFFFFFFC0]  }
0x325: {  	v8 =	vand.u32 $0xFFFF0000, v8;
	v10 =	vand.u32 $0xFFFF0000, v13;
	v13 =	vld [tilespmem:s21+$0x10]  }
0x326: {  	v8 =	vmul.f32 v8, v10;
	v10 =	vld [tilespmem:s21+$0xFFFFFFC0];
	v12 =	vperm.xlane v4, v1;
	v5 =	vadd.f32 v9, v5  }
0x327: {  	v9 =	vld [tilespmem:s23+$0x10];
	v14 =	vshll.u32 v6, $0x10;
	v6 =	vand.u32 $0xFFFF0000, v6  }
0x328: {  	v4 =	vadd.f32 v4, v12;
	v12 =	vshll.u32 v11, $0x10;
	v5 =	vadd.f32 v5, v8  }
0x329: {  	v16 =	vld [tilespmem:s21+$0xFFFFFFD0];
	v11 =	vand.u32 $0xFFFF0000, v11;
	v8 =	vmul.f32 v14, v12;
	v15 =	vshll.u32 v7, $0x10  }
0x32a: {  	v14 =	vld [tilespmem:s21+$0x20];
	v6 =	vmul.f32 v6, v11;
	v7 =	vand.u32 $0xFFFF0000, v7;
	v17 =	vshll.u32 v13, $0x10  }
0x32b: {  	v11 =	vld [tilespmem:s23+$0x20];
	v13 =	vand.u32 $0xFFFF0000, v13;
	v12 =	vperm.xlane v4, v2;
	v8 =	vadd.f32 $0.0e+00, v8  }
0x32c: {  	v20 =	vshll.u32 v10, $0x10;
	v10 =	vand.u32 $0xFFFF0000, v10;
	v18 =	vshll.u32 v9, $0x10  }
0x32d: {  	v19 =	vld [tilespmem:s23+$0xFFFFFFD0];
	v15 =	vmul.f32 v15, v20;
	v6 =	vadd.f32 v8, v6;
	v8 =	vmul.f32 v18, v17  }
0x32e: {  	v9 =	vand.u32 $0xFFFF0000, v9;
	v7 =	vmul.f32 v7, v10;
	v10 =	vshll.u32 v16, $0x10;
	v17 =	vld [tilespmem:s21+$0x30]  }
0x32f: {  	v4 =	vadd.f32 v4, v12;
	v6 =	vadd.f32 v8, v6;
	v8 =	vmul.f32 v9, v13;
	v9 =	vld [tilespmem:s23+$0x30]  }
0x330: {  	s6 =	simm.s32 $0xDB60;
	v18 =	vshll.u32 v11, $0x10;
	v13 =	vadd.f32 $0.0e+00, v15;
	v15 =	vshll.u32 v14, $0x10  }
0x331: {  	v22 =	vld [tilespmem:s6+$0xFFFFFFD0];
	v11 =	vand.u32 $0xFFFF0000, v11;
	v6 =	vadd.f32 v6, v8;
	v8 =	vmul.f32 v18, v15  }
0x332: {  	v14 =	vand.u32 $0xFFFF0000, v14;
	v15 =	vld [tilespmem:s21+$0xFFFFFFE0];
	v18 =	vshll.u32 v19, $0x10;
	v7 =	vadd.f32 v13, v7  }
0x333: {  	v10 =	vmul.f32 v18, v10;
	v6 =	vadd.f32 v8, v6;
	v8 =	vmul.f32 v11, v14;
	v11 =	vld [tilespmem:s23+$0xFFFFFFE0]  }
0x334: {  	v13 =	vshll.u32 v17, $0x10;
	v14 =	vshll.u32 v9, $0x10;
	v9 =	vand.u32 $0xFFFF0000, v9  }
0x335: {  	v7 =	vadd.f32 v10, v7;
	v6 =	vadd.f32 v6, v8;
	v8 =	vmul.f32 v14, v13  }
0x336: {  	v13 =	vand.u32 $0xFFFF0000, v16;
	v14 =	vand.u32 $0xFFFF0000, v17;
	v16 =	vld [tilespmem:s21+$0xFFFFFFF0];
	v17 =	vand.u32 $0xFFFF0000, v19;
	s21 =	simm.s32 $0xDBE0  }
0x337: {  	v10 =	vmul.f32 v17, v13;
	v26 =	vld [tilespmem:s21+$0xFFFFFFD0];
	v6 =	vadd.f32 v8, v6;
	v8 =	vmul.f32 v9, v14  }
0x338: {  	v32 =	vshll.u32 v22, $0x10;
	v12 =	vshll.u32 v15, $0x10;
	v9 =	vld [tilespmem:s23+$0xFFFFFFF0];
	v13 =	vshll.u32 v11, $0x10  }
0x339: {  	s5 =	simm.s32 $0x8B60;
	v7 =	vadd.f32 v7, v10;
	v6 =	vadd.f32 v6, v8;
	v8 =	vperm.xlane v4, v3  }
0x33a: {  	v14 =	vld [tilespmem:s5+$0x0];
	s23 =	simm.s32 $0x8C60;
	v11 =	vand.u32 $0xFFFF0000, v11;
	v10 =	vmul.f32 v13, v12;
	v12 =	vand.u32 $0xFFFF0000, v15  }
0x33b: {  	v50 =	vld [tilespmem:s23+$0xFFFFFFD0];
	v13 =	vperm.xlane v6, v0;
	v4 =	vadd.f32 v4, v8;
	v8 =	vmul.f32 v11, v12  }
0x33c: {  	v7 =	vadd.f32 v10, v7;
	v10 =	vld [tilespmem:s6+$0x0];
	v11 =	vshll.u32 v16, $0x10;
	v40 =	vshll.u32 v26, $0x10  }
0x33d: {  	v53 =	vld [tilespmem:s23+$0x30];
	v42 =	vand.u32 $0xFFFF0000, v26;
	v12 =	vshll.u32 v9, $0x10;
	v6 =	vadd.f32 v6, v13  }
0x33e: {  	v11 =	vmul.f32 v12, v11;
	v7 =	vadd.f32 v7, v8;
	v8 =	vperm.xlane v5, v0;
	v12 =	vld [tilespmem:s6+$0xFFFFFFC0]  }
0x33f: {  	v9 =	vand.u32 $0xFFFF0000, v9;
	v13 =	vand.u32 $0xFFFF0000, v16;
	v16 =	vld [tilespmem:s5+$0x10];
	v15 =	vperm.xlane v6, v1  }
0x340: {  	v9 =	vmul.f32 v9, v13;
	v13 =	vshll.u32 v14, $0x10;
	v5 =	vadd.f32 v5, v8;
	v8 =	vld [tilespmem:s6+$0x10]  }
0x341: {  	v7 =	vadd.f32 v11, v7;
	v11 =	vld [tilespmem:s5+$0xFFFFFFC0];
	v6 =	vadd.f32 v6, v15;
	v15 =	vshll.u32 v10, $0x10  }
0x342: {  	v61 =	vand.u32 $0xFFFF0000, v50;
	v62 =	vand.u32 $0xFFFF0000, v53;
	v13 =	vmul.f32 v15, v13  }
0x343: {  	v17 =	vld [tilespmem:s5+$0x20];
	v14 =	vand.u32 $0xFFFF0000, v14;
	v7 =	vadd.f32 v7, v9;
	v10 =	vand.u32 $0xFFFF0000, v10  }
0x344: {  	v9 =	vperm.xlane v5, v1;
	v10 =	vmul.f32 v10, v14;
	v14 =	vld [tilespmem:s6+$0x20];
	v13 =	vadd.f32 $0.0e+00, v13  }
0x345: {  	v18 =	vshll.u32 v12, $0x10;
	v20 =	vshll.u32 v16, $0x10;
	v21 =	vshll.u32 v8, $0x10  }
0x346: {  	v23 =	vshll.u32 v11, $0x10;
	v10 =	vadd.f32 v13, v10;
	v13 =	vmul.f32 v21, v20  }
0x347: {  	v16 =	vand.u32 $0xFFFF0000, v16;
	v8 =	vand.u32 $0xFFFF0000, v8;
	v18 =	vmul.f32 v18, v23;
	v20 =	vld [tilespmem:s5+$0x30]  }
0x348: {  	v12 =	vand.u32 $0xFFFF0000, v12;
	v8 =	vmul.f32 v8, v16;
	v10 =	vadd.f32 v13, v10;
	v13 =	vld [tilespmem:s6+$0x30]  }
0x349: {  	v16 =	vadd.f32 $0.0e+00, v18;
	v18 =	vshll.u32 v17, $0x10;
	v31 =	vshll.u32 v14, $0x10  }
0x34a: {  	v19 =	vld [tilespmem:s5+$0xFFFFFFD0];
	v11 =	vand.u32 $0xFFFF0000, v11;
	v8 =	vadd.f32 v10, v8;
	v10 =	vmul.f32 v31, v18  }
0x34b: {  	s8 =	simm.s32 $0x8BE0;
	v11 =	vmul.f32 v12, v11;
	v17 =	vand.u32 $0xFFFF0000, v17;
	v14 =	vand.u32 $0xFFFF0000, v14  }
0x34c: {  	v5 =	vadd.f32 v5, v9;
	v9 =	vld [tilespmem:s8+$0xFFFFFFC0];
	v8 =	vadd.f32 v10, v8;
	v10 =	vmul.f32 v14, v17  }
0x34d: {  	v11 =	vadd.f32 v16, v11;
	v18 =	vld [tilespmem:s5+$0xFFFFFFE0];
	v16 =	vshll.u32 v20, $0x10;
	v17 =	vshll.u32 v13, $0x10  }
0x34e: {  	v15 =	vperm.xlane v6, v2;
	v14 =	vld [tilespmem:s6+$0xFFFFFFE0];
	v8 =	vadd.f32 v8, v10;
	v10 =	vmul.f32 v17, v16  }
0x34f: {  	v12 =	vshll.u32 v19, $0x10;
	v13 =	vand.u32 $0xFFFF0000, v13;
	v17 =	vand.u32 $0xFFFF0000, v20  }
0x350: {  	v12 =	vmul.f32 v32, v12;
	v8 =	vadd.f32 v10, v8;
	v10 =	vmul.f32 v13, v17  }
0x351: {  	v6 =	vadd.f32 v6, v15;
	v16 =	vand.u32 $0xFFFF0000, v19;
	v20 =	vand.u32 $0xFFFF0000, v22  }
0x352: {  	v11 =	vadd.f32 v12, v11;
	v19 =	vld [tilespmem:s5+$0xFFFFFFF0];
	v12 =	vmul.f32 v20, v16;
	v8 =	vadd.f32 v8, v10  }
0x353: {  	v35 =	vshll.u32 v9, $0x10;
	v15 =	vshll.u32 v18, $0x10;
	v13 =	vld [tilespmem:s6+$0xFFFFFFF0];
	v16 =	vshll.u32 v14, $0x10  }
0x354: {  	v11 =	vadd.f32 v11, v12;
	v12 =	vmul.f32 v16, v15;
	v16 =	vperm.xlane v8, v0  }
0x355: {  	v17 =	vld [tilespmem:s8+$0x0];
	v14 =	vand.u32 $0xFFFF0000, v14;
	v10 =	vperm.xlane v6, v3;
	v15 =	vand.u32 $0xFFFF0000, v18  }
0x356: {  	v14 =	vmul.f32 v14, v15;
	v11 =	vadd.f32 v12, v11;
	v8 =	vadd.f32 v8, v16;
	v16 =	vld [tilespmem:s21+$0x0]  }
0x357: {  	v20 =	vld [tilespmem:s21+$0xFFFFFFC0];
	v15 =	vshll.u32 v19, $0x10;
	v18 =	vand.u32 $0xFFFF0000, v19;
	v19 =	vperm.xlane v7, v0  }
0x358: {  	v12 =	vshll.u32 v13, $0x10;
	v11 =	vadd.f32 v11, v14;
	v14 =	vperm.xlane v8, v1  }
0x359: {  	v9 =	vand.u32 $0xFFFF0000, v9;
	v15 =	vmul.f32 v12, v15;
	v12 =	vadd.f32 v6, v10;
	v10 =	vld [tilespmem:s8+$0x10]  }
0x35a: {  	v13 =	vand.u32 $0xFFFF0000, v13;
	v7 =	vadd.f32 v7, v19;
	v8 =	vadd.f32 v8, v14;
	v14 =	vld [tilespmem:s21+$0x10]  }
0x35b: {  	v6 =	vmul.f32 v13, v18;
	v18 =	vshll.u32 v17, $0x10;
	v19 =	vshll.u32 v16, $0x10  }
0x35c: {  	v34 =	vshll.u32 v20, $0x10;
	v33 =	vperm.xlane v8, v2;
	v18 =	vmul.f32 v19, v18  }
0x35d: {  	v17 =	vand.u32 $0xFFFF0000, v17;
	v16 =	vand.u32 $0xFFFF0000, v16;
	v19 =	vand.u32 $0xFFFF0000, v20;
	v20 =	vld [tilespmem:s8+$0x20]  }
0x35e: {  	v16 =	vmul.f32 v16, v17;
	v17 =	vld [tilespmem:s21+$0x20];
	v21 =	vadd.f32 v8, v33;
	v8 =	vadd.f32 $0.0e+00, v18  }
0x35f: {  	v22 =	vmul.f32 v34, v35;
	v24 =	vshll.u32 v10, $0x10;
	v25 =	vshll.u32 v14, $0x10  }
0x360: {  	v13 =	vperm.xlane v5, v2;
	v8 =	vadd.f32 v8, v16;
	v16 =	vmul.f32 v25, v24  }
0x361: {  	v36 =	vld [tilespmem:s8+$0x30];
	v11 =	vadd.f32 v15, v11;
	v10 =	vand.u32 $0xFFFF0000, v10;
	v14 =	vand.u32 $0xFFFF0000, v14  }
0x362: {  	v15 =	vperm.xlane v7, v1;
	v10 =	vmul.f32 v14, v10;
	v14 =	vld [tilespmem:s21+$0x30];
	v8 =	vadd.f32 v16, v8  }
0x363: {  	v5 =	vadd.f32 v5, v13;
	v18 =	vld [tilespmem:s8+$0xFFFFFFD0];
	v37 =	vshll.u32 v20, $0x10;
	v38 =	vshll.u32 v17, $0x10  }
0x364: {  	v9 =	vmul.f32 v19, v9;
	v8 =	vadd.f32 v8, v10;
	v10 =	vmul.f32 v38, v37  }
0x365: {  	v20 =	vand.u32 $0xFFFF0000, v20;
	v17 =	vand.u32 $0xFFFF0000, v17;
	v16 =	vadd.f32 $0.0e+00, v22  }
0x366: {  	v39 =	vld [tilespmem:s8+$0xFFFFFFE0];
	v27 =	vperm.xlane v21, v3;
	v8 =	vadd.f32 v10, v8;
	v10 =	vmul.f32 v17, v20  }
0x367: {  	v9 =	vadd.f32 v16, v9;
	v16 =	vshll.u32 v36, $0x10;
	v17 =	vld [tilespmem:s21+$0xFFFFFFE0];
	v20 =	vshll.u32 v14, $0x10  }
0x368: {  	v19 =	vshll.u32 v18, $0x10;
	v8 =	vadd.f32 v8, v10;
	v10 =	vmul.f32 v20, v16  }
0x369: {  	v41 =	vld [tilespmem:s21+$0xFFFFFFF0];
	v19 =	vmul.f32 v40, v19;
	v14 =	vand.u32 $0xFFFF0000, v14;
	v20 =	vand.u32 $0xFFFF0000, v36  }
0x36a: {  	v18 =	vand.u32 $0xFFFF0000, v18;
	v16 =	vld [tilespmem:s8+$0xFFFFFFF0];
	v8 =	vadd.f32 v10, v8;
	v10 =	vmul.f32 v14, v20  }
0x36b: {  	v57 =	vld [tilespmem:s23+$0xFFFFFFE0];
	v9 =	vadd.f32 v19, v9;
	s21 =	simm.s32 $0xDC60;
	v14 =	vmul.f32 v42, v18;
	v18 =	vshll.u32 v39, $0x10  }
0x36c: {  	v45 =	vld [tilespmem:s21+$0x10];
	v20 =	vand.u32 $0xFFFF0000, v39;
	v19 =	vshll.u32 v17, $0x10;
	v8 =	vadd.f32 v8, v10  }
0x36d: {  	v9 =	vadd.f32 v9, v14;
	v10 =	vand.u32 $0xFFFF0000, v17;
	v14 =	vmul.f32 v19, v18  }
0x36e: {  	v11 =	vadd.f32 v11, v6;
	v54 =	vld [tilespmem:s21+$0x30];
	v6 =	vmul.f32 v10, v20;
	v10 =	vperm.xlane v8, v0  }
0x36f: {  	v18 =	vld [tilespmem:s23+$0x0];
	v17 =	vshll.u32 v16, $0x10;
	v9 =	vadd.f32 v14, v9;
	v14 =	vshll.u32 v41, $0x10  }
0x370: {  	v24 =	vand.u32 $0xFFFF0000, v57;
	v10 =	vadd.f32 v8, v10;
	v8 =	vmul.f32 v14, v17;
	v14 =	vld [tilespmem:s21+$0x0]  }
0x371: {  	v19 =	vand.u32 $0xFFFF0000, v41;
	v51 =	vshll.u32 v45, $0x10;
	v9 =	vadd.f32 v9, v6  }
0x372: {  	v22 =	vand.u32 $0xFFFF0000, v45;
	v16 =	vand.u32 $0xFFFF0000, v16;
	v43 =	vperm.xlane v10, v1  }
0x373: {  	v59 =	vshll.u32 v54, $0x10;
	v20 =	vld [tilespmem:s21+$0xFFFFFFC0];
	v13 =	vmul.f32 v19, v16;
	v16 =	vadd.f32 v8, v9  }
0x374: {  	v19 =	vld [tilespmem:s23+$0x10];
	v17 =	vperm.xlane v11, v0;
	v6 =	vadd.f32 v7, v15;
	v44 =	vadd.f32 v10, v43  }
0x375: {  	v10 =	vadd.f32 v16, v13;
	v13 =	vshll.u32 v18, $0x10;
	v16 =	vshll.u32 v14, $0x10  }
0x376: {  	v15 =	vld [tilespmem:s23+$0xFFFFFFC0];
	v7 =	vperm.xlane v5, v3;
	v8 =	vadd.f32 v11, v17;
	v13 =	vmul.f32 v16, v13  }
0x377: {  	v17 =	vadd.f32 v21, v27;
	v14 =	vand.u32 $0xFFFF0000, v14;
	v16 =	vand.u32 $0xFFFF0000, v18;
	v18 =	vld [tilespmem:s23+$0x20]  }
0x378: {  	v9 =	vperm.xlane v6, v2;
	v14 =	vmul.f32 v14, v16;
	v16 =	vld [tilespmem:s21+$0x20];
	v13 =	vadd.f32 $0.0e+00, v13  }
0x379: {  	v47 =	vshll.u32 v20, $0x10;
	v20 =	vand.u32 $0xFFFF0000, v20;
	v49 =	vshll.u32 v19, $0x10  }
0x37a: {  	v19 =	vand.u32 $0xFFFF0000, v19;
	v25 =	vmul.f32 v51, v49;
	v13 =	vadd.f32 v13, v14  }
0x37b: {  	v11 =	vperm.xlane v8, v1;
	v19 =	vmul.f32 v22, v19;
	v22 =	vand.u32 $0xFFFF0000, v54  }
0x37c: {  	v48 =	vshll.u32 v15, $0x10;
	v15 =	vand.u32 $0xFFFF0000, v15;
	v13 =	vadd.f32 v25, v13  }
0x37d: {  	v46 =	vperm.xlane v44, v2;
	v14 =	vld [tilespmem:s21+$0xFFFFFFD0];
	v55 =	vshll.u32 v18, $0x10;
	v56 =	vshll.u32 v16, $0x10  }
0x37e: {  	v23 =	vmul.f32 v47, v48;
	v13 =	vadd.f32 v13, v19;
	v19 =	vmul.f32 v56, v55  }
0x37f: {  	v15 =	vmul.f32 v20, v15;
	v18 =	vand.u32 $0xFFFF0000, v18;
	v16 =	vand.u32 $0xFFFF0000, v16  }
0x380: {  	v20 =	vshll.u32 v50, $0x10;
	v16 =	vmul.f32 v16, v18;
	v13 =	vadd.f32 v19, v13  }
0x381: {  	v21 =	vadd.f32 v44, v46;
	v23 =	vadd.f32 $0.0e+00, v23;
	v18 =	vld [tilespmem:s21+$0xFFFFFFE0];
	v19 =	vshll.u32 v53, $0x10  }
0x382: {  	v58 =	vshll.u32 v14, $0x10;
	v19 =	vmul.f32 v59, v19;
	v16 =	vadd.f32 v13, v16  }
0x383: {  	v60 =	vld [tilespmem:s23+$0xFFFFFFF0];
	v52 =	vperm.xlane v21, v3;
	v15 =	vadd.f32 v23, v15;
	v20 =	vmul.f32 v58, v20  }
0x384: {  	v14 =	vand.u32 $0xFFFF0000, v14;
	v13 =	vld [tilespmem:s21+$0xFFFFFFF0];
	v16 =	vadd.f32 v19, v16;
	v19 =	vmul.f32 v22, v62  }
0x385: {  	s2 =	simm.s32 $0x11540;
	v21 =	vadd.f32 v21, v52;
	v14 =	vmul.f32 v14, v61;
	v15 =	vadd.f32 v20, v15  }
0x386: {  	[tilespmem:s2+$0x0] =	vst v4;
	s23 =	simm.s32 $0x11560;
	v20 =	vshll.u32 v57, $0x10;
	v63 =	vshll.u32 v18, $0x10;
	v4 =	vadd.f32 v16, v19  }
0x387: {  	s8 =	simm.s32 $0x11580;
	[tilespmem:s23+$0x0] =	vst v12;
	v12 =	vand.u32 $0xFFFF0000, v18;
	v18 =	vmul.f32 v63, v20;
	v16 =	vadd.f32 v15, v14  }
0x388: {  	s4 =	simm.s32 $0x115A0;
	[tilespmem:s8+$0x0] =	vst v17;
	v17 =	vand.u32 $0xFFFF0000, v60;
	v12 =	vmul.f32 v12, v24;
	v14 =	vperm.xlane v4, v0  }
0x389: {  	s5 =	simm.s32 $0x8;
	s6 =	simm.s32 $0x8CE0;
	[tilespmem:s4+$0x0] =	vst v21;
	v15 =	vshll.u32 v60, $0x10;
	v16 =	vadd.f32 v18, v16;
	v18 =	vshll.u32 v13, $0x10  }
.LBB2_27:
0x38a: {  	v19 =	vld [tilespmem:s6+$0x0];
	v13 =	vand.u32 $0xFFFF0000, v13;
	v15 =	vmul.f32 v18, v15;
	v4 =	vadd.f32 v4, v14;
	s21 =	sadd.s32 $0x80, s21  }
0x38b: {  	s5 =	sadd.s32 $0x2, s5;
	v14 =	vld [tilespmem:s21+$0x0];
	v12 =	vadd.f32 v16, v12;
	v13 =	vmul.f32 v13, v17;
	v16 =	vperm.xlane v10, v0  }
0x38c: {  	v20 =	vadd.f32 v6, v9;
	v6 =	vadd.f32 v8, v11;
	p1 =	slt.u32 s5, $0x4E;
	v17 =	vld [tilespmem:s21+$0xFFFFFFC0];
	v18 =	vperm.xlane v4, v1  }
0x38d: {  	v21 =	vld [tilespmem:s6+$0xFFFFFFC0];
	v11 =	vadd.f32 v15, v12;
	v8 =	vadd.f32 v10, v16  }
0x38e: {  	v9 =	vperm.xlane v6, v2;
	v15 =	vperm.xlane v20, v3;
	v12 =	vld [tilespmem:s6+$0x10];
	v4 =	vadd.f32 v4, v18  }
0x38f: {  	v16 =	vld [tilespmem:s21+$0x10];
	v10 =	vadd.f32 v11, v13;
	v11 =	vperm.xlane v8, v1;
	v13 =	vadd.f32 v5, v7;
	v5 =	vmovc v20  }
0x390: {  	v20 =	vshll.u32 v19, $0x10;
	v7 =	vmovc v15;
	v18 =	vld [tilespmem:s6+$0xFFFFFFD0];
	v22 =	vshll.u32 v14, $0x10;
	v23 =	vperm.xlane v4, v2  }
0x391: {  	v15 =	vshll.u32 v17, $0x10;
	v17 =	vand.u32 $0xFFFF0000, v17;
	v24 =	vld [tilespmem:s21+$0xFFFFFFD0];
	v20 =	vmul.f32 v22, v20;
	[tilespmem:s2+$0xFFFFFFF0] =	vst v13;
	s2 =	smov.u32 s23;
	s23 =	smov.u32 s8;
	s8 =	smov.u32 s4  }
0x392: {  	v14 =	vand.u32 $0xFFFF0000, v14;
	v13 =	vand.u32 $0xFFFF0000, v19;
	v19 =	vld [tilespmem:s6+$0x20];
	v4 =	vadd.f32 v4, v23  }
0x393: {  	v22 =	vshll.u32 v21, $0x10;
	v13 =	vmul.f32 v14, v13;
	v20 =	vadd.f32 $0.0e+00, v20;
	v14 =	vld [tilespmem:s21+$0x20]  }
0x394: {  	v25 =	vshll.u32 v12, $0x10;
	v23 =	vld [tilespmem:s6+$0xFFFFFFE0];
	v26 =	vshll.u32 v16, $0x10;
	v27 =	vperm.xlane v4, v3  }
0x395: {  	v15 =	vmul.f32 v15, v22;
	v22 =	vld [tilespmem:s21+$0xFFFFFFE0];
	v13 =	vadd.f32 v20, v13;
	v20 =	vmul.f32 v26, v25  }
0x396: {  	v12 =	vand.u32 $0xFFFF0000, v12;
	v16 =	vand.u32 $0xFFFF0000, v16;
	v25 =	vld [tilespmem:s6+$0x30];
	v4 =	vadd.f32 v4, v27  }
0x397: {  	s4 =	sadd.s32 $0x20, s4;
	v21 =	vand.u32 $0xFFFF0000, v21;
	v12 =	vmul.f32 v16, v12;
	v20 =	vadd.f32 v20, v13;
	v16 =	vld [tilespmem:s21+$0x30]  }
0x398: {  	v15 =	vadd.f32 $0.0e+00, v15;
	v27 =	vshll.u32 v19, $0x10;
	v26 =	vld [tilespmem:s6+$0xFFFFFFF0];
	v28 =	vshll.u32 v14, $0x10;
	[tilespmem:s4+$0x0] =	vst v4  }
0x399: {  	v4 =	vmul.f32 v17, v21;
	v13 =	vld [tilespmem:s21+$0xFFFFFFF0];
	v12 =	vadd.f32 v20, v12;
	v17 =	vmul.f32 v28, v27  }
0x39a: {  	v19 =	vand.u32 $0xFFFF0000, v19;
	v14 =	vand.u32 $0xFFFF0000, v14;
	v20 =	vshll.u32 v18, $0x10  }
0x39b: {  	v21 =	vshll.u32 v24, $0x10;
	v14 =	vmul.f32 v14, v19;
	v12 =	vadd.f32 v17, v12  }
0x39c: {  	v4 =	vadd.f32 v15, v4;
	v15 =	vshll.u32 v25, $0x10;
	v17 =	vshll.u32 v16, $0x10  }
0x39d: {  	v19 =	vmul.f32 v21, v20;
	v12 =	vadd.f32 v12, v14;
	v14 =	vmul.f32 v17, v15  }
0x39e: {  	v16 =	vand.u32 $0xFFFF0000, v16;
	v15 =	vand.u32 $0xFFFF0000, v18;
	v17 =	vand.u32 $0xFFFF0000, v25  }
0x39f: {  	v18 =	vand.u32 $0xFFFF0000, v24;
	v12 =	vadd.f32 v14, v12;
	v14 =	vmul.f32 v16, v17  }
.Ltmp12:
0x3a0: {  	v15 =	vmul.f32 v18, v15;
	v16 =	vadd.f32 v19, v4;
	v17 =	vshll.u32 v23, $0x10;
	(pc) =	sbr.rel @p1 .LBB2_27-.Ltmp12, $4  }
0x3a1: {  	v18 =	vshll.u32 v22, $0x10;
	v19 =	vand.u32 $0xFFFF0000, v23;
	v4 =	vadd.f32 v12, v14  }
0x3a2: {  	v17 =	vmul.f32 v18, v17;
	v16 =	vadd.f32 v16, v15;
	v12 =	vand.u32 $0xFFFF0000, v22  }
0x3a3: {  	v15 =	vshll.u32 v26, $0x10;
	v12 =	vmul.f32 v12, v19;
	v14 =	vperm.xlane v4, v0  }
0x3a4: {  	s6 =	sadd.s32 $0x80, s6;
	v18 =	vshll.u32 v13, $0x10;
	v16 =	vadd.f32 v17, v16;
	v17 =	vand.u32 $0xFFFF0000, v26  }
0x3a5: {  	_ = 	snop  }
0x3a6: {  	v15 =	vmul.f32 v18, v15;
	v12 =	vadd.f32 v16, v12  }
0x3a7: {  	v13 =	vand.u32 $0xFFFF0000, v13  }
0x3a8: {  	v13 =	vmul.f32 v13, v17;
	v12 =	vadd.f32 v15, v12;
	_ =	sdelay $0x1  }
0x3a9: {  	v4 =	vadd.f32 v4, v14;
	v12 =	vadd.f32 v12, v13  }
0x3aa: {  	v57 =	vperm.xlane v10, v0  }
0x3ab: {  	v14 =	vperm.xlane v4, v1;
	v58 =	vperm.xlane v12, v0  }
0x3ac: {  	v10 =	vadd.f32 v10, v57  }
0x3ad: {  	v4 =	vadd.f32 v4, v14;
	v12 =	vadd.f32 v12, v58  }
0x3ae: {  	v13 =	vperm.xlane v10, v1  }
0x3af: {  	v8 =	vadd.f32 v8, v11;
	v11 =	vperm.xlane v4, v2;
	v59 =	vperm.xlane v12, v1  }
0x3b0: {  	v10 =	vadd.f32 v10, v13  }
0x3b1: {  	v60 =	vperm.xlane v8, v2;
	v4 =	vadd.f32 v4, v11;
	v11 =	vadd.f32 v12, v59  }
0x3b2: {  	v6 =	vadd.f32 v6, v9;
	v9 =	vperm.xlane v10, v2  }
0x3b3: {  	v8 =	vadd.f32 v8, v60;
	v61 =	vperm.xlane v4, v3;
	v62 =	vperm.xlane v11, v2  }
0x3b4: {  	v5 =	vadd.f32 v5, v7;
	v63 =	vperm.xlane v6, v3;
	v7 =	vadd.f32 v10, v9  }
0x3b5: {  	v9 =	vperm.xlane v8, v3;
	v4 =	vadd.f32 v4, v61;
	v10 =	vadd.f32 v11, v62  }
0x3b6: {  	s21 =	sadd.s32 $0x20, s4;
	[tilespmem:s2+$0xFFFFFFF0] =	vst v5;
	v5 =	vadd.f32 v6, v63;
	v6 =	vperm.xlane v7, v3  }
0x3b7: {  	[tilespmem:s21+$0x0] =	vst v4;
	v4 =	vadd.f32 v8, v9;
	v8 =	vperm.xlane v10, v3  }
0x3b8: {  	p2 =	por $0x1, $0x1;
	[tilespmem:s23+$0xFFFFFFF0] =	vst v5;
	v5 =	vadd.f32 v7, v6  }
.Ltmp13:
0x3b9: {  	[tilespmem:s8+$0xFFFFFFF0] =	vst v4;
	v4 =	vadd.f32 v10, v8;
	(pc) =	sbr.rel @!p2 .LBB2_29-.Ltmp13, $4  }
0x3ba: {  	[tilespmem:s4+$0xFFFFFFF0] =	vst v5  }
0x3bb: {  	s4 =	simm.s32 $0x115B0;
	[tilespmem:s21+$0xFFFFFFF0] =	vst v4  }
0x3bc: {  	v7 =	vld [tilespmem:s4+$0xFFFFFF80]  }
0x3bd: {  	s5 =	simm.s32 $0x40;
	p1 =	por $0x0, $0x0;
	s2 =	simm.s32 $0x0;
	v8 =	vld [tilespmem:s4+$0xFFFFFF90]  }
0x3be: {  	v4 =	vld [tilespmem:s4+$0xFFFFFFA0]  }
0x3bf: {  	v5 =	vld [tilespmem:s4+$0xFFFFFFB0]  }
0x3c0: {  	v6 =	vld [tilespmem:s4+$0xFFFFFFC0]  }
0x3c1: {  	v9 =	vld [tilespmem:s4+$0xFFFFFFD0]  }
0x3c2: {  	v10 =	vld [tilespmem:s4+$0xFFFFFFE0];
	v7 =	vsel vm0, v7, v8  }
0x3c3: {  	v8 =	vld [tilespmem:s4+$0xFFFFFFF0];
	v4 =	vsel vm1, v7, v4  }
0x3c4: {  	v7 =	vld [tilespmem:s4+$0x0];
	v4 =	vsel vm2, v4, v5  }
0x3c5: {  	v11 =	vld [tilespmem:s4+$0x10];
	v4 =	vsel vm3, v4, v6  }
0x3c6: {  	v12 =	vld [tilespmem:s4+$0x20];
	v4 =	vsel vm4, v4, v9  }
0x3c7: {  	v9 =	vld [tilespmem:s4+$0x30];
	v4 =	vsel vm5, v4, v10  }
0x3c8: {  	p2 =	por $0x1, $0x1;
	v10 =	vld [tilespmem:s4+$0x40];
	v4 =	vsel vm6, v4, v8  }
.Ltmp14:
0x3c9: {  	v5 =	vld [tilespmem:s4+$0x50];
	v4 =	vsel vm7, v4, v7;
	(pc) =	sbr.rel @!p2 .LBB2_31-.Ltmp14, $4  }
0x3ca: {  	v6 =	vld [tilespmem:s4+$0x60];
	v7 =	vsel vm8, v4, v11  }
0x3cb: {  	v4 =	vld [tilespmem:s4+$0x70];
	s4 =	simm.s32 $0x116B0;
	v8 =	vsel vm9, v7, v12  }
0x3cc: {  	v7 =	vld [tilespmem:s4+$0xFFFFFF80];
	v9 =	vsel vm10, v8, v9  }
0x3cd: {  	s6 =	simm.s32 $0x80;
	p1 =	por $0x1, $0x1;
	v8 =	vld [tilespmem:s4+$0xFFFFFF90];
	v9 =	vsel vm11, v9, v10  }
.LBB2_32:
0x3ce: {  	p2 =	sne.s32 s6, $0x100;
	v10 =	vld [tilespmem:s4+$0xFFFFFFA0];
	v5 =	vsel vm12, v9, v5  }
0x3cf: {  	s8 =	sshra.s32 s2, $0x2;
	s2 =	smov.u32 s5;
	s5 =	smov.u32 s6;
	v9 =	vld [tilespmem:s4+$0xFFFFFFB0];
	v5 =	vsel vm13, v5, v6  }
0x3d0: {  	s8 =	sadd.s32 s8, s17;
	v6 =	vld [tilespmem:s4+$0xFFFFFFC0];
	v4 =	vsel vm14, v5, v4  }
0x3d1: {  	v5 =	vld [tilespmem:s4+$0xFFFFFFD0];
	[tilespmem:s8+$0x0] =	vst v4  }
0x3d2: {  	v4 =	vsel vm0, v7, v8;
	v7 =	vld [tilespmem:s4+$0xFFFFFFE0]  }
0x3d3: {  	v4 =	vsel vm1, v4, v10;
	v8 =	vld [tilespmem:s4+$0xFFFFFFF0]  }
0x3d4: {  	v4 =	vsel vm2, v4, v9;
	v9 =	vld [tilespmem:s4+$0x0]  }
0x3d5: {  	v4 =	vsel vm3, v4, v6;
	v6 =	vld [tilespmem:s4+$0x10]  }
0x3d6: {  	v4 =	vsel vm4, v4, v5;
	v10 =	vld [tilespmem:s4+$0x20]  }
0x3d7: {  	v4 =	vsel vm5, v4, v7;
	v11 =	vld [tilespmem:s4+$0x30]  }
0x3d8: {  	v4 =	vsel vm6, v4, v8;
	v12 =	vld [tilespmem:s4+$0x40]  }
.Ltmp15:
0x3d9: {  	v4 =	vsel vm7, v4, v9;
	v5 =	vld [tilespmem:s4+$0x50];
	(pc) =	sbr.rel @p2 .LBB2_32-.Ltmp15, $4  }
0x3da: {  	v4 =	vsel vm8, v4, v6;
	v6 =	vld [tilespmem:s4+$0x60]  }
0x3db: {  	v8 =	vsel vm9, v4, v10;
	v4 =	vld [tilespmem:s4+$0x70];
	s4 =	sadd.s32 $0x100, s4  }
0x3dc: {  	v7 =	vld [tilespmem:s4+$0xFFFFFF80];
	v9 =	vsel vm10, v8, v11  }
0x3dd: {  	s6 =	sadd.s32 $0x40, s6;
	v8 =	vld [tilespmem:s4+$0xFFFFFF90];
	v9 =	vsel vm11, v9, v12  }
0x3de: {  	s6 =	smov.u32 s2;
	s2 =	smov.u32 s5  }
.LBB2_34:
0x3df: {  	v10 =	vld [tilespmem:s4+$0xFFFFFFA0]  }
0x3e0: {  	v11 =	vld [tilespmem:s4+$0xFFFFFFB0]  }
0x3e1: {  	v12 =	vld [tilespmem:s4+$0xFFFFFFC0]  }
0x3e2: {  	v13 =	vld [tilespmem:s4+$0xFFFFFFD0]  }
0x3e3: {  	v53 =	vld [tilespmem:s4+$0xFFFFFFE0];
	v7 =	vsel vm0, v7, v8  }
0x3e4: {  	v54 =	vld [tilespmem:s4+$0xFFFFFFF0];
	v7 =	vsel vm1, v7, v10  }
0x3e5: {  	v55 =	vld [tilespmem:s4+$0x0];
	v7 =	vsel vm2, v7, v11  }
0x3e6: {  	v56 =	vld [tilespmem:s4+$0x10];
	v7 =	vsel vm3, v7, v12  }
0x3e7: {  	v57 =	vld [tilespmem:s4+$0x20];
	v7 =	vsel vm4, v7, v13  }
0x3e8: {  	v58 =	vld [tilespmem:s4+$0x30];
	v7 =	vsel vm5, v7, v53  }
0x3e9: {  	v59 =	vld [tilespmem:s4+$0x40];
	v7 =	vsel vm6, v7, v54  }
0x3ea: {  	v60 =	vld [tilespmem:s4+$0x50];
	v7 =	vsel vm7, v7, v55  }
0x3eb: {  	v61 =	vld [tilespmem:s4+$0x60];
	v7 =	vsel vm8, v7, v56  }
0x3ec: {  	v62 =	vld [tilespmem:s4+$0x70];
	v7 =	vsel vm9, v7, v57  }
0x3ed: {  	v7 =	vsel vm10, v7, v58  }
.Ltmp16:
0x3ee: {  	v5 =	vsel @p1 vm12, v9, v5;
	v7 =	vsel vm11, v7, v59;
	(pc) =	sbr.rel @p0 .LBB2_36-.Ltmp16, $4  }
0x3ef: {  	s4 =	sshra.s32 @p1 s6, $0x2;
	v5 =	vsel @p1 vm13, v5, v6;
	v63 =	vsel vm12, v7, v60  }
0x3f0: {  	s2 =	sshra.s32 s2, $0x2;
	s4 =	sadd.s32 @p1 s4, s17;
	v4 =	vsel @p1 vm14, v5, v4;
	v5 =	vsel vm13, v63, v61  }
0x3f1: {  	s2 =	sadd.s32 s2, s17;
	[tilespmem:s4+$0x0] =	vst @p1 v4;
	v4 =	vsel vm14, v5, v62  }
0x3f2: {  	[tilespmem:s2+$0x0] =	vst v4  }
.Ltmp17:
0x3f3: {  	s2 =	sadd.s32 $0x230, s20;
	(pc) =	sbr.rel .LBB2_2-.Ltmp17, $4  }
0x3f4: {  	s23 =	sadd.s32 $0x2940, s20;
	s19 =	sadd.s32 $0x1, s19;
	s18 =	sadd.s32 $0x140, s18  }
0x3f5: {  	[tilespmem:s22], [sflag:$0x4] =	stream.indirect.gather [hbm4b:s3+s11], $0x40, s2, s11, $0xb8;
	[tilespmem:$0x11A30] =	vst v63  }
0x3f6: {  	s15 =	sadd.s32 $0x140, s15;
	s16 =	sadd.s32 $0x140, s16;
	s17 =	sadd.s32 $0x140, s17  }
0x3f7: {  	[tilespmem:s24], [sflag:$0x8] =	stream.indirect.gather [hbm4b:s3+s11], $0x40, s23, s11, $0xb8;
	[tilespmem:$0x11A30] =	vst v63  }
.LBB2_5:
.Ltmp18:
0x3f8: {  	(pc) =	sbr.rel .LBB2_10-.Ltmp18, $2  }
0x3f9: {  	_ =	sdelay $0x2  }
0x3fa: {  	_ = 	snop  }
.LBB2_13:
.Ltmp19:
0x3fb: {  	(pc) =	sbr.rel .LBB2_18-.Ltmp19, $2  }
0x3fc: {  	_ =	sdelay $0x2  }
0x3fd: {  	_ = 	snop  }
.LBB2_21:
.Ltmp20:
0x3fe: {  	(pc) =	sbr.rel .LBB2_26-.Ltmp20, $2  }
0x3ff: {  	_ =	sdelay $0x2  }
0x400: {  	_ = 	snop  }
.LBB2_29:
.Ltmp21:
0x401: {  	(pc) =	sbr.rel .LBB2_34-.Ltmp21, $2  }
0x402: {  	_ =	sdelay $0x2  }
0x403: {  	_ = 	snop  }
.LBB2_7:
.Ltmp22:
0x404: {  	(pc) =	sbr.rel .LBB2_10-.Ltmp22, $2  }
0x405: {  	_ =	sdelay $0x2  }
0x406: {  	s6 =	simm.s32 $0x0;
	s2 =	simm.s32 $0x40  }
.LBB2_15:
.Ltmp23:
0x407: {  	(pc) =	sbr.rel .LBB2_18-.Ltmp23, $2  }
0x408: {  	_ =	sdelay $0x2  }
0x409: {  	s6 =	simm.s32 $0x0;
	s2 =	simm.s32 $0x40  }
.LBB2_23:
.Ltmp24:
0x40a: {  	(pc) =	sbr.rel .LBB2_26-.Ltmp24, $2  }
0x40b: {  	_ =	sdelay $0x2  }
0x40c: {  	s6 =	simm.s32 $0x0;
	s2 =	simm.s32 $0x40  }
.LBB2_31:
.Ltmp25:
0x40d: {  	(pc) =	sbr.rel .LBB2_34-.Ltmp25, $2  }
0x40e: {  	_ =	sdelay $0x2  }
0x40f: {  	s6 =	simm.s32 $0x0;
	s2 =	simm.s32 $0x40  }
.LBB2_36:
0x410: {  	_ =	swait.ge [sflag:s9], $0x1400  }
0x411: {  	[sflag:s9] =	ssyncset.done $0x0  }
0x412: {  	[sflag:s9] =	ssyncadd.s32 $0xFFFFEC00  }
0x413: {  	_ =	swait.ge [sflag:s10], $0x1400  }
0x414: {  	[sflag:s10] =	ssyncset.done $0x0  }
0x415: {  	s2 =	simm.s32 $0x4E60;
	[sflag:s10] =	ssyncadd.s32 $0xFFFFEC00  }
0x416: {  	s4 =	simm.s32 $0x9E60;
	v4 =	vld [tilespmem:s2+$0x0]  }
0x417: {  	v5 =	vld [tilespmem:s4+$0x0]  }
0x418: {  	v6 =	vld [tilespmem:s4+$0xFFFFFFC0]  }
0x419: {  	v7 =	vld [tilespmem:s2+$0x10]  }
0x41a: {  	v8 =	vld [tilespmem:s4+$0x10]  }
0x41b: {  	v9 =	vld [tilespmem:s2+$0xFFFFFFC0]  }
0x41c: {  	v10 =	vshll.u32 v4, $0x10;
	v11 =	vshll.u32 v5, $0x10  }
0x41d: {  	v10 =	vmul.f32 v11, v10  }
0x41e: {  	v4 =	vand.u32 $0xFFFF0000, v4;
	v5 =	vand.u32 $0xFFFF0000, v5;
	v12 =	vshll.u32 v6, $0x10;
	v11 =	vld [tilespmem:s2+$0x20]  }
0x41f: {  	v14 =	vshll.u32 v7, $0x10;
	v4 =	vmul.f32 v5, v4;
	v5 =	vld [tilespmem:s4+$0x20];
	v10 =	vadd.f32 $0.0e+00, v10  }
0x420: {  	v15 =	vshll.u32 v8, $0x10;
	v17 =	vshll.u32 v9, $0x10;
	v7 =	vand.u32 $0xFFFF0000, v7  }
0x421: {  	v13 =	vld [tilespmem:s2+$0xFFFFFFD0];
	v8 =	vand.u32 $0xFFFF0000, v8;
	v4 =	vadd.f32 v10, v4;
	v10 =	vmul.f32 v15, v14  }
0x422: {  	v12 =	vmul.f32 v12, v17;
	v7 =	vmul.f32 v8, v7;
	v8 =	vld [tilespmem:s4+$0x30]  }
0x423: {  	v6 =	vand.u32 $0xFFFF0000, v6;
	v9 =	vand.u32 $0xFFFF0000, v9;
	v14 =	vld [tilespmem:s2+$0x30];
	v4 =	vadd.f32 v10, v4  }
0x424: {  	v16 =	vld [tilespmem:s4+$0xFFFFFFD0];
	v15 =	vshll.u32 v5, $0x10;
	v10 =	vadd.f32 $0.0e+00, v12;
	v12 =	vshll.u32 v11, $0x10  }
0x425: {  	v6 =	vmul.f32 v6, v9;
	v4 =	vadd.f32 v4, v7;
	v7 =	vmul.f32 v15, v12  }
0x426: {  	v9 =	vshll.u32 v13, $0x10;
	v5 =	vand.u32 $0xFFFF0000, v5;
	v11 =	vand.u32 $0xFFFF0000, v11  }
0x427: {  	v5 =	vmul.f32 v5, v11;
	v11 =	vshll.u32 v8, $0x10;
	v12 =	vld [tilespmem:s2+$0xFFFFFFE0];
	v4 =	vadd.f32 v7, v4  }
0x428: {  	v8 =	vand.u32 $0xFFFF0000, v8;
	v6 =	vadd.f32 v10, v6;
	v10 =	vshll.u32 v14, $0x10;
	v7 =	vld [tilespmem:s4+$0xFFFFFFE0]  }
0x429: {  	v15 =	vshll.u32 v16, $0x10;
	v4 =	vadd.f32 v4, v5;
	v5 =	vmul.f32 v11, v10  }
0x42a: {  	v9 =	vmul.f32 v15, v9;
	v10 =	vand.u32 $0xFFFF0000, v13;
	v11 =	vand.u32 $0xFFFF0000, v14  }
0x42b: {  	v13 =	vld [tilespmem:s2+$0xFFFFFFF0];
	v14 =	vand.u32 $0xFFFF0000, v16;
	v4 =	vadd.f32 v5, v4;
	v5 =	vmul.f32 v8, v11  }
0x42c: {  	s19 =	simm.s32 $0x9F60;
	v6 =	vadd.f32 v9, v6;
	v9 =	vmul.f32 v14, v10;
	v8 =	vld [tilespmem:s4+$0xFFFFFFF0]  }
0x42d: {  	s21 =	simm.s32 $0x9FE0;
	v22 =	vld [tilespmem:s19+$0xFFFFFFD0];
	v10 =	vshll.u32 v12, $0x10;
	v11 =	vshll.u32 v7, $0x10;
	v4 =	vadd.f32 v4, v5  }
0x42e: {  	s16 =	simm.s32 $0x4EE0;
	v26 =	vld [tilespmem:s21+$0xFFFFFFD0];
	v5 =	vadd.f32 v6, v9;
	v6 =	vmul.f32 v11, v10  }
0x42f: {  	s17 =	simm.s32 $0x9EE0;
	v7 =	vand.u32 $0xFFFF0000, v7;
	v9 =	vand.u32 $0xFFFF0000, v12;
	v11 =	vld [tilespmem:s16+$0x0];
	v10 =	vperm.xlane v4, v0  }
0x430: {  	v7 =	vmul.f32 v7, v9;
	v5 =	vadd.f32 v6, v5;
	v6 =	vld [tilespmem:s17+$0x0]  }
0x431: {  	v9 =	vshll.u32 v13, $0x10;
	v12 =	vshll.u32 v8, $0x10;
	v4 =	vadd.f32 v4, v10  }
0x432: {  	v32 =	vshll.u32 v22, $0x10;
	v9 =	vmul.f32 v12, v9;
	v5 =	vadd.f32 v5, v7;
	v7 =	vld [tilespmem:s17+$0xFFFFFFC0]  }
0x433: {  	v8 =	vand.u32 $0xFFFF0000, v8;
	v10 =	vand.u32 $0xFFFF0000, v13;
	v13 =	vld [tilespmem:s16+$0x10];
	v12 =	vperm.xlane v4, v1  }
0x434: {  	v40 =	vshll.u32 v26, $0x10;
	v8 =	vmul.f32 v8, v10;
	v5 =	vadd.f32 v9, v5;
	v9 =	vld [tilespmem:s17+$0x10]  }
0x435: {  	v10 =	vld [tilespmem:s16+$0xFFFFFFC0];
	v14 =	vshll.u32 v6, $0x10;
	v4 =	vadd.f32 v4, v12;
	v12 =	vshll.u32 v11, $0x10  }
0x436: {  	v42 =	vand.u32 $0xFFFF0000, v26;
	v5 =	vadd.f32 v5, v8;
	v8 =	vmul.f32 v14, v12  }
0x437: {  	v6 =	vand.u32 $0xFFFF0000, v6;
	v11 =	vand.u32 $0xFFFF0000, v11;
	v14 =	vld [tilespmem:s16+$0x20];
	v15 =	vshll.u32 v7, $0x10  }
0x438: {  	v6 =	vmul.f32 v6, v11;
	v11 =	vld [tilespmem:s17+$0x20];
	v7 =	vand.u32 $0xFFFF0000, v7;
	v8 =	vadd.f32 $0.0e+00, v8  }
0x439: {  	v19 =	vld [tilespmem:s17+$0xFFFFFFD0];
	v17 =	vshll.u32 v13, $0x10;
	v13 =	vand.u32 $0xFFFF0000, v13;
	v18 =	vshll.u32 v9, $0x10  }
0x43a: {  	v16 =	vld [tilespmem:s16+$0xFFFFFFD0];
	v20 =	vshll.u32 v10, $0x10;
	v6 =	vadd.f32 v8, v6;
	v8 =	vmul.f32 v18, v17  }
0x43b: {  	v12 =	vperm.xlane v4, v2;
	v15 =	vmul.f32 v15, v20;
	v9 =	vand.u32 $0xFFFF0000, v9;
	v17 =	vld [tilespmem:s16+$0x30]  }
0x43c: {  	v10 =	vand.u32 $0xFFFF0000, v10;
	v6 =	vadd.f32 v8, v6;
	v8 =	vmul.f32 v9, v13;
	v9 =	vld [tilespmem:s17+$0x30]  }
0x43d: {  	v18 =	vshll.u32 v11, $0x10;
	v13 =	vadd.f32 $0.0e+00, v15;
	v15 =	vshll.u32 v14, $0x10  }
0x43e: {  	v7 =	vmul.f32 v7, v10;
	v6 =	vadd.f32 v6, v8;
	v8 =	vmul.f32 v18, v15  }
0x43f: {  	v10 =	vshll.u32 v16, $0x10;
	v11 =	vand.u32 $0xFFFF0000, v11;
	v14 =	vand.u32 $0xFFFF0000, v14  }
0x440: {  	v15 =	vld [tilespmem:s16+$0xFFFFFFE0];
	v18 =	vshll.u32 v19, $0x10;
	v6 =	vadd.f32 v8, v6;
	v8 =	vmul.f32 v11, v14  }
0x441: {  	v7 =	vadd.f32 v13, v7;
	v13 =	vshll.u32 v17, $0x10;
	v11 =	vld [tilespmem:s17+$0xFFFFFFE0];
	v14 =	vshll.u32 v9, $0x10  }
0x442: {  	v10 =	vmul.f32 v18, v10;
	v6 =	vadd.f32 v6, v8;
	v8 =	vmul.f32 v14, v13  }
0x443: {  	v9 =	vand.u32 $0xFFFF0000, v9;
	v13 =	vand.u32 $0xFFFF0000, v16;
	v14 =	vand.u32 $0xFFFF0000, v17  }
0x444: {  	v16 =	vld [tilespmem:s16+$0xFFFFFFF0];
	v17 =	vand.u32 $0xFFFF0000, v19;
	v6 =	vadd.f32 v8, v6;
	v8 =	vmul.f32 v9, v14  }
0x445: {  	s15 =	simm.s32 $0xA060;
	v4 =	vadd.f32 v4, v12;
	v7 =	vadd.f32 v10, v7;
	v10 =	vmul.f32 v17, v13;
	v9 =	vld [tilespmem:s17+$0xFFFFFFF0]  }
0x446: {  	s23 =	simm.s32 $0x5060;
	v45 =	vld [tilespmem:s15+$0x10];
	v12 =	vshll.u32 v15, $0x10;
	v13 =	vshll.u32 v11, $0x10;
	v6 =	vadd.f32 v6, v8  }
0x447: {  	s18 =	simm.s32 $0x4F60;
	v50 =	vld [tilespmem:s23+$0xFFFFFFD0];
	v7 =	vadd.f32 v7, v10;
	v8 =	vperm.xlane v4, v3;
	v10 =	vmul.f32 v13, v12  }
0x448: {  	v14 =	vld [tilespmem:s18+$0x0];
	v11 =	vand.u32 $0xFFFF0000, v11;
	v12 =	vand.u32 $0xFFFF0000, v15;
	v13 =	vperm.xlane v6, v0  }
0x449: {  	v4 =	vadd.f32 v4, v8;
	v8 =	vmul.f32 v11, v12;
	v7 =	vadd.f32 v10, v7;
	v10 =	vld [tilespmem:s19+$0x0]  }
0x44a: {  	v54 =	vld [tilespmem:s15+$0x30];
	v11 =	vshll.u32 v16, $0x10;
	v12 =	vshll.u32 v9, $0x10;
	v6 =	vadd.f32 v6, v13  }
0x44b: {  	v11 =	vmul.f32 v12, v11;
	v7 =	vadd.f32 v7, v8;
	v8 =	vperm.xlane v5, v0;
	v12 =	vld [tilespmem:s19+$0xFFFFFFC0]  }
0x44c: {  	v9 =	vand.u32 $0xFFFF0000, v9;
	v13 =	vand.u32 $0xFFFF0000, v16;
	v16 =	vld [tilespmem:s18+$0x10];
	v15 =	vperm.xlane v6, v1  }
0x44d: {  	v9 =	vmul.f32 v9, v13;
	v13 =	vshll.u32 v14, $0x10;
	v5 =	vadd.f32 v5, v8;
	v8 =	vld [tilespmem:s19+$0x10]  }
0x44e: {  	v7 =	vadd.f32 v11, v7;
	v11 =	vld [tilespmem:s18+$0xFFFFFFC0];
	v6 =	vadd.f32 v6, v15;
	v15 =	vshll.u32 v10, $0x10  }
0x44f: {  	v51 =	vshll.u32 v45, $0x10;
	v59 =	vshll.u32 v54, $0x10;
	v13 =	vmul.f32 v15, v13  }
0x450: {  	v61 =	vand.u32 $0xFFFF0000, v50;
	v17 =	vld [tilespmem:s18+$0x20];
	v14 =	vand.u32 $0xFFFF0000, v14;
	v10 =	vand.u32 $0xFFFF0000, v10  }
0x451: {  	v7 =	vadd.f32 v7, v9;
	v10 =	vmul.f32 v10, v14;
	v14 =	vld [tilespmem:s19+$0x20];
	v13 =	vadd.f32 $0.0e+00, v13  }
0x452: {  	v18 =	vshll.u32 v12, $0x10;
	v20 =	vshll.u32 v16, $0x10;
	v21 =	vshll.u32 v8, $0x10  }
0x453: {  	v23 =	vshll.u32 v11, $0x10;
	v10 =	vadd.f32 v13, v10;
	v13 =	vmul.f32 v21, v20  }
0x454: {  	v16 =	vand.u32 $0xFFFF0000, v16;
	v8 =	vand.u32 $0xFFFF0000, v8;
	v18 =	vmul.f32 v18, v23;
	v20 =	vld [tilespmem:s18+$0x30]  }
0x455: {  	v12 =	vand.u32 $0xFFFF0000, v12;
	v8 =	vmul.f32 v8, v16;
	v10 =	vadd.f32 v13, v10;
	v13 =	vld [tilespmem:s19+$0x30]  }
0x456: {  	v16 =	vadd.f32 $0.0e+00, v18;
	v18 =	vshll.u32 v17, $0x10;
	v31 =	vshll.u32 v14, $0x10  }
0x457: {  	v19 =	vld [tilespmem:s18+$0xFFFFFFD0];
	v11 =	vand.u32 $0xFFFF0000, v11;
	v8 =	vadd.f32 v10, v8;
	v10 =	vmul.f32 v31, v18  }
0x458: {  	v11 =	vmul.f32 v12, v11;
	v17 =	vand.u32 $0xFFFF0000, v17;
	v14 =	vand.u32 $0xFFFF0000, v14  }
0x459: {  	v9 =	vperm.xlane v5, v1;
	v8 =	vadd.f32 v10, v8;
	v10 =	vmul.f32 v14, v17  }
0x45a: {  	v11 =	vadd.f32 v16, v11;
	v18 =	vld [tilespmem:s18+$0xFFFFFFE0];
	v16 =	vshll.u32 v20, $0x10;
	v17 =	vshll.u32 v13, $0x10  }
0x45b: {  	v15 =	vperm.xlane v6, v2;
	v14 =	vld [tilespmem:s19+$0xFFFFFFE0];
	v8 =	vadd.f32 v8, v10;
	v10 =	vmul.f32 v17, v16  }
0x45c: {  	v12 =	vshll.u32 v19, $0x10;
	v13 =	vand.u32 $0xFFFF0000, v13;
	v17 =	vand.u32 $0xFFFF0000, v20  }
0x45d: {  	v12 =	vmul.f32 v32, v12;
	v8 =	vadd.f32 v10, v8;
	v10 =	vmul.f32 v13, v17  }
0x45e: {  	v5 =	vadd.f32 v5, v9;
	v16 =	vand.u32 $0xFFFF0000, v19;
	v20 =	vand.u32 $0xFFFF0000, v22  }
0x45f: {  	v11 =	vadd.f32 v12, v11;
	v19 =	vld [tilespmem:s18+$0xFFFFFFF0];
	v12 =	vmul.f32 v20, v16;
	v8 =	vadd.f32 v8, v10  }
0x460: {  	v6 =	vadd.f32 v6, v15;
	v15 =	vshll.u32 v18, $0x10;
	v13 =	vld [tilespmem:s19+$0xFFFFFFF0];
	v16 =	vshll.u32 v14, $0x10  }
0x461: {  	s20 =	simm.s32 $0x4FE0;
	v53 =	vld [tilespmem:s23+$0x30];
	v11 =	vadd.f32 v11, v12;
	v12 =	vmul.f32 v16, v15;
	v16 =	vperm.xlane v8, v0  }
0x462: {  	v17 =	vld [tilespmem:s20+$0x0];
	v14 =	vand.u32 $0xFFFF0000, v14;
	v10 =	vperm.xlane v6, v3;
	v15 =	vand.u32 $0xFFFF0000, v18  }
0x463: {  	v14 =	vmul.f32 v14, v15;
	v11 =	vadd.f32 v12, v11;
	v8 =	vadd.f32 v8, v16;
	v16 =	vld [tilespmem:s21+$0x0]  }
0x464: {  	v20 =	vld [tilespmem:s21+$0xFFFFFFC0];
	v15 =	vshll.u32 v19, $0x10;
	v18 =	vand.u32 $0xFFFF0000, v19;
	v19 =	vperm.xlane v7, v0  }
0x465: {  	v9 =	vld [tilespmem:s20+$0xFFFFFFC0];
	v12 =	vshll.u32 v13, $0x10;
	v11 =	vadd.f32 v11, v14;
	v14 =	vperm.xlane v8, v1  }
0x466: {  	v62 =	vand.u32 $0xFFFF0000, v53;
	v15 =	vmul.f32 v12, v15;
	v12 =	vadd.f32 v6, v10;
	v10 =	vld [tilespmem:s20+$0x10]  }
0x467: {  	v13 =	vand.u32 $0xFFFF0000, v13;
	v7 =	vadd.f32 v7, v19;
	v8 =	vadd.f32 v8, v14;
	v14 =	vld [tilespmem:s21+$0x10]  }
0x468: {  	v6 =	vmul.f32 v13, v18;
	v18 =	vshll.u32 v17, $0x10;
	v19 =	vshll.u32 v16, $0x10  }
0x469: {  	v34 =	vshll.u32 v20, $0x10;
	v33 =	vperm.xlane v8, v2;
	v18 =	vmul.f32 v19, v18  }
0x46a: {  	v17 =	vand.u32 $0xFFFF0000, v17;
	v16 =	vand.u32 $0xFFFF0000, v16;
	v19 =	vand.u32 $0xFFFF0000, v20;
	v20 =	vld [tilespmem:s20+$0x20]  }
0x46b: {  	v16 =	vmul.f32 v16, v17;
	v17 =	vld [tilespmem:s21+$0x20];
	v21 =	vadd.f32 v8, v33;
	v8 =	vadd.f32 $0.0e+00, v18  }
0x46c: {  	v35 =	vshll.u32 v9, $0x10;
	v24 =	vshll.u32 v10, $0x10;
	v25 =	vshll.u32 v14, $0x10  }
0x46d: {  	v9 =	vand.u32 $0xFFFF0000, v9;
	v8 =	vadd.f32 v8, v16;
	v16 =	vmul.f32 v25, v24  }
0x46e: {  	v36 =	vld [tilespmem:s20+$0x30];
	v22 =	vmul.f32 v34, v35;
	v10 =	vand.u32 $0xFFFF0000, v10;
	v14 =	vand.u32 $0xFFFF0000, v14  }
0x46f: {  	v13 =	vperm.xlane v5, v2;
	v10 =	vmul.f32 v14, v10;
	v14 =	vld [tilespmem:s21+$0x30];
	v8 =	vadd.f32 v16, v8  }
0x470: {  	v11 =	vadd.f32 v15, v11;
	v18 =	vld [tilespmem:s20+$0xFFFFFFD0];
	v37 =	vshll.u32 v20, $0x10;
	v38 =	vshll.u32 v17, $0x10  }
0x471: {  	v9 =	vmul.f32 v19, v9;
	v8 =	vadd.f32 v8, v10;
	v10 =	vmul.f32 v38, v37  }
0x472: {  	v20 =	vand.u32 $0xFFFF0000, v20;
	v17 =	vand.u32 $0xFFFF0000, v17;
	v16 =	vadd.f32 $0.0e+00, v22  }
0x473: {  	v39 =	vld [tilespmem:s20+$0xFFFFFFE0];
	v15 =	vperm.xlane v7, v1;
	v8 =	vadd.f32 v10, v8;
	v10 =	vmul.f32 v17, v20  }
0x474: {  	v9 =	vadd.f32 v16, v9;
	v16 =	vshll.u32 v36, $0x10;
	v17 =	vld [tilespmem:s21+$0xFFFFFFE0];
	v20 =	vshll.u32 v14, $0x10  }
0x475: {  	v19 =	vshll.u32 v18, $0x10;
	v8 =	vadd.f32 v8, v10;
	v10 =	vmul.f32 v20, v16  }
0x476: {  	v41 =	vld [tilespmem:s21+$0xFFFFFFF0];
	v19 =	vmul.f32 v40, v19;
	v14 =	vand.u32 $0xFFFF0000, v14;
	v20 =	vand.u32 $0xFFFF0000, v36  }
0x477: {  	v18 =	vand.u32 $0xFFFF0000, v18;
	v16 =	vld [tilespmem:s20+$0xFFFFFFF0];
	v8 =	vadd.f32 v10, v8;
	v10 =	vmul.f32 v14, v20  }
0x478: {  	v9 =	vadd.f32 v19, v9;
	v14 =	vmul.f32 v42, v18;
	v18 =	vshll.u32 v39, $0x10  }
0x479: {  	v57 =	vld [tilespmem:s23+$0xFFFFFFE0];
	v20 =	vand.u32 $0xFFFF0000, v39;
	v19 =	vshll.u32 v17, $0x10;
	v8 =	vadd.f32 v8, v10  }
0x47a: {  	v9 =	vadd.f32 v9, v14;
	v10 =	vand.u32 $0xFFFF0000, v17;
	v14 =	vmul.f32 v19, v18  }
0x47b: {  	v11 =	vadd.f32 v11, v6;
	v6 =	vmul.f32 v10, v20;
	v10 =	vperm.xlane v8, v0  }
0x47c: {  	v18 =	vld [tilespmem:s23+$0x0];
	v17 =	vshll.u32 v16, $0x10;
	v9 =	vadd.f32 v14, v9;
	v14 =	vshll.u32 v41, $0x10  }
0x47d: {  	v5 =	vadd.f32 v5, v13;
	v10 =	vadd.f32 v8, v10;
	v8 =	vmul.f32 v14, v17;
	v14 =	vld [tilespmem:s15+$0x0]  }
0x47e: {  	v27 =	vperm.xlane v21, v3;
	v24 =	vand.u32 $0xFFFF0000, v57;
	v9 =	vadd.f32 v9, v6  }
0x47f: {  	v19 =	vand.u32 $0xFFFF0000, v41;
	v16 =	vand.u32 $0xFFFF0000, v16;
	v43 =	vperm.xlane v10, v1  }
0x480: {  	v22 =	vand.u32 $0xFFFF0000, v45;
	v20 =	vld [tilespmem:s15+$0xFFFFFFC0];
	v13 =	vmul.f32 v19, v16;
	v16 =	vadd.f32 v8, v9  }
0x481: {  	v19 =	vld [tilespmem:s23+$0x10];
	v17 =	vperm.xlane v11, v0;
	v6 =	vadd.f32 v7, v15;
	v44 =	vadd.f32 v10, v43  }
0x482: {  	v10 =	vadd.f32 v16, v13;
	v13 =	vshll.u32 v18, $0x10;
	v16 =	vshll.u32 v14, $0x10  }
0x483: {  	v15 =	vld [tilespmem:s23+$0xFFFFFFC0];
	v7 =	vperm.xlane v5, v3;
	v8 =	vadd.f32 v11, v17;
	v13 =	vmul.f32 v16, v13  }
0x484: {  	v17 =	vadd.f32 v21, v27;
	v14 =	vand.u32 $0xFFFF0000, v14;
	v16 =	vand.u32 $0xFFFF0000, v18;
	v18 =	vld [tilespmem:s23+$0x20]  }
0x485: {  	v9 =	vperm.xlane v6, v2;
	v14 =	vmul.f32 v14, v16;
	v16 =	vld [tilespmem:s15+$0x20];
	v13 =	vadd.f32 $0.0e+00, v13  }
0x486: {  	v47 =	vshll.u32 v20, $0x10;
	v20 =	vand.u32 $0xFFFF0000, v20;
	v49 =	vshll.u32 v19, $0x10  }
0x487: {  	v19 =	vand.u32 $0xFFFF0000, v19;
	v25 =	vmul.f32 v51, v49;
	v13 =	vadd.f32 v13, v14  }
0x488: {  	v11 =	vperm.xlane v8, v1;
	v19 =	vmul.f32 v22, v19;
	v22 =	vand.u32 $0xFFFF0000, v54  }
0x489: {  	v48 =	vshll.u32 v15, $0x10;
	v15 =	vand.u32 $0xFFFF0000, v15;
	v13 =	vadd.f32 v25, v13  }
0x48a: {  	v46 =	vperm.xlane v44, v2;
	v14 =	vld [tilespmem:s15+$0xFFFFFFD0];
	v55 =	vshll.u32 v18, $0x10;
	v56 =	vshll.u32 v16, $0x10  }
0x48b: {  	v23 =	vmul.f32 v47, v48;
	v13 =	vadd.f32 v13, v19;
	v19 =	vmul.f32 v56, v55  }
0x48c: {  	v15 =	vmul.f32 v20, v15;
	v18 =	vand.u32 $0xFFFF0000, v18;
	v16 =	vand.u32 $0xFFFF0000, v16  }
0x48d: {  	v20 =	vshll.u32 v50, $0x10;
	v16 =	vmul.f32 v16, v18;
	v13 =	vadd.f32 v19, v13  }
0x48e: {  	v21 =	vadd.f32 v44, v46;
	v23 =	vadd.f32 $0.0e+00, v23;
	v18 =	vld [tilespmem:s15+$0xFFFFFFE0];
	v19 =	vshll.u32 v53, $0x10  }
0x48f: {  	v58 =	vshll.u32 v14, $0x10;
	v19 =	vmul.f32 v59, v19;
	v16 =	vadd.f32 v13, v16  }
0x490: {  	v60 =	vld [tilespmem:s23+$0xFFFFFFF0];
	v52 =	vperm.xlane v21, v3;
	v15 =	vadd.f32 v23, v15;
	v20 =	vmul.f32 v58, v20  }
0x491: {  	v14 =	vand.u32 $0xFFFF0000, v14;
	v13 =	vld [tilespmem:s15+$0xFFFFFFF0];
	v16 =	vadd.f32 v19, v16;
	v19 =	vmul.f32 v22, v62  }
0x492: {  	s2 =	simm.s32 $0x11540;
	v21 =	vadd.f32 v21, v52;
	v14 =	vmul.f32 v14, v61;
	v15 =	vadd.f32 v20, v15  }
0x493: {  	s16 =	simm.s32 $0x11560;
	[tilespmem:s2+$0x0] =	vst v4;
	v20 =	vshll.u32 v57, $0x10;
	v63 =	vshll.u32 v18, $0x10;
	v4 =	vadd.f32 v16, v19  }
0x494: {  	s8 =	simm.s32 $0x11580;
	[tilespmem:s16+$0x0] =	vst v12;
	v12 =	vand.u32 $0xFFFF0000, v18;
	v18 =	vmul.f32 v63, v20;
	v16 =	vadd.f32 v15, v14  }
0x495: {  	s4 =	simm.s32 $0x115A0;
	[tilespmem:s8+$0x0] =	vst v17;
	v17 =	vand.u32 $0xFFFF0000, v60;
	v12 =	vmul.f32 v12, v24;
	v14 =	vperm.xlane v4, v0  }
0x496: {  	s5 =	simm.s32 $0x8;
	s6 =	simm.s32 $0x50E0;
	[tilespmem:s4+$0x0] =	vst v21;
	v15 =	vshll.u32 v60, $0x10;
	v16 =	vadd.f32 v18, v16;
	v18 =	vshll.u32 v13, $0x10  }
.LBB2_37:
0x497: {  	v19 =	vld [tilespmem:s6+$0x0];
	v13 =	vand.u32 $0xFFFF0000, v13;
	v15 =	vmul.f32 v18, v15;
	v4 =	vadd.f32 v4, v14;
	s15 =	sadd.s32 $0x80, s15  }
0x498: {  	s5 =	sadd.s32 $0x2, s5;
	v14 =	vld [tilespmem:s15+$0x0];
	v12 =	vadd.f32 v16, v12;
	v13 =	vmul.f32 v13, v17;
	v16 =	vperm.xlane v10, v0  }
0x499: {  	v20 =	vadd.f32 v6, v9;
	v6 =	vadd.f32 v8, v11;
	p0 =	slt.u32 s5, $0x4E;
	v17 =	vld [tilespmem:s15+$0xFFFFFFC0];
	v18 =	vperm.xlane v4, v1  }
0x49a: {  	v21 =	vld [tilespmem:s6+$0xFFFFFFC0];
	v11 =	vadd.f32 v15, v12;
	v8 =	vadd.f32 v10, v16  }
0x49b: {  	v9 =	vperm.xlane v6, v2;
	v15 =	vperm.xlane v20, v3;
	v12 =	vld [tilespmem:s6+$0x10];
	v4 =	vadd.f32 v4, v18  }
0x49c: {  	v16 =	vld [tilespmem:s15+$0x10];
	v10 =	vadd.f32 v11, v13;
	v11 =	vperm.xlane v8, v1;
	v13 =	vadd.f32 v5, v7;
	v5 =	vmovc v20  }
0x49d: {  	v20 =	vshll.u32 v19, $0x10;
	v7 =	vmovc v15;
	v18 =	vld [tilespmem:s6+$0xFFFFFFD0];
	v22 =	vshll.u32 v14, $0x10;
	v23 =	vperm.xlane v4, v2  }
0x49e: {  	v15 =	vshll.u32 v17, $0x10;
	v17 =	vand.u32 $0xFFFF0000, v17;
	v24 =	vld [tilespmem:s15+$0xFFFFFFD0];
	v20 =	vmul.f32 v22, v20;
	[tilespmem:s2+$0xFFFFFFF0] =	vst v13;
	s2 =	smov.u32 s16;
	s16 =	smov.u32 s8;
	s8 =	smov.u32 s4  }
0x49f: {  	v14 =	vand.u32 $0xFFFF0000, v14;
	v13 =	vand.u32 $0xFFFF0000, v19;
	v19 =	vld [tilespmem:s6+$0x20];
	v4 =	vadd.f32 v4, v23  }
0x4a0: {  	v22 =	vshll.u32 v21, $0x10;
	v13 =	vmul.f32 v14, v13;
	v20 =	vadd.f32 $0.0e+00, v20;
	v14 =	vld [tilespmem:s15+$0x20]  }
0x4a1: {  	v25 =	vshll.u32 v12, $0x10;
	v23 =	vld [tilespmem:s6+$0xFFFFFFE0];
	v26 =	vshll.u32 v16, $0x10;
	v27 =	vperm.xlane v4, v3  }
0x4a2: {  	v15 =	vmul.f32 v15, v22;
	v22 =	vld [tilespmem:s15+$0xFFFFFFE0];
	v13 =	vadd.f32 v20, v13;
	v20 =	vmul.f32 v26, v25  }
0x4a3: {  	v12 =	vand.u32 $0xFFFF0000, v12;
	v16 =	vand.u32 $0xFFFF0000, v16;
	v25 =	vld [tilespmem:s6+$0x30];
	v4 =	vadd.f32 v4, v27  }
0x4a4: {  	s4 =	sadd.s32 $0x20, s4;
	v21 =	vand.u32 $0xFFFF0000, v21;
	v12 =	vmul.f32 v16, v12;
	v20 =	vadd.f32 v20, v13;
	v16 =	vld [tilespmem:s15+$0x30]  }
0x4a5: {  	v15 =	vadd.f32 $0.0e+00, v15;
	v27 =	vshll.u32 v19, $0x10;
	v26 =	vld [tilespmem:s6+$0xFFFFFFF0];
	v28 =	vshll.u32 v14, $0x10;
	[tilespmem:s4+$0x0] =	vst v4  }
0x4a6: {  	v4 =	vmul.f32 v17, v21;
	v13 =	vld [tilespmem:s15+$0xFFFFFFF0];
	v12 =	vadd.f32 v20, v12;
	v17 =	vmul.f32 v28, v27  }
0x4a7: {  	v19 =	vand.u32 $0xFFFF0000, v19;
	v14 =	vand.u32 $0xFFFF0000, v14;
	v20 =	vshll.u32 v18, $0x10  }
0x4a8: {  	v21 =	vshll.u32 v24, $0x10;
	v14 =	vmul.f32 v14, v19;
	v12 =	vadd.f32 v17, v12  }
0x4a9: {  	v4 =	vadd.f32 v15, v4;
	v15 =	vshll.u32 v25, $0x10;
	v17 =	vshll.u32 v16, $0x10  }
0x4aa: {  	v19 =	vmul.f32 v21, v20;
	v12 =	vadd.f32 v12, v14;
	v14 =	vmul.f32 v17, v15  }
0x4ab: {  	v16 =	vand.u32 $0xFFFF0000, v16;
	v15 =	vand.u32 $0xFFFF0000, v18;
	v17 =	vand.u32 $0xFFFF0000, v25  }
0x4ac: {  	v18 =	vand.u32 $0xFFFF0000, v24;
	v12 =	vadd.f32 v14, v12;
	v14 =	vmul.f32 v16, v17  }
.Ltmp26:
0x4ad: {  	v15 =	vmul.f32 v18, v15;
	v16 =	vadd.f32 v19, v4;
	v17 =	vshll.u32 v23, $0x10;
	(pc) =	sbr.rel @p0 .LBB2_37-.Ltmp26, $4  }
0x4ae: {  	v18 =	vshll.u32 v22, $0x10;
	v19 =	vand.u32 $0xFFFF0000, v23;
	v4 =	vadd.f32 v12, v14  }
0x4af: {  	v17 =	vmul.f32 v18, v17;
	v16 =	vadd.f32 v16, v15;
	v12 =	vand.u32 $0xFFFF0000, v22  }
0x4b0: {  	v15 =	vshll.u32 v26, $0x10;
	v12 =	vmul.f32 v12, v19;
	v14 =	vperm.xlane v4, v0  }
0x4b1: {  	s6 =	sadd.s32 $0x80, s6;
	v18 =	vshll.u32 v13, $0x10;
	v16 =	vadd.f32 v17, v16;
	v17 =	vand.u32 $0xFFFF0000, v26  }
0x4b2: {  	_ = 	snop  }
0x4b3: {  	v15 =	vmul.f32 v18, v15;
	v12 =	vadd.f32 v16, v12  }
0x4b4: {  	v13 =	vand.u32 $0xFFFF0000, v13  }
0x4b5: {  	v13 =	vmul.f32 v13, v17;
	v12 =	vadd.f32 v15, v12;
	_ =	sdelay $0x1  }
0x4b6: {  	v4 =	vadd.f32 v4, v14;
	v12 =	vadd.f32 v12, v13  }
0x4b7: {  	v57 =	vperm.xlane v10, v0  }
0x4b8: {  	v14 =	vperm.xlane v4, v1;
	v58 =	vperm.xlane v12, v0  }
0x4b9: {  	v10 =	vadd.f32 v10, v57  }
0x4ba: {  	v4 =	vadd.f32 v4, v14;
	v12 =	vadd.f32 v12, v58  }
0x4bb: {  	v13 =	vperm.xlane v10, v1  }
0x4bc: {  	v8 =	vadd.f32 v8, v11;
	v11 =	vperm.xlane v4, v2;
	v59 =	vperm.xlane v12, v1  }
0x4bd: {  	v10 =	vadd.f32 v10, v13  }
0x4be: {  	v60 =	vperm.xlane v8, v2;
	v4 =	vadd.f32 v4, v11;
	v11 =	vadd.f32 v12, v59  }
0x4bf: {  	v6 =	vadd.f32 v6, v9;
	v9 =	vperm.xlane v10, v2  }
0x4c0: {  	v8 =	vadd.f32 v8, v60;
	v61 =	vperm.xlane v4, v3;
	v62 =	vperm.xlane v11, v2  }
0x4c1: {  	v5 =	vadd.f32 v5, v7;
	v63 =	vperm.xlane v6, v3;
	v7 =	vadd.f32 v10, v9  }
0x4c2: {  	v9 =	vperm.xlane v8, v3;
	v4 =	vadd.f32 v4, v61;
	v10 =	vadd.f32 v11, v62  }
0x4c3: {  	s23 =	sadd.s32 $0x20, s4;
	[tilespmem:s2+$0xFFFFFFF0] =	vst v5;
	v5 =	vadd.f32 v6, v63;
	v6 =	vperm.xlane v7, v3  }
0x4c4: {  	[tilespmem:s23+$0x0] =	vst v4;
	v4 =	vadd.f32 v8, v9;
	v8 =	vperm.xlane v10, v3  }
0x4c5: {  	p1 =	por $0x1, $0x1;
	[tilespmem:s16+$0xFFFFFFF0] =	vst v5;
	v5 =	vadd.f32 v7, v6  }
.Ltmp27:
0x4c6: {  	[tilespmem:s8+$0xFFFFFFF0] =	vst v4;
	v4 =	vadd.f32 v10, v8;
	(pc) =	sbr.rel @!p1 .LBB2_39-.Ltmp27, $4  }
0x4c7: {  	[tilespmem:s4+$0xFFFFFFF0] =	vst v5  }
0x4c8: {  	s4 =	simm.s32 $0x115B0;
	[tilespmem:s23+$0xFFFFFFF0] =	vst v4  }
0x4c9: {  	v7 =	vld [tilespmem:s4+$0xFFFFFF80]  }
0x4ca: {  	s5 =	simm.s32 $0x40;
	p0 =	por $0x0, $0x0;
	s2 =	simm.s32 $0x0;
	v8 =	vld [tilespmem:s4+$0xFFFFFF90]  }
0x4cb: {  	v4 =	vld [tilespmem:s4+$0xFFFFFFA0]  }
0x4cc: {  	v5 =	vld [tilespmem:s4+$0xFFFFFFB0]  }
0x4cd: {  	v6 =	vld [tilespmem:s4+$0xFFFFFFC0]  }
0x4ce: {  	v9 =	vld [tilespmem:s4+$0xFFFFFFD0]  }
0x4cf: {  	v10 =	vld [tilespmem:s4+$0xFFFFFFE0];
	v7 =	vsel vm0, v7, v8  }
0x4d0: {  	v8 =	vld [tilespmem:s4+$0xFFFFFFF0];
	v4 =	vsel vm1, v7, v4  }
0x4d1: {  	v7 =	vld [tilespmem:s4+$0x0];
	v4 =	vsel vm2, v4, v5  }
0x4d2: {  	v11 =	vld [tilespmem:s4+$0x10];
	v4 =	vsel vm3, v4, v6  }
0x4d3: {  	v12 =	vld [tilespmem:s4+$0x20];
	v4 =	vsel vm4, v4, v9  }
0x4d4: {  	v9 =	vld [tilespmem:s4+$0x30];
	v4 =	vsel vm5, v4, v10  }
0x4d5: {  	p1 =	por $0x1, $0x1;
	v10 =	vld [tilespmem:s4+$0x40];
	v5 =	vsel vm6, v4, v8  }
.Ltmp28:
0x4d6: {  	v4 =	vld [tilespmem:s4+$0x50];
	v6 =	vsel vm7, v5, v7;
	(pc) =	sbr.rel @!p1 .LBB2_41-.Ltmp28, $4  }
0x4d7: {  	v5 =	vld [tilespmem:s4+$0x60];
	v7 =	vsel vm8, v6, v11  }
0x4d8: {  	v6 =	vld [tilespmem:s4+$0x70];
	s4 =	simm.s32 $0x116B0;
	v8 =	vsel vm9, v7, v12  }
0x4d9: {  	v7 =	vld [tilespmem:s4+$0xFFFFFF80];
	v9 =	vsel vm10, v8, v9  }
0x4da: {  	s6 =	simm.s32 $0x80;
	p0 =	por $0x1, $0x1;
	v8 =	vld [tilespmem:s4+$0xFFFFFF90];
	v9 =	vsel vm11, v9, v10  }
.LBB2_42:
0x4db: {  	p1 =	sne.s32 s6, $0x100;
	v10 =	vld [tilespmem:s4+$0xFFFFFFA0];
	v4 =	vsel vm12, v9, v4  }
0x4dc: {  	v9 =	vld [tilespmem:s4+$0xFFFFFFB0];
	v4 =	vsel vm13, v4, v5  }
0x4dd: {  	s8 =	sshra.s32 s2, $0x2;
	s2 =	smov.u32 s5;
	s5 =	smov.u32 s6;
	v5 =	vld [tilespmem:s4+$0xFFFFFFC0];
	v4 =	vsel vm14, v4, v6  }
0x4de: {  	v6 =	vld [tilespmem:s4+$0xFFFFFFD0];
	[tilespmem:s8+$0x114E0] =	vst v4  }
0x4df: {  	v4 =	vsel vm0, v7, v8;
	v7 =	vld [tilespmem:s4+$0xFFFFFFE0]  }
0x4e0: {  	v4 =	vsel vm1, v4, v10;
	v8 =	vld [tilespmem:s4+$0xFFFFFFF0]  }
0x4e1: {  	v4 =	vsel vm2, v4, v9;
	v9 =	vld [tilespmem:s4+$0x0]  }
0x4e2: {  	v4 =	vsel vm3, v4, v5;
	v5 =	vld [tilespmem:s4+$0x10]  }
0x4e3: {  	v4 =	vsel vm4, v4, v6;
	v6 =	vld [tilespmem:s4+$0x20]  }
0x4e4: {  	v4 =	vsel vm5, v4, v7;
	v10 =	vld [tilespmem:s4+$0x30]  }
0x4e5: {  	v4 =	vsel vm6, v4, v8;
	v11 =	vld [tilespmem:s4+$0x40]  }
.Ltmp29:
0x4e6: {  	v7 =	vsel vm7, v4, v9;
	v4 =	vld [tilespmem:s4+$0x50];
	(pc) =	sbr.rel @p1 .LBB2_42-.Ltmp29, $4  }
0x4e7: {  	v7 =	vsel vm8, v7, v5;
	v5 =	vld [tilespmem:s4+$0x60]  }
0x4e8: {  	v8 =	vsel vm9, v7, v6;
	v6 =	vld [tilespmem:s4+$0x70];
	s4 =	sadd.s32 $0x100, s4  }
0x4e9: {  	v7 =	vld [tilespmem:s4+$0xFFFFFF80];
	v9 =	vsel vm10, v8, v10  }
0x4ea: {  	s6 =	sadd.s32 $0x40, s6;
	v8 =	vld [tilespmem:s4+$0xFFFFFF90];
	v9 =	vsel vm11, v9, v11  }
0x4eb: {  	s6 =	smov.u32 s2;
	s2 =	smov.u32 s5  }
.LBB2_44:
0x4ec: {  	v10 =	vld [tilespmem:s4+$0xFFFFFFA0]  }
0x4ed: {  	v11 =	vld [tilespmem:s4+$0xFFFFFFB0]  }
0x4ee: {  	v12 =	vld [tilespmem:s4+$0xFFFFFFC0]  }
0x4ef: {  	v13 =	vld [tilespmem:s4+$0xFFFFFFD0]  }
0x4f0: {  	v54 =	vld [tilespmem:s4+$0xFFFFFFE0];
	v7 =	vsel vm0, v7, v8  }
0x4f1: {  	v55 =	vld [tilespmem:s4+$0xFFFFFFF0];
	v7 =	vsel vm1, v7, v10  }
0x4f2: {  	v56 =	vld [tilespmem:s4+$0x0];
	v7 =	vsel vm2, v7, v11  }
0x4f3: {  	v57 =	vld [tilespmem:s4+$0x10];
	v7 =	vsel vm3, v7, v12  }
0x4f4: {  	v58 =	vld [tilespmem:s4+$0x20];
	v7 =	vsel vm4, v7, v13  }
0x4f5: {  	v59 =	vld [tilespmem:s4+$0x30];
	v7 =	vsel vm5, v7, v54  }
0x4f6: {  	v60 =	vld [tilespmem:s4+$0x40];
	v7 =	vsel vm6, v7, v55  }
0x4f7: {  	v61 =	vld [tilespmem:s4+$0x50];
	v7 =	vsel vm7, v7, v56  }
0x4f8: {  	v62 =	vld [tilespmem:s4+$0x60];
	v7 =	vsel vm8, v7, v57  }
0x4f9: {  	v63 =	vld [tilespmem:s4+$0x70];
	v7 =	vsel vm9, v7, v58  }
0x4fa: {  	v7 =	vsel vm10, v7, v59  }
0x4fb: {  	v4 =	vsel @p0 vm12, v9, v4;
	v7 =	vsel vm11, v7, v60  }
0x4fc: {  	v4 =	vsel @p0 vm13, v4, v5;
	v5 =	vsel vm12, v7, v61  }
0x4fd: {  	s4 =	sshra.s32 @p0 s6, $0x2;
	v4 =	vsel @p0 vm14, v4, v6;
	v5 =	vsel vm13, v5, v62  }
0x4fe: {  	s2 =	sshra.s32 s2, $0x2;
	[tilespmem:s4+$0x114E0] =	vst @p0 v4;
	v4 =	vsel vm14, v5, v63  }
0x4ff: {  	s14 =	sadd.s32 $0x1, s14;
	[tilespmem:s2+$0x114E0] =	vst v4  }
0x500: {  	s23 =	simm.s32 $0xEE20;
	p0 =	sne.s32 s14, s7;
	s2 =	rddreg [dreg:$0x5]  }
0x501: {  	[hbm4b:s2+s1] =	stream.linear.scatter [tilespmem:s23], [sflag:$0x9], $0x2710, $0x38;
	[tilespmem:$0x11A30] =	vst v63  }
.Ltmp30:
0x502: {  	_ = 	snop;
	(pc) =	sbr.rel @p0 .LBB2_1-.Ltmp30, $4  }
.Ltmp31:
0x503: {  	_ = 	snop;
	(pc) =	sbr.rel @!p0 .LBB2_45-.Ltmp31, $4  }
0x504: {  	_ =	swait.ge [sflag:s0], $0x2710  }
0x505: {  	[sflag:s0] =	ssyncset.done $0x0  }
0x506: {  	[sflag:s0] =	ssyncadd.s32 $0xFFFFD8F0  }
0x507: {  	_ = 	snop  }
.LBB2_39:
.Ltmp32:
0x508: {  	(pc) =	sbr.rel .LBB2_44-.Ltmp32, $2  }
0x509: {  	_ =	sdelay $0x2  }
0x50a: {  	_ = 	snop  }
.LBB2_41:
.Ltmp33:
0x50b: {  	(pc) =	sbr.rel .LBB2_44-.Ltmp33, $2  }
0x50c: {  	_ =	sdelay $0x2  }
0x50d: {  	s6 =	simm.s32 $0x0;
	s2 =	simm.s32 $0x40  }
.LBB2_45:
0x50e: {  	_ =	sfence.sel $0x180000  }
0x50f: {  	[bflag:$0x0] =	sbarrier.arrive $0xFFFF  }
0x510: {  	_ =	strace $0x90000047  }
0x511: {  	s0 =	stileid.u32;
	[bflag:$0x2] =	sbarrier.arrive $0xFFFF  }
0x512: {  	p0 =	sne.s32 s0, $0x0;
	s0 =	rddreg [dreg:$0x2]  }
0x513: {  	s0 =	sadd.s32 @!p0 $0x100000, s0  }
0x514: {  	[sflag:s0] =	ssyncadd.tile.s32 @!p0 $0x1;
	_ =	shalt  }
.Lfunc_end2:
_tile_overlayer_lowered:
.L_overlay_start_2:
0x515: {  	(tag) =	ssettag $0x2  }
0x516: {  	s0 =	rddreg [dreg:$0x0];
	s2 =	stileid.u32  }
0x517: {  	s1 =	rddreg [dreg:$0x1];
	p0 =	sne.s32 s2, $0x0  }
0x518: {  	s3 =	rddreg [dreg:$0x2];
	[bflag:$0x3] =	sbarrier.arrive $0xFFFF;
	s2 =	simm.s32 @!p0 $0x1C09  }
0x519: {  	[timem:s3], [sflag:s2] =	dma.local @!p0 [hbm:s0], s1  }
0x51a: {  	s0 =	simm.s32 @!p0 $0x9  }
0x51b: {  	_ =	swait.ge @!p0 [sflag:s0], s1  }
0x51c: {  	s1 =	ssub.s32 @!p0 $0x0, s1;
	[sflag:s0] =	ssyncset.done @!p0 $0x0  }
0x51d: {  	[sflag:s0] =	ssyncadd.s32 @!p0 s1  }
0x51e: {  	[bflag:$0x3] =	sbarrier.arrive $0xFFFF  }
0x51f: {  	_ =	shalt  }

</sc_bundles>
